<compile_context>
chip_gen: v7x
topology: tpu7x:2x2x1
jax: 0.10.2.dev20260603
libtpu: 0.0.44.dev20260713+nightly
codegen_flags: <defaults>
</compile_context>

<pallas_src>
import functools

import jax
import jax.numpy as jnp
from jax import lax
from jax.experimental import pallas as pl
from jax.experimental.pallas import tpu as pltpu
from jax.experimental.pallas import tpu_sc as plsc

N = 10000
NP = 10240
E_EXT = 330000
CHUNK = 128
NS = 16
NC = 2
TPT = 164
E_PAD = NS * TPT * CHUNK
NB = 8
TPT_DEG = E_PAD // (NC * NS * CHUNK)
HALF = 32
DUMP = N
RPT = NP // NS
ALPHA = 0.1
DEGW = 8
K_STEPS = 10
MLP_BLK = 256

_MESH = plsc.VectorSubcoreMesh(core_axis_name="c", subcore_axis_name="s")
_SC_PARAMS = pltpu.CompilerParams(use_tc_tiling_on_sc=False)


def _deg_body(dst_hbm, zeros_hbm, ones_hbm, deg_out, idx_all, ones_v, row_v,
              degacc, sem):
    cid = lax.axis_index("c")
    sid = lax.axis_index("s")
    pltpu.sync_copy(zeros_hbm, row_v)
    pltpu.sync_copy(row_v, degacc.at[pl.ds(sid * RPT, RPT)])
    pltpu.sync_copy(ones_hbm, ones_v)
    pltpu.sync_copy(dst_hbm.at[sid, pl.ds(cid * TPT_DEG, TPT_DEG)], idx_all)
    plsc.subcore_barrier()

    grp = 8

    @pl.loop(0, TPT_DEG // grp)
    def _(j):
        ds_ = [
            pltpu.async_copy(ones_v, degacc.at[idx_all.at[j * grp + b]], sem,
                             add=True)
            for b in range(grp)
        ]
        for d in ds_:
            d.wait()

    for b in range(TPT_DEG - (TPT_DEG // grp) * grp):
        pltpu.sync_copy(ones_v, degacc.at[idx_all.at[TPT_DEG - 1 - b]], add=True)

    plsc.subcore_barrier()
    pltpu.sync_copy(degacc.at[pl.ds(sid * RPT, RPT)], row_v)
    pltpu.sync_copy(row_v, deg_out.at[cid, pl.ds(sid * RPT, RPT)])


_deg_call = pl.kernel(
    _deg_body,
    out_type=jax.ShapeDtypeStruct((NC, NP, DEGW), jnp.float32),
    mesh=_MESH,
    scratch_types=[
        pltpu.VMEM((TPT_DEG, CHUNK), jnp.int32),
        pltpu.VMEM((CHUNK, DEGW), jnp.float32),
        pltpu.VMEM((RPT, DEGW), jnp.float32),
        pltpu.VMEM_SHARED((NP, DEGW), jnp.float32),
        pltpu.SemaphoreType.DMA,
    ],
    compiler_params=_SC_PARAMS,
)


def _prep_body(x_ref, w1_ref, b1_ref, w2_ref, b2_ref, deg_ref,
               g_ref, c_ref, cf_ref, u_ref, uf_ref):
    h1 = jnp.dot(x_ref[...], w1_ref[...], preferred_element_type=jnp.float32)
    h1 = jnp.maximum(h1 + b1_ref[...], 0.0)
    h = jnp.dot(h1, w2_ref[...], preferred_element_type=jnp.float32) + b2_ref[...]
    deg = deg_ref[0, :, 0:1] + deg_ref[1, :, 0:1]
    dis = lax.rsqrt(deg)
    g = h * dis
    u = ALPHA * dis * h
    uf = ALPHA * h
    g_ref[0] = g[:, :HALF]
    g_ref[1] = g[:, HALF:]
    c_ref[...] = jnp.broadcast_to((1.0 - ALPHA) * dis * dis, (MLP_BLK, HALF))
    cf_ref[...] = jnp.broadcast_to((1.0 - ALPHA) * dis, (MLP_BLK, HALF))
    u_ref[0] = u[:, :HALF]
    u_ref[1] = u[:, HALF:]
    uf_ref[0] = uf[:, :HALF]
    uf_ref[1] = uf[:, HALF:]


_prep_call = pl.pallas_call(
    _prep_body,
    grid=(NP // MLP_BLK,),
    in_specs=[
        pl.BlockSpec((MLP_BLK, 128), lambda i: (i, 0)),
        pl.BlockSpec((128, 128), lambda i: (0, 0)),
        pl.BlockSpec((1, 128), lambda i: (0, 0)),
        pl.BlockSpec((128, 64), lambda i: (0, 0)),
        pl.BlockSpec((1, 64), lambda i: (0, 0)),
        pl.BlockSpec((NC, MLP_BLK, DEGW), lambda i: (0, i, 0)),
    ],
    out_specs=[
        pl.BlockSpec((NC, MLP_BLK, HALF), lambda i: (0, i, 0)),
        pl.BlockSpec((MLP_BLK, HALF), lambda i: (i, 0)),
        pl.BlockSpec((MLP_BLK, HALF), lambda i: (i, 0)),
        pl.BlockSpec((NC, MLP_BLK, HALF), lambda i: (0, i, 0)),
        pl.BlockSpec((NC, MLP_BLK, HALF), lambda i: (0, i, 0)),
    ],
    out_shape=[
        jax.ShapeDtypeStruct((NC, NP, HALF), jnp.float32),
        jax.ShapeDtypeStruct((NP, HALF), jnp.float32),
        jax.ShapeDtypeStruct((NP, HALF), jnp.float32),
        jax.ShapeDtypeStruct((NC, NP, HALF), jnp.float32),
        jax.ShapeDtypeStruct((NC, NP, HALF), jnp.float32),
    ],
)


def _main_body(gs0, src_hbm, dst_hbm, c_hbm, cf_hbm, us, ufs,
               out_h,
               isrc_all, idst_all, bufs, eacc, ec, eu,
               acc, gt,
               sem_ga, sem_gb, sem_sa, sem_sb):
    cid = lax.axis_index("c")
    sid = lax.axis_index("s")
    row0 = sid * RPT

    pltpu.sync_copy(src_hbm.at[sid], isrc_all)
    pltpu.sync_copy(dst_hbm.at[sid], idst_all)

    @pl.loop(0, RPT // CHUNK)
    def _(i):
        r = row0 + i * CHUNK
        pltpu.sync_copy(gs0.at[cid, pl.ds(r, CHUNK)], eacc)
        pltpu.sync_copy(eacc, gt.at[pl.ds(r, CHUNK)])

    def step(c_r, u_r, hout=None):
        @pl.loop(0, CHUNK)
        def _(i):
            z = jnp.zeros((16,), jnp.float32)
            ec[i, pl.ds(0, 16)] = z
            ec[i, pl.ds(16, 16)] = z

        @pl.loop(0, RPT // CHUNK)
        def _(i):
            pltpu.sync_copy(ec, acc.at[pl.ds(row0 + i * CHUNK, CHUNK)])

        plsc.subcore_barrier()

        half = NB // 2

        def fire(bank0, sem, g):
            for b in range(half):
                pltpu.async_copy(gt.at[isrc_all.at[g * half + b]],
                                 bufs.at[bank0 + b], sem)

        def drain(bank0, sem):
            for b in range(half):
                pltpu.make_async_copy(c_hbm.at[pl.ds(0, CHUNK)],
                                      bufs.at[bank0 + b], sem).wait()

        def scat(bank0, sem_s, g):
            ds_ = [
                pltpu.async_copy(bufs.at[bank0 + b],
                                 acc.at[idst_all.at[g * half + b]], sem_s, add=True)
                for b in range(half)
            ]
            for d in ds_:
                d.wait()

        ng = TPT // half
        fire(0, sem_ga, 0)

        @pl.loop(0, (ng - 1) // 2)
        def _(dg):
            ga = 2 * dg
            fire(half, sem_gb, ga + 1)
            drain(0, sem_ga)
            scat(0, sem_sa, ga)
            fire(0, sem_ga, ga + 2)
            drain(half, sem_gb)
            scat(half, sem_sb, ga + 1)

        drain(0, sem_ga)
        scat(0, sem_sa, ng - 1)

        plsc.subcore_barrier()

        @pl.loop(0, RPT // CHUNK)
        def _(i):
            r = row0 + i * CHUNK
            pltpu.sync_copy(acc.at[pl.ds(r, CHUNK)], eacc)
            pltpu.sync_copy(c_r.at[pl.ds(r, CHUNK)], ec)
            pltpu.sync_copy(u_r.at[pl.ds(r, CHUNK)], eu)

            @pl.loop(0, CHUNK)
            def _(ii):
                for c0 in (0, 16):
                    a = eacc[ii, pl.ds(c0, 16)]
                    eacc[ii, pl.ds(c0, 16)] = ec[ii, pl.ds(c0, 16)] * a + eu[ii, pl.ds(c0, 16)]

            if hout is None:
                pltpu.sync_copy(eacc, gt.at[pl.ds(r, CHUNK)])
            else:
                pltpu.sync_copy(eacc, hout.at[pl.ds(r, CHUNK)])

    u_c = us.at[cid]
    uf_c = ufs.at[cid]
    hout = out_h.at[cid]

    @pl.loop(0, K_STEPS - 1)
    def _(k):
        step(c_hbm, u_c)

    step(cf_hbm, uf_c, hout=hout)


_main_call = pl.kernel(
    _main_body,
    out_type=jax.ShapeDtypeStruct((NC, NP, HALF), jnp.float32),
    mesh=_MESH,
    scratch_types=[
        pltpu.VMEM((TPT, CHUNK), jnp.int32),
        pltpu.VMEM((TPT, CHUNK), jnp.int32),
        pltpu.VMEM((NB, CHUNK, HALF), jnp.float32),
        pltpu.VMEM((CHUNK, HALF), jnp.float32),
        pltpu.VMEM((CHUNK, HALF), jnp.float32),
        pltpu.VMEM((CHUNK, HALF), jnp.float32),
        pltpu.VMEM_SHARED((NP, HALF), jnp.float32),
        pltpu.VMEM_SHARED((NP, HALF), jnp.float32),
        pltpu.SemaphoreType.DMA,
        pltpu.SemaphoreType.DMA,
        pltpu.SemaphoreType.DMA,
        pltpu.SemaphoreType.DMA,
    ],
    compiler_params=_SC_PARAMS,
)


@jax.jit
def kernel(x, edge_index, W1, b1, W2, b2):
    src = edge_index[0].astype(jnp.int32)
    dst = edge_index[1].astype(jnp.int32)
    loop_idx = jnp.arange(N, dtype=jnp.int32)
    pad_n = E_PAD - E_EXT
    src_p = jnp.concatenate([src, loop_idx, jnp.zeros((pad_n,), jnp.int32)])
    dump_rows = DUMP + (jnp.arange(pad_n, dtype=jnp.int32) % (NP - N))
    dst_p = jnp.concatenate([dst, loop_idx, dump_rows])

    src3 = src_p.reshape(NS, TPT, CHUNK)
    dst3 = dst_p.reshape(NS, TPT, CHUNK)

    deg_partial = _deg_call(
        dst3,
        jnp.zeros((RPT, DEGW), jnp.float32),
        jnp.ones((CHUNK, DEGW), jnp.float32),
    )

    gs0, c_arr, cf_arr, us, ufs = _prep_call(
        x, W1, b1.reshape(1, -1), W2, b2.reshape(1, -1), deg_partial
    )

    out_h = _main_call(gs0, src3, dst3, c_arr, cf_arr, us, ufs)
    return jnp.concatenate([out_h[0, :N], out_h[1, :N]], axis=1)

# --- scband reference (transcript-rebuilt; emitter-appended) ---
"""Pipeline reference for scband-appnpnode-classifier-68143951118900 (READ-ONLY COPY).

The authoritative reference and input builder live on the scoring server;
editing this copy changes nothing except your own understanding.
"""

import jax, jax.numpy as jnp
import numpy as np

N_NODES = 10000
N_EDGES = 320000
IN_CH = 128
HID_CH = 128
OUT_CH = 64
K_STEPS = 10
ALPHA = 0.1


def setup_inputs(seed: int = 0) -> dict:
    key = jax.random.key(seed)
    k1, k2, k3, k4, k5, k6 = jax.random.split(key, 6)
    x = jax.random.normal(k1, (N_NODES, IN_CH), dtype=jnp.float32)
    edge_index = jax.random.randint(k2, (2, N_EDGES), 0, N_NODES, dtype=jnp.int64)
    W1 = jax.random.normal(k3, (IN_CH, HID_CH), dtype=jnp.float32) * (1.0 / np.sqrt(IN_CH))
    b1 = jnp.zeros((HID_CH,), dtype=jnp.float32)
    W2 = jax.random.normal(k4, (HID_CH, OUT_CH), dtype=jnp.float32) * (1.0 / np.sqrt(HID_CH))
    b2 = jnp.zeros((OUT_CH,), dtype=jnp.float32)
    return {"x": x, "edge_index": edge_index, "W1": W1, "b1": b1, "W2": W2, "b2": b2}


def reference(x, edge_index, W1, b1, W2, b2):
    # MLP (dropout is identity in eval mode)
    h = jax.nn.relu(x @ W1 + b1)
    h = h @ W2 + b2
    # APPNP propagation with GCN normalization + self-loops
    N = x.shape[0]
    src = edge_index[0]
    dst = edge_index[1]
    loop = jnp.arange(N, dtype=src.dtype)
    src_f = jnp.concatenate([src, loop])
    dst_f = jnp.concatenate([dst, loop])
    ones = jnp.ones(src_f.shape[0], dtype=h.dtype)
    deg = jax.ops.segment_sum(ones, dst_f, num_segments=N)
    deg_inv_sqrt = jax.lax.rsqrt(jnp.where(deg > 0, deg, 1.0))
    w = deg_inv_sqrt[src_f] * deg_inv_sqrt[dst_f]
    h0 = h
    for _ in range(K_STEPS):
        msg = h[src_f] * w[:, None]
        agg = jax.ops.segment_sum(msg, dst_f, num_segments=N)
        h = (1.0 - ALPHA) * agg + ALPHA * h0
    return h

if __name__ == "__main__":
    import jax
    _d = setup_inputs()
    print(jax.jit(kernel)(*tuple(_d.values())))

</pallas_src>

<mosaic_0001>
#map = affine_map<(d0, d1) -> (0, 0, 0)>
#map1 = affine_map<(d0, d1) -> (0, 0)>
module attributes {stable_mosaic.version = 14 : i64} {
  func.func @_deg_body(%arg0: i32, %arg1: i32, %arg2: memref<16x164x128xi32, #tpu.memory_space<hbm>>, %arg3: memref<640x8xf32, #tpu.memory_space<hbm>>, %arg4: memref<128x8xf32, #tpu.memory_space<hbm>>, %arg5: memref<2x10240x8xf32, #tpu.memory_space<hbm>>, %arg6: memref<82x128xi32, #tpu.memory_space<vmem>>, %arg7: memref<128x8xf32, #tpu.memory_space<vmem>>, %arg8: memref<640x8xf32, #tpu.memory_space<vmem>>, %arg9: memref<10240x8xf32, #tpu.memory_space<vmem_shared>>, %arg10: memref<!tpu.dma_semaphore, #tpu.memory_space<semaphore_mem>>) attributes {dimension_semantics = [#tpu.dimension_semantics<core_parallel>, #tpu.dimension_semantics<subcore_parallel>], iteration_bounds = array<i64: 2, 16>, scalar_prefetch = 0 : i64, scratch_operands = 5 : i64, tpu.core_type = #tpu.core_type<sc_vector_subcore>, window_params = [{transform_indices = #map}, {transform_indices = #map1}, {transform_indices = #map1}, {transform_indices = #map}]} {
    "tpu.region"() ({
      %run_scoped3A_13 = tpu.sem_alloc : memref<!tpu.dma_semaphore, #tpu.memory_space<semaphore_mem>>
      tpu.enqueue_dma source(%arg3 : memref<640x8xf32, #tpu.memory_space<hbm>>) target(%arg8 : memref<640x8xf32, #tpu.memory_space<vmem>>) target_semaphore(%run_scoped3A_13 : memref<!tpu.dma_semaphore, #tpu.memory_space<semaphore_mem>>)
      tpu.wait_dma2 semaphore(%run_scoped3A_13 : memref<!tpu.dma_semaphore, #tpu.memory_space<semaphore_mem>>) src(%arg3 : memref<640x8xf32, #tpu.memory_space<hbm>>) dst(%arg8 : memref<640x8xf32, #tpu.memory_space<vmem>>)
      tpu.yield
    }) : () -> ()
    %mul3A = arith.constant 640 : i32
    %mul3A_0 = arith.muli %arg1, %mul3A : i32
    "tpu.region"() ({
      %run_scoped3A_13 = tpu.sem_alloc : memref<!tpu.dma_semaphore, #tpu.memory_space<semaphore_mem>>
      %dma_start3A = arith.constant 0 : i32
      %dma_start3A_14 = tpu.memref_slice %arg9[%mul3A_0, %dma_start3A] : memref<10240x8xf32, #tpu.memory_space<vmem_shared>> -> memref<640x8xf32, #tpu.memory_space<vmem_shared>>
      %dma_start3A_15 = arith.constant 0 : i32
      %dma_start3A_16 = tpu.memref_slice %arg9[%mul3A_0, %dma_start3A_15] : memref<10240x8xf32, #tpu.memory_space<vmem_shared>> -> memref<640x8xf32, #tpu.memory_space<vmem_shared>>
      tpu.enqueue_dma source(%arg8 : memref<640x8xf32, #tpu.memory_space<vmem>>) target(%dma_start3A_16 : memref<640x8xf32, #tpu.memory_space<vmem_shared>>) target_semaphore(%run_scoped3A_13 : memref<!tpu.dma_semaphore, #tpu.memory_space<semaphore_mem>>)
      %dma_wait3A = arith.constant 0 : i32
      %dma_wait3A_17 = tpu.memref_slice %arg9[%mul3A_0, %dma_wait3A] : memref<10240x8xf32, #tpu.memory_space<vmem_shared>> -> memref<640x8xf32, #tpu.memory_space<vmem_shared>>
      %dma_wait3A_18 = arith.constant 0 : i32
      %dma_wait3A_19 = tpu.memref_slice %arg9[%mul3A_0, %dma_wait3A_18] : memref<10240x8xf32, #tpu.memory_space<vmem_shared>> -> memref<640x8xf32, #tpu.memory_space<vmem_shared>>
      tpu.wait_dma2 semaphore(%run_scoped3A_13 : memref<!tpu.dma_semaphore, #tpu.memory_space<semaphore_mem>>) src(%arg8 : memref<640x8xf32, #tpu.memory_space<vmem>>) dst(%dma_wait3A_19 : memref<640x8xf32, #tpu.memory_space<vmem_shared>>)
      tpu.yield
    }) : () -> ()
    "tpu.region"() ({
      %run_scoped3A_13 = tpu.sem_alloc : memref<!tpu.dma_semaphore, #tpu.memory_space<semaphore_mem>>
      tpu.enqueue_dma source(%arg4 : memref<128x8xf32, #tpu.memory_space<hbm>>) target(%arg7 : memref<128x8xf32, #tpu.memory_space<vmem>>) target_semaphore(%run_scoped3A_13 : memref<!tpu.dma_semaphore, #tpu.memory_space<semaphore_mem>>)
      tpu.wait_dma2 semaphore(%run_scoped3A_13 : memref<!tpu.dma_semaphore, #tpu.memory_space<semaphore_mem>>) src(%arg4 : memref<128x8xf32, #tpu.memory_space<hbm>>) dst(%arg7 : memref<128x8xf32, #tpu.memory_space<vmem>>)
      tpu.yield
    }) : () -> ()
    %mul3A_1 = arith.constant 82 : i32
    %mul3A_2 = arith.muli %arg0, %mul3A_1 : i32
    "tpu.region"() ({
      %run_scoped3A_13 = tpu.sem_alloc : memref<!tpu.dma_semaphore, #tpu.memory_space<semaphore_mem>>
      %dma_start3A = arith.constant 0 : i32
      %dma_start3A_14 = tpu.memref_slice %arg2[%arg1, %mul3A_2, %dma_start3A] : memref<16x164x128xi32, #tpu.memory_space<hbm>> -> memref<1x82x128xi32, #tpu.memory_space<hbm>>
      %dma_start3A_15 = tpu.memref_squeeze %dma_start3A_14 : memref<1x82x128xi32, #tpu.memory_space<hbm>> -> memref<82x128xi32, #tpu.memory_space<hbm>>
      %dma_start3A_16 = arith.constant 0 : i32
      %dma_start3A_17 = tpu.memref_slice %arg2[%arg1, %mul3A_2, %dma_start3A_16] : memref<16x164x128xi32, #tpu.memory_space<hbm>> -> memref<1x82x128xi32, #tpu.memory_space<hbm>>
      %dma_start3A_18 = tpu.memref_squeeze %dma_start3A_17 : memref<1x82x128xi32, #tpu.memory_space<hbm>> -> memref<82x128xi32, #tpu.memory_space<hbm>>
      tpu.enqueue_dma source(%dma_start3A_18 : memref<82x128xi32, #tpu.memory_space<hbm>>) target(%arg6 : memref<82x128xi32, #tpu.memory_space<vmem>>) target_semaphore(%run_scoped3A_13 : memref<!tpu.dma_semaphore, #tpu.memory_space<semaphore_mem>>)
      %dma_wait3A = arith.constant 0 : i32
      %dma_wait3A_19 = tpu.memref_slice %arg2[%arg1, %mul3A_2, %dma_wait3A] : memref<16x164x128xi32, #tpu.memory_space<hbm>> -> memref<1x82x128xi32, #tpu.memory_space<hbm>>
      %dma_wait3A_20 = tpu.memref_squeeze %dma_wait3A_19 : memref<1x82x128xi32, #tpu.memory_space<hbm>> -> memref<82x128xi32, #tpu.memory_space<hbm>>
      %dma_wait3A_21 = arith.constant 0 : i32
      %dma_wait3A_22 = tpu.memref_slice %arg2[%arg1, %mul3A_2, %dma_wait3A_21] : memref<16x164x128xi32, #tpu.memory_space<hbm>> -> memref<1x82x128xi32, #tpu.memory_space<hbm>>
      %dma_wait3A_23 = tpu.memref_squeeze %dma_wait3A_22 : memref<1x82x128xi32, #tpu.memory_space<hbm>> -> memref<82x128xi32, #tpu.memory_space<hbm>>
      tpu.wait_dma2 semaphore(%run_scoped3A_13 : memref<!tpu.dma_semaphore, #tpu.memory_space<semaphore_mem>>) src(%dma_wait3A_23 : memref<82x128xi32, #tpu.memory_space<hbm>>) dst(%arg6 : memref<82x128xi32, #tpu.memory_space<vmem>>)
      tpu.yield
    }) : () -> ()
    %barrier3A = arith.constant 0 : index
    tpu.barrier barrier_id(%barrier3A)
    %scan3A = arith.constant 0 : i32
    %scan3A_3 = arith.constant 10 : i32
    %scan3A_4 = arith.addi %scan3A, %scan3A_3 : i32
    %scan3A_5 = arith.constant 1 : i32
    scf.for %scan3A_13 = %scan3A to %scan3A_4 step %scan3A_5  : i32 {
      %mul3A_14 = arith.constant 1 : i32
      %mul3A_15 = arith.muli %scan3A_13, %mul3A_14 : i32
      %add3A = arith.constant 0 : i32
      %add3A_16 = arith.addi %add3A, %mul3A_15 : i32
      %mul3A_17 = arith.constant 8 : i32
      %mul3A_18 = arith.muli %add3A_16, %mul3A_17 : i32
      %add3A_19 = arith.constant 0 : i32
      %add3A_20 = arith.addi %mul3A_18, %add3A_19 : i32
      %dma_start3A = arith.constant 0 : i32
      %dma_start3A_21 = tpu.memref_slice %arg6[%add3A_20, %dma_start3A] : memref<82x128xi32, #tpu.memory_space<vmem>> -> memref<1x128xi32, #tpu.memory_space<vmem>>
      %dma_start3A_22 = tpu.memref_squeeze %dma_start3A_21 : memref<1x128xi32, #tpu.memory_space<vmem>> -> memref<128xi32, #tpu.memory_space<vmem>>
      %dma_start3A_23 = arith.constant 0 : i32
      %dma_start3A_24 = arith.constant 0 : i32
      %dma_start3A_25 = tpu.memref_slice %arg9[%dma_start3A_23, %dma_start3A_24] : memref<10240x8xf32, #tpu.memory_space<vmem_shared>> -> memref<10240x8xf32, #tpu.memory_space<vmem_shared>>
      tpu.enqueue_indirect_dma source(%arg7 : memref<128x8xf32, #tpu.memory_space<vmem>>) target(%dma_start3A_25 : memref<10240x8xf32, #tpu.memory_space<vmem_shared>>) offsets(%dma_start3A_22 : memref<128xi32, #tpu.memory_space<vmem>>) semaphore(%arg10 : memref<!tpu.dma_semaphore, #tpu.memory_space<semaphore_mem>>) {add = true}
      %mul3A_26 = arith.constant 8 : i32
      %mul3A_27 = arith.muli %add3A_16, %mul3A_26 : i32
      %add3A_28 = arith.constant 1 : i32
      %add3A_29 = arith.addi %mul3A_27, %add3A_28 : i32
      %dma_start3A_30 = arith.constant 0 : i32
      %dma_start3A_31 = tpu.memref_slice %arg6[%add3A_29, %dma_start3A_30] : memref<82x128xi32, #tpu.memory_space<vmem>> -> memref<1x128xi32, #tpu.memory_space<vmem>>
      %dma_start3A_32 = tpu.memref_squeeze %dma_start3A_31 : memref<1x128xi32, #tpu.memory_space<vmem>> -> memref<128xi32, #tpu.memory_space<vmem>>
      %dma_start3A_33 = arith.constant 0 : i32
      %dma_start3A_34 = arith.constant 0 : i32
      %dma_start3A_35 = tpu.memref_slice %arg9[%dma_start3A_33, %dma_start3A_34] : memref<10240x8xf32, #tpu.memory_space<vmem_shared>> -> memref<10240x8xf32, #tpu.memory_space<vmem_shared>>
      tpu.enqueue_indirect_dma source(%arg7 : memref<128x8xf32, #tpu.memory_space<vmem>>) target(%dma_start3A_35 : memref<10240x8xf32, #tpu.memory_space<vmem_shared>>) offsets(%dma_start3A_32 : memref<128xi32, #tpu.memory_space<vmem>>) semaphore(%arg10 : memref<!tpu.dma_semaphore, #tpu.memory_space<semaphore_mem>>) {add = true}
      %mul3A_36 = arith.constant 8 : i32
      %mul3A_37 = arith.muli %add3A_16, %mul3A_36 : i32
      %add3A_38 = arith.constant 2 : i32
      %add3A_39 = arith.addi %mul3A_37, %add3A_38 : i32
      %dma_start3A_40 = arith.constant 0 : i32
      %dma_start3A_41 = tpu.memref_slice %arg6[%add3A_39, %dma_start3A_40] : memref<82x128xi32, #tpu.memory_space<vmem>> -> memref<1x128xi32, #tpu.memory_space<vmem>>
      %dma_start3A_42 = tpu.memref_squeeze %dma_start3A_41 : memref<1x128xi32, #tpu.memory_space<vmem>> -> memref<128xi32, #tpu.memory_space<vmem>>
      %dma_start3A_43 = arith.constant 0 : i32
      %dma_start3A_44 = arith.constant 0 : i32
      %dma_start3A_45 = tpu.memref_slice %arg9[%dma_start3A_43, %dma_start3A_44] : memref<10240x8xf32, #tpu.memory_space<vmem_shared>> -> memref<10240x8xf32, #tpu.memory_space<vmem_shared>>
      tpu.enqueue_indirect_dma source(%arg7 : memref<128x8xf32, #tpu.memory_space<vmem>>) target(%dma_start3A_45 : memref<10240x8xf32, #tpu.memory_space<vmem_shared>>) offsets(%dma_start3A_42 : memref<128xi32, #tpu.memory_space<vmem>>) semaphore(%arg10 : memref<!tpu.dma_semaphore, #tpu.memory_space<semaphore_mem>>) {add = true}
      %mul3A_46 = arith.constant 8 : i32
      %mul3A_47 = arith.muli %add3A_16, %mul3A_46 : i32
      %add3A_48 = arith.constant 3 : i32
      %add3A_49 = arith.addi %mul3A_47, %add3A_48 : i32
      %dma_start3A_50 = arith.constant 0 : i32
      %dma_start3A_51 = tpu.memref_slice %arg6[%add3A_49, %dma_start3A_50] : memref<82x128xi32, #tpu.memory_space<vmem>> -> memref<1x128xi32, #tpu.memory_space<vmem>>
      %dma_start3A_52 = tpu.memref_squeeze %dma_start3A_51 : memref<1x128xi32, #tpu.memory_space<vmem>> -> memref<128xi32, #tpu.memory_space<vmem>>
      %dma_start3A_53 = arith.constant 0 : i32
      %dma_start3A_54 = arith.constant 0 : i32
      %dma_start3A_55 = tpu.memref_slice %arg9[%dma_start3A_53, %dma_start3A_54] : memref<10240x8xf32, #tpu.memory_space<vmem_shared>> -> memref<10240x8xf32, #tpu.memory_space<vmem_shared>>
      tpu.enqueue_indirect_dma source(%arg7 : memref<128x8xf32, #tpu.memory_space<vmem>>) target(%dma_start3A_55 : memref<10240x8xf32, #tpu.memory_space<vmem_shared>>) offsets(%dma_start3A_52 : memref<128xi32, #tpu.memory_space<vmem>>) semaphore(%arg10 : memref<!tpu.dma_semaphore, #tpu.memory_space<semaphore_mem>>) {add = true}
      %mul3A_56 = arith.constant 8 : i32
      %mul3A_57 = arith.muli %add3A_16, %mul3A_56 : i32
      %add3A_58 = arith.constant 4 : i32
      %add3A_59 = arith.addi %mul3A_57, %add3A_58 : i32
      %dma_start3A_60 = arith.constant 0 : i32
      %dma_start3A_61 = tpu.memref_slice %arg6[%add3A_59, %dma_start3A_60] : memref<82x128xi32, #tpu.memory_space<vmem>> -> memref<1x128xi32, #tpu.memory_space<vmem>>
      %dma_start3A_62 = tpu.memref_squeeze %dma_start3A_61 : memref<1x128xi32, #tpu.memory_space<vmem>> -> memref<128xi32, #tpu.memory_space<vmem>>
      %dma_start3A_63 = arith.constant 0 : i32
      %dma_start3A_64 = arith.constant 0 : i32
      %dma_start3A_65 = tpu.memref_slice %arg9[%dma_start3A_63, %dma_start3A_64] : memref<10240x8xf32, #tpu.memory_space<vmem_shared>> -> memref<10240x8xf32, #tpu.memory_space<vmem_shared>>
      tpu.enqueue_indirect_dma source(%arg7 : memref<128x8xf32, #tpu.memory_space<vmem>>) target(%dma_start3A_65 : memref<10240x8xf32, #tpu.memory_space<vmem_shared>>) offsets(%dma_start3A_62 : memref<128xi32, #tpu.memory_space<vmem>>) semaphore(%arg10 : memref<!tpu.dma_semaphore, #tpu.memory_space<semaphore_mem>>) {add = true}
      %mul3A_66 = arith.constant 8 : i32
      %mul3A_67 = arith.muli %add3A_16, %mul3A_66 : i32
      %add3A_68 = arith.constant 5 : i32
      %add3A_69 = arith.addi %mul3A_67, %add3A_68 : i32
      %dma_start3A_70 = arith.constant 0 : i32
      %dma_start3A_71 = tpu.memref_slice %arg6[%add3A_69, %dma_start3A_70] : memref<82x128xi32, #tpu.memory_space<vmem>> -> memref<1x128xi32, #tpu.memory_space<vmem>>
      %dma_start3A_72 = tpu.memref_squeeze %dma_start3A_71 : memref<1x128xi32, #tpu.memory_space<vmem>> -> memref<128xi32, #tpu.memory_space<vmem>>
      %dma_start3A_73 = arith.constant 0 : i32
      %dma_start3A_74 = arith.constant 0 : i32
      %dma_start3A_75 = tpu.memref_slice %arg9[%dma_start3A_73, %dma_start3A_74] : memref<10240x8xf32, #tpu.memory_space<vmem_shared>> -> memref<10240x8xf32, #tpu.memory_space<vmem_shared>>
      tpu.enqueue_indirect_dma source(%arg7 : memref<128x8xf32, #tpu.memory_space<vmem>>) target(%dma_start3A_75 : memref<10240x8xf32, #tpu.memory_space<vmem_shared>>) offsets(%dma_start3A_72 : memref<128xi32, #tpu.memory_space<vmem>>) semaphore(%arg10 : memref<!tpu.dma_semaphore, #tpu.memory_space<semaphore_mem>>) {add = true}
      %mul3A_76 = arith.constant 8 : i32
      %mul3A_77 = arith.muli %add3A_16, %mul3A_76 : i32
      %add3A_78 = arith.constant 6 : i32
      %add3A_79 = arith.addi %mul3A_77, %add3A_78 : i32
      %dma_start3A_80 = arith.constant 0 : i32
      %dma_start3A_81 = tpu.memref_slice %arg6[%add3A_79, %dma_start3A_80] : memref<82x128xi32, #tpu.memory_space<vmem>> -> memref<1x128xi32, #tpu.memory_space<vmem>>
      %dma_start3A_82 = tpu.memref_squeeze %dma_start3A_81 : memref<1x128xi32, #tpu.memory_space<vmem>> -> memref<128xi32, #tpu.memory_space<vmem>>
      %dma_start3A_83 = arith.constant 0 : i32
      %dma_start3A_84 = arith.constant 0 : i32
      %dma_start3A_85 = tpu.memref_slice %arg9[%dma_start3A_83, %dma_start3A_84] : memref<10240x8xf32, #tpu.memory_space<vmem_shared>> -> memref<10240x8xf32, #tpu.memory_space<vmem_shared>>
      tpu.enqueue_indirect_dma source(%arg7 : memref<128x8xf32, #tpu.memory_space<vmem>>) target(%dma_start3A_85 : memref<10240x8xf32, #tpu.memory_space<vmem_shared>>) offsets(%dma_start3A_82 : memref<128xi32, #tpu.memory_space<vmem>>) semaphore(%arg10 : memref<!tpu.dma_semaphore, #tpu.memory_space<semaphore_mem>>) {add = true}
      %mul3A_86 = arith.constant 8 : i32
      %mul3A_87 = arith.muli %add3A_16, %mul3A_86 : i32
      %add3A_88 = arith.constant 7 : i32
      %add3A_89 = arith.addi %mul3A_87, %add3A_88 : i32
      %dma_start3A_90 = arith.constant 0 : i32
      %dma_start3A_91 = tpu.memref_slice %arg6[%add3A_89, %dma_start3A_90] : memref<82x128xi32, #tpu.memory_space<vmem>> -> memref<1x128xi32, #tpu.memory_space<vmem>>
      %dma_start3A_92 = tpu.memref_squeeze %dma_start3A_91 : memref<1x128xi32, #tpu.memory_space<vmem>> -> memref<128xi32, #tpu.memory_space<vmem>>
      %dma_start3A_93 = arith.constant 0 : i32
      %dma_start3A_94 = arith.constant 0 : i32
      %dma_start3A_95 = tpu.memref_slice %arg9[%dma_start3A_93, %dma_start3A_94] : memref<10240x8xf32, #tpu.memory_space<vmem_shared>> -> memref<10240x8xf32, #tpu.memory_space<vmem_shared>>
      tpu.enqueue_indirect_dma source(%arg7 : memref<128x8xf32, #tpu.memory_space<vmem>>) target(%dma_start3A_95 : memref<10240x8xf32, #tpu.memory_space<vmem_shared>>) offsets(%dma_start3A_92 : memref<128xi32, #tpu.memory_space<vmem>>) semaphore(%arg10 : memref<!tpu.dma_semaphore, #tpu.memory_space<semaphore_mem>>) {add = true}
      %dma_wait3A = arith.constant 0 : i32
      %dma_wait3A_96 = tpu.memref_slice %arg6[%add3A_20, %dma_wait3A] : memref<82x128xi32, #tpu.memory_space<vmem>> -> memref<1x128xi32, #tpu.memory_space<vmem>>
      %dma_wait3A_97 = tpu.memref_squeeze %dma_wait3A_96 : memref<1x128xi32, #tpu.memory_space<vmem>> -> memref<128xi32, #tpu.memory_space<vmem>>
      %dma_wait3A_98 = arith.constant 0 : i32
      %dma_wait3A_99 = arith.constant 0 : i32
      %dma_wait3A_100 = tpu.memref_slice %arg9[%dma_wait3A_98, %dma_wait3A_99] : memref<10240x8xf32, #tpu.memory_space<vmem_shared>> -> memref<10240x8xf32, #tpu.memory_space<vmem_shared>>
      tpu.wait_indirect_dma semaphore(%arg10 : memref<!tpu.dma_semaphore, #tpu.memory_space<semaphore_mem>>) src(%arg7 : memref<128x8xf32, #tpu.memory_space<vmem>>) dst(%dma_wait3A_100 : memref<10240x8xf32, #tpu.memory_space<vmem_shared>>)
      %dma_wait3A_101 = arith.constant 0 : i32
      %dma_wait3A_102 = tpu.memref_slice %arg6[%add3A_29, %dma_wait3A_101] : memref<82x128xi32, #tpu.memory_space<vmem>> -> memref<1x128xi32, #tpu.memory_space<vmem>>
      %dma_wait3A_103 = tpu.memref_squeeze %dma_wait3A_102 : memref<1x128xi32, #tpu.memory_space<vmem>> -> memref<128xi32, #tpu.memory_space<vmem>>
      %dma_wait3A_104 = arith.constant 0 : i32
      %dma_wait3A_105 = arith.constant 0 : i32
      %dma_wait3A_106 = tpu.memref_slice %arg9[%dma_wait3A_104, %dma_wait3A_105] : memref<10240x8xf32, #tpu.memory_space<vmem_shared>> -> memref<10240x8xf32, #tpu.memory_space<vmem_shared>>
      tpu.wait_indirect_dma semaphore(%arg10 : memref<!tpu.dma_semaphore, #tpu.memory_space<semaphore_mem>>) src(%arg7 : memref<128x8xf32, #tpu.memory_space<vmem>>) dst(%dma_wait3A_106 : memref<10240x8xf32, #tpu.memory_space<vmem_shared>>)
      %dma_wait3A_107 = arith.constant 0 : i32
      %dma_wait3A_108 = tpu.memref_slice %arg6[%add3A_39, %dma_wait3A_107] : memref<82x128xi32, #tpu.memory_space<vmem>> -> memref<1x128xi32, #tpu.memory_space<vmem>>
      %dma_wait3A_109 = tpu.memref_squeeze %dma_wait3A_108 : memref<1x128xi32, #tpu.memory_space<vmem>> -> memref<128xi32, #tpu.memory_space<vmem>>
      %dma_wait3A_110 = arith.constant 0 : i32
      %dma_wait3A_111 = arith.constant 0 : i32
      %dma_wait3A_112 = tpu.memref_slice %arg9[%dma_wait3A_110, %dma_wait3A_111] : memref<10240x8xf32, #tpu.memory_space<vmem_shared>> -> memref<10240x8xf32, #tpu.memory_space<vmem_shared>>
      tpu.wait_indirect_dma semaphore(%arg10 : memref<!tpu.dma_semaphore, #tpu.memory_space<semaphore_mem>>) src(%arg7 : memref<128x8xf32, #tpu.memory_space<vmem>>) dst(%dma_wait3A_112 : memref<10240x8xf32, #tpu.memory_space<vmem_shared>>)
      %dma_wait3A_113 = arith.constant 0 : i32
      %dma_wait3A_114 = tpu.memref_slice %arg6[%add3A_49, %dma_wait3A_113] : memref<82x128xi32, #tpu.memory_space<vmem>> -> memref<1x128xi32, #tpu.memory_space<vmem>>
      %dma_wait3A_115 = tpu.memref_squeeze %dma_wait3A_114 : memref<1x128xi32, #tpu.memory_space<vmem>> -> memref<128xi32, #tpu.memory_space<vmem>>
      %dma_wait3A_116 = arith.constant 0 : i32
      %dma_wait3A_117 = arith.constant 0 : i32
      %dma_wait3A_118 = tpu.memref_slice %arg9[%dma_wait3A_116, %dma_wait3A_117] : memref<10240x8xf32, #tpu.memory_space<vmem_shared>> -> memref<10240x8xf32, #tpu.memory_space<vmem_shared>>
      tpu.wait_indirect_dma semaphore(%arg10 : memref<!tpu.dma_semaphore, #tpu.memory_space<semaphore_mem>>) src(%arg7 : memref<128x8xf32, #tpu.memory_space<vmem>>) dst(%dma_wait3A_118 : memref<10240x8xf32, #tpu.memory_space<vmem_shared>>)
      %dma_wait3A_119 = arith.constant 0 : i32
      %dma_wait3A_120 = tpu.memref_slice %arg6[%add3A_59, %dma_wait3A_119] : memref<82x128xi32, #tpu.memory_space<vmem>> -> memref<1x128xi32, #tpu.memory_space<vmem>>
      %dma_wait3A_121 = tpu.memref_squeeze %dma_wait3A_120 : memref<1x128xi32, #tpu.memory_space<vmem>> -> memref<128xi32, #tpu.memory_space<vmem>>
      %dma_wait3A_122 = arith.constant 0 : i32
      %dma_wait3A_123 = arith.constant 0 : i32
      %dma_wait3A_124 = tpu.memref_slice %arg9[%dma_wait3A_122, %dma_wait3A_123] : memref<10240x8xf32, #tpu.memory_space<vmem_shared>> -> memref<10240x8xf32, #tpu.memory_space<vmem_shared>>
      tpu.wait_indirect_dma semaphore(%arg10 : memref<!tpu.dma_semaphore, #tpu.memory_space<semaphore_mem>>) src(%arg7 : memref<128x8xf32, #tpu.memory_space<vmem>>) dst(%dma_wait3A_124 : memref<10240x8xf32, #tpu.memory_space<vmem_shared>>)
      %dma_wait3A_125 = arith.constant 0 : i32
      %dma_wait3A_126 = tpu.memref_slice %arg6[%add3A_69, %dma_wait3A_125] : memref<82x128xi32, #tpu.memory_space<vmem>> -> memref<1x128xi32, #tpu.memory_space<vmem>>
      %dma_wait3A_127 = tpu.memref_squeeze %dma_wait3A_126 : memref<1x128xi32, #tpu.memory_space<vmem>> -> memref<128xi32, #tpu.memory_space<vmem>>
      %dma_wait3A_128 = arith.constant 0 : i32
      %dma_wait3A_129 = arith.constant 0 : i32
      %dma_wait3A_130 = tpu.memref_slice %arg9[%dma_wait3A_128, %dma_wait3A_129] : memref<10240x8xf32, #tpu.memory_space<vmem_shared>> -> memref<10240x8xf32, #tpu.memory_space<vmem_shared>>
      tpu.wait_indirect_dma semaphore(%arg10 : memref<!tpu.dma_semaphore, #tpu.memory_space<semaphore_mem>>) src(%arg7 : memref<128x8xf32, #tpu.memory_space<vmem>>) dst(%dma_wait3A_130 : memref<10240x8xf32, #tpu.memory_space<vmem_shared>>)
      %dma_wait3A_131 = arith.constant 0 : i32
      %dma_wait3A_132 = tpu.memref_slice %arg6[%add3A_79, %dma_wait3A_131] : memref<82x128xi32, #tpu.memory_space<vmem>> -> memref<1x128xi32, #tpu.memory_space<vmem>>
      %dma_wait3A_133 = tpu.memref_squeeze %dma_wait3A_132 : memref<1x128xi32, #tpu.memory_space<vmem>> -> memref<128xi32, #tpu.memory_space<vmem>>
      %dma_wait3A_134 = arith.constant 0 : i32
      %dma_wait3A_135 = arith.constant 0 : i32
      %dma_wait3A_136 = tpu.memref_slice %arg9[%dma_wait3A_134, %dma_wait3A_135] : memref<10240x8xf32, #tpu.memory_space<vmem_shared>> -> memref<10240x8xf32, #tpu.memory_space<vmem_shared>>
      tpu.wait_indirect_dma semaphore(%arg10 : memref<!tpu.dma_semaphore, #tpu.memory_space<semaphore_mem>>) src(%arg7 : memref<128x8xf32, #tpu.memory_space<vmem>>) dst(%dma_wait3A_136 : memref<10240x8xf32, #tpu.memory_space<vmem_shared>>)
      %dma_wait3A_137 = arith.constant 0 : i32
      %dma_wait3A_138 = tpu.memref_slice %arg6[%add3A_89, %dma_wait3A_137] : memref<82x128xi32, #tpu.memory_space<vmem>> -> memref<1x128xi32, #tpu.memory_space<vmem>>
      %dma_wait3A_139 = tpu.memref_squeeze %dma_wait3A_138 : memref<1x128xi32, #tpu.memory_space<vmem>> -> memref<128xi32, #tpu.memory_space<vmem>>
      %dma_wait3A_140 = arith.constant 0 : i32
      %dma_wait3A_141 = arith.constant 0 : i32
      %dma_wait3A_142 = tpu.memref_slice %arg9[%dma_wait3A_140, %dma_wait3A_141] : memref<10240x8xf32, #tpu.memory_space<vmem_shared>> -> memref<10240x8xf32, #tpu.memory_space<vmem_shared>>
      tpu.wait_indirect_dma semaphore(%arg10 : memref<!tpu.dma_semaphore, #tpu.memory_space<semaphore_mem>>) src(%arg7 : memref<128x8xf32, #tpu.memory_space<vmem>>) dst(%dma_wait3A_142 : memref<10240x8xf32, #tpu.memory_space<vmem_shared>>)
    }
    %scan3A_6 = arith.constant 10 : i32
    %run_scoped3A = arith.constant 81 : i32
    "tpu.region"() ({
      %run_scoped3A_13 = tpu.sem_alloc : memref<!tpu.dma_semaphore, #tpu.memory_space<semaphore_mem>>
      %dma_start3A = arith.constant 0 : i32
      %dma_start3A_14 = tpu.memref_slice %arg6[%run_scoped3A, %dma_start3A] : memref<82x128xi32, #tpu.memory_space<vmem>> -> memref<1x128xi32, #tpu.memory_space<vmem>>
      %dma_start3A_15 = tpu.memref_squeeze %dma_start3A_14 : memref<1x128xi32, #tpu.memory_space<vmem>> -> memref<128xi32, #tpu.memory_space<vmem>>
      %dma_start3A_16 = arith.constant 0 : i32
      %dma_start3A_17 = arith.constant 0 : i32
      %dma_start3A_18 = tpu.memref_slice %arg9[%dma_start3A_16, %dma_start3A_17] : memref<10240x8xf32, #tpu.memory_space<vmem_shared>> -> memref<10240x8xf32, #tpu.memory_space<vmem_shared>>
      tpu.enqueue_indirect_dma source(%arg7 : memref<128x8xf32, #tpu.memory_space<vmem>>) target(%dma_start3A_18 : memref<10240x8xf32, #tpu.memory_space<vmem_shared>>) offsets(%dma_start3A_15 : memref<128xi32, #tpu.memory_space<vmem>>) semaphore(%run_scoped3A_13 : memref<!tpu.dma_semaphore, #tpu.memory_space<semaphore_mem>>) {add = true}
      %dma_wait3A = arith.constant 0 : i32
      %dma_wait3A_19 = tpu.memref_slice %arg6[%run_scoped3A, %dma_wait3A] : memref<82x128xi32, #tpu.memory_space<vmem>> -> memref<1x128xi32, #tpu.memory_space<vmem>>
      %dma_wait3A_20 = tpu.memref_squeeze %dma_wait3A_19 : memref<1x128xi32, #tpu.memory_space<vmem>> -> memref<128xi32, #tpu.memory_space<vmem>>
      %dma_wait3A_21 = arith.constant 0 : i32
      %dma_wait3A_22 = arith.constant 0 : i32
      %dma_wait3A_23 = tpu.memref_slice %arg9[%dma_wait3A_21, %dma_wait3A_22] : memref<10240x8xf32, #tpu.memory_space<vmem_shared>> -> memref<10240x8xf32, #tpu.memory_space<vmem_shared>>
      tpu.wait_indirect_dma semaphore(%run_scoped3A_13 : memref<!tpu.dma_semaphore, #tpu.memory_space<semaphore_mem>>) src(%arg7 : memref<128x8xf32, #tpu.memory_space<vmem>>) dst(%dma_wait3A_23 : memref<10240x8xf32, #tpu.memory_space<vmem_shared>>)
      tpu.yield
    }) : () -> ()
    %run_scoped3A_7 = arith.constant 80 : i32
    "tpu.region"() ({
      %run_scoped3A_13 = tpu.sem_alloc : memref<!tpu.dma_semaphore, #tpu.memory_space<semaphore_mem>>
      %dma_start3A = arith.constant 0 : i32
      %dma_start3A_14 = tpu.memref_slice %arg6[%run_scoped3A_7, %dma_start3A] : memref<82x128xi32, #tpu.memory_space<vmem>> -> memref<1x128xi32, #tpu.memory_space<vmem>>
      %dma_start3A_15 = tpu.memref_squeeze %dma_start3A_14 : memref<1x128xi32, #tpu.memory_space<vmem>> -> memref<128xi32, #tpu.memory_space<vmem>>
      %dma_start3A_16 = arith.constant 0 : i32
      %dma_start3A_17 = arith.constant 0 : i32
      %dma_start3A_18 = tpu.memref_slice %arg9[%dma_start3A_16, %dma_start3A_17] : memref<10240x8xf32, #tpu.memory_space<vmem_shared>> -> memref<10240x8xf32, #tpu.memory_space<vmem_shared>>
      tpu.enqueue_indirect_dma source(%arg7 : memref<128x8xf32, #tpu.memory_space<vmem>>) target(%dma_start3A_18 : memref<10240x8xf32, #tpu.memory_space<vmem_shared>>) offsets(%dma_start3A_15 : memref<128xi32, #tpu.memory_space<vmem>>) semaphore(%run_scoped3A_13 : memref<!tpu.dma_semaphore, #tpu.memory_space<semaphore_mem>>) {add = true}
      %dma_wait3A = arith.constant 0 : i32
      %dma_wait3A_19 = tpu.memref_slice %arg6[%run_scoped3A_7, %dma_wait3A] : memref<82x128xi32, #tpu.memory_space<vmem>> -> memref<1x128xi32, #tpu.memory_space<vmem>>
      %dma_wait3A_20 = tpu.memref_squeeze %dma_wait3A_19 : memref<1x128xi32, #tpu.memory_space<vmem>> -> memref<128xi32, #tpu.memory_space<vmem>>
      %dma_wait3A_21 = arith.constant 0 : i32
      %dma_wait3A_22 = arith.constant 0 : i32
      %dma_wait3A_23 = tpu.memref_slice %arg9[%dma_wait3A_21, %dma_wait3A_22] : memref<10240x8xf32, #tpu.memory_space<vmem_shared>> -> memref<10240x8xf32, #tpu.memory_space<vmem_shared>>
      tpu.wait_indirect_dma semaphore(%run_scoped3A_13 : memref<!tpu.dma_semaphore, #tpu.memory_space<semaphore_mem>>) src(%arg7 : memref<128x8xf32, #tpu.memory_space<vmem>>) dst(%dma_wait3A_23 : memref<10240x8xf32, #tpu.memory_space<vmem_shared>>)
      tpu.yield
    }) : () -> ()
    %barrier3A_8 = arith.constant 0 : index
    tpu.barrier barrier_id(%barrier3A_8)
    %mul3A_9 = arith.constant 640 : i32
    %mul3A_10 = arith.muli %arg1, %mul3A_9 : i32
    "tpu.region"() ({
      %run_scoped3A_13 = tpu.sem_alloc : memref<!tpu.dma_semaphore, #tpu.memory_space<semaphore_mem>>
      %dma_start3A = arith.constant 0 : i32
      %dma_start3A_14 = tpu.memref_slice %arg9[%mul3A_10, %dma_start3A] : memref<10240x8xf32, #tpu.memory_space<vmem_shared>> -> memref<640x8xf32, #tpu.memory_space<vmem_shared>>
      %dma_start3A_15 = arith.constant 0 : i32
      %dma_start3A_16 = tpu.memref_slice %arg9[%mul3A_10, %dma_start3A_15] : memref<10240x8xf32, #tpu.memory_space<vmem_shared>> -> memref<640x8xf32, #tpu.memory_space<vmem_shared>>
      tpu.enqueue_dma source(%dma_start3A_16 : memref<640x8xf32, #tpu.memory_space<vmem_shared>>) target(%arg8 : memref<640x8xf32, #tpu.memory_space<vmem>>) target_semaphore(%run_scoped3A_13 : memref<!tpu.dma_semaphore, #tpu.memory_space<semaphore_mem>>)
      %dma_wait3A = arith.constant 0 : i32
      %dma_wait3A_17 = tpu.memref_slice %arg9[%mul3A_10, %dma_wait3A] : memref<10240x8xf32, #tpu.memory_space<vmem_shared>> -> memref<640x8xf32, #tpu.memory_space<vmem_shared>>
      %dma_wait3A_18 = arith.constant 0 : i32
      %dma_wait3A_19 = tpu.memref_slice %arg9[%mul3A_10, %dma_wait3A_18] : memref<10240x8xf32, #tpu.memory_space<vmem_shared>> -> memref<640x8xf32, #tpu.memory_space<vmem_shared>>
      tpu.wait_dma2 semaphore(%run_scoped3A_13 : memref<!tpu.dma_semaphore, #tpu.memory_space<semaphore_mem>>) src(%dma_wait3A_19 : memref<640x8xf32, #tpu.memory_space<vmem_shared>>) dst(%arg8 : memref<640x8xf32, #tpu.memory_space<vmem>>)
      tpu.yield
    }) : () -> ()
    %mul3A_11 = arith.constant 640 : i32
    %mul3A_12 = arith.muli %arg1, %mul3A_11 : i32
    "tpu.region"() ({
      %run_scoped3A_13 = tpu.sem_alloc : memref<!tpu.dma_semaphore, #tpu.memory_space<semaphore_mem>>
      %dma_start3A = arith.constant 0 : i32
      %dma_start3A_14 = tpu.memref_slice %arg5[%arg0, %mul3A_12, %dma_start3A] : memref<2x10240x8xf32, #tpu.memory_space<hbm>> -> memref<1x640x8xf32, #tpu.memory_space<hbm>>
      %dma_start3A_15 = tpu.memref_squeeze %dma_start3A_14 : memref<1x640x8xf32, #tpu.memory_space<hbm>> -> memref<640x8xf32, #tpu.memory_space<hbm>>
      %dma_start3A_16 = arith.constant 0 : i32
      %dma_start3A_17 = tpu.memref_slice %arg5[%arg0, %mul3A_12, %dma_start3A_16] : memref<2x10240x8xf32, #tpu.memory_space<hbm>> -> memref<1x640x8xf32, #tpu.memory_space<hbm>>
      %dma_start3A_18 = tpu.memref_squeeze %dma_start3A_17 : memref<1x640x8xf32, #tpu.memory_space<hbm>> -> memref<640x8xf32, #tpu.memory_space<hbm>>
      tpu.enqueue_dma source(%arg8 : memref<640x8xf32, #tpu.memory_space<vmem>>) target(%dma_start3A_18 : memref<640x8xf32, #tpu.memory_space<hbm>>) target_semaphore(%run_scoped3A_13 : memref<!tpu.dma_semaphore, #tpu.memory_space<semaphore_mem>>)
      %dma_wait3A = arith.constant 0 : i32
      %dma_wait3A_19 = tpu.memref_slice %arg5[%arg0, %mul3A_12, %dma_wait3A] : memref<2x10240x8xf32, #tpu.memory_space<hbm>> -> memref<1x640x8xf32, #tpu.memory_space<hbm>>
      %dma_wait3A_20 = tpu.memref_squeeze %dma_wait3A_19 : memref<1x640x8xf32, #tpu.memory_space<hbm>> -> memref<640x8xf32, #tpu.memory_space<hbm>>
      %dma_wait3A_21 = arith.constant 0 : i32
      %dma_wait3A_22 = tpu.memref_slice %arg5[%arg0, %mul3A_12, %dma_wait3A_21] : memref<2x10240x8xf32, #tpu.memory_space<hbm>> -> memref<1x640x8xf32, #tpu.memory_space<hbm>>
      %dma_wait3A_23 = tpu.memref_squeeze %dma_wait3A_22 : memref<1x640x8xf32, #tpu.memory_space<hbm>> -> memref<640x8xf32, #tpu.memory_space<hbm>>
      tpu.wait_dma2 semaphore(%run_scoped3A_13 : memref<!tpu.dma_semaphore, #tpu.memory_space<semaphore_mem>>) src(%arg8 : memref<640x8xf32, #tpu.memory_space<vmem>>) dst(%dma_wait3A_23 : memref<640x8xf32, #tpu.memory_space<hbm>>)
      tpu.yield
    }) : () -> ()
    return
  }
}

#map = affine_map<(d0, d1) -> (0, 0, 0)>
#map1 = affine_map<(d0, d1) -> (0, 0)>
module attributes {stable_mosaic.version = 14 : i64} {
  func.func @_main_body(%arg0: i32, %arg1: i32, %arg2: memref<2x10240x32xf32, #tpu.memory_space<hbm>>, %arg3: memref<16x164x128xi32, #tpu.memory_space<hbm>>, %arg4: memref<16x164x128xi32, #tpu.memory_space<hbm>>, %arg5: memref<10240x32xf32, #tpu.memory_space<hbm>>, %arg6: memref<10240x32xf32, #tpu.memory_space<hbm>>, %arg7: memref<2x10240x32xf32, #tpu.memory_space<hbm>>, %arg8: memref<2x10240x32xf32, #tpu.memory_space<hbm>>, %arg9: memref<2x10240x32xf32, #tpu.memory_space<hbm>>, %arg10: memref<164x128xi32, #tpu.memory_space<vmem>>, %arg11: memref<164x128xi32, #tpu.memory_space<vmem>>, %arg12: memref<8x128x32xf32, #tpu.memory_space<vmem>>, %arg13: memref<128x32xf32, #tpu.memory_space<vmem>>, %arg14: memref<128x32xf32, #tpu.memory_space<vmem>>, %arg15: memref<128x32xf32, #tpu.memory_space<vmem>>, %arg16: memref<10240x32xf32, #tpu.memory_space<vmem_shared>>, %arg17: memref<10240x32xf32, #tpu.memory_space<vmem_shared>>, %arg18: memref<!tpu.dma_semaphore, #tpu.memory_space<semaphore_mem>>, %arg19: memref<!tpu.dma_semaphore, #tpu.memory_space<semaphore_mem>>, %arg20: memref<!tpu.dma_semaphore, #tpu.memory_space<semaphore_mem>>, %arg21: memref<!tpu.dma_semaphore, #tpu.memory_space<semaphore_mem>>) attributes {dimension_semantics = [#tpu.dimension_semantics<core_parallel>, #tpu.dimension_semantics<subcore_parallel>], iteration_bounds = array<i64: 2, 16>, scalar_prefetch = 0 : i64, scratch_operands = 12 : i64, tpu.core_type = #tpu.core_type<sc_vector_subcore>, window_params = [{transform_indices = #map}, {transform_indices = #map}, {transform_indices = #map}, {transform_indices = #map1}, {transform_indices = #map1}, {transform_indices = #map}, {transform_indices = #map}, {transform_indices = #map}]} {
    %mul3A = arith.constant 640 : i32
    %mul3A_0 = arith.muli %arg1, %mul3A : i32
    "tpu.region"() ({
      %run_scoped3A = tpu.sem_alloc : memref<!tpu.dma_semaphore, #tpu.memory_space<semaphore_mem>>
      %dma_start3A_233 = arith.constant 0 : i32
      %dma_start3A_234 = arith.constant 0 : i32
      %dma_start3A_235 = tpu.memref_slice %arg3[%arg1, %dma_start3A_233, %dma_start3A_234] : memref<16x164x128xi32, #tpu.memory_space<hbm>> -> memref<1x164x128xi32, #tpu.memory_space<hbm>>
      %dma_start3A_236 = tpu.memref_squeeze %dma_start3A_235 : memref<1x164x128xi32, #tpu.memory_space<hbm>> -> memref<164x128xi32, #tpu.memory_space<hbm>>
      %dma_start3A_237 = arith.constant 0 : i32
      %dma_start3A_238 = arith.constant 0 : i32
      %dma_start3A_239 = tpu.memref_slice %arg3[%arg1, %dma_start3A_237, %dma_start3A_238] : memref<16x164x128xi32, #tpu.memory_space<hbm>> -> memref<1x164x128xi32, #tpu.memory_space<hbm>>
      %dma_start3A_240 = tpu.memref_squeeze %dma_start3A_239 : memref<1x164x128xi32, #tpu.memory_space<hbm>> -> memref<164x128xi32, #tpu.memory_space<hbm>>
      tpu.enqueue_dma source(%dma_start3A_240 : memref<164x128xi32, #tpu.memory_space<hbm>>) target(%arg10 : memref<164x128xi32, #tpu.memory_space<vmem>>) target_semaphore(%run_scoped3A : memref<!tpu.dma_semaphore, #tpu.memory_space<semaphore_mem>>)
      %dma_wait3A_241 = arith.constant 0 : i32
      %dma_wait3A_242 = arith.constant 0 : i32
      %dma_wait3A_243 = tpu.memref_slice %arg3[%arg1, %dma_wait3A_241, %dma_wait3A_242] : memref<16x164x128xi32, #tpu.memory_space<hbm>> -> memref<1x164x128xi32, #tpu.memory_space<hbm>>
      %dma_wait3A_244 = tpu.memref_squeeze %dma_wait3A_243 : memref<1x164x128xi32, #tpu.memory_space<hbm>> -> memref<164x128xi32, #tpu.memory_space<hbm>>
      %dma_wait3A_245 = arith.constant 0 : i32
      %dma_wait3A_246 = arith.constant 0 : i32
      %dma_wait3A_247 = tpu.memref_slice %arg3[%arg1, %dma_wait3A_245, %dma_wait3A_246] : memref<16x164x128xi32, #tpu.memory_space<hbm>> -> memref<1x164x128xi32, #tpu.memory_space<hbm>>
      %dma_wait3A_248 = tpu.memref_squeeze %dma_wait3A_247 : memref<1x164x128xi32, #tpu.memory_space<hbm>> -> memref<164x128xi32, #tpu.memory_space<hbm>>
      tpu.wait_dma2 semaphore(%run_scoped3A : memref<!tpu.dma_semaphore, #tpu.memory_space<semaphore_mem>>) src(%dma_wait3A_248 : memref<164x128xi32, #tpu.memory_space<hbm>>) dst(%arg10 : memref<164x128xi32, #tpu.memory_space<vmem>>)
      tpu.yield
    }) : () -> ()
    "tpu.region"() ({
      %run_scoped3A = tpu.sem_alloc : memref<!tpu.dma_semaphore, #tpu.memory_space<semaphore_mem>>
      %dma_start3A_233 = arith.constant 0 : i32
      %dma_start3A_234 = arith.constant 0 : i32
      %dma_start3A_235 = tpu.memref_slice %arg4[%arg1, %dma_start3A_233, %dma_start3A_234] : memref<16x164x128xi32, #tpu.memory_space<hbm>> -> memref<1x164x128xi32, #tpu.memory_space<hbm>>
      %dma_start3A_236 = tpu.memref_squeeze %dma_start3A_235 : memref<1x164x128xi32, #tpu.memory_space<hbm>> -> memref<164x128xi32, #tpu.memory_space<hbm>>
      %dma_start3A_237 = arith.constant 0 : i32
      %dma_start3A_238 = arith.constant 0 : i32
      %dma_start3A_239 = tpu.memref_slice %arg4[%arg1, %dma_start3A_237, %dma_start3A_238] : memref<16x164x128xi32, #tpu.memory_space<hbm>> -> memref<1x164x128xi32, #tpu.memory_space<hbm>>
      %dma_start3A_240 = tpu.memref_squeeze %dma_start3A_239 : memref<1x164x128xi32, #tpu.memory_space<hbm>> -> memref<164x128xi32, #tpu.memory_space<hbm>>
      tpu.enqueue_dma source(%dma_start3A_240 : memref<164x128xi32, #tpu.memory_space<hbm>>) target(%arg11 : memref<164x128xi32, #tpu.memory_space<vmem>>) target_semaphore(%run_scoped3A : memref<!tpu.dma_semaphore, #tpu.memory_space<semaphore_mem>>)
      %dma_wait3A_241 = arith.constant 0 : i32
      %dma_wait3A_242 = arith.constant 0 : i32
      %dma_wait3A_243 = tpu.memref_slice %arg4[%arg1, %dma_wait3A_241, %dma_wait3A_242] : memref<16x164x128xi32, #tpu.memory_space<hbm>> -> memref<1x164x128xi32, #tpu.memory_space<hbm>>
      %dma_wait3A_244 = tpu.memref_squeeze %dma_wait3A_243 : memref<1x164x128xi32, #tpu.memory_space<hbm>> -> memref<164x128xi32, #tpu.memory_space<hbm>>
      %dma_wait3A_245 = arith.constant 0 : i32
      %dma_wait3A_246 = arith.constant 0 : i32
      %dma_wait3A_247 = tpu.memref_slice %arg4[%arg1, %dma_wait3A_245, %dma_wait3A_246] : memref<16x164x128xi32, #tpu.memory_space<hbm>> -> memref<1x164x128xi32, #tpu.memory_space<hbm>>
      %dma_wait3A_248 = tpu.memref_squeeze %dma_wait3A_247 : memref<1x164x128xi32, #tpu.memory_space<hbm>> -> memref<164x128xi32, #tpu.memory_space<hbm>>
      tpu.wait_dma2 semaphore(%run_scoped3A : memref<!tpu.dma_semaphore, #tpu.memory_space<semaphore_mem>>) src(%dma_wait3A_248 : memref<164x128xi32, #tpu.memory_space<hbm>>) dst(%arg11 : memref<164x128xi32, #tpu.memory_space<vmem>>)
      tpu.yield
    }) : () -> ()
    %scan3A = arith.constant 0 : i32
    %scan3A_1 = arith.constant 5 : i32
    %scan3A_2 = arith.addi %scan3A, %scan3A_1 : i32
    %scan3A_3 = arith.constant 1 : i32
    scf.for %scan3A_233 = %scan3A to %scan3A_2 step %scan3A_3  : i32 {
      %mul3A_234 = arith.constant 1 : i32
      %mul3A_235 = arith.muli %scan3A_233, %mul3A_234 : i32
      %add3A = arith.constant 0 : i32
      %add3A_236 = arith.addi %add3A, %mul3A_235 : i32
      %mul3A_237 = arith.constant 128 : i32
      %mul3A_238 = arith.muli %add3A_236, %mul3A_237 : i32
      %add3A_239 = arith.addi %mul3A_0, %mul3A_238 : i32
      "tpu.region"() ({
        %run_scoped3A = tpu.sem_alloc : memref<!tpu.dma_semaphore, #tpu.memory_space<semaphore_mem>>
        %dma_start3A_240 = arith.constant 0 : i32
        %dma_start3A_241 = tpu.memref_slice %arg2[%arg0, %add3A_239, %dma_start3A_240] : memref<2x10240x32xf32, #tpu.memory_space<hbm>> -> memref<1x128x32xf32, #tpu.memory_space<hbm>>
        %dma_start3A_242 = tpu.memref_squeeze %dma_start3A_241 : memref<1x128x32xf32, #tpu.memory_space<hbm>> -> memref<128x32xf32, #tpu.memory_space<hbm>>
        %dma_start3A_243 = arith.constant 0 : i32
        %dma_start3A_244 = tpu.memref_slice %arg2[%arg0, %add3A_239, %dma_start3A_243] : memref<2x10240x32xf32, #tpu.memory_space<hbm>> -> memref<1x128x32xf32, #tpu.memory_space<hbm>>
        %dma_start3A_245 = tpu.memref_squeeze %dma_start3A_244 : memref<1x128x32xf32, #tpu.memory_space<hbm>> -> memref<128x32xf32, #tpu.memory_space<hbm>>
        tpu.enqueue_dma source(%dma_start3A_245 : memref<128x32xf32, #tpu.memory_space<hbm>>) target(%arg13 : memref<128x32xf32, #tpu.memory_space<vmem>>) target_semaphore(%run_scoped3A : memref<!tpu.dma_semaphore, #tpu.memory_space<semaphore_mem>>)
        %dma_wait3A_246 = arith.constant 0 : i32
        %dma_wait3A_247 = tpu.memref_slice %arg2[%arg0, %add3A_239, %dma_wait3A_246] : memref<2x10240x32xf32, #tpu.memory_space<hbm>> -> memref<1x128x32xf32, #tpu.memory_space<hbm>>
        %dma_wait3A_248 = tpu.memref_squeeze %dma_wait3A_247 : memref<1x128x32xf32, #tpu.memory_space<hbm>> -> memref<128x32xf32, #tpu.memory_space<hbm>>
        %dma_wait3A_249 = arith.constant 0 : i32
        %dma_wait3A_250 = tpu.memref_slice %arg2[%arg0, %add3A_239, %dma_wait3A_249] : memref<2x10240x32xf32, #tpu.memory_space<hbm>> -> memref<1x128x32xf32, #tpu.memory_space<hbm>>
        %dma_wait3A_251 = tpu.memref_squeeze %dma_wait3A_250 : memref<1x128x32xf32, #tpu.memory_space<hbm>> -> memref<128x32xf32, #tpu.memory_space<hbm>>
        tpu.wait_dma2 semaphore(%run_scoped3A : memref<!tpu.dma_semaphore, #tpu.memory_space<semaphore_mem>>) src(%dma_wait3A_251 : memref<128x32xf32, #tpu.memory_space<hbm>>) dst(%arg13 : memref<128x32xf32, #tpu.memory_space<vmem>>)
        tpu.yield
      }) : () -> ()
      "tpu.region"() ({
        %run_scoped3A = tpu.sem_alloc : memref<!tpu.dma_semaphore, #tpu.memory_space<semaphore_mem>>
        %dma_start3A_240 = arith.constant 0 : i32
        %dma_start3A_241 = tpu.memref_slice %arg17[%add3A_239, %dma_start3A_240] : memref<10240x32xf32, #tpu.memory_space<vmem_shared>> -> memref<128x32xf32, #tpu.memory_space<vmem_shared>>
        %dma_start3A_242 = arith.constant 0 : i32
        %dma_start3A_243 = tpu.memref_slice %arg17[%add3A_239, %dma_start3A_242] : memref<10240x32xf32, #tpu.memory_space<vmem_shared>> -> memref<128x32xf32, #tpu.memory_space<vmem_shared>>
        tpu.enqueue_dma source(%arg13 : memref<128x32xf32, #tpu.memory_space<vmem>>) target(%dma_start3A_243 : memref<128x32xf32, #tpu.memory_space<vmem_shared>>) target_semaphore(%run_scoped3A : memref<!tpu.dma_semaphore, #tpu.memory_space<semaphore_mem>>)
        %dma_wait3A_244 = arith.constant 0 : i32
        %dma_wait3A_245 = tpu.memref_slice %arg17[%add3A_239, %dma_wait3A_244] : memref<10240x32xf32, #tpu.memory_space<vmem_shared>> -> memref<128x32xf32, #tpu.memory_space<vmem_shared>>
        %dma_wait3A_246 = arith.constant 0 : i32
        %dma_wait3A_247 = tpu.memref_slice %arg17[%add3A_239, %dma_wait3A_246] : memref<10240x32xf32, #tpu.memory_space<vmem_shared>> -> memref<128x32xf32, #tpu.memory_space<vmem_shared>>
        tpu.wait_dma2 semaphore(%run_scoped3A : memref<!tpu.dma_semaphore, #tpu.memory_space<semaphore_mem>>) src(%arg13 : memref<128x32xf32, #tpu.memory_space<vmem>>) dst(%dma_wait3A_247 : memref<128x32xf32, #tpu.memory_space<vmem_shared>>)
        tpu.yield
      }) : () -> ()
    }
    %scan3A_4 = arith.constant 5 : i32
    %scan3A_5 = arith.constant 0 : i32
    %scan3A_6 = arith.constant 9 : i32
    %scan3A_7 = arith.addi %scan3A_5, %scan3A_6 : i32
    %scan3A_8 = arith.constant 1 : i32
    scf.for %scan3A_233 = %scan3A_5 to %scan3A_7 step %scan3A_8  : i32 {
      %mul3A_234 = arith.constant 1 : i32
      %mul3A_235 = arith.muli %scan3A_233, %mul3A_234 : i32
      %add3A = arith.constant 0 : i32
      %add3A_236 = arith.addi %add3A, %mul3A_235 : i32
      %scan3A_237 = arith.constant 0 : i32
      %scan3A_238 = arith.constant 128 : i32
      %scan3A_239 = arith.addi %scan3A_237, %scan3A_238 : i32
      %scan3A_240 = arith.constant 1 : i32
      scf.for %scan3A_463 = %scan3A_237 to %scan3A_239 step %scan3A_240  : i32 {
        %mul3A_464 = arith.constant 1 : i32
        %mul3A_465 = arith.muli %scan3A_463, %mul3A_464 : i32
        %add3A_466 = arith.constant 0 : i32
        %add3A_467 = arith.addi %add3A_466, %mul3A_465 : i32
        %broadcast_in_dim3A = arith.constant 0.000000e+00 : f32
        %broadcast_in_dim3A_468 = vector.broadcast %broadcast_in_dim3A : f32 to vector<16xf32>
        %swap3A = arith.index_cast %add3A_467 : i32 to index
        %swap3A_469 = arith.constant 0 : index
        %swap3A_470 = tpu.vector_load %arg14[%swap3A, %swap3A_469] {strides = array<i32>} : memref<128x32xf32, #tpu.memory_space<vmem>>, vector<1x16xf32>,
        %swap3A_471 = vector.shape_cast %swap3A_470 : vector<1x16xf32> to vector<16xf32>
        %swap3A_472 = vector.shape_cast %broadcast_in_dim3A_468 : vector<16xf32> to vector<1x16xf32>
        tpu.vector_store %arg14[%swap3A, %swap3A_469], %swap3A_472 {strides = array<i32>} : memref<128x32xf32, #tpu.memory_space<vmem>>, vector<1x16xf32>,
        %swap3A_473 = arith.index_cast %add3A_467 : i32 to index
        %swap3A_474 = arith.constant 16 : index
        %swap3A_475 = tpu.vector_load %arg14[%swap3A_473, %swap3A_474] {strides = array<i32>} : memref<128x32xf32, #tpu.memory_space<vmem>>, vector<1x16xf32>,
        %swap3A_476 = vector.shape_cast %swap3A_475 : vector<1x16xf32> to vector<16xf32>
        %swap3A_477 = vector.shape_cast %broadcast_in_dim3A_468 : vector<16xf32> to vector<1x16xf32>
        tpu.vector_store %arg14[%swap3A_473, %swap3A_474], %swap3A_477 {strides = array<i32>} : memref<128x32xf32, #tpu.memory_space<vmem>>, vector<1x16xf32>,
      }
      %scan3A_241 = arith.constant 128 : i32
      %scan3A_242 = arith.constant 0 : i32
      %scan3A_243 = arith.constant 5 : i32
      %scan3A_244 = arith.addi %scan3A_242, %scan3A_243 : i32
      %scan3A_245 = arith.constant 1 : i32
      scf.for %scan3A_463 = %scan3A_242 to %scan3A_244 step %scan3A_245  : i32 {
        %mul3A_464 = arith.constant 1 : i32
        %mul3A_465 = arith.muli %scan3A_463, %mul3A_464 : i32
        %add3A_466 = arith.constant 0 : i32
        %add3A_467 = arith.addi %add3A_466, %mul3A_465 : i32
        %mul3A_468 = arith.constant 128 : i32
        %mul3A_469 = arith.muli %add3A_467, %mul3A_468 : i32
        %add3A_470 = arith.addi %mul3A_0, %mul3A_469 : i32
        "tpu.region"() ({
          %run_scoped3A = tpu.sem_alloc : memref<!tpu.dma_semaphore, #tpu.memory_space<semaphore_mem>>
          %dma_start3A_471 = arith.constant 0 : i32
          %dma_start3A_472 = tpu.memref_slice %arg16[%add3A_470, %dma_start3A_471] : memref<10240x32xf32, #tpu.memory_space<vmem_shared>> -> memref<128x32xf32, #tpu.memory_space<vmem_shared>>
          %dma_start3A_473 = arith.constant 0 : i32
          %dma_start3A_474 = tpu.memref_slice %arg16[%add3A_470, %dma_start3A_473] : memref<10240x32xf32, #tpu.memory_space<vmem_shared>> -> memref<128x32xf32, #tpu.memory_space<vmem_shared>>
          tpu.enqueue_dma source(%arg14 : memref<128x32xf32, #tpu.memory_space<vmem>>) target(%dma_start3A_474 : memref<128x32xf32, #tpu.memory_space<vmem_shared>>) target_semaphore(%run_scoped3A : memref<!tpu.dma_semaphore, #tpu.memory_space<semaphore_mem>>)
          %dma_wait3A_475 = arith.constant 0 : i32
          %dma_wait3A_476 = tpu.memref_slice %arg16[%add3A_470, %dma_wait3A_475] : memref<10240x32xf32, #tpu.memory_space<vmem_shared>> -> memref<128x32xf32, #tpu.memory_space<vmem_shared>>
          %dma_wait3A_477 = arith.constant 0 : i32
          %dma_wait3A_478 = tpu.memref_slice %arg16[%add3A_470, %dma_wait3A_477] : memref<10240x32xf32, #tpu.memory_space<vmem_shared>> -> memref<128x32xf32, #tpu.memory_space<vmem_shared>>
          tpu.wait_dma2 semaphore(%run_scoped3A : memref<!tpu.dma_semaphore, #tpu.memory_space<semaphore_mem>>) src(%arg14 : memref<128x32xf32, #tpu.memory_space<vmem>>) dst(%dma_wait3A_478 : memref<128x32xf32, #tpu.memory_space<vmem_shared>>)
          tpu.yield
        }) : () -> ()
      }
      %scan3A_246 = arith.constant 5 : i32
      %barrier3A_247 = arith.constant 0 : index
      tpu.barrier barrier_id(%barrier3A_247)
      %dma_start3A_248 = arith.constant 0 : i32
      %dma_start3A_249 = arith.constant 0 : i32
      %dma_start3A_250 = arith.constant 0 : i32
      %dma_start3A_251 = arith.constant 0 : i32
      %dma_start3A_252 = tpu.memref_slice %arg12[%dma_start3A_249, %dma_start3A_250, %dma_start3A_251] : memref<8x128x32xf32, #tpu.memory_space<vmem>> -> memref<1x128x32xf32, #tpu.memory_space<vmem>>
      %dma_start3A_253 = tpu.memref_squeeze %dma_start3A_252 : memref<1x128x32xf32, #tpu.memory_space<vmem>> -> memref<128x32xf32, #tpu.memory_space<vmem>>
      %dma_start3A_254 = arith.constant 0 : i32
      %dma_start3A_255 = tpu.memref_slice %arg10[%dma_start3A_248, %dma_start3A_254] : memref<164x128xi32, #tpu.memory_space<vmem>> -> memref<1x128xi32, #tpu.memory_space<vmem>>
      %dma_start3A_256 = tpu.memref_squeeze %dma_start3A_255 : memref<1x128xi32, #tpu.memory_space<vmem>> -> memref<128xi32, #tpu.memory_space<vmem>>
      %dma_start3A_257 = arith.constant 0 : i32
      %dma_start3A_258 = arith.constant 0 : i32
      %dma_start3A_259 = tpu.memref_slice %arg17[%dma_start3A_257, %dma_start3A_258] : memref<10240x32xf32, #tpu.memory_space<vmem_shared>> -> memref<10240x32xf32, #tpu.memory_space<vmem_shared>>
      tpu.enqueue_indirect_dma source(%dma_start3A_259 : memref<10240x32xf32, #tpu.memory_space<vmem_shared>>) target(%dma_start3A_253 : memref<128x32xf32, #tpu.memory_space<vmem>>) offsets(%dma_start3A_256 : memref<128xi32, #tpu.memory_space<vmem>>) semaphore(%arg18 : memref<!tpu.dma_semaphore, #tpu.memory_space<semaphore_mem>>)
      %dma_start3A_260 = arith.constant 1 : i32
      %dma_start3A_261 = arith.constant 1 : i32
      %dma_start3A_262 = arith.constant 0 : i32
      %dma_start3A_263 = arith.constant 0 : i32
      %dma_start3A_264 = tpu.memref_slice %arg12[%dma_start3A_261, %dma_start3A_262, %dma_start3A_263] : memref<8x128x32xf32, #tpu.memory_space<vmem>> -> memref<1x128x32xf32, #tpu.memory_space<vmem>>
      %dma_start3A_265 = tpu.memref_squeeze %dma_start3A_264 : memref<1x128x32xf32, #tpu.memory_space<vmem>> -> memref<128x32xf32, #tpu.memory_space<vmem>>
      %dma_start3A_266 = arith.constant 0 : i32
      %dma_start3A_267 = tpu.memref_slice %arg10[%dma_start3A_260, %dma_start3A_266] : memref<164x128xi32, #tpu.memory_space<vmem>> -> memref<1x128xi32, #tpu.memory_space<vmem>>
      %dma_start3A_268 = tpu.memref_squeeze %dma_start3A_267 : memref<1x128xi32, #tpu.memory_space<vmem>> -> memref<128xi32, #tpu.memory_space<vmem>>
      %dma_start3A_269 = arith.constant 0 : i32
      %dma_start3A_270 = arith.constant 0 : i32
      %dma_start3A_271 = tpu.memref_slice %arg17[%dma_start3A_269, %dma_start3A_270] : memref<10240x32xf32, #tpu.memory_space<vmem_shared>> -> memref<10240x32xf32, #tpu.memory_space<vmem_shared>>
      tpu.enqueue_indirect_dma source(%dma_start3A_271 : memref<10240x32xf32, #tpu.memory_space<vmem_shared>>) target(%dma_start3A_265 : memref<128x32xf32, #tpu.memory_space<vmem>>) offsets(%dma_start3A_268 : memref<128xi32, #tpu.memory_space<vmem>>) semaphore(%arg18 : memref<!tpu.dma_semaphore, #tpu.memory_space<semaphore_mem>>)
      %dma_start3A_272 = arith.constant 2 : i32
      %dma_start3A_273 = arith.constant 2 : i32
      %dma_start3A_274 = arith.constant 0 : i32
      %dma_start3A_275 = arith.constant 0 : i32
      %dma_start3A_276 = tpu.memref_slice %arg12[%dma_start3A_273, %dma_start3A_274, %dma_start3A_275] : memref<8x128x32xf32, #tpu.memory_space<vmem>> -> memref<1x128x32xf32, #tpu.memory_space<vmem>>
      %dma_start3A_277 = tpu.memref_squeeze %dma_start3A_276 : memref<1x128x32xf32, #tpu.memory_space<vmem>> -> memref<128x32xf32, #tpu.memory_space<vmem>>
      %dma_start3A_278 = arith.constant 0 : i32
      %dma_start3A_279 = tpu.memref_slice %arg10[%dma_start3A_272, %dma_start3A_278] : memref<164x128xi32, #tpu.memory_space<vmem>> -> memref<1x128xi32, #tpu.memory_space<vmem>>
      %dma_start3A_280 = tpu.memref_squeeze %dma_start3A_279 : memref<1x128xi32, #tpu.memory_space<vmem>> -> memref<128xi32, #tpu.memory_space<vmem>>
      %dma_start3A_281 = arith.constant 0 : i32
      %dma_start3A_282 = arith.constant 0 : i32
      %dma_start3A_283 = tpu.memref_slice %arg17[%dma_start3A_281, %dma_start3A_282] : memref<10240x32xf32, #tpu.memory_space<vmem_shared>> -> memref<10240x32xf32, #tpu.memory_space<vmem_shared>>
      tpu.enqueue_indirect_dma source(%dma_start3A_283 : memref<10240x32xf32, #tpu.memory_space<vmem_shared>>) target(%dma_start3A_277 : memref<128x32xf32, #tpu.memory_space<vmem>>) offsets(%dma_start3A_280 : memref<128xi32, #tpu.memory_space<vmem>>) semaphore(%arg18 : memref<!tpu.dma_semaphore, #tpu.memory_space<semaphore_mem>>)
      %dma_start3A_284 = arith.constant 3 : i32
      %dma_start3A_285 = arith.constant 3 : i32
      %dma_start3A_286 = arith.constant 0 : i32
      %dma_start3A_287 = arith.constant 0 : i32
      %dma_start3A_288 = tpu.memref_slice %arg12[%dma_start3A_285, %dma_start3A_286, %dma_start3A_287] : memref<8x128x32xf32, #tpu.memory_space<vmem>> -> memref<1x128x32xf32, #tpu.memory_space<vmem>>
      %dma_start3A_289 = tpu.memref_squeeze %dma_start3A_288 : memref<1x128x32xf32, #tpu.memory_space<vmem>> -> memref<128x32xf32, #tpu.memory_space<vmem>>
      %dma_start3A_290 = arith.constant 0 : i32
      %dma_start3A_291 = tpu.memref_slice %arg10[%dma_start3A_284, %dma_start3A_290] : memref<164x128xi32, #tpu.memory_space<vmem>> -> memref<1x128xi32, #tpu.memory_space<vmem>>
      %dma_start3A_292 = tpu.memref_squeeze %dma_start3A_291 : memref<1x128xi32, #tpu.memory_space<vmem>> -> memref<128xi32, #tpu.memory_space<vmem>>
      %dma_start3A_293 = arith.constant 0 : i32
      %dma_start3A_294 = arith.constant 0 : i32
      %dma_start3A_295 = tpu.memref_slice %arg17[%dma_start3A_293, %dma_start3A_294] : memref<10240x32xf32, #tpu.memory_space<vmem_shared>> -> memref<10240x32xf32, #tpu.memory_space<vmem_shared>>
      tpu.enqueue_indirect_dma source(%dma_start3A_295 : memref<10240x32xf32, #tpu.memory_space<vmem_shared>>) target(%dma_start3A_289 : memref<128x32xf32, #tpu.memory_space<vmem>>) offsets(%dma_start3A_292 : memref<128xi32, #tpu.memory_space<vmem>>) semaphore(%arg18 : memref<!tpu.dma_semaphore, #tpu.memory_space<semaphore_mem>>)
      %scan3A_296 = arith.constant 0 : i32
      %scan3A_297 = arith.constant 20 : i32
      %scan3A_298 = arith.addi %scan3A_296, %scan3A_297 : i32
      %scan3A_299 = arith.constant 1 : i32
      scf.for %scan3A_463 = %scan3A_296 to %scan3A_298 step %scan3A_299  : i32 {
        %mul3A_464 = arith.constant 1 : i32
        %mul3A_465 = arith.muli %scan3A_463, %mul3A_464 : i32
        %add3A_466 = arith.constant 0 : i32
        %add3A_467 = arith.addi %add3A_466, %mul3A_465 : i32
        %mul3A_468 = arith.constant 2 : i32
        %mul3A_469 = arith.muli %mul3A_468, %add3A_467 : i32
        %add3A_470 = arith.constant 1 : i32
        %add3A_471 = arith.addi %mul3A_469, %add3A_470 : i32
        %mul3A_472 = arith.constant 4 : i32
        %mul3A_473 = arith.muli %add3A_471, %mul3A_472 : i32
        %add3A_474 = arith.constant 0 : i32
        %add3A_475 = arith.addi %mul3A_473, %add3A_474 : i32
        %dma_start3A_476 = arith.constant 4 : i32
        %dma_start3A_477 = arith.constant 0 : i32
        %dma_start3A_478 = arith.constant 0 : i32
        %dma_start3A_479 = tpu.memref_slice %arg12[%dma_start3A_476, %dma_start3A_477, %dma_start3A_478] : memref<8x128x32xf32, #tpu.memory_space<vmem>> -> memref<1x128x32xf32, #tpu.memory_space<vmem>>
        %dma_start3A_480 = tpu.memref_squeeze %dma_start3A_479 : memref<1x128x32xf32, #tpu.memory_space<vmem>> -> memref<128x32xf32, #tpu.memory_space<vmem>>
        %dma_start3A_481 = arith.constant 0 : i32
        %dma_start3A_482 = tpu.memref_slice %arg10[%add3A_475, %dma_start3A_481] : memref<164x128xi32, #tpu.memory_space<vmem>> -> memref<1x128xi32, #tpu.memory_space<vmem>>
        %dma_start3A_483 = tpu.memref_squeeze %dma_start3A_482 : memref<1x128xi32, #tpu.memory_space<vmem>> -> memref<128xi32, #tpu.memory_space<vmem>>
        %dma_start3A_484 = arith.constant 0 : i32
        %dma_start3A_485 = arith.constant 0 : i32
        %dma_start3A_486 = tpu.memref_slice %arg17[%dma_start3A_484, %dma_start3A_485] : memref<10240x32xf32, #tpu.memory_space<vmem_shared>> -> memref<10240x32xf32, #tpu.memory_space<vmem_shared>>
        tpu.enqueue_indirect_dma source(%dma_start3A_486 : memref<10240x32xf32, #tpu.memory_space<vmem_shared>>) target(%dma_start3A_480 : memref<128x32xf32, #tpu.memory_space<vmem>>) offsets(%dma_start3A_483 : memref<128xi32, #tpu.memory_space<vmem>>) semaphore(%arg19 : memref<!tpu.dma_semaphore, #tpu.memory_space<semaphore_mem>>)
        %mul3A_487 = arith.constant 4 : i32
        %mul3A_488 = arith.muli %add3A_471, %mul3A_487 : i32
        %add3A_489 = arith.constant 1 : i32
        %add3A_490 = arith.addi %mul3A_488, %add3A_489 : i32
        %dma_start3A_491 = arith.constant 5 : i32
        %dma_start3A_492 = arith.constant 0 : i32
        %dma_start3A_493 = arith.constant 0 : i32
        %dma_start3A_494 = tpu.memref_slice %arg12[%dma_start3A_491, %dma_start3A_492, %dma_start3A_493] : memref<8x128x32xf32, #tpu.memory_space<vmem>> -> memref<1x128x32xf32, #tpu.memory_space<vmem>>
        %dma_start3A_495 = tpu.memref_squeeze %dma_start3A_494 : memref<1x128x32xf32, #tpu.memory_space<vmem>> -> memref<128x32xf32, #tpu.memory_space<vmem>>
        %dma_start3A_496 = arith.constant 0 : i32
        %dma_start3A_497 = tpu.memref_slice %arg10[%add3A_490, %dma_start3A_496] : memref<164x128xi32, #tpu.memory_space<vmem>> -> memref<1x128xi32, #tpu.memory_space<vmem>>
        %dma_start3A_498 = tpu.memref_squeeze %dma_start3A_497 : memref<1x128xi32, #tpu.memory_space<vmem>> -> memref<128xi32, #tpu.memory_space<vmem>>
        %dma_start3A_499 = arith.constant 0 : i32
        %dma_start3A_500 = arith.constant 0 : i32
        %dma_start3A_501 = tpu.memref_slice %arg17[%dma_start3A_499, %dma_start3A_500] : memref<10240x32xf32, #tpu.memory_space<vmem_shared>> -> memref<10240x32xf32, #tpu.memory_space<vmem_shared>>
        tpu.enqueue_indirect_dma source(%dma_start3A_501 : memref<10240x32xf32, #tpu.memory_space<vmem_shared>>) target(%dma_start3A_495 : memref<128x32xf32, #tpu.memory_space<vmem>>) offsets(%dma_start3A_498 : memref<128xi32, #tpu.memory_space<vmem>>) semaphore(%arg19 : memref<!tpu.dma_semaphore, #tpu.memory_space<semaphore_mem>>)
        %mul3A_502 = arith.constant 4 : i32
        %mul3A_503 = arith.muli %add3A_471, %mul3A_502 : i32
        %add3A_504 = arith.constant 2 : i32
        %add3A_505 = arith.addi %mul3A_503, %add3A_504 : i32
        %dma_start3A_506 = arith.constant 6 : i32
        %dma_start3A_507 = arith.constant 0 : i32
        %dma_start3A_508 = arith.constant 0 : i32
        %dma_start3A_509 = tpu.memref_slice %arg12[%dma_start3A_506, %dma_start3A_507, %dma_start3A_508] : memref<8x128x32xf32, #tpu.memory_space<vmem>> -> memref<1x128x32xf32, #tpu.memory_space<vmem>>
        %dma_start3A_510 = tpu.memref_squeeze %dma_start3A_509 : memref<1x128x32xf32, #tpu.memory_space<vmem>> -> memref<128x32xf32, #tpu.memory_space<vmem>>
        %dma_start3A_511 = arith.constant 0 : i32
        %dma_start3A_512 = tpu.memref_slice %arg10[%add3A_505, %dma_start3A_511] : memref<164x128xi32, #tpu.memory_space<vmem>> -> memref<1x128xi32, #tpu.memory_space<vmem>>
        %dma_start3A_513 = tpu.memref_squeeze %dma_start3A_512 : memref<1x128xi32, #tpu.memory_space<vmem>> -> memref<128xi32, #tpu.memory_space<vmem>>
        %dma_start3A_514 = arith.constant 0 : i32
        %dma_start3A_515 = arith.constant 0 : i32
        %dma_start3A_516 = tpu.memref_slice %arg17[%dma_start3A_514, %dma_start3A_515] : memref<10240x32xf32, #tpu.memory_space<vmem_shared>> -> memref<10240x32xf32, #tpu.memory_space<vmem_shared>>
        tpu.enqueue_indirect_dma source(%dma_start3A_516 : memref<10240x32xf32, #tpu.memory_space<vmem_shared>>) target(%dma_start3A_510 : memref<128x32xf32, #tpu.memory_space<vmem>>) offsets(%dma_start3A_513 : memref<128xi32, #tpu.memory_space<vmem>>) semaphore(%arg19 : memref<!tpu.dma_semaphore, #tpu.memory_space<semaphore_mem>>)
        %mul3A_517 = arith.constant 4 : i32
        %mul3A_518 = arith.muli %add3A_471, %mul3A_517 : i32
        %add3A_519 = arith.constant 3 : i32
        %add3A_520 = arith.addi %mul3A_518, %add3A_519 : i32
        %dma_start3A_521 = arith.constant 7 : i32
        %dma_start3A_522 = arith.constant 0 : i32
        %dma_start3A_523 = arith.constant 0 : i32
        %dma_start3A_524 = tpu.memref_slice %arg12[%dma_start3A_521, %dma_start3A_522, %dma_start3A_523] : memref<8x128x32xf32, #tpu.memory_space<vmem>> -> memref<1x128x32xf32, #tpu.memory_space<vmem>>
        %dma_start3A_525 = tpu.memref_squeeze %dma_start3A_524 : memref<1x128x32xf32, #tpu.memory_space<vmem>> -> memref<128x32xf32, #tpu.memory_space<vmem>>
        %dma_start3A_526 = arith.constant 0 : i32
        %dma_start3A_527 = tpu.memref_slice %arg10[%add3A_520, %dma_start3A_526] : memref<164x128xi32, #tpu.memory_space<vmem>> -> memref<1x128xi32, #tpu.memory_space<vmem>>
        %dma_start3A_528 = tpu.memref_squeeze %dma_start3A_527 : memref<1x128xi32, #tpu.memory_space<vmem>> -> memref<128xi32, #tpu.memory_space<vmem>>
        %dma_start3A_529 = arith.constant 0 : i32
        %dma_start3A_530 = arith.constant 0 : i32
        %dma_start3A_531 = tpu.memref_slice %arg17[%dma_start3A_529, %dma_start3A_530] : memref<10240x32xf32, #tpu.memory_space<vmem_shared>> -> memref<10240x32xf32, #tpu.memory_space<vmem_shared>>
        tpu.enqueue_indirect_dma source(%dma_start3A_531 : memref<10240x32xf32, #tpu.memory_space<vmem_shared>>) target(%dma_start3A_525 : memref<128x32xf32, #tpu.memory_space<vmem>>) offsets(%dma_start3A_528 : memref<128xi32, #tpu.memory_space<vmem>>) semaphore(%arg19 : memref<!tpu.dma_semaphore, #tpu.memory_space<semaphore_mem>>)
        %dma_wait3A_532 = arith.constant 0 : i32
        %dma_wait3A_533 = arith.constant 0 : i32
        %dma_wait3A_534 = arith.constant 0 : i32
        %dma_wait3A_535 = tpu.memref_slice %arg12[%dma_wait3A_532, %dma_wait3A_533, %dma_wait3A_534] : memref<8x128x32xf32, #tpu.memory_space<vmem>> -> memref<1x128x32xf32, #tpu.memory_space<vmem>>
        %dma_wait3A_536 = tpu.memref_squeeze %dma_wait3A_535 : memref<1x128x32xf32, #tpu.memory_space<vmem>> -> memref<128x32xf32, #tpu.memory_space<vmem>>
        %dma_wait3A_537 = arith.constant 0 : i32
        %dma_wait3A_538 = arith.constant 0 : i32
        %dma_wait3A_539 = tpu.memref_slice %arg5[%dma_wait3A_537, %dma_wait3A_538] : memref<10240x32xf32, #tpu.memory_space<hbm>> -> memref<128x32xf32, #tpu.memory_space<hbm>>
        %dma_wait3A_540 = arith.constant 0 : i32
        %dma_wait3A_541 = arith.constant 0 : i32
        %dma_wait3A_542 = tpu.memref_slice %arg12[%dma_wait3A_532, %dma_wait3A_540, %dma_wait3A_541] : memref<8x128x32xf32, #tpu.memory_space<vmem>> -> memref<1x128x32xf32, #tpu.memory_space<vmem>>
        %dma_wait3A_543 = tpu.memref_squeeze %dma_wait3A_542 : memref<1x128x32xf32, #tpu.memory_space<vmem>> -> memref<128x32xf32, #tpu.memory_space<vmem>>
        %dma_wait3A_544 = arith.constant 0 : i32
        %dma_wait3A_545 = arith.constant 0 : i32
        %dma_wait3A_546 = tpu.memref_slice %arg5[%dma_wait3A_544, %dma_wait3A_545] : memref<10240x32xf32, #tpu.memory_space<hbm>> -> memref<128x32xf32, #tpu.memory_space<hbm>>
        tpu.wait_dma2 semaphore(%arg18 : memref<!tpu.dma_semaphore, #tpu.memory_space<semaphore_mem>>) src(%dma_wait3A_546 : memref<128x32xf32, #tpu.memory_space<hbm>>) dst(%dma_wait3A_543 : memref<128x32xf32, #tpu.memory_space<vmem>>)
        %dma_wait3A_547 = arith.constant 1 : i32
        %dma_wait3A_548 = arith.constant 0 : i32
        %dma_wait3A_549 = arith.constant 0 : i32
        %dma_wait3A_550 = tpu.memref_slice %arg12[%dma_wait3A_547, %dma_wait3A_548, %dma_wait3A_549] : memref<8x128x32xf32, #tpu.memory_space<vmem>> -> memref<1x128x32xf32, #tpu.memory_space<vmem>>
        %dma_wait3A_551 = tpu.memref_squeeze %dma_wait3A_550 : memref<1x128x32xf32, #tpu.memory_space<vmem>> -> memref<128x32xf32, #tpu.memory_space<vmem>>
        %dma_wait3A_552 = arith.constant 0 : i32
        %dma_wait3A_553 = arith.constant 0 : i32
        %dma_wait3A_554 = tpu.memref_slice %arg5[%dma_wait3A_552, %dma_wait3A_553] : memref<10240x32xf32, #tpu.memory_space<hbm>> -> memref<128x32xf32, #tpu.memory_space<hbm>>
        %dma_wait3A_555 = arith.constant 0 : i32
        %dma_wait3A_556 = arith.constant 0 : i32
        %dma_wait3A_557 = tpu.memref_slice %arg12[%dma_wait3A_547, %dma_wait3A_555, %dma_wait3A_556] : memref<8x128x32xf32, #tpu.memory_space<vmem>> -> memref<1x128x32xf32, #tpu.memory_space<vmem>>
        %dma_wait3A_558 = tpu.memref_squeeze %dma_wait3A_557 : memref<1x128x32xf32, #tpu.memory_space<vmem>> -> memref<128x32xf32, #tpu.memory_space<vmem>>
        %dma_wait3A_559 = arith.constant 0 : i32
        %dma_wait3A_560 = arith.constant 0 : i32
        %dma_wait3A_561 = tpu.memref_slice %arg5[%dma_wait3A_559, %dma_wait3A_560] : memref<10240x32xf32, #tpu.memory_space<hbm>> -> memref<128x32xf32, #tpu.memory_space<hbm>>
        tpu.wait_dma2 semaphore(%arg18 : memref<!tpu.dma_semaphore, #tpu.memory_space<semaphore_mem>>) src(%dma_wait3A_561 : memref<128x32xf32, #tpu.memory_space<hbm>>) dst(%dma_wait3A_558 : memref<128x32xf32, #tpu.memory_space<vmem>>)
        %dma_wait3A_562 = arith.constant 2 : i32
        %dma_wait3A_563 = arith.constant 0 : i32
        %dma_wait3A_564 = arith.constant 0 : i32
        %dma_wait3A_565 = tpu.memref_slice %arg12[%dma_wait3A_562, %dma_wait3A_563, %dma_wait3A_564] : memref<8x128x32xf32, #tpu.memory_space<vmem>> -> memref<1x128x32xf32, #tpu.memory_space<vmem>>
        %dma_wait3A_566 = tpu.memref_squeeze %dma_wait3A_565 : memref<1x128x32xf32, #tpu.memory_space<vmem>> -> memref<128x32xf32, #tpu.memory_space<vmem>>
        %dma_wait3A_567 = arith.constant 0 : i32
        %dma_wait3A_568 = arith.constant 0 : i32
        %dma_wait3A_569 = tpu.memref_slice %arg5[%dma_wait3A_567, %dma_wait3A_568] : memref<10240x32xf32, #tpu.memory_space<hbm>> -> memref<128x32xf32, #tpu.memory_space<hbm>>
        %dma_wait3A_570 = arith.constant 0 : i32
        %dma_wait3A_571 = arith.constant 0 : i32
        %dma_wait3A_572 = tpu.memref_slice %arg12[%dma_wait3A_562, %dma_wait3A_570, %dma_wait3A_571] : memref<8x128x32xf32, #tpu.memory_space<vmem>> -> memref<1x128x32xf32, #tpu.memory_space<vmem>>
        %dma_wait3A_573 = tpu.memref_squeeze %dma_wait3A_572 : memref<1x128x32xf32, #tpu.memory_space<vmem>> -> memref<128x32xf32, #tpu.memory_space<vmem>>
        %dma_wait3A_574 = arith.constant 0 : i32
        %dma_wait3A_575 = arith.constant 0 : i32
        %dma_wait3A_576 = tpu.memref_slice %arg5[%dma_wait3A_574, %dma_wait3A_575] : memref<10240x32xf32, #tpu.memory_space<hbm>> -> memref<128x32xf32, #tpu.memory_space<hbm>>
        tpu.wait_dma2 semaphore(%arg18 : memref<!tpu.dma_semaphore, #tpu.memory_space<semaphore_mem>>) src(%dma_wait3A_576 : memref<128x32xf32, #tpu.memory_space<hbm>>) dst(%dma_wait3A_573 : memref<128x32xf32, #tpu.memory_space<vmem>>)
        %dma_wait3A_577 = arith.constant 3 : i32
        %dma_wait3A_578 = arith.constant 0 : i32
        %dma_wait3A_579 = arith.constant 0 : i32
        %dma_wait3A_580 = tpu.memref_slice %arg12[%dma_wait3A_577, %dma_wait3A_578, %dma_wait3A_579] : memref<8x128x32xf32, #tpu.memory_space<vmem>> -> memref<1x128x32xf32, #tpu.memory_space<vmem>>
        %dma_wait3A_581 = tpu.memref_squeeze %dma_wait3A_580 : memref<1x128x32xf32, #tpu.memory_space<vmem>> -> memref<128x32xf32, #tpu.memory_space<vmem>>
        %dma_wait3A_582 = arith.constant 0 : i32
        %dma_wait3A_583 = arith.constant 0 : i32
        %dma_wait3A_584 = tpu.memref_slice %arg5[%dma_wait3A_582, %dma_wait3A_583] : memref<10240x32xf32, #tpu.memory_space<hbm>> -> memref<128x32xf32, #tpu.memory_space<hbm>>
        %dma_wait3A_585 = arith.constant 0 : i32
        %dma_wait3A_586 = arith.constant 0 : i32
        %dma_wait3A_587 = tpu.memref_slice %arg12[%dma_wait3A_577, %dma_wait3A_585, %dma_wait3A_586] : memref<8x128x32xf32, #tpu.memory_space<vmem>> -> memref<1x128x32xf32, #tpu.memory_space<vmem>>
        %dma_wait3A_588 = tpu.memref_squeeze %dma_wait3A_587 : memref<1x128x32xf32, #tpu.memory_space<vmem>> -> memref<128x32xf32, #tpu.memory_space<vmem>>
        %dma_wait3A_589 = arith.constant 0 : i32
        %dma_wait3A_590 = arith.constant 0 : i32
        %dma_wait3A_591 = tpu.memref_slice %arg5[%dma_wait3A_589, %dma_wait3A_590] : memref<10240x32xf32, #tpu.memory_space<hbm>> -> memref<128x32xf32, #tpu.memory_space<hbm>>
        tpu.wait_dma2 semaphore(%arg18 : memref<!tpu.dma_semaphore, #tpu.memory_space<semaphore_mem>>) src(%dma_wait3A_591 : memref<128x32xf32, #tpu.memory_space<hbm>>) dst(%dma_wait3A_588 : memref<128x32xf32, #tpu.memory_space<vmem>>)
        %mul3A_592 = arith.constant 4 : i32
        %mul3A_593 = arith.muli %mul3A_469, %mul3A_592 : i32
        %add3A_594 = arith.constant 0 : i32
        %add3A_595 = arith.addi %mul3A_593, %add3A_594 : i32
        %dma_start3A_596 = arith.constant 0 : i32
        %dma_start3A_597 = arith.constant 0 : i32
        %dma_start3A_598 = arith.constant 0 : i32
        %dma_start3A_599 = tpu.memref_slice %arg12[%dma_start3A_596, %dma_start3A_597, %dma_start3A_598] : memref<8x128x32xf32, #tpu.memory_space<vmem>> -> memref<1x128x32xf32, #tpu.memory_space<vmem>>
        %dma_start3A_600 = tpu.memref_squeeze %dma_start3A_599 : memref<1x128x32xf32, #tpu.memory_space<vmem>> -> memref<128x32xf32, #tpu.memory_space<vmem>>
        %dma_start3A_601 = arith.constant 0 : i32
        %dma_start3A_602 = tpu.memref_slice %arg11[%add3A_595, %dma_start3A_601] : memref<164x128xi32, #tpu.memory_space<vmem>> -> memref<1x128xi32, #tpu.memory_space<vmem>>
        %dma_start3A_603 = tpu.memref_squeeze %dma_start3A_602 : memref<1x128xi32, #tpu.memory_space<vmem>> -> memref<128xi32, #tpu.memory_space<vmem>>
        %dma_start3A_604 = arith.constant 0 : i32
        %dma_start3A_605 = arith.constant 0 : i32
        %dma_start3A_606 = tpu.memref_slice %arg16[%dma_start3A_604, %dma_start3A_605] : memref<10240x32xf32, #tpu.memory_space<vmem_shared>> -> memref<10240x32xf32, #tpu.memory_space<vmem_shared>>
        tpu.enqueue_indirect_dma source(%dma_start3A_600 : memref<128x32xf32, #tpu.memory_space<vmem>>) target(%dma_start3A_606 : memref<10240x32xf32, #tpu.memory_space<vmem_shared>>) offsets(%dma_start3A_603 : memref<128xi32, #tpu.memory_space<vmem>>) semaphore(%arg20 : memref<!tpu.dma_semaphore, #tpu.memory_space<semaphore_mem>>) {add = true}
        %mul3A_607 = arith.constant 4 : i32
        %mul3A_608 = arith.muli %mul3A_469, %mul3A_607 : i32
        %add3A_609 = arith.constant 1 : i32
        %add3A_610 = arith.addi %mul3A_608, %add3A_609 : i32
        %dma_start3A_611 = arith.constant 1 : i32
        %dma_start3A_612 = arith.constant 0 : i32
        %dma_start3A_613 = arith.constant 0 : i32
        %dma_start3A_614 = tpu.memref_slice %arg12[%dma_start3A_611, %dma_start3A_612, %dma_start3A_613] : memref<8x128x32xf32, #tpu.memory_space<vmem>> -> memref<1x128x32xf32, #tpu.memory_space<vmem>>
        %dma_start3A_615 = tpu.memref_squeeze %dma_start3A_614 : memref<1x128x32xf32, #tpu.memory_space<vmem>> -> memref<128x32xf32, #tpu.memory_space<vmem>>
        %dma_start3A_616 = arith.constant 0 : i32
        %dma_start3A_617 = tpu.memref_slice %arg11[%add3A_610, %dma_start3A_616] : memref<164x128xi32, #tpu.memory_space<vmem>> -> memref<1x128xi32, #tpu.memory_space<vmem>>
        %dma_start3A_618 = tpu.memref_squeeze %dma_start3A_617 : memref<1x128xi32, #tpu.memory_space<vmem>> -> memref<128xi32, #tpu.memory_space<vmem>>
        %dma_start3A_619 = arith.constant 0 : i32
        %dma_start3A_620 = arith.constant 0 : i32
        %dma_start3A_621 = tpu.memref_slice %arg16[%dma_start3A_619, %dma_start3A_620] : memref<10240x32xf32, #tpu.memory_space<vmem_shared>> -> memref<10240x32xf32, #tpu.memory_space<vmem_shared>>
        tpu.enqueue_indirect_dma source(%dma_start3A_615 : memref<128x32xf32, #tpu.memory_space<vmem>>) target(%dma_start3A_621 : memref<10240x32xf32, #tpu.memory_space<vmem_shared>>) offsets(%dma_start3A_618 : memref<128xi32, #tpu.memory_space<vmem>>) semaphore(%arg20 : memref<!tpu.dma_semaphore, #tpu.memory_space<semaphore_mem>>) {add = true}
        %mul3A_622 = arith.constant 4 : i32
        %mul3A_623 = arith.muli %mul3A_469, %mul3A_622 : i32
        %add3A_624 = arith.constant 2 : i32
        %add3A_625 = arith.addi %mul3A_623, %add3A_624 : i32
        %dma_start3A_626 = arith.constant 2 : i32
        %dma_start3A_627 = arith.constant 0 : i32
        %dma_start3A_628 = arith.constant 0 : i32
        %dma_start3A_629 = tpu.memref_slice %arg12[%dma_start3A_626, %dma_start3A_627, %dma_start3A_628] : memref<8x128x32xf32, #tpu.memory_space<vmem>> -> memref<1x128x32xf32, #tpu.memory_space<vmem>>
        %dma_start3A_630 = tpu.memref_squeeze %dma_start3A_629 : memref<1x128x32xf32, #tpu.memory_space<vmem>> -> memref<128x32xf32, #tpu.memory_space<vmem>>
        %dma_start3A_631 = arith.constant 0 : i32
        %dma_start3A_632 = tpu.memref_slice %arg11[%add3A_625, %dma_start3A_631] : memref<164x128xi32, #tpu.memory_space<vmem>> -> memref<1x128xi32, #tpu.memory_space<vmem>>
        %dma_start3A_633 = tpu.memref_squeeze %dma_start3A_632 : memref<1x128xi32, #tpu.memory_space<vmem>> -> memref<128xi32, #tpu.memory_space<vmem>>
        %dma_start3A_634 = arith.constant 0 : i32
        %dma_start3A_635 = arith.constant 0 : i32
        %dma_start3A_636 = tpu.memref_slice %arg16[%dma_start3A_634, %dma_start3A_635] : memref<10240x32xf32, #tpu.memory_space<vmem_shared>> -> memref<10240x32xf32, #tpu.memory_space<vmem_shared>>
        tpu.enqueue_indirect_dma source(%dma_start3A_630 : memref<128x32xf32, #tpu.memory_space<vmem>>) target(%dma_start3A_636 : memref<10240x32xf32, #tpu.memory_space<vmem_shared>>) offsets(%dma_start3A_633 : memref<128xi32, #tpu.memory_space<vmem>>) semaphore(%arg20 : memref<!tpu.dma_semaphore, #tpu.memory_space<semaphore_mem>>) {add = true}
        %mul3A_637 = arith.constant 4 : i32
        %mul3A_638 = arith.muli %mul3A_469, %mul3A_637 : i32
        %add3A_639 = arith.constant 3 : i32
        %add3A_640 = arith.addi %mul3A_638, %add3A_639 : i32
        %dma_start3A_641 = arith.constant 3 : i32
        %dma_start3A_642 = arith.constant 0 : i32
        %dma_start3A_643 = arith.constant 0 : i32
        %dma_start3A_644 = tpu.memref_slice %arg12[%dma_start3A_641, %dma_start3A_642, %dma_start3A_643] : memref<8x128x32xf32, #tpu.memory_space<vmem>> -> memref<1x128x32xf32, #tpu.memory_space<vmem>>
        %dma_start3A_645 = tpu.memref_squeeze %dma_start3A_644 : memref<1x128x32xf32, #tpu.memory_space<vmem>> -> memref<128x32xf32, #tpu.memory_space<vmem>>
        %dma_start3A_646 = arith.constant 0 : i32
        %dma_start3A_647 = tpu.memref_slice %arg11[%add3A_640, %dma_start3A_646] : memref<164x128xi32, #tpu.memory_space<vmem>> -> memref<1x128xi32, #tpu.memory_space<vmem>>
        %dma_start3A_648 = tpu.memref_squeeze %dma_start3A_647 : memref<1x128xi32, #tpu.memory_space<vmem>> -> memref<128xi32, #tpu.memory_space<vmem>>
        %dma_start3A_649 = arith.constant 0 : i32
        %dma_start3A_650 = arith.constant 0 : i32
        %dma_start3A_651 = tpu.memref_slice %arg16[%dma_start3A_649, %dma_start3A_650] : memref<10240x32xf32, #tpu.memory_space<vmem_shared>> -> memref<10240x32xf32, #tpu.memory_space<vmem_shared>>
        tpu.enqueue_indirect_dma source(%dma_start3A_645 : memref<128x32xf32, #tpu.memory_space<vmem>>) target(%dma_start3A_651 : memref<10240x32xf32, #tpu.memory_space<vmem_shared>>) offsets(%dma_start3A_648 : memref<128xi32, #tpu.memory_space<vmem>>) semaphore(%arg20 : memref<!tpu.dma_semaphore, #tpu.memory_space<semaphore_mem>>) {add = true}
        %dma_wait3A_652 = arith.constant 0 : i32
        %dma_wait3A_653 = arith.constant 0 : i32
        %dma_wait3A_654 = arith.constant 0 : i32
        %dma_wait3A_655 = tpu.memref_slice %arg12[%dma_wait3A_652, %dma_wait3A_653, %dma_wait3A_654] : memref<8x128x32xf32, #tpu.memory_space<vmem>> -> memref<1x128x32xf32, #tpu.memory_space<vmem>>
        %dma_wait3A_656 = tpu.memref_squeeze %dma_wait3A_655 : memref<1x128x32xf32, #tpu.memory_space<vmem>> -> memref<128x32xf32, #tpu.memory_space<vmem>>
        %dma_wait3A_657 = arith.constant 0 : i32
        %dma_wait3A_658 = tpu.memref_slice %arg11[%add3A_595, %dma_wait3A_657] : memref<164x128xi32, #tpu.memory_space<vmem>> -> memref<1x128xi32, #tpu.memory_space<vmem>>
        %dma_wait3A_659 = tpu.memref_squeeze %dma_wait3A_658 : memref<1x128xi32, #tpu.memory_space<vmem>> -> memref<128xi32, #tpu.memory_space<vmem>>
        %dma_wait3A_660 = arith.constant 0 : i32
        %dma_wait3A_661 = arith.constant 0 : i32
        %dma_wait3A_662 = tpu.memref_slice %arg16[%dma_wait3A_660, %dma_wait3A_661] : memref<10240x32xf32, #tpu.memory_space<vmem_shared>> -> memref<10240x32xf32, #tpu.memory_space<vmem_shared>>
        tpu.wait_indirect_dma semaphore(%arg20 : memref<!tpu.dma_semaphore, #tpu.memory_space<semaphore_mem>>) src(%dma_wait3A_656 : memref<128x32xf32, #tpu.memory_space<vmem>>) dst(%dma_wait3A_662 : memref<10240x32xf32, #tpu.memory_space<vmem_shared>>)
        %dma_wait3A_663 = arith.constant 1 : i32
        %dma_wait3A_664 = arith.constant 0 : i32
        %dma_wait3A_665 = arith.constant 0 : i32
        %dma_wait3A_666 = tpu.memref_slice %arg12[%dma_wait3A_663, %dma_wait3A_664, %dma_wait3A_665] : memref<8x128x32xf32, #tpu.memory_space<vmem>> -> memref<1x128x32xf32, #tpu.memory_space<vmem>>
        %dma_wait3A_667 = tpu.memref_squeeze %dma_wait3A_666 : memref<1x128x32xf32, #tpu.memory_space<vmem>> -> memref<128x32xf32, #tpu.memory_space<vmem>>
        %dma_wait3A_668 = arith.constant 0 : i32
        %dma_wait3A_669 = tpu.memref_slice %arg11[%add3A_610, %dma_wait3A_668] : memref<164x128xi32, #tpu.memory_space<vmem>> -> memref<1x128xi32, #tpu.memory_space<vmem>>
        %dma_wait3A_670 = tpu.memref_squeeze %dma_wait3A_669 : memref<1x128xi32, #tpu.memory_space<vmem>> -> memref<128xi32, #tpu.memory_space<vmem>>
        %dma_wait3A_671 = arith.constant 0 : i32
        %dma_wait3A_672 = arith.constant 0 : i32
        %dma_wait3A_673 = tpu.memref_slice %arg16[%dma_wait3A_671, %dma_wait3A_672] : memref<10240x32xf32, #tpu.memory_space<vmem_shared>> -> memref<10240x32xf32, #tpu.memory_space<vmem_shared>>
        tpu.wait_indirect_dma semaphore(%arg20 : memref<!tpu.dma_semaphore, #tpu.memory_space<semaphore_mem>>) src(%dma_wait3A_667 : memref<128x32xf32, #tpu.memory_space<vmem>>) dst(%dma_wait3A_673 : memref<10240x32xf32, #tpu.memory_space<vmem_shared>>)
        %dma_wait3A_674 = arith.constant 2 : i32
        %dma_wait3A_675 = arith.constant 0 : i32
        %dma_wait3A_676 = arith.constant 0 : i32
        %dma_wait3A_677 = tpu.memref_slice %arg12[%dma_wait3A_674, %dma_wait3A_675, %dma_wait3A_676] : memref<8x128x32xf32, #tpu.memory_space<vmem>> -> memref<1x128x32xf32, #tpu.memory_space<vmem>>
        %dma_wait3A_678 = tpu.memref_squeeze %dma_wait3A_677 : memref<1x128x32xf32, #tpu.memory_space<vmem>> -> memref<128x32xf32, #tpu.memory_space<vmem>>
        %dma_wait3A_679 = arith.constant 0 : i32
        %dma_wait3A_680 = tpu.memref_slice %arg11[%add3A_625, %dma_wait3A_679] : memref<164x128xi32, #tpu.memory_space<vmem>> -> memref<1x128xi32, #tpu.memory_space<vmem>>
        %dma_wait3A_681 = tpu.memref_squeeze %dma_wait3A_680 : memref<1x128xi32, #tpu.memory_space<vmem>> -> memref<128xi32, #tpu.memory_space<vmem>>
        %dma_wait3A_682 = arith.constant 0 : i32
        %dma_wait3A_683 = arith.constant 0 : i32
        %dma_wait3A_684 = tpu.memref_slice %arg16[%dma_wait3A_682, %dma_wait3A_683] : memref<10240x32xf32, #tpu.memory_space<vmem_shared>> -> memref<10240x32xf32, #tpu.memory_space<vmem_shared>>
        tpu.wait_indirect_dma semaphore(%arg20 : memref<!tpu.dma_semaphore, #tpu.memory_space<semaphore_mem>>) src(%dma_wait3A_678 : memref<128x32xf32, #tpu.memory_space<vmem>>) dst(%dma_wait3A_684 : memref<10240x32xf32, #tpu.memory_space<vmem_shared>>)
        %dma_wait3A_685 = arith.constant 3 : i32
        %dma_wait3A_686 = arith.constant 0 : i32
        %dma_wait3A_687 = arith.constant 0 : i32
        %dma_wait3A_688 = tpu.memref_slice %arg12[%dma_wait3A_685, %dma_wait3A_686, %dma_wait3A_687] : memref<8x128x32xf32, #tpu.memory_space<vmem>> -> memref<1x128x32xf32, #tpu.memory_space<vmem>>
        %dma_wait3A_689 = tpu.memref_squeeze %dma_wait3A_688 : memref<1x128x32xf32, #tpu.memory_space<vmem>> -> memref<128x32xf32, #tpu.memory_space<vmem>>
        %dma_wait3A_690 = arith.constant 0 : i32
        %dma_wait3A_691 = tpu.memref_slice %arg11[%add3A_640, %dma_wait3A_690] : memref<164x128xi32, #tpu.memory_space<vmem>> -> memref<1x128xi32, #tpu.memory_space<vmem>>
        %dma_wait3A_692 = tpu.memref_squeeze %dma_wait3A_691 : memref<1x128xi32, #tpu.memory_space<vmem>> -> memref<128xi32, #tpu.memory_space<vmem>>
        %dma_wait3A_693 = arith.constant 0 : i32
        %dma_wait3A_694 = arith.constant 0 : i32
        %dma_wait3A_695 = tpu.memref_slice %arg16[%dma_wait3A_693, %dma_wait3A_694] : memref<10240x32xf32, #tpu.memory_space<vmem_shared>> -> memref<10240x32xf32, #tpu.memory_space<vmem_shared>>
        tpu.wait_indirect_dma semaphore(%arg20 : memref<!tpu.dma_semaphore, #tpu.memory_space<semaphore_mem>>) src(%dma_wait3A_689 : memref<128x32xf32, #tpu.memory_space<vmem>>) dst(%dma_wait3A_695 : memref<10240x32xf32, #tpu.memory_space<vmem_shared>>)
        %add3A_696 = arith.constant 2 : i32
        %add3A_697 = arith.addi %mul3A_469, %add3A_696 : i32
        %mul3A_698 = arith.constant 4 : i32
        %mul3A_699 = arith.muli %add3A_697, %mul3A_698 : i32
        %add3A_700 = arith.constant 0 : i32
        %add3A_701 = arith.addi %mul3A_699, %add3A_700 : i32
        %dma_start3A_702 = arith.constant 0 : i32
        %dma_start3A_703 = arith.constant 0 : i32
        %dma_start3A_704 = arith.constant 0 : i32
        %dma_start3A_705 = tpu.memref_slice %arg12[%dma_start3A_702, %dma_start3A_703, %dma_start3A_704] : memref<8x128x32xf32, #tpu.memory_space<vmem>> -> memref<1x128x32xf32, #tpu.memory_space<vmem>>
        %dma_start3A_706 = tpu.memref_squeeze %dma_start3A_705 : memref<1x128x32xf32, #tpu.memory_space<vmem>> -> memref<128x32xf32, #tpu.memory_space<vmem>>
        %dma_start3A_707 = arith.constant 0 : i32
        %dma_start3A_708 = tpu.memref_slice %arg10[%add3A_701, %dma_start3A_707] : memref<164x128xi32, #tpu.memory_space<vmem>> -> memref<1x128xi32, #tpu.memory_space<vmem>>
        %dma_start3A_709 = tpu.memref_squeeze %dma_start3A_708 : memref<1x128xi32, #tpu.memory_space<vmem>> -> memref<128xi32, #tpu.memory_space<vmem>>
        %dma_start3A_710 = arith.constant 0 : i32
        %dma_start3A_711 = arith.constant 0 : i32
        %dma_start3A_712 = tpu.memref_slice %arg17[%dma_start3A_710, %dma_start3A_711] : memref<10240x32xf32, #tpu.memory_space<vmem_shared>> -> memref<10240x32xf32, #tpu.memory_space<vmem_shared>>
        tpu.enqueue_indirect_dma source(%dma_start3A_712 : memref<10240x32xf32, #tpu.memory_space<vmem_shared>>) target(%dma_start3A_706 : memref<128x32xf32, #tpu.memory_space<vmem>>) offsets(%dma_start3A_709 : memref<128xi32, #tpu.memory_space<vmem>>) semaphore(%arg18 : memref<!tpu.dma_semaphore, #tpu.memory_space<semaphore_mem>>)
        %mul3A_713 = arith.constant 4 : i32
        %mul3A_714 = arith.muli %add3A_697, %mul3A_713 : i32
        %add3A_715 = arith.constant 1 : i32
        %add3A_716 = arith.addi %mul3A_714, %add3A_715 : i32
        %dma_start3A_717 = arith.constant 1 : i32
        %dma_start3A_718 = arith.constant 0 : i32
        %dma_start3A_719 = arith.constant 0 : i32
        %dma_start3A_720 = tpu.memref_slice %arg12[%dma_start3A_717, %dma_start3A_718, %dma_start3A_719] : memref<8x128x32xf32, #tpu.memory_space<vmem>> -> memref<1x128x32xf32, #tpu.memory_space<vmem>>
        %dma_start3A_721 = tpu.memref_squeeze %dma_start3A_720 : memref<1x128x32xf32, #tpu.memory_space<vmem>> -> memref<128x32xf32, #tpu.memory_space<vmem>>
        %dma_start3A_722 = arith.constant 0 : i32
        %dma_start3A_723 = tpu.memref_slice %arg10[%add3A_716, %dma_start3A_722] : memref<164x128xi32, #tpu.memory_space<vmem>> -> memref<1x128xi32, #tpu.memory_space<vmem>>
        %dma_start3A_724 = tpu.memref_squeeze %dma_start3A_723 : memref<1x128xi32, #tpu.memory_space<vmem>> -> memref<128xi32, #tpu.memory_space<vmem>>
        %dma_start3A_725 = arith.constant 0 : i32
        %dma_start3A_726 = arith.constant 0 : i32
        %dma_start3A_727 = tpu.memref_slice %arg17[%dma_start3A_725, %dma_start3A_726] : memref<10240x32xf32, #tpu.memory_space<vmem_shared>> -> memref<10240x32xf32, #tpu.memory_space<vmem_shared>>
        tpu.enqueue_indirect_dma source(%dma_start3A_727 : memref<10240x32xf32, #tpu.memory_space<vmem_shared>>) target(%dma_start3A_721 : memref<128x32xf32, #tpu.memory_space<vmem>>) offsets(%dma_start3A_724 : memref<128xi32, #tpu.memory_space<vmem>>) semaphore(%arg18 : memref<!tpu.dma_semaphore, #tpu.memory_space<semaphore_mem>>)
        %mul3A_728 = arith.constant 4 : i32
        %mul3A_729 = arith.muli %add3A_697, %mul3A_728 : i32
        %add3A_730 = arith.constant 2 : i32
        %add3A_731 = arith.addi %mul3A_729, %add3A_730 : i32
        %dma_start3A_732 = arith.constant 2 : i32
        %dma_start3A_733 = arith.constant 0 : i32
        %dma_start3A_734 = arith.constant 0 : i32
        %dma_start3A_735 = tpu.memref_slice %arg12[%dma_start3A_732, %dma_start3A_733, %dma_start3A_734] : memref<8x128x32xf32, #tpu.memory_space<vmem>> -> memref<1x128x32xf32, #tpu.memory_space<vmem>>
        %dma_start3A_736 = tpu.memref_squeeze %dma_start3A_735 : memref<1x128x32xf32, #tpu.memory_space<vmem>> -> memref<128x32xf32, #tpu.memory_space<vmem>>
        %dma_start3A_737 = arith.constant 0 : i32
        %dma_start3A_738 = tpu.memref_slice %arg10[%add3A_731, %dma_start3A_737] : memref<164x128xi32, #tpu.memory_space<vmem>> -> memref<1x128xi32, #tpu.memory_space<vmem>>
        %dma_start3A_739 = tpu.memref_squeeze %dma_start3A_738 : memref<1x128xi32, #tpu.memory_space<vmem>> -> memref<128xi32, #tpu.memory_space<vmem>>
        %dma_start3A_740 = arith.constant 0 : i32
        %dma_start3A_741 = arith.constant 0 : i32
        %dma_start3A_742 = tpu.memref_slice %arg17[%dma_start3A_740, %dma_start3A_741] : memref<10240x32xf32, #tpu.memory_space<vmem_shared>> -> memref<10240x32xf32, #tpu.memory_space<vmem_shared>>
        tpu.enqueue_indirect_dma source(%dma_start3A_742 : memref<10240x32xf32, #tpu.memory_space<vmem_shared>>) target(%dma_start3A_736 : memref<128x32xf32, #tpu.memory_space<vmem>>) offsets(%dma_start3A_739 : memref<128xi32, #tpu.memory_space<vmem>>) semaphore(%arg18 : memref<!tpu.dma_semaphore, #tpu.memory_space<semaphore_mem>>)
        %mul3A_743 = arith.constant 4 : i32
        %mul3A_744 = arith.muli %add3A_697, %mul3A_743 : i32
        %add3A_745 = arith.constant 3 : i32
        %add3A_746 = arith.addi %mul3A_744, %add3A_745 : i32
        %dma_start3A_747 = arith.constant 3 : i32
        %dma_start3A_748 = arith.constant 0 : i32
        %dma_start3A_749 = arith.constant 0 : i32
        %dma_start3A_750 = tpu.memref_slice %arg12[%dma_start3A_747, %dma_start3A_748, %dma_start3A_749] : memref<8x128x32xf32, #tpu.memory_space<vmem>> -> memref<1x128x32xf32, #tpu.memory_space<vmem>>
        %dma_start3A_751 = tpu.memref_squeeze %dma_start3A_750 : memref<1x128x32xf32, #tpu.memory_space<vmem>> -> memref<128x32xf32, #tpu.memory_space<vmem>>
        %dma_start3A_752 = arith.constant 0 : i32
        %dma_start3A_753 = tpu.memref_slice %arg10[%add3A_746, %dma_start3A_752] : memref<164x128xi32, #tpu.memory_space<vmem>> -> memref<1x128xi32, #tpu.memory_space<vmem>>
        %dma_start3A_754 = tpu.memref_squeeze %dma_start3A_753 : memref<1x128xi32, #tpu.memory_space<vmem>> -> memref<128xi32, #tpu.memory_space<vmem>>
        %dma_start3A_755 = arith.constant 0 : i32
        %dma_start3A_756 = arith.constant 0 : i32
        %dma_start3A_757 = tpu.memref_slice %arg17[%dma_start3A_755, %dma_start3A_756] : memref<10240x32xf32, #tpu.memory_space<vmem_shared>> -> memref<10240x32xf32, #tpu.memory_space<vmem_shared>>
        tpu.enqueue_indirect_dma source(%dma_start3A_757 : memref<10240x32xf32, #tpu.memory_space<vmem_shared>>) target(%dma_start3A_751 : memref<128x32xf32, #tpu.memory_space<vmem>>) offsets(%dma_start3A_754 : memref<128xi32, #tpu.memory_space<vmem>>) semaphore(%arg18 : memref<!tpu.dma_semaphore, #tpu.memory_space<semaphore_mem>>)
        %dma_wait3A_758 = arith.constant 4 : i32
        %dma_wait3A_759 = arith.constant 0 : i32
        %dma_wait3A_760 = arith.constant 0 : i32
        %dma_wait3A_761 = tpu.memref_slice %arg12[%dma_wait3A_758, %dma_wait3A_759, %dma_wait3A_760] : memref<8x128x32xf32, #tpu.memory_space<vmem>> -> memref<1x128x32xf32, #tpu.memory_space<vmem>>
        %dma_wait3A_762 = tpu.memref_squeeze %dma_wait3A_761 : memref<1x128x32xf32, #tpu.memory_space<vmem>> -> memref<128x32xf32, #tpu.memory_space<vmem>>
        %dma_wait3A_763 = arith.constant 0 : i32
        %dma_wait3A_764 = arith.constant 0 : i32
        %dma_wait3A_765 = tpu.memref_slice %arg5[%dma_wait3A_763, %dma_wait3A_764] : memref<10240x32xf32, #tpu.memory_space<hbm>> -> memref<128x32xf32, #tpu.memory_space<hbm>>
        %dma_wait3A_766 = arith.constant 0 : i32
        %dma_wait3A_767 = arith.constant 0 : i32
        %dma_wait3A_768 = tpu.memref_slice %arg12[%dma_wait3A_758, %dma_wait3A_766, %dma_wait3A_767] : memref<8x128x32xf32, #tpu.memory_space<vmem>> -> memref<1x128x32xf32, #tpu.memory_space<vmem>>
        %dma_wait3A_769 = tpu.memref_squeeze %dma_wait3A_768 : memref<1x128x32xf32, #tpu.memory_space<vmem>> -> memref<128x32xf32, #tpu.memory_space<vmem>>
        %dma_wait3A_770 = arith.constant 0 : i32
        %dma_wait3A_771 = arith.constant 0 : i32
        %dma_wait3A_772 = tpu.memref_slice %arg5[%dma_wait3A_770, %dma_wait3A_771] : memref<10240x32xf32, #tpu.memory_space<hbm>> -> memref<128x32xf32, #tpu.memory_space<hbm>>
        tpu.wait_dma2 semaphore(%arg19 : memref<!tpu.dma_semaphore, #tpu.memory_space<semaphore_mem>>) src(%dma_wait3A_772 : memref<128x32xf32, #tpu.memory_space<hbm>>) dst(%dma_wait3A_769 : memref<128x32xf32, #tpu.memory_space<vmem>>)
        %dma_wait3A_773 = arith.constant 5 : i32
        %dma_wait3A_774 = arith.constant 0 : i32
        %dma_wait3A_775 = arith.constant 0 : i32
        %dma_wait3A_776 = tpu.memref_slice %arg12[%dma_wait3A_773, %dma_wait3A_774, %dma_wait3A_775] : memref<8x128x32xf32, #tpu.memory_space<vmem>> -> memref<1x128x32xf32, #tpu.memory_space<vmem>>
        %dma_wait3A_777 = tpu.memref_squeeze %dma_wait3A_776 : memref<1x128x32xf32, #tpu.memory_space<vmem>> -> memref<128x32xf32, #tpu.memory_space<vmem>>
        %dma_wait3A_778 = arith.constant 0 : i32
        %dma_wait3A_779 = arith.constant 0 : i32
        %dma_wait3A_780 = tpu.memref_slice %arg5[%dma_wait3A_778, %dma_wait3A_779] : memref<10240x32xf32, #tpu.memory_space<hbm>> -> memref<128x32xf32, #tpu.memory_space<hbm>>
        %dma_wait3A_781 = arith.constant 0 : i32
        %dma_wait3A_782 = arith.constant 0 : i32
        %dma_wait3A_783 = tpu.memref_slice %arg12[%dma_wait3A_773, %dma_wait3A_781, %dma_wait3A_782] : memref<8x128x32xf32, #tpu.memory_space<vmem>> -> memref<1x128x32xf32, #tpu.memory_space<vmem>>
        %dma_wait3A_784 = tpu.memref_squeeze %dma_wait3A_783 : memref<1x128x32xf32, #tpu.memory_space<vmem>> -> memref<128x32xf32, #tpu.memory_space<vmem>>
        %dma_wait3A_785 = arith.constant 0 : i32
        %dma_wait3A_786 = arith.constant 0 : i32
        %dma_wait3A_787 = tpu.memref_slice %arg5[%dma_wait3A_785, %dma_wait3A_786] : memref<10240x32xf32, #tpu.memory_space<hbm>> -> memref<128x32xf32, #tpu.memory_space<hbm>>
        tpu.wait_dma2 semaphore(%arg19 : memref<!tpu.dma_semaphore, #tpu.memory_space<semaphore_mem>>) src(%dma_wait3A_787 : memref<128x32xf32, #tpu.memory_space<hbm>>) dst(%dma_wait3A_784 : memref<128x32xf32, #tpu.memory_space<vmem>>)
        %dma_wait3A_788 = arith.constant 6 : i32
        %dma_wait3A_789 = arith.constant 0 : i32
        %dma_wait3A_790 = arith.constant 0 : i32
        %dma_wait3A_791 = tpu.memref_slice %arg12[%dma_wait3A_788, %dma_wait3A_789, %dma_wait3A_790] : memref<8x128x32xf32, #tpu.memory_space<vmem>> -> memref<1x128x32xf32, #tpu.memory_space<vmem>>
        %dma_wait3A_792 = tpu.memref_squeeze %dma_wait3A_791 : memref<1x128x32xf32, #tpu.memory_space<vmem>> -> memref<128x32xf32, #tpu.memory_space<vmem>>
        %dma_wait3A_793 = arith.constant 0 : i32
        %dma_wait3A_794 = arith.constant 0 : i32
        %dma_wait3A_795 = tpu.memref_slice %arg5[%dma_wait3A_793, %dma_wait3A_794] : memref<10240x32xf32, #tpu.memory_space<hbm>> -> memref<128x32xf32, #tpu.memory_space<hbm>>
        %dma_wait3A_796 = arith.constant 0 : i32
        %dma_wait3A_797 = arith.constant 0 : i32
        %dma_wait3A_798 = tpu.memref_slice %arg12[%dma_wait3A_788, %dma_wait3A_796, %dma_wait3A_797] : memref<8x128x32xf32, #tpu.memory_space<vmem>> -> memref<1x128x32xf32, #tpu.memory_space<vmem>>
        %dma_wait3A_799 = tpu.memref_squeeze %dma_wait3A_798 : memref<1x128x32xf32, #tpu.memory_space<vmem>> -> memref<128x32xf32, #tpu.memory_space<vmem>>
        %dma_wait3A_800 = arith.constant 0 : i32
        %dma_wait3A_801 = arith.constant 0 : i32
        %dma_wait3A_802 = tpu.memref_slice %arg5[%dma_wait3A_800, %dma_wait3A_801] : memref<10240x32xf32, #tpu.memory_space<hbm>> -> memref<128x32xf32, #tpu.memory_space<hbm>>
        tpu.wait_dma2 semaphore(%arg19 : memref<!tpu.dma_semaphore, #tpu.memory_space<semaphore_mem>>) src(%dma_wait3A_802 : memref<128x32xf32, #tpu.memory_space<hbm>>) dst(%dma_wait3A_799 : memref<128x32xf32, #tpu.memory_space<vmem>>)
        %dma_wait3A_803 = arith.constant 7 : i32
        %dma_wait3A_804 = arith.constant 0 : i32
        %dma_wait3A_805 = arith.constant 0 : i32
        %dma_wait3A_806 = tpu.memref_slice %arg12[%dma_wait3A_803, %dma_wait3A_804, %dma_wait3A_805] : memref<8x128x32xf32, #tpu.memory_space<vmem>> -> memref<1x128x32xf32, #tpu.memory_space<vmem>>
        %dma_wait3A_807 = tpu.memref_squeeze %dma_wait3A_806 : memref<1x128x32xf32, #tpu.memory_space<vmem>> -> memref<128x32xf32, #tpu.memory_space<vmem>>
        %dma_wait3A_808 = arith.constant 0 : i32
        %dma_wait3A_809 = arith.constant 0 : i32
        %dma_wait3A_810 = tpu.memref_slice %arg5[%dma_wait3A_808, %dma_wait3A_809] : memref<10240x32xf32, #tpu.memory_space<hbm>> -> memref<128x32xf32, #tpu.memory_space<hbm>>
        %dma_wait3A_811 = arith.constant 0 : i32
        %dma_wait3A_812 = arith.constant 0 : i32
        %dma_wait3A_813 = tpu.memref_slice %arg12[%dma_wait3A_803, %dma_wait3A_811, %dma_wait3A_812] : memref<8x128x32xf32, #tpu.memory_space<vmem>> -> memref<1x128x32xf32, #tpu.memory_space<vmem>>
        %dma_wait3A_814 = tpu.memref_squeeze %dma_wait3A_813 : memref<1x128x32xf32, #tpu.memory_space<vmem>> -> memref<128x32xf32, #tpu.memory_space<vmem>>
        %dma_wait3A_815 = arith.constant 0 : i32
        %dma_wait3A_816 = arith.constant 0 : i32
        %dma_wait3A_817 = tpu.memref_slice %arg5[%dma_wait3A_815, %dma_wait3A_816] : memref<10240x32xf32, #tpu.memory_space<hbm>> -> memref<128x32xf32, #tpu.memory_space<hbm>>
        tpu.wait_dma2 semaphore(%arg19 : memref<!tpu.dma_semaphore, #tpu.memory_space<semaphore_mem>>) src(%dma_wait3A_817 : memref<128x32xf32, #tpu.memory_space<hbm>>) dst(%dma_wait3A_814 : memref<128x32xf32, #tpu.memory_space<vmem>>)
        %add3A_818 = arith.constant 1 : i32
        %add3A_819 = arith.addi %mul3A_469, %add3A_818 : i32
        %mul3A_820 = arith.constant 4 : i32
        %mul3A_821 = arith.muli %add3A_819, %mul3A_820 : i32
        %add3A_822 = arith.constant 0 : i32
        %add3A_823 = arith.addi %mul3A_821, %add3A_822 : i32
        %dma_start3A_824 = arith.constant 4 : i32
        %dma_start3A_825 = arith.constant 0 : i32
        %dma_start3A_826 = arith.constant 0 : i32
        %dma_start3A_827 = tpu.memref_slice %arg12[%dma_start3A_824, %dma_start3A_825, %dma_start3A_826] : memref<8x128x32xf32, #tpu.memory_space<vmem>> -> memref<1x128x32xf32, #tpu.memory_space<vmem>>
        %dma_start3A_828 = tpu.memref_squeeze %dma_start3A_827 : memref<1x128x32xf32, #tpu.memory_space<vmem>> -> memref<128x32xf32, #tpu.memory_space<vmem>>
        %dma_start3A_829 = arith.constant 0 : i32
        %dma_start3A_830 = tpu.memref_slice %arg11[%add3A_823, %dma_start3A_829] : memref<164x128xi32, #tpu.memory_space<vmem>> -> memref<1x128xi32, #tpu.memory_space<vmem>>
        %dma_start3A_831 = tpu.memref_squeeze %dma_start3A_830 : memref<1x128xi32, #tpu.memory_space<vmem>> -> memref<128xi32, #tpu.memory_space<vmem>>
        %dma_start3A_832 = arith.constant 0 : i32
        %dma_start3A_833 = arith.constant 0 : i32
        %dma_start3A_834 = tpu.memref_slice %arg16[%dma_start3A_832, %dma_start3A_833] : memref<10240x32xf32, #tpu.memory_space<vmem_shared>> -> memref<10240x32xf32, #tpu.memory_space<vmem_shared>>
        tpu.enqueue_indirect_dma source(%dma_start3A_828 : memref<128x32xf32, #tpu.memory_space<vmem>>) target(%dma_start3A_834 : memref<10240x32xf32, #tpu.memory_space<vmem_shared>>) offsets(%dma_start3A_831 : memref<128xi32, #tpu.memory_space<vmem>>) semaphore(%arg21 : memref<!tpu.dma_semaphore, #tpu.memory_space<semaphore_mem>>) {add = true}
        %mul3A_835 = arith.constant 4 : i32
        %mul3A_836 = arith.muli %add3A_819, %mul3A_835 : i32
        %add3A_837 = arith.constant 1 : i32
        %add3A_838 = arith.addi %mul3A_836, %add3A_837 : i32
        %dma_start3A_839 = arith.constant 5 : i32
        %dma_start3A_840 = arith.constant 0 : i32
        %dma_start3A_841 = arith.constant 0 : i32
        %dma_start3A_842 = tpu.memref_slice %arg12[%dma_start3A_839, %dma_start3A_840, %dma_start3A_841] : memref<8x128x32xf32, #tpu.memory_space<vmem>> -> memref<1x128x32xf32, #tpu.memory_space<vmem>>
        %dma_start3A_843 = tpu.memref_squeeze %dma_start3A_842 : memref<1x128x32xf32, #tpu.memory_space<vmem>> -> memref<128x32xf32, #tpu.memory_space<vmem>>
        %dma_start3A_844 = arith.constant 0 : i32
        %dma_start3A_845 = tpu.memref_slice %arg11[%add3A_838, %dma_start3A_844] : memref<164x128xi32, #tpu.memory_space<vmem>> -> memref<1x128xi32, #tpu.memory_space<vmem>>
        %dma_start3A_846 = tpu.memref_squeeze %dma_start3A_845 : memref<1x128xi32, #tpu.memory_space<vmem>> -> memref<128xi32, #tpu.memory_space<vmem>>
        %dma_start3A_847 = arith.constant 0 : i32
        %dma_start3A_848 = arith.constant 0 : i32
        %dma_start3A_849 = tpu.memref_slice %arg16[%dma_start3A_847, %dma_start3A_848] : memref<10240x32xf32, #tpu.memory_space<vmem_shared>> -> memref<10240x32xf32, #tpu.memory_space<vmem_shared>>
        tpu.enqueue_indirect_dma source(%dma_start3A_843 : memref<128x32xf32, #tpu.memory_space<vmem>>) target(%dma_start3A_849 : memref<10240x32xf32, #tpu.memory_space<vmem_shared>>) offsets(%dma_start3A_846 : memref<128xi32, #tpu.memory_space<vmem>>) semaphore(%arg21 : memref<!tpu.dma_semaphore, #tpu.memory_space<semaphore_mem>>) {add = true}
        %mul3A_850 = arith.constant 4 : i32
        %mul3A_851 = arith.muli %add3A_819, %mul3A_850 : i32
        %add3A_852 = arith.constant 2 : i32
        %add3A_853 = arith.addi %mul3A_851, %add3A_852 : i32
        %dma_start3A_854 = arith.constant 6 : i32
        %dma_start3A_855 = arith.constant 0 : i32
        %dma_start3A_856 = arith.constant 0 : i32
        %dma_start3A_857 = tpu.memref_slice %arg12[%dma_start3A_854, %dma_start3A_855, %dma_start3A_856] : memref<8x128x32xf32, #tpu.memory_space<vmem>> -> memref<1x128x32xf32, #tpu.memory_space<vmem>>
        %dma_start3A_858 = tpu.memref_squeeze %dma_start3A_857 : memref<1x128x32xf32, #tpu.memory_space<vmem>> -> memref<128x32xf32, #tpu.memory_space<vmem>>
        %dma_start3A_859 = arith.constant 0 : i32
        %dma_start3A_860 = tpu.memref_slice %arg11[%add3A_853, %dma_start3A_859] : memref<164x128xi32, #tpu.memory_space<vmem>> -> memref<1x128xi32, #tpu.memory_space<vmem>>
        %dma_start3A_861 = tpu.memref_squeeze %dma_start3A_860 : memref<1x128xi32, #tpu.memory_space<vmem>> -> memref<128xi32, #tpu.memory_space<vmem>>
        %dma_start3A_862 = arith.constant 0 : i32
        %dma_start3A_863 = arith.constant 0 : i32
        %dma_start3A_864 = tpu.memref_slice %arg16[%dma_start3A_862, %dma_start3A_863] : memref<10240x32xf32, #tpu.memory_space<vmem_shared>> -> memref<10240x32xf32, #tpu.memory_space<vmem_shared>>
        tpu.enqueue_indirect_dma source(%dma_start3A_858 : memref<128x32xf32, #tpu.memory_space<vmem>>) target(%dma_start3A_864 : memref<10240x32xf32, #tpu.memory_space<vmem_shared>>) offsets(%dma_start3A_861 : memref<128xi32, #tpu.memory_space<vmem>>) semaphore(%arg21 : memref<!tpu.dma_semaphore, #tpu.memory_space<semaphore_mem>>) {add = true}
        %mul3A_865 = arith.constant 4 : i32
        %mul3A_866 = arith.muli %add3A_819, %mul3A_865 : i32
        %add3A_867 = arith.constant 3 : i32
        %add3A_868 = arith.addi %mul3A_866, %add3A_867 : i32
        %dma_start3A_869 = arith.constant 7 : i32
        %dma_start3A_870 = arith.constant 0 : i32
        %dma_start3A_871 = arith.constant 0 : i32
        %dma_start3A_872 = tpu.memref_slice %arg12[%dma_start3A_869, %dma_start3A_870, %dma_start3A_871] : memref<8x128x32xf32, #tpu.memory_space<vmem>> -> memref<1x128x32xf32, #tpu.memory_space<vmem>>
        %dma_start3A_873 = tpu.memref_squeeze %dma_start3A_872 : memref<1x128x32xf32, #tpu.memory_space<vmem>> -> memref<128x32xf32, #tpu.memory_space<vmem>>
        %dma_start3A_874 = arith.constant 0 : i32
        %dma_start3A_875 = tpu.memref_slice %arg11[%add3A_868, %dma_start3A_874] : memref<164x128xi32, #tpu.memory_space<vmem>> -> memref<1x128xi32, #tpu.memory_space<vmem>>
        %dma_start3A_876 = tpu.memref_squeeze %dma_start3A_875 : memref<1x128xi32, #tpu.memory_space<vmem>> -> memref<128xi32, #tpu.memory_space<vmem>>
        %dma_start3A_877 = arith.constant 0 : i32
        %dma_start3A_878 = arith.constant 0 : i32
        %dma_start3A_879 = tpu.memref_slice %arg16[%dma_start3A_877, %dma_start3A_878] : memref<10240x32xf32, #tpu.memory_space<vmem_shared>> -> memref<10240x32xf32, #tpu.memory_space<vmem_shared>>
        tpu.enqueue_indirect_dma source(%dma_start3A_873 : memref<128x32xf32, #tpu.memory_space<vmem>>) target(%dma_start3A_879 : memref<10240x32xf32, #tpu.memory_space<vmem_shared>>) offsets(%dma_start3A_876 : memref<128xi32, #tpu.memory_space<vmem>>) semaphore(%arg21 : memref<!tpu.dma_semaphore, #tpu.memory_space<semaphore_mem>>) {add = true}
        %dma_wait3A_880 = arith.constant 4 : i32
        %dma_wait3A_881 = arith.constant 0 : i32
        %dma_wait3A_882 = arith.constant 0 : i32
        %dma_wait3A_883 = tpu.memref_slice %arg12[%dma_wait3A_880, %dma_wait3A_881, %dma_wait3A_882] : memref<8x128x32xf32, #tpu.memory_space<vmem>> -> memref<1x128x32xf32, #tpu.memory_space<vmem>>
        %dma_wait3A_884 = tpu.memref_squeeze %dma_wait3A_883 : memref<1x128x32xf32, #tpu.memory_space<vmem>> -> memref<128x32xf32, #tpu.memory_space<vmem>>
        %dma_wait3A_885 = arith.constant 0 : i32
        %dma_wait3A_886 = tpu.memref_slice %arg11[%add3A_823, %dma_wait3A_885] : memref<164x128xi32, #tpu.memory_space<vmem>> -> memref<1x128xi32, #tpu.memory_space<vmem>>
        %dma_wait3A_887 = tpu.memref_squeeze %dma_wait3A_886 : memref<1x128xi32, #tpu.memory_space<vmem>> -> memref<128xi32, #tpu.memory_space<vmem>>
        %dma_wait3A_888 = arith.constant 0 : i32
        %dma_wait3A_889 = arith.constant 0 : i32
        %dma_wait3A_890 = tpu.memref_slice %arg16[%dma_wait3A_888, %dma_wait3A_889] : memref<10240x32xf32, #tpu.memory_space<vmem_shared>> -> memref<10240x32xf32, #tpu.memory_space<vmem_shared>>
        tpu.wait_indirect_dma semaphore(%arg21 : memref<!tpu.dma_semaphore, #tpu.memory_space<semaphore_mem>>) src(%dma_wait3A_884 : memref<128x32xf32, #tpu.memory_space<vmem>>) dst(%dma_wait3A_890 : memref<10240x32xf32, #tpu.memory_space<vmem_shared>>)
        %dma_wait3A_891 = arith.constant 5 : i32
        %dma_wait3A_892 = arith.constant 0 : i32
        %dma_wait3A_893 = arith.constant 0 : i32
        %dma_wait3A_894 = tpu.memref_slice %arg12[%dma_wait3A_891, %dma_wait3A_892, %dma_wait3A_893] : memref<8x128x32xf32, #tpu.memory_space<vmem>> -> memref<1x128x32xf32, #tpu.memory_space<vmem>>
        %dma_wait3A_895 = tpu.memref_squeeze %dma_wait3A_894 : memref<1x128x32xf32, #tpu.memory_space<vmem>> -> memref<128x32xf32, #tpu.memory_space<vmem>>
        %dma_wait3A_896 = arith.constant 0 : i32
        %dma_wait3A_897 = tpu.memref_slice %arg11[%add3A_838, %dma_wait3A_896] : memref<164x128xi32, #tpu.memory_space<vmem>> -> memref<1x128xi32, #tpu.memory_space<vmem>>
        %dma_wait3A_898 = tpu.memref_squeeze %dma_wait3A_897 : memref<1x128xi32, #tpu.memory_space<vmem>> -> memref<128xi32, #tpu.memory_space<vmem>>
        %dma_wait3A_899 = arith.constant 0 : i32
        %dma_wait3A_900 = arith.constant 0 : i32
        %dma_wait3A_901 = tpu.memref_slice %arg16[%dma_wait3A_899, %dma_wait3A_900] : memref<10240x32xf32, #tpu.memory_space<vmem_shared>> -> memref<10240x32xf32, #tpu.memory_space<vmem_shared>>
        tpu.wait_indirect_dma semaphore(%arg21 : memref<!tpu.dma_semaphore, #tpu.memory_space<semaphore_mem>>) src(%dma_wait3A_895 : memref<128x32xf32, #tpu.memory_space<vmem>>) dst(%dma_wait3A_901 : memref<10240x32xf32, #tpu.memory_space<vmem_shared>>)
        %dma_wait3A_902 = arith.constant 6 : i32
        %dma_wait3A_903 = arith.constant 0 : i32
        %dma_wait3A_904 = arith.constant 0 : i32
        %dma_wait3A_905 = tpu.memref_slice %arg12[%dma_wait3A_902, %dma_wait3A_903, %dma_wait3A_904] : memref<8x128x32xf32, #tpu.memory_space<vmem>> -> memref<1x128x32xf32, #tpu.memory_space<vmem>>
        %dma_wait3A_906 = tpu.memref_squeeze %dma_wait3A_905 : memref<1x128x32xf32, #tpu.memory_space<vmem>> -> memref<128x32xf32, #tpu.memory_space<vmem>>
        %dma_wait3A_907 = arith.constant 0 : i32
        %dma_wait3A_908 = tpu.memref_slice %arg11[%add3A_853, %dma_wait3A_907] : memref<164x128xi32, #tpu.memory_space<vmem>> -> memref<1x128xi32, #tpu.memory_space<vmem>>
        %dma_wait3A_909 = tpu.memref_squeeze %dma_wait3A_908 : memref<1x128xi32, #tpu.memory_space<vmem>> -> memref<128xi32, #tpu.memory_space<vmem>>
        %dma_wait3A_910 = arith.constant 0 : i32
        %dma_wait3A_911 = arith.constant 0 : i32
        %dma_wait3A_912 = tpu.memref_slice %arg16[%dma_wait3A_910, %dma_wait3A_911] : memref<10240x32xf32, #tpu.memory_space<vmem_shared>> -> memref<10240x32xf32, #tpu.memory_space<vmem_shared>>
        tpu.wait_indirect_dma semaphore(%arg21 : memref<!tpu.dma_semaphore, #tpu.memory_space<semaphore_mem>>) src(%dma_wait3A_906 : memref<128x32xf32, #tpu.memory_space<vmem>>) dst(%dma_wait3A_912 : memref<10240x32xf32, #tpu.memory_space<vmem_shared>>)
        %dma_wait3A_913 = arith.constant 7 : i32
        %dma_wait3A_914 = arith.constant 0 : i32
        %dma_wait3A_915 = arith.constant 0 : i32
        %dma_wait3A_916 = tpu.memref_slice %arg12[%dma_wait3A_913, %dma_wait3A_914, %dma_wait3A_915] : memref<8x128x32xf32, #tpu.memory_space<vmem>> -> memref<1x128x32xf32, #tpu.memory_space<vmem>>
        %dma_wait3A_917 = tpu.memref_squeeze %dma_wait3A_916 : memref<1x128x32xf32, #tpu.memory_space<vmem>> -> memref<128x32xf32, #tpu.memory_space<vmem>>
        %dma_wait3A_918 = arith.constant 0 : i32
        %dma_wait3A_919 = tpu.memref_slice %arg11[%add3A_868, %dma_wait3A_918] : memref<164x128xi32, #tpu.memory_space<vmem>> -> memref<1x128xi32, #tpu.memory_space<vmem>>
        %dma_wait3A_920 = tpu.memref_squeeze %dma_wait3A_919 : memref<1x128xi32, #tpu.memory_space<vmem>> -> memref<128xi32, #tpu.memory_space<vmem>>
        %dma_wait3A_921 = arith.constant 0 : i32
        %dma_wait3A_922 = arith.constant 0 : i32
        %dma_wait3A_923 = tpu.memref_slice %arg16[%dma_wait3A_921, %dma_wait3A_922] : memref<10240x32xf32, #tpu.memory_space<vmem_shared>> -> memref<10240x32xf32, #tpu.memory_space<vmem_shared>>
        tpu.wait_indirect_dma semaphore(%arg21 : memref<!tpu.dma_semaphore, #tpu.memory_space<semaphore_mem>>) src(%dma_wait3A_917 : memref<128x32xf32, #tpu.memory_space<vmem>>) dst(%dma_wait3A_923 : memref<10240x32xf32, #tpu.memory_space<vmem_shared>>)
      }
      %scan3A_300 = arith.constant 20 : i32
      %dma_wait3A_301 = arith.constant 0 : i32
      %dma_wait3A_302 = arith.constant 0 : i32
      %dma_wait3A_303 = arith.constant 0 : i32
      %dma_wait3A_304 = tpu.memref_slice %arg12[%dma_wait3A_301, %dma_wait3A_302, %dma_wait3A_303] : memref<8x128x32xf32, #tpu.memory_space<vmem>> -> memref<1x128x32xf32, #tpu.memory_space<vmem>>
      %dma_wait3A_305 = tpu.memref_squeeze %dma_wait3A_304 : memref<1x128x32xf32, #tpu.memory_space<vmem>> -> memref<128x32xf32, #tpu.memory_space<vmem>>
      %dma_wait3A_306 = arith.constant 0 : i32
      %dma_wait3A_307 = arith.constant 0 : i32
      %dma_wait3A_308 = tpu.memref_slice %arg5[%dma_wait3A_306, %dma_wait3A_307] : memref<10240x32xf32, #tpu.memory_space<hbm>> -> memref<128x32xf32, #tpu.memory_space<hbm>>
      %dma_wait3A_309 = arith.constant 0 : i32
      %dma_wait3A_310 = arith.constant 0 : i32
      %dma_wait3A_311 = tpu.memref_slice %arg12[%dma_wait3A_301, %dma_wait3A_309, %dma_wait3A_310] : memref<8x128x32xf32, #tpu.memory_space<vmem>> -> memref<1x128x32xf32, #tpu.memory_space<vmem>>
      %dma_wait3A_312 = tpu.memref_squeeze %dma_wait3A_311 : memref<1x128x32xf32, #tpu.memory_space<vmem>> -> memref<128x32xf32, #tpu.memory_space<vmem>>
      %dma_wait3A_313 = arith.constant 0 : i32
      %dma_wait3A_314 = arith.constant 0 : i32
      %dma_wait3A_315 = tpu.memref_slice %arg5[%dma_wait3A_313, %dma_wait3A_314] : memref<10240x32xf32, #tpu.memory_space<hbm>> -> memref<128x32xf32, #tpu.memory_space<hbm>>
      tpu.wait_dma2 semaphore(%arg18 : memref<!tpu.dma_semaphore, #tpu.memory_space<semaphore_mem>>) src(%dma_wait3A_315 : memref<128x32xf32, #tpu.memory_space<hbm>>) dst(%dma_wait3A_312 : memref<128x32xf32, #tpu.memory_space<vmem>>)
      %dma_wait3A_316 = arith.constant 1 : i32
      %dma_wait3A_317 = arith.constant 0 : i32
      %dma_wait3A_318 = arith.constant 0 : i32
      %dma_wait3A_319 = tpu.memref_slice %arg12[%dma_wait3A_316, %dma_wait3A_317, %dma_wait3A_318] : memref<8x128x32xf32, #tpu.memory_space<vmem>> -> memref<1x128x32xf32, #tpu.memory_space<vmem>>
      %dma_wait3A_320 = tpu.memref_squeeze %dma_wait3A_319 : memref<1x128x32xf32, #tpu.memory_space<vmem>> -> memref<128x32xf32, #tpu.memory_space<vmem>>
      %dma_wait3A_321 = arith.constant 0 : i32
      %dma_wait3A_322 = arith.constant 0 : i32
      %dma_wait3A_323 = tpu.memref_slice %arg5[%dma_wait3A_321, %dma_wait3A_322] : memref<10240x32xf32, #tpu.memory_space<hbm>> -> memref<128x32xf32, #tpu.memory_space<hbm>>
      %dma_wait3A_324 = arith.constant 0 : i32
      %dma_wait3A_325 = arith.constant 0 : i32
      %dma_wait3A_326 = tpu.memref_slice %arg12[%dma_wait3A_316, %dma_wait3A_324, %dma_wait3A_325] : memref<8x128x32xf32, #tpu.memory_space<vmem>> -> memref<1x128x32xf32, #tpu.memory_space<vmem>>
      %dma_wait3A_327 = tpu.memref_squeeze %dma_wait3A_326 : memref<1x128x32xf32, #tpu.memory_space<vmem>> -> memref<128x32xf32, #tpu.memory_space<vmem>>
      %dma_wait3A_328 = arith.constant 0 : i32
      %dma_wait3A_329 = arith.constant 0 : i32
      %dma_wait3A_330 = tpu.memref_slice %arg5[%dma_wait3A_328, %dma_wait3A_329] : memref<10240x32xf32, #tpu.memory_space<hbm>> -> memref<128x32xf32, #tpu.memory_space<hbm>>
      tpu.wait_dma2 semaphore(%arg18 : memref<!tpu.dma_semaphore, #tpu.memory_space<semaphore_mem>>) src(%dma_wait3A_330 : memref<128x32xf32, #tpu.memory_space<hbm>>) dst(%dma_wait3A_327 : memref<128x32xf32, #tpu.memory_space<vmem>>)
      %dma_wait3A_331 = arith.constant 2 : i32
      %dma_wait3A_332 = arith.constant 0 : i32
      %dma_wait3A_333 = arith.constant 0 : i32
      %dma_wait3A_334 = tpu.memref_slice %arg12[%dma_wait3A_331, %dma_wait3A_332, %dma_wait3A_333] : memref<8x128x32xf32, #tpu.memory_space<vmem>> -> memref<1x128x32xf32, #tpu.memory_space<vmem>>
      %dma_wait3A_335 = tpu.memref_squeeze %dma_wait3A_334 : memref<1x128x32xf32, #tpu.memory_space<vmem>> -> memref<128x32xf32, #tpu.memory_space<vmem>>
      %dma_wait3A_336 = arith.constant 0 : i32
      %dma_wait3A_337 = arith.constant 0 : i32
      %dma_wait3A_338 = tpu.memref_slice %arg5[%dma_wait3A_336, %dma_wait3A_337] : memref<10240x32xf32, #tpu.memory_space<hbm>> -> memref<128x32xf32, #tpu.memory_space<hbm>>
      %dma_wait3A_339 = arith.constant 0 : i32
      %dma_wait3A_340 = arith.constant 0 : i32
      %dma_wait3A_341 = tpu.memref_slice %arg12[%dma_wait3A_331, %dma_wait3A_339, %dma_wait3A_340] : memref<8x128x32xf32, #tpu.memory_space<vmem>> -> memref<1x128x32xf32, #tpu.memory_space<vmem>>
      %dma_wait3A_342 = tpu.memref_squeeze %dma_wait3A_341 : memref<1x128x32xf32, #tpu.memory_space<vmem>> -> memref<128x32xf32, #tpu.memory_space<vmem>>
      %dma_wait3A_343 = arith.constant 0 : i32
      %dma_wait3A_344 = arith.constant 0 : i32
      %dma_wait3A_345 = tpu.memref_slice %arg5[%dma_wait3A_343, %dma_wait3A_344] : memref<10240x32xf32, #tpu.memory_space<hbm>> -> memref<128x32xf32, #tpu.memory_space<hbm>>
      tpu.wait_dma2 semaphore(%arg18 : memref<!tpu.dma_semaphore, #tpu.memory_space<semaphore_mem>>) src(%dma_wait3A_345 : memref<128x32xf32, #tpu.memory_space<hbm>>) dst(%dma_wait3A_342 : memref<128x32xf32, #tpu.memory_space<vmem>>)
      %dma_wait3A_346 = arith.constant 3 : i32
      %dma_wait3A_347 = arith.constant 0 : i32
      %dma_wait3A_348 = arith.constant 0 : i32
      %dma_wait3A_349 = tpu.memref_slice %arg12[%dma_wait3A_346, %dma_wait3A_347, %dma_wait3A_348] : memref<8x128x32xf32, #tpu.memory_space<vmem>> -> memref<1x128x32xf32, #tpu.memory_space<vmem>>
      %dma_wait3A_350 = tpu.memref_squeeze %dma_wait3A_349 : memref<1x128x32xf32, #tpu.memory_space<vmem>> -> memref<128x32xf32, #tpu.memory_space<vmem>>
      %dma_wait3A_351 = arith.constant 0 : i32
      %dma_wait3A_352 = arith.constant 0 : i32
      %dma_wait3A_353 = tpu.memref_slice %arg5[%dma_wait3A_351, %dma_wait3A_352] : memref<10240x32xf32, #tpu.memory_space<hbm>> -> memref<128x32xf32, #tpu.memory_space<hbm>>
      %dma_wait3A_354 = arith.constant 0 : i32
      %dma_wait3A_355 = arith.constant 0 : i32
      %dma_wait3A_356 = tpu.memref_slice %arg12[%dma_wait3A_346, %dma_wait3A_354, %dma_wait3A_355] : memref<8x128x32xf32, #tpu.memory_space<vmem>> -> memref<1x128x32xf32, #tpu.memory_space<vmem>>
      %dma_wait3A_357 = tpu.memref_squeeze %dma_wait3A_356 : memref<1x128x32xf32, #tpu.memory_space<vmem>> -> memref<128x32xf32, #tpu.memory_space<vmem>>
      %dma_wait3A_358 = arith.constant 0 : i32
      %dma_wait3A_359 = arith.constant 0 : i32
      %dma_wait3A_360 = tpu.memref_slice %arg5[%dma_wait3A_358, %dma_wait3A_359] : memref<10240x32xf32, #tpu.memory_space<hbm>> -> memref<128x32xf32, #tpu.memory_space<hbm>>
      tpu.wait_dma2 semaphore(%arg18 : memref<!tpu.dma_semaphore, #tpu.memory_space<semaphore_mem>>) src(%dma_wait3A_360 : memref<128x32xf32, #tpu.memory_space<hbm>>) dst(%dma_wait3A_357 : memref<128x32xf32, #tpu.memory_space<vmem>>)
      %dma_start3A_361 = arith.constant 0 : i32
      %dma_start3A_362 = arith.constant 160 : i32
      %dma_start3A_363 = arith.constant 0 : i32
      %dma_start3A_364 = arith.constant 0 : i32
      %dma_start3A_365 = tpu.memref_slice %arg12[%dma_start3A_361, %dma_start3A_363, %dma_start3A_364] : memref<8x128x32xf32, #tpu.memory_space<vmem>> -> memref<1x128x32xf32, #tpu.memory_space<vmem>>
      %dma_start3A_366 = tpu.memref_squeeze %dma_start3A_365 : memref<1x128x32xf32, #tpu.memory_space<vmem>> -> memref<128x32xf32, #tpu.memory_space<vmem>>
      %dma_start3A_367 = arith.constant 0 : i32
      %dma_start3A_368 = tpu.memref_slice %arg11[%dma_start3A_362, %dma_start3A_367] : memref<164x128xi32, #tpu.memory_space<vmem>> -> memref<1x128xi32, #tpu.memory_space<vmem>>
      %dma_start3A_369 = tpu.memref_squeeze %dma_start3A_368 : memref<1x128xi32, #tpu.memory_space<vmem>> -> memref<128xi32, #tpu.memory_space<vmem>>
      %dma_start3A_370 = arith.constant 0 : i32
      %dma_start3A_371 = arith.constant 0 : i32
      %dma_start3A_372 = tpu.memref_slice %arg16[%dma_start3A_370, %dma_start3A_371] : memref<10240x32xf32, #tpu.memory_space<vmem_shared>> -> memref<10240x32xf32, #tpu.memory_space<vmem_shared>>
      tpu.enqueue_indirect_dma source(%dma_start3A_366 : memref<128x32xf32, #tpu.memory_space<vmem>>) target(%dma_start3A_372 : memref<10240x32xf32, #tpu.memory_space<vmem_shared>>) offsets(%dma_start3A_369 : memref<128xi32, #tpu.memory_space<vmem>>) semaphore(%arg20 : memref<!tpu.dma_semaphore, #tpu.memory_space<semaphore_mem>>) {add = true}
      %dma_start3A_373 = arith.constant 1 : i32
      %dma_start3A_374 = arith.constant 161 : i32
      %dma_start3A_375 = arith.constant 0 : i32
      %dma_start3A_376 = arith.constant 0 : i32
      %dma_start3A_377 = tpu.memref_slice %arg12[%dma_start3A_373, %dma_start3A_375, %dma_start3A_376] : memref<8x128x32xf32, #tpu.memory_space<vmem>> -> memref<1x128x32xf32, #tpu.memory_space<vmem>>
      %dma_start3A_378 = tpu.memref_squeeze %dma_start3A_377 : memref<1x128x32xf32, #tpu.memory_space<vmem>> -> memref<128x32xf32, #tpu.memory_space<vmem>>
      %dma_start3A_379 = arith.constant 0 : i32
      %dma_start3A_380 = tpu.memref_slice %arg11[%dma_start3A_374, %dma_start3A_379] : memref<164x128xi32, #tpu.memory_space<vmem>> -> memref<1x128xi32, #tpu.memory_space<vmem>>
      %dma_start3A_381 = tpu.memref_squeeze %dma_start3A_380 : memref<1x128xi32, #tpu.memory_space<vmem>> -> memref<128xi32, #tpu.memory_space<vmem>>
      %dma_start3A_382 = arith.constant 0 : i32
      %dma_start3A_383 = arith.constant 0 : i32
      %dma_start3A_384 = tpu.memref_slice %arg16[%dma_start3A_382, %dma_start3A_383] : memref<10240x32xf32, #tpu.memory_space<vmem_shared>> -> memref<10240x32xf32, #tpu.memory_space<vmem_shared>>
      tpu.enqueue_indirect_dma source(%dma_start3A_378 : memref<128x32xf32, #tpu.memory_space<vmem>>) target(%dma_start3A_384 : memref<10240x32xf32, #tpu.memory_space<vmem_shared>>) offsets(%dma_start3A_381 : memref<128xi32, #tpu.memory_space<vmem>>) semaphore(%arg20 : memref<!tpu.dma_semaphore, #tpu.memory_space<semaphore_mem>>) {add = true}
      %dma_start3A_385 = arith.constant 2 : i32
      %dma_start3A_386 = arith.constant 162 : i32
      %dma_start3A_387 = arith.constant 0 : i32
      %dma_start3A_388 = arith.constant 0 : i32
      %dma_start3A_389 = tpu.memref_slice %arg12[%dma_start3A_385, %dma_start3A_387, %dma_start3A_388] : memref<8x128x32xf32, #tpu.memory_space<vmem>> -> memref<1x128x32xf32, #tpu.memory_space<vmem>>
      %dma_start3A_390 = tpu.memref_squeeze %dma_start3A_389 : memref<1x128x32xf32, #tpu.memory_space<vmem>> -> memref<128x32xf32, #tpu.memory_space<vmem>>
      %dma_start3A_391 = arith.constant 0 : i32
      %dma_start3A_392 = tpu.memref_slice %arg11[%dma_start3A_386, %dma_start3A_391] : memref<164x128xi32, #tpu.memory_space<vmem>> -> memref<1x128xi32, #tpu.memory_space<vmem>>
      %dma_start3A_393 = tpu.memref_squeeze %dma_start3A_392 : memref<1x128xi32, #tpu.memory_space<vmem>> -> memref<128xi32, #tpu.memory_space<vmem>>
      %dma_start3A_394 = arith.constant 0 : i32
      %dma_start3A_395 = arith.constant 0 : i32
      %dma_start3A_396 = tpu.memref_slice %arg16[%dma_start3A_394, %dma_start3A_395] : memref<10240x32xf32, #tpu.memory_space<vmem_shared>> -> memref<10240x32xf32, #tpu.memory_space<vmem_shared>>
      tpu.enqueue_indirect_dma source(%dma_start3A_390 : memref<128x32xf32, #tpu.memory_space<vmem>>) target(%dma_start3A_396 : memref<10240x32xf32, #tpu.memory_space<vmem_shared>>) offsets(%dma_start3A_393 : memref<128xi32, #tpu.memory_space<vmem>>) semaphore(%arg20 : memref<!tpu.dma_semaphore, #tpu.memory_space<semaphore_mem>>) {add = true}
      %dma_start3A_397 = arith.constant 3 : i32
      %dma_start3A_398 = arith.constant 163 : i32
      %dma_start3A_399 = arith.constant 0 : i32
      %dma_start3A_400 = arith.constant 0 : i32
      %dma_start3A_401 = tpu.memref_slice %arg12[%dma_start3A_397, %dma_start3A_399, %dma_start3A_400] : memref<8x128x32xf32, #tpu.memory_space<vmem>> -> memref<1x128x32xf32, #tpu.memory_space<vmem>>
      %dma_start3A_402 = tpu.memref_squeeze %dma_start3A_401 : memref<1x128x32xf32, #tpu.memory_space<vmem>> -> memref<128x32xf32, #tpu.memory_space<vmem>>
      %dma_start3A_403 = arith.constant 0 : i32
      %dma_start3A_404 = tpu.memref_slice %arg11[%dma_start3A_398, %dma_start3A_403] : memref<164x128xi32, #tpu.memory_space<vmem>> -> memref<1x128xi32, #tpu.memory_space<vmem>>
      %dma_start3A_405 = tpu.memref_squeeze %dma_start3A_404 : memref<1x128xi32, #tpu.memory_space<vmem>> -> memref<128xi32, #tpu.memory_space<vmem>>
      %dma_start3A_406 = arith.constant 0 : i32
      %dma_start3A_407 = arith.constant 0 : i32
      %dma_start3A_408 = tpu.memref_slice %arg16[%dma_start3A_406, %dma_start3A_407] : memref<10240x32xf32, #tpu.memory_space<vmem_shared>> -> memref<10240x32xf32, #tpu.memory_space<vmem_shared>>
      tpu.enqueue_indirect_dma source(%dma_start3A_402 : memref<128x32xf32, #tpu.memory_space<vmem>>) target(%dma_start3A_408 : memref<10240x32xf32, #tpu.memory_space<vmem_shared>>) offsets(%dma_start3A_405 : memref<128xi32, #tpu.memory_space<vmem>>) semaphore(%arg20 : memref<!tpu.dma_semaphore, #tpu.memory_space<semaphore_mem>>) {add = true}
      %dma_wait3A_409 = arith.constant 0 : i32
      %dma_wait3A_410 = arith.constant 160 : i32
      %dma_wait3A_411 = arith.constant 0 : i32
      %dma_wait3A_412 = arith.constant 0 : i32
      %dma_wait3A_413 = tpu.memref_slice %arg12[%dma_wait3A_409, %dma_wait3A_411, %dma_wait3A_412] : memref<8x128x32xf32, #tpu.memory_space<vmem>> -> memref<1x128x32xf32, #tpu.memory_space<vmem>>
      %dma_wait3A_414 = tpu.memref_squeeze %dma_wait3A_413 : memref<1x128x32xf32, #tpu.memory_space<vmem>> -> memref<128x32xf32, #tpu.memory_space<vmem>>
      %dma_wait3A_415 = arith.constant 0 : i32
      %dma_wait3A_416 = tpu.memref_slice %arg11[%dma_wait3A_410, %dma_wait3A_415] : memref<164x128xi32, #tpu.memory_space<vmem>> -> memref<1x128xi32, #tpu.memory_space<vmem>>
      %dma_wait3A_417 = tpu.memref_squeeze %dma_wait3A_416 : memref<1x128xi32, #tpu.memory_space<vmem>> -> memref<128xi32, #tpu.memory_space<vmem>>
      %dma_wait3A_418 = arith.constant 0 : i32
      %dma_wait3A_419 = arith.constant 0 : i32
      %dma_wait3A_420 = tpu.memref_slice %arg16[%dma_wait3A_418, %dma_wait3A_419] : memref<10240x32xf32, #tpu.memory_space<vmem_shared>> -> memref<10240x32xf32, #tpu.memory_space<vmem_shared>>
      tpu.wait_indirect_dma semaphore(%arg20 : memref<!tpu.dma_semaphore, #tpu.memory_space<semaphore_mem>>) src(%dma_wait3A_414 : memref<128x32xf32, #tpu.memory_space<vmem>>) dst(%dma_wait3A_420 : memref<10240x32xf32, #tpu.memory_space<vmem_shared>>)
      %dma_wait3A_421 = arith.constant 1 : i32
      %dma_wait3A_422 = arith.constant 161 : i32
      %dma_wait3A_423 = arith.constant 0 : i32
      %dma_wait3A_424 = arith.constant 0 : i32
      %dma_wait3A_425 = tpu.memref_slice %arg12[%dma_wait3A_421, %dma_wait3A_423, %dma_wait3A_424] : memref<8x128x32xf32, #tpu.memory_space<vmem>> -> memref<1x128x32xf32, #tpu.memory_space<vmem>>
      %dma_wait3A_426 = tpu.memref_squeeze %dma_wait3A_425 : memref<1x128x32xf32, #tpu.memory_space<vmem>> -> memref<128x32xf32, #tpu.memory_space<vmem>>
      %dma_wait3A_427 = arith.constant 0 : i32
      %dma_wait3A_428 = tpu.memref_slice %arg11[%dma_wait3A_422, %dma_wait3A_427] : memref<164x128xi32, #tpu.memory_space<vmem>> -> memref<1x128xi32, #tpu.memory_space<vmem>>
      %dma_wait3A_429 = tpu.memref_squeeze %dma_wait3A_428 : memref<1x128xi32, #tpu.memory_space<vmem>> -> memref<128xi32, #tpu.memory_space<vmem>>
      %dma_wait3A_430 = arith.constant 0 : i32
      %dma_wait3A_431 = arith.constant 0 : i32
      %dma_wait3A_432 = tpu.memref_slice %arg16[%dma_wait3A_430, %dma_wait3A_431] : memref<10240x32xf32, #tpu.memory_space<vmem_shared>> -> memref<10240x32xf32, #tpu.memory_space<vmem_shared>>
      tpu.wait_indirect_dma semaphore(%arg20 : memref<!tpu.dma_semaphore, #tpu.memory_space<semaphore_mem>>) src(%dma_wait3A_426 : memref<128x32xf32, #tpu.memory_space<vmem>>) dst(%dma_wait3A_432 : memref<10240x32xf32, #tpu.memory_space<vmem_shared>>)
      %dma_wait3A_433 = arith.constant 2 : i32
      %dma_wait3A_434 = arith.constant 162 : i32
      %dma_wait3A_435 = arith.constant 0 : i32
      %dma_wait3A_436 = arith.constant 0 : i32
      %dma_wait3A_437 = tpu.memref_slice %arg12[%dma_wait3A_433, %dma_wait3A_435, %dma_wait3A_436] : memref<8x128x32xf32, #tpu.memory_space<vmem>> -> memref<1x128x32xf32, #tpu.memory_space<vmem>>
      %dma_wait3A_438 = tpu.memref_squeeze %dma_wait3A_437 : memref<1x128x32xf32, #tpu.memory_space<vmem>> -> memref<128x32xf32, #tpu.memory_space<vmem>>
      %dma_wait3A_439 = arith.constant 0 : i32
      %dma_wait3A_440 = tpu.memref_slice %arg11[%dma_wait3A_434, %dma_wait3A_439] : memref<164x128xi32, #tpu.memory_space<vmem>> -> memref<1x128xi32, #tpu.memory_space<vmem>>
      %dma_wait3A_441 = tpu.memref_squeeze %dma_wait3A_440 : memref<1x128xi32, #tpu.memory_space<vmem>> -> memref<128xi32, #tpu.memory_space<vmem>>
      %dma_wait3A_442 = arith.constant 0 : i32
      %dma_wait3A_443 = arith.constant 0 : i32
      %dma_wait3A_444 = tpu.memref_slice %arg16[%dma_wait3A_442, %dma_wait3A_443] : memref<10240x32xf32, #tpu.memory_space<vmem_shared>> -> memref<10240x32xf32, #tpu.memory_space<vmem_shared>>
      tpu.wait_indirect_dma semaphore(%arg20 : memref<!tpu.dma_semaphore, #tpu.memory_space<semaphore_mem>>) src(%dma_wait3A_438 : memref<128x32xf32, #tpu.memory_space<vmem>>) dst(%dma_wait3A_444 : memref<10240x32xf32, #tpu.memory_space<vmem_shared>>)
      %dma_wait3A_445 = arith.constant 3 : i32
      %dma_wait3A_446 = arith.constant 163 : i32
      %dma_wait3A_447 = arith.constant 0 : i32
      %dma_wait3A_448 = arith.constant 0 : i32
      %dma_wait3A_449 = tpu.memref_slice %arg12[%dma_wait3A_445, %dma_wait3A_447, %dma_wait3A_448] : memref<8x128x32xf32, #tpu.memory_space<vmem>> -> memref<1x128x32xf32, #tpu.memory_space<vmem>>
      %dma_wait3A_450 = tpu.memref_squeeze %dma_wait3A_449 : memref<1x128x32xf32, #tpu.memory_space<vmem>> -> memref<128x32xf32, #tpu.memory_space<vmem>>
      %dma_wait3A_451 = arith.constant 0 : i32
      %dma_wait3A_452 = tpu.memref_slice %arg11[%dma_wait3A_446, %dma_wait3A_451] : memref<164x128xi32, #tpu.memory_space<vmem>> -> memref<1x128xi32, #tpu.memory_space<vmem>>
      %dma_wait3A_453 = tpu.memref_squeeze %dma_wait3A_452 : memref<1x128xi32, #tpu.memory_space<vmem>> -> memref<128xi32, #tpu.memory_space<vmem>>
      %dma_wait3A_454 = arith.constant 0 : i32
      %dma_wait3A_455 = arith.constant 0 : i32
      %dma_wait3A_456 = tpu.memref_slice %arg16[%dma_wait3A_454, %dma_wait3A_455] : memref<10240x32xf32, #tpu.memory_space<vmem_shared>> -> memref<10240x32xf32, #tpu.memory_space<vmem_shared>>
      tpu.wait_indirect_dma semaphore(%arg20 : memref<!tpu.dma_semaphore, #tpu.memory_space<semaphore_mem>>) src(%dma_wait3A_450 : memref<128x32xf32, #tpu.memory_space<vmem>>) dst(%dma_wait3A_456 : memref<10240x32xf32, #tpu.memory_space<vmem_shared>>)
      %barrier3A_457 = arith.constant 0 : index
      tpu.barrier barrier_id(%barrier3A_457)
      %scan3A_458 = arith.constant 0 : i32
      %scan3A_459 = arith.constant 5 : i32
      %scan3A_460 = arith.addi %scan3A_458, %scan3A_459 : i32
      %scan3A_461 = arith.constant 1 : i32
      scf.for %scan3A_463 = %scan3A_458 to %scan3A_460 step %scan3A_461  : i32 {
        %mul3A_464 = arith.constant 1 : i32
        %mul3A_465 = arith.muli %scan3A_463, %mul3A_464 : i32
        %add3A_466 = arith.constant 0 : i32
        %add3A_467 = arith.addi %add3A_466, %mul3A_465 : i32
        %mul3A_468 = arith.constant 128 : i32
        %mul3A_469 = arith.muli %add3A_467, %mul3A_468 : i32
        %add3A_470 = arith.addi %mul3A_0, %mul3A_469 : i32
        "tpu.region"() ({
          %run_scoped3A = tpu.sem_alloc : memref<!tpu.dma_semaphore, #tpu.memory_space<semaphore_mem>>
          %dma_start3A_476 = arith.constant 0 : i32
          %dma_start3A_477 = tpu.memref_slice %arg16[%add3A_470, %dma_start3A_476] : memref<10240x32xf32, #tpu.memory_space<vmem_shared>> -> memref<128x32xf32, #tpu.memory_space<vmem_shared>>
          %dma_start3A_478 = arith.constant 0 : i32
          %dma_start3A_479 = tpu.memref_slice %arg16[%add3A_470, %dma_start3A_478] : memref<10240x32xf32, #tpu.memory_space<vmem_shared>> -> memref<128x32xf32, #tpu.memory_space<vmem_shared>>
          tpu.enqueue_dma source(%dma_start3A_479 : memref<128x32xf32, #tpu.memory_space<vmem_shared>>) target(%arg13 : memref<128x32xf32, #tpu.memory_space<vmem>>) target_semaphore(%run_scoped3A : memref<!tpu.dma_semaphore, #tpu.memory_space<semaphore_mem>>)
          %dma_wait3A_480 = arith.constant 0 : i32
          %dma_wait3A_481 = tpu.memref_slice %arg16[%add3A_470, %dma_wait3A_480] : memref<10240x32xf32, #tpu.memory_space<vmem_shared>> -> memref<128x32xf32, #tpu.memory_space<vmem_shared>>
          %dma_wait3A_482 = arith.constant 0 : i32
          %dma_wait3A_483 = tpu.memref_slice %arg16[%add3A_470, %dma_wait3A_482] : memref<10240x32xf32, #tpu.memory_space<vmem_shared>> -> memref<128x32xf32, #tpu.memory_space<vmem_shared>>
          tpu.wait_dma2 semaphore(%run_scoped3A : memref<!tpu.dma_semaphore, #tpu.memory_space<semaphore_mem>>) src(%dma_wait3A_483 : memref<128x32xf32, #tpu.memory_space<vmem_shared>>) dst(%arg13 : memref<128x32xf32, #tpu.memory_space<vmem>>)
          tpu.yield
        }) : () -> ()
        "tpu.region"() ({
          %run_scoped3A = tpu.sem_alloc : memref<!tpu.dma_semaphore, #tpu.memory_space<semaphore_mem>>
          %dma_start3A_476 = arith.constant 0 : i32
          %dma_start3A_477 = tpu.memref_slice %arg5[%add3A_470, %dma_start3A_476] : memref<10240x32xf32, #tpu.memory_space<hbm>> -> memref<128x32xf32, #tpu.memory_space<hbm>>
          %dma_start3A_478 = arith.constant 0 : i32
          %dma_start3A_479 = tpu.memref_slice %arg5[%add3A_470, %dma_start3A_478] : memref<10240x32xf32, #tpu.memory_space<hbm>> -> memref<128x32xf32, #tpu.memory_space<hbm>>
          tpu.enqueue_dma source(%dma_start3A_479 : memref<128x32xf32, #tpu.memory_space<hbm>>) target(%arg14 : memref<128x32xf32, #tpu.memory_space<vmem>>) target_semaphore(%run_scoped3A : memref<!tpu.dma_semaphore, #tpu.memory_space<semaphore_mem>>)
          %dma_wait3A_480 = arith.constant 0 : i32
          %dma_wait3A_481 = tpu.memref_slice %arg5[%add3A_470, %dma_wait3A_480] : memref<10240x32xf32, #tpu.memory_space<hbm>> -> memref<128x32xf32, #tpu.memory_space<hbm>>
          %dma_wait3A_482 = arith.constant 0 : i32
          %dma_wait3A_483 = tpu.memref_slice %arg5[%add3A_470, %dma_wait3A_482] : memref<10240x32xf32, #tpu.memory_space<hbm>> -> memref<128x32xf32, #tpu.memory_space<hbm>>
          tpu.wait_dma2 semaphore(%run_scoped3A : memref<!tpu.dma_semaphore, #tpu.memory_space<semaphore_mem>>) src(%dma_wait3A_483 : memref<128x32xf32, #tpu.memory_space<hbm>>) dst(%arg14 : memref<128x32xf32, #tpu.memory_space<vmem>>)
          tpu.yield
        }) : () -> ()
        "tpu.region"() ({
          %run_scoped3A = tpu.sem_alloc : memref<!tpu.dma_semaphore, #tpu.memory_space<semaphore_mem>>
          %dma_start3A_476 = arith.constant 0 : i32
          %dma_start3A_477 = arith.constant 0 : i32
          %dma_start3A_478 = tpu.memref_slice %arg7[%arg0, %dma_start3A_476, %dma_start3A_477] : memref<2x10240x32xf32, #tpu.memory_space<hbm>> -> memref<1x10240x32xf32, #tpu.memory_space<hbm>>
          %dma_start3A_479 = tpu.memref_squeeze %dma_start3A_478 : memref<1x10240x32xf32, #tpu.memory_space<hbm>> -> memref<10240x32xf32, #tpu.memory_space<hbm>>
          %dma_start3A_480 = arith.constant 0 : i32
          %dma_start3A_481 = tpu.memref_slice %dma_start3A_479[%add3A_470, %dma_start3A_480] : memref<10240x32xf32, #tpu.memory_space<hbm>> -> memref<128x32xf32, #tpu.memory_space<hbm>>
          %dma_start3A_482 = arith.constant 0 : i32
          %dma_start3A_483 = arith.constant 0 : i32
          %dma_start3A_484 = tpu.memref_slice %arg7[%arg0, %dma_start3A_482, %dma_start3A_483] : memref<2x10240x32xf32, #tpu.memory_space<hbm>> -> memref<1x10240x32xf32, #tpu.memory_space<hbm>>
          %dma_start3A_485 = tpu.memref_squeeze %dma_start3A_484 : memref<1x10240x32xf32, #tpu.memory_space<hbm>> -> memref<10240x32xf32, #tpu.memory_space<hbm>>
          %dma_start3A_486 = arith.constant 0 : i32
          %dma_start3A_487 = tpu.memref_slice %dma_start3A_485[%add3A_470, %dma_start3A_486] : memref<10240x32xf32, #tpu.memory_space<hbm>> -> memref<128x32xf32, #tpu.memory_space<hbm>>
          tpu.enqueue_dma source(%dma_start3A_487 : memref<128x32xf32, #tpu.memory_space<hbm>>) target(%arg15 : memref<128x32xf32, #tpu.memory_space<vmem>>) target_semaphore(%run_scoped3A : memref<!tpu.dma_semaphore, #tpu.memory_space<semaphore_mem>>)
          %dma_wait3A_488 = arith.constant 0 : i32
          %dma_wait3A_489 = arith.constant 0 : i32
          %dma_wait3A_490 = tpu.memref_slice %arg7[%arg0, %dma_wait3A_488, %dma_wait3A_489] : memref<2x10240x32xf32, #tpu.memory_space<hbm>> -> memref<1x10240x32xf32, #tpu.memory_space<hbm>>
          %dma_wait3A_491 = tpu.memref_squeeze %dma_wait3A_490 : memref<1x10240x32xf32, #tpu.memory_space<hbm>> -> memref<10240x32xf32, #tpu.memory_space<hbm>>
          %dma_wait3A_492 = arith.constant 0 : i32
          %dma_wait3A_493 = tpu.memref_slice %dma_wait3A_491[%add3A_470, %dma_wait3A_492] : memref<10240x32xf32, #tpu.memory_space<hbm>> -> memref<128x32xf32, #tpu.memory_space<hbm>>
          %dma_wait3A_494 = arith.constant 0 : i32
          %dma_wait3A_495 = arith.constant 0 : i32
          %dma_wait3A_496 = tpu.memref_slice %arg7[%arg0, %dma_wait3A_494, %dma_wait3A_495] : memref<2x10240x32xf32, #tpu.memory_space<hbm>> -> memref<1x10240x32xf32, #tpu.memory_space<hbm>>
          %dma_wait3A_497 = tpu.memref_squeeze %dma_wait3A_496 : memref<1x10240x32xf32, #tpu.memory_space<hbm>> -> memref<10240x32xf32, #tpu.memory_space<hbm>>
          %dma_wait3A_498 = arith.constant 0 : i32
          %dma_wait3A_499 = tpu.memref_slice %dma_wait3A_497[%add3A_470, %dma_wait3A_498] : memref<10240x32xf32, #tpu.memory_space<hbm>> -> memref<128x32xf32, #tpu.memory_space<hbm>>
          tpu.wait_dma2 semaphore(%run_scoped3A : memref<!tpu.dma_semaphore, #tpu.memory_space<semaphore_mem>>) src(%dma_wait3A_499 : memref<128x32xf32, #tpu.memory_space<hbm>>) dst(%arg15 : memref<128x32xf32, #tpu.memory_space<vmem>>)
          tpu.yield
        }) : () -> ()
        %scan3A_471 = arith.constant 0 : i32
        %scan3A_472 = arith.constant 128 : i32
        %scan3A_473 = arith.addi %scan3A_471, %scan3A_472 : i32
        %scan3A_474 = arith.constant 1 : i32
        scf.for %scan3A_476 = %scan3A_471 to %scan3A_473 step %scan3A_474  : i32 {
          %mul3A_477 = arith.constant 1 : i32
          %mul3A_478 = arith.muli %scan3A_476, %mul3A_477 : i32
          %add3A_479 = arith.constant 0 : i32
          %add3A_480 = arith.addi %add3A_479, %mul3A_478 : i32
          %get3A = arith.index_cast %add3A_480 : i32 to index
          %get3A_481 = arith.constant 0 : index
          %get3A_482 = tpu.vector_load %arg13[%get3A, %get3A_481] {strides = array<i32>} : memref<128x32xf32, #tpu.memory_space<vmem>>, vector<1x16xf32>,
          %get3A_483 = vector.shape_cast %get3A_482 : vector<1x16xf32> to vector<16xf32>
          %get3A_484 = arith.index_cast %add3A_480 : i32 to index
          %get3A_485 = arith.constant 0 : index
          %get3A_486 = tpu.vector_load %arg14[%get3A_484, %get3A_485] {strides = array<i32>} : memref<128x32xf32, #tpu.memory_space<vmem>>, vector<1x16xf32>,
          %get3A_487 = vector.shape_cast %get3A_486 : vector<1x16xf32> to vector<16xf32>
          %mul3A_488 = arith.mulf %get3A_487, %get3A_483 : vector<16xf32>
          %get3A_489 = arith.index_cast %add3A_480 : i32 to index
          %get3A_490 = arith.constant 0 : index
          %get3A_491 = tpu.vector_load %arg15[%get3A_489, %get3A_490] {strides = array<i32>} : memref<128x32xf32, #tpu.memory_space<vmem>>, vector<1x16xf32>,
          %get3A_492 = vector.shape_cast %get3A_491 : vector<1x16xf32> to vector<16xf32>
          %add3A_493 = arith.addf %mul3A_488, %get3A_492 : vector<16xf32>
          %swap3A = arith.index_cast %add3A_480 : i32 to index
          %swap3A_494 = arith.constant 0 : index
          %swap3A_495 = tpu.vector_load %arg13[%swap3A, %swap3A_494] {strides = array<i32>} : memref<128x32xf32, #tpu.memory_space<vmem>>, vector<1x16xf32>,
          %swap3A_496 = vector.shape_cast %swap3A_495 : vector<1x16xf32> to vector<16xf32>
          %swap3A_497 = vector.shape_cast %add3A_493 : vector<16xf32> to vector<1x16xf32>
          tpu.vector_store %arg13[%swap3A, %swap3A_494], %swap3A_497 {strides = array<i32>} : memref<128x32xf32, #tpu.memory_space<vmem>>, vector<1x16xf32>,
          %get3A_498 = arith.index_cast %add3A_480 : i32 to index
          %get3A_499 = arith.constant 16 : index
          %get3A_500 = tpu.vector_load %arg13[%get3A_498, %get3A_499] {strides = array<i32>} : memref<128x32xf32, #tpu.memory_space<vmem>>, vector<1x16xf32>,
          %get3A_501 = vector.shape_cast %get3A_500 : vector<1x16xf32> to vector<16xf32>
          %get3A_502 = arith.index_cast %add3A_480 : i32 to index
          %get3A_503 = arith.constant 16 : index
          %get3A_504 = tpu.vector_load %arg14[%get3A_502, %get3A_503] {strides = array<i32>} : memref<128x32xf32, #tpu.memory_space<vmem>>, vector<1x16xf32>,
          %get3A_505 = vector.shape_cast %get3A_504 : vector<1x16xf32> to vector<16xf32>
          %mul3A_506 = arith.mulf %get3A_505, %get3A_501 : vector<16xf32>
          %get3A_507 = arith.index_cast %add3A_480 : i32 to index
          %get3A_508 = arith.constant 16 : index
          %get3A_509 = tpu.vector_load %arg15[%get3A_507, %get3A_508] {strides = array<i32>} : memref<128x32xf32, #tpu.memory_space<vmem>>, vector<1x16xf32>,
          %get3A_510 = vector.shape_cast %get3A_509 : vector<1x16xf32> to vector<16xf32>
          %add3A_511 = arith.addf %mul3A_506, %get3A_510 : vector<16xf32>
          %swap3A_512 = arith.index_cast %add3A_480 : i32 to index
          %swap3A_513 = arith.constant 16 : index
          %swap3A_514 = tpu.vector_load %arg13[%swap3A_512, %swap3A_513] {strides = array<i32>} : memref<128x32xf32, #tpu.memory_space<vmem>>, vector<1x16xf32>,
          %swap3A_515 = vector.shape_cast %swap3A_514 : vector<1x16xf32> to vector<16xf32>
          %swap3A_516 = vector.shape_cast %add3A_511 : vector<16xf32> to vector<1x16xf32>
          tpu.vector_store %arg13[%swap3A_512, %swap3A_513], %swap3A_516 {strides = array<i32>} : memref<128x32xf32, #tpu.memory_space<vmem>>, vector<1x16xf32>,
        }
        %scan3A_475 = arith.constant 128 : i32
        "tpu.region"() ({
          %run_scoped3A = tpu.sem_alloc : memref<!tpu.dma_semaphore, #tpu.memory_space<semaphore_mem>>
          %dma_start3A_476 = arith.constant 0 : i32
          %dma_start3A_477 = tpu.memref_slice %arg17[%add3A_470, %dma_start3A_476] : memref<10240x32xf32, #tpu.memory_space<vmem_shared>> -> memref<128x32xf32, #tpu.memory_space<vmem_shared>>
          %dma_start3A_478 = arith.constant 0 : i32
          %dma_start3A_479 = tpu.memref_slice %arg17[%add3A_470, %dma_start3A_478] : memref<10240x32xf32, #tpu.memory_space<vmem_shared>> -> memref<128x32xf32, #tpu.memory_space<vmem_shared>>
          tpu.enqueue_dma source(%arg13 : memref<128x32xf32, #tpu.memory_space<vmem>>) target(%dma_start3A_479 : memref<128x32xf32, #tpu.memory_space<vmem_shared>>) target_semaphore(%run_scoped3A : memref<!tpu.dma_semaphore, #tpu.memory_space<semaphore_mem>>)
          %dma_wait3A_480 = arith.constant 0 : i32
          %dma_wait3A_481 = tpu.memref_slice %arg17[%add3A_470, %dma_wait3A_480] : memref<10240x32xf32, #tpu.memory_space<vmem_shared>> -> memref<128x32xf32, #tpu.memory_space<vmem_shared>>
          %dma_wait3A_482 = arith.constant 0 : i32
          %dma_wait3A_483 = tpu.memref_slice %arg17[%add3A_470, %dma_wait3A_482] : memref<10240x32xf32, #tpu.memory_space<vmem_shared>> -> memref<128x32xf32, #tpu.memory_space<vmem_shared>>
          tpu.wait_dma2 semaphore(%run_scoped3A : memref<!tpu.dma_semaphore, #tpu.memory_space<semaphore_mem>>) src(%arg13 : memref<128x32xf32, #tpu.memory_space<vmem>>) dst(%dma_wait3A_483 : memref<128x32xf32, #tpu.memory_space<vmem_shared>>)
          tpu.yield
        }) : () -> ()
      }
      %scan3A_462 = arith.constant 5 : i32
    }
    %scan3A_9 = arith.constant 9 : i32
    %scan3A_10 = arith.constant 0 : i32
    %scan3A_11 = arith.constant 128 : i32
    %scan3A_12 = arith.addi %scan3A_10, %scan3A_11 : i32
    %scan3A_13 = arith.constant 1 : i32
    scf.for %scan3A_233 = %scan3A_10 to %scan3A_12 step %scan3A_13  : i32 {
      %mul3A_234 = arith.constant 1 : i32
      %mul3A_235 = arith.muli %scan3A_233, %mul3A_234 : i32
      %add3A = arith.constant 0 : i32
      %add3A_236 = arith.addi %add3A, %mul3A_235 : i32
      %broadcast_in_dim3A = arith.constant 0.000000e+00 : f32
      %broadcast_in_dim3A_237 = vector.broadcast %broadcast_in_dim3A : f32 to vector<16xf32>
      %swap3A = arith.index_cast %add3A_236 : i32 to index
      %swap3A_238 = arith.constant 0 : index
      %swap3A_239 = tpu.vector_load %arg14[%swap3A, %swap3A_238] {strides = array<i32>} : memref<128x32xf32, #tpu.memory_space<vmem>>, vector<1x16xf32>,
      %swap3A_240 = vector.shape_cast %swap3A_239 : vector<1x16xf32> to vector<16xf32>
      %swap3A_241 = vector.shape_cast %broadcast_in_dim3A_237 : vector<16xf32> to vector<1x16xf32>
      tpu.vector_store %arg14[%swap3A, %swap3A_238], %swap3A_241 {strides = array<i32>} : memref<128x32xf32, #tpu.memory_space<vmem>>, vector<1x16xf32>,
      %swap3A_242 = arith.index_cast %add3A_236 : i32 to index
      %swap3A_243 = arith.constant 16 : index
      %swap3A_244 = tpu.vector_load %arg14[%swap3A_242, %swap3A_243] {strides = array<i32>} : memref<128x32xf32, #tpu.memory_space<vmem>>, vector<1x16xf32>,
      %swap3A_245 = vector.shape_cast %swap3A_244 : vector<1x16xf32> to vector<16xf32>
      %swap3A_246 = vector.shape_cast %broadcast_in_dim3A_237 : vector<16xf32> to vector<1x16xf32>
      tpu.vector_store %arg14[%swap3A_242, %swap3A_243], %swap3A_246 {strides = array<i32>} : memref<128x32xf32, #tpu.memory_space<vmem>>, vector<1x16xf32>,
    }
    %scan3A_14 = arith.constant 128 : i32
    %scan3A_15 = arith.constant 0 : i32
    %scan3A_16 = arith.constant 5 : i32
    %scan3A_17 = arith.addi %scan3A_15, %scan3A_16 : i32
    %scan3A_18 = arith.constant 1 : i32
    scf.for %scan3A_233 = %scan3A_15 to %scan3A_17 step %scan3A_18  : i32 {
      %mul3A_234 = arith.constant 1 : i32
      %mul3A_235 = arith.muli %scan3A_233, %mul3A_234 : i32
      %add3A = arith.constant 0 : i32
      %add3A_236 = arith.addi %add3A, %mul3A_235 : i32
      %mul3A_237 = arith.constant 128 : i32
      %mul3A_238 = arith.muli %add3A_236, %mul3A_237 : i32
      %add3A_239 = arith.addi %mul3A_0, %mul3A_238 : i32
      "tpu.region"() ({
        %run_scoped3A = tpu.sem_alloc : memref<!tpu.dma_semaphore, #tpu.memory_space<semaphore_mem>>
        %dma_start3A_240 = arith.constant 0 : i32
        %dma_start3A_241 = tpu.memref_slice %arg16[%add3A_239, %dma_start3A_240] : memref<10240x32xf32, #tpu.memory_space<vmem_shared>> -> memref<128x32xf32, #tpu.memory_space<vmem_shared>>
        %dma_start3A_242 = arith.constant 0 : i32
        %dma_start3A_243 = tpu.memref_slice %arg16[%add3A_239, %dma_start3A_242] : memref<10240x32xf32, #tpu.memory_space<vmem_shared>> -> memref<128x32xf32, #tpu.memory_space<vmem_shared>>
        tpu.enqueue_dma source(%arg14 : memref<128x32xf32, #tpu.memory_space<vmem>>) target(%dma_start3A_243 : memref<128x32xf32, #tpu.memory_space<vmem_shared>>) target_semaphore(%run_scoped3A : memref<!tpu.dma_semaphore, #tpu.memory_space<semaphore_mem>>)
        %dma_wait3A_244 = arith.constant 0 : i32
        %dma_wait3A_245 = tpu.memref_slice %arg16[%add3A_239, %dma_wait3A_244] : memref<10240x32xf32, #tpu.memory_space<vmem_shared>> -> memref<128x32xf32, #tpu.memory_space<vmem_shared>>
        %dma_wait3A_246 = arith.constant 0 : i32
        %dma_wait3A_247 = tpu.memref_slice %arg16[%add3A_239, %dma_wait3A_246] : memref<10240x32xf32, #tpu.memory_space<vmem_shared>> -> memref<128x32xf32, #tpu.memory_space<vmem_shared>>
        tpu.wait_dma2 semaphore(%run_scoped3A : memref<!tpu.dma_semaphore, #tpu.memory_space<semaphore_mem>>) src(%arg14 : memref<128x32xf32, #tpu.memory_space<vmem>>) dst(%dma_wait3A_247 : memref<128x32xf32, #tpu.memory_space<vmem_shared>>)
        tpu.yield
      }) : () -> ()
    }
    %scan3A_19 = arith.constant 5 : i32
    %barrier3A = arith.constant 0 : index
    tpu.barrier barrier_id(%barrier3A)
    %dma_start3A = arith.constant 0 : i32
    %dma_start3A_20 = arith.constant 0 : i32
    %dma_start3A_21 = arith.constant 0 : i32
    %dma_start3A_22 = arith.constant 0 : i32
    %dma_start3A_23 = tpu.memref_slice %arg12[%dma_start3A_20, %dma_start3A_21, %dma_start3A_22] : memref<8x128x32xf32, #tpu.memory_space<vmem>> -> memref<1x128x32xf32, #tpu.memory_space<vmem>>
    %dma_start3A_24 = tpu.memref_squeeze %dma_start3A_23 : memref<1x128x32xf32, #tpu.memory_space<vmem>> -> memref<128x32xf32, #tpu.memory_space<vmem>>
    %dma_start3A_25 = arith.constant 0 : i32
    %dma_start3A_26 = tpu.memref_slice %arg10[%dma_start3A, %dma_start3A_25] : memref<164x128xi32, #tpu.memory_space<vmem>> -> memref<1x128xi32, #tpu.memory_space<vmem>>
    %dma_start3A_27 = tpu.memref_squeeze %dma_start3A_26 : memref<1x128xi32, #tpu.memory_space<vmem>> -> memref<128xi32, #tpu.memory_space<vmem>>
    %dma_start3A_28 = arith.constant 0 : i32
    %dma_start3A_29 = arith.constant 0 : i32
    %dma_start3A_30 = tpu.memref_slice %arg17[%dma_start3A_28, %dma_start3A_29] : memref<10240x32xf32, #tpu.memory_space<vmem_shared>> -> memref<10240x32xf32, #tpu.memory_space<vmem_shared>>
    tpu.enqueue_indirect_dma source(%dma_start3A_30 : memref<10240x32xf32, #tpu.memory_space<vmem_shared>>) target(%dma_start3A_24 : memref<128x32xf32, #tpu.memory_space<vmem>>) offsets(%dma_start3A_27 : memref<128xi32, #tpu.memory_space<vmem>>) semaphore(%arg18 : memref<!tpu.dma_semaphore, #tpu.memory_space<semaphore_mem>>)
    %dma_start3A_31 = arith.constant 1 : i32
    %dma_start3A_32 = arith.constant 1 : i32
    %dma_start3A_33 = arith.constant 0 : i32
    %dma_start3A_34 = arith.constant 0 : i32
    %dma_start3A_35 = tpu.memref_slice %arg12[%dma_start3A_32, %dma_start3A_33, %dma_start3A_34] : memref<8x128x32xf32, #tpu.memory_space<vmem>> -> memref<1x128x32xf32, #tpu.memory_space<vmem>>
    %dma_start3A_36 = tpu.memref_squeeze %dma_start3A_35 : memref<1x128x32xf32, #tpu.memory_space<vmem>> -> memref<128x32xf32, #tpu.memory_space<vmem>>
    %dma_start3A_37 = arith.constant 0 : i32
    %dma_start3A_38 = tpu.memref_slice %arg10[%dma_start3A_31, %dma_start3A_37] : memref<164x128xi32, #tpu.memory_space<vmem>> -> memref<1x128xi32, #tpu.memory_space<vmem>>
    %dma_start3A_39 = tpu.memref_squeeze %dma_start3A_38 : memref<1x128xi32, #tpu.memory_space<vmem>> -> memref<128xi32, #tpu.memory_space<vmem>>
    %dma_start3A_40 = arith.constant 0 : i32
    %dma_start3A_41 = arith.constant 0 : i32
    %dma_start3A_42 = tpu.memref_slice %arg17[%dma_start3A_40, %dma_start3A_41] : memref<10240x32xf32, #tpu.memory_space<vmem_shared>> -> memref<10240x32xf32, #tpu.memory_space<vmem_shared>>
    tpu.enqueue_indirect_dma source(%dma_start3A_42 : memref<10240x32xf32, #tpu.memory_space<vmem_shared>>) target(%dma_start3A_36 : memref<128x32xf32, #tpu.memory_space<vmem>>) offsets(%dma_start3A_39 : memref<128xi32, #tpu.memory_space<vmem>>) semaphore(%arg18 : memref<!tpu.dma_semaphore, #tpu.memory_space<semaphore_mem>>)
    %dma_start3A_43 = arith.constant 2 : i32
    %dma_start3A_44 = arith.constant 2 : i32
    %dma_start3A_45 = arith.constant 0 : i32
    %dma_start3A_46 = arith.constant 0 : i32
    %dma_start3A_47 = tpu.memref_slice %arg12[%dma_start3A_44, %dma_start3A_45, %dma_start3A_46] : memref<8x128x32xf32, #tpu.memory_space<vmem>> -> memref<1x128x32xf32, #tpu.memory_space<vmem>>
    %dma_start3A_48 = tpu.memref_squeeze %dma_start3A_47 : memref<1x128x32xf32, #tpu.memory_space<vmem>> -> memref<128x32xf32, #tpu.memory_space<vmem>>
    %dma_start3A_49 = arith.constant 0 : i32
    %dma_start3A_50 = tpu.memref_slice %arg10[%dma_start3A_43, %dma_start3A_49] : memref<164x128xi32, #tpu.memory_space<vmem>> -> memref<1x128xi32, #tpu.memory_space<vmem>>
    %dma_start3A_51 = tpu.memref_squeeze %dma_start3A_50 : memref<1x128xi32, #tpu.memory_space<vmem>> -> memref<128xi32, #tpu.memory_space<vmem>>
    %dma_start3A_52 = arith.constant 0 : i32
    %dma_start3A_53 = arith.constant 0 : i32
    %dma_start3A_54 = tpu.memref_slice %arg17[%dma_start3A_52, %dma_start3A_53] : memref<10240x32xf32, #tpu.memory_space<vmem_shared>> -> memref<10240x32xf32, #tpu.memory_space<vmem_shared>>
    tpu.enqueue_indirect_dma source(%dma_start3A_54 : memref<10240x32xf32, #tpu.memory_space<vmem_shared>>) target(%dma_start3A_48 : memref<128x32xf32, #tpu.memory_space<vmem>>) offsets(%dma_start3A_51 : memref<128xi32, #tpu.memory_space<vmem>>) semaphore(%arg18 : memref<!tpu.dma_semaphore, #tpu.memory_space<semaphore_mem>>)
    %dma_start3A_55 = arith.constant 3 : i32
    %dma_start3A_56 = arith.constant 3 : i32
    %dma_start3A_57 = arith.constant 0 : i32
    %dma_start3A_58 = arith.constant 0 : i32
    %dma_start3A_59 = tpu.memref_slice %arg12[%dma_start3A_56, %dma_start3A_57, %dma_start3A_58] : memref<8x128x32xf32, #tpu.memory_space<vmem>> -> memref<1x128x32xf32, #tpu.memory_space<vmem>>
    %dma_start3A_60 = tpu.memref_squeeze %dma_start3A_59 : memref<1x128x32xf32, #tpu.memory_space<vmem>> -> memref<128x32xf32, #tpu.memory_space<vmem>>
    %dma_start3A_61 = arith.constant 0 : i32
    %dma_start3A_62 = tpu.memref_slice %arg10[%dma_start3A_55, %dma_start3A_61] : memref<164x128xi32, #tpu.memory_space<vmem>> -> memref<1x128xi32, #tpu.memory_space<vmem>>
    %dma_start3A_63 = tpu.memref_squeeze %dma_start3A_62 : memref<1x128xi32, #tpu.memory_space<vmem>> -> memref<128xi32, #tpu.memory_space<vmem>>
    %dma_start3A_64 = arith.constant 0 : i32
    %dma_start3A_65 = arith.constant 0 : i32
    %dma_start3A_66 = tpu.memref_slice %arg17[%dma_start3A_64, %dma_start3A_65] : memref<10240x32xf32, #tpu.memory_space<vmem_shared>> -> memref<10240x32xf32, #tpu.memory_space<vmem_shared>>
    tpu.enqueue_indirect_dma source(%dma_start3A_66 : memref<10240x32xf32, #tpu.memory_space<vmem_shared>>) target(%dma_start3A_60 : memref<128x32xf32, #tpu.memory_space<vmem>>) offsets(%dma_start3A_63 : memref<128xi32, #tpu.memory_space<vmem>>) semaphore(%arg18 : memref<!tpu.dma_semaphore, #tpu.memory_space<semaphore_mem>>)
    %scan3A_67 = arith.constant 0 : i32
    %scan3A_68 = arith.constant 20 : i32
    %scan3A_69 = arith.addi %scan3A_67, %scan3A_68 : i32
    %scan3A_70 = arith.constant 1 : i32
    scf.for %scan3A_233 = %scan3A_67 to %scan3A_69 step %scan3A_70  : i32 {
      %mul3A_234 = arith.constant 1 : i32
      %mul3A_235 = arith.muli %scan3A_233, %mul3A_234 : i32
      %add3A = arith.constant 0 : i32
      %add3A_236 = arith.addi %add3A, %mul3A_235 : i32
      %mul3A_237 = arith.constant 2 : i32
      %mul3A_238 = arith.muli %mul3A_237, %add3A_236 : i32
      %add3A_239 = arith.constant 1 : i32
      %add3A_240 = arith.addi %mul3A_238, %add3A_239 : i32
      %mul3A_241 = arith.constant 4 : i32
      %mul3A_242 = arith.muli %add3A_240, %mul3A_241 : i32
      %add3A_243 = arith.constant 0 : i32
      %add3A_244 = arith.addi %mul3A_242, %add3A_243 : i32
      %dma_start3A_245 = arith.constant 4 : i32
      %dma_start3A_246 = arith.constant 0 : i32
      %dma_start3A_247 = arith.constant 0 : i32
      %dma_start3A_248 = tpu.memref_slice %arg12[%dma_start3A_245, %dma_start3A_246, %dma_start3A_247] : memref<8x128x32xf32, #tpu.memory_space<vmem>> -> memref<1x128x32xf32, #tpu.memory_space<vmem>>
      %dma_start3A_249 = tpu.memref_squeeze %dma_start3A_248 : memref<1x128x32xf32, #tpu.memory_space<vmem>> -> memref<128x32xf32, #tpu.memory_space<vmem>>
      %dma_start3A_250 = arith.constant 0 : i32
      %dma_start3A_251 = tpu.memref_slice %arg10[%add3A_244, %dma_start3A_250] : memref<164x128xi32, #tpu.memory_space<vmem>> -> memref<1x128xi32, #tpu.memory_space<vmem>>
      %dma_start3A_252 = tpu.memref_squeeze %dma_start3A_251 : memref<1x128xi32, #tpu.memory_space<vmem>> -> memref<128xi32, #tpu.memory_space<vmem>>
      %dma_start3A_253 = arith.constant 0 : i32
      %dma_start3A_254 = arith.constant 0 : i32
      %dma_start3A_255 = tpu.memref_slice %arg17[%dma_start3A_253, %dma_start3A_254] : memref<10240x32xf32, #tpu.memory_space<vmem_shared>> -> memref<10240x32xf32, #tpu.memory_space<vmem_shared>>
      tpu.enqueue_indirect_dma source(%dma_start3A_255 : memref<10240x32xf32, #tpu.memory_space<vmem_shared>>) target(%dma_start3A_249 : memref<128x32xf32, #tpu.memory_space<vmem>>) offsets(%dma_start3A_252 : memref<128xi32, #tpu.memory_space<vmem>>) semaphore(%arg19 : memref<!tpu.dma_semaphore, #tpu.memory_space<semaphore_mem>>)
      %mul3A_256 = arith.constant 4 : i32
      %mul3A_257 = arith.muli %add3A_240, %mul3A_256 : i32
      %add3A_258 = arith.constant 1 : i32
      %add3A_259 = arith.addi %mul3A_257, %add3A_258 : i32
      %dma_start3A_260 = arith.constant 5 : i32
      %dma_start3A_261 = arith.constant 0 : i32
      %dma_start3A_262 = arith.constant 0 : i32
      %dma_start3A_263 = tpu.memref_slice %arg12[%dma_start3A_260, %dma_start3A_261, %dma_start3A_262] : memref<8x128x32xf32, #tpu.memory_space<vmem>> -> memref<1x128x32xf32, #tpu.memory_space<vmem>>
      %dma_start3A_264 = tpu.memref_squeeze %dma_start3A_263 : memref<1x128x32xf32, #tpu.memory_space<vmem>> -> memref<128x32xf32, #tpu.memory_space<vmem>>
      %dma_start3A_265 = arith.constant 0 : i32
      %dma_start3A_266 = tpu.memref_slice %arg10[%add3A_259, %dma_start3A_265] : memref<164x128xi32, #tpu.memory_space<vmem>> -> memref<1x128xi32, #tpu.memory_space<vmem>>
      %dma_start3A_267 = tpu.memref_squeeze %dma_start3A_266 : memref<1x128xi32, #tpu.memory_space<vmem>> -> memref<128xi32, #tpu.memory_space<vmem>>
      %dma_start3A_268 = arith.constant 0 : i32
      %dma_start3A_269 = arith.constant 0 : i32
      %dma_start3A_270 = tpu.memref_slice %arg17[%dma_start3A_268, %dma_start3A_269] : memref<10240x32xf32, #tpu.memory_space<vmem_shared>> -> memref<10240x32xf32, #tpu.memory_space<vmem_shared>>
      tpu.enqueue_indirect_dma source(%dma_start3A_270 : memref<10240x32xf32, #tpu.memory_space<vmem_shared>>) target(%dma_start3A_264 : memref<128x32xf32, #tpu.memory_space<vmem>>) offsets(%dma_start3A_267 : memref<128xi32, #tpu.memory_space<vmem>>) semaphore(%arg19 : memref<!tpu.dma_semaphore, #tpu.memory_space<semaphore_mem>>)
      %mul3A_271 = arith.constant 4 : i32
      %mul3A_272 = arith.muli %add3A_240, %mul3A_271 : i32
      %add3A_273 = arith.constant 2 : i32
      %add3A_274 = arith.addi %mul3A_272, %add3A_273 : i32
      %dma_start3A_275 = arith.constant 6 : i32
      %dma_start3A_276 = arith.constant 0 : i32
      %dma_start3A_277 = arith.constant 0 : i32
      %dma_start3A_278 = tpu.memref_slice %arg12[%dma_start3A_275, %dma_start3A_276, %dma_start3A_277] : memref<8x128x32xf32, #tpu.memory_space<vmem>> -> memref<1x128x32xf32, #tpu.memory_space<vmem>>
      %dma_start3A_279 = tpu.memref_squeeze %dma_start3A_278 : memref<1x128x32xf32, #tpu.memory_space<vmem>> -> memref<128x32xf32, #tpu.memory_space<vmem>>
      %dma_start3A_280 = arith.constant 0 : i32
      %dma_start3A_281 = tpu.memref_slice %arg10[%add3A_274, %dma_start3A_280] : memref<164x128xi32, #tpu.memory_space<vmem>> -> memref<1x128xi32, #tpu.memory_space<vmem>>
      %dma_start3A_282 = tpu.memref_squeeze %dma_start3A_281 : memref<1x128xi32, #tpu.memory_space<vmem>> -> memref<128xi32, #tpu.memory_space<vmem>>
      %dma_start3A_283 = arith.constant 0 : i32
      %dma_start3A_284 = arith.constant 0 : i32
      %dma_start3A_285 = tpu.memref_slice %arg17[%dma_start3A_283, %dma_start3A_284] : memref<10240x32xf32, #tpu.memory_space<vmem_shared>> -> memref<10240x32xf32, #tpu.memory_space<vmem_shared>>
      tpu.enqueue_indirect_dma source(%dma_start3A_285 : memref<10240x32xf32, #tpu.memory_space<vmem_shared>>) target(%dma_start3A_279 : memref<128x32xf32, #tpu.memory_space<vmem>>) offsets(%dma_start3A_282 : memref<128xi32, #tpu.memory_space<vmem>>) semaphore(%arg19 : memref<!tpu.dma_semaphore, #tpu.memory_space<semaphore_mem>>)
      %mul3A_286 = arith.constant 4 : i32
      %mul3A_287 = arith.muli %add3A_240, %mul3A_286 : i32
      %add3A_288 = arith.constant 3 : i32
      %add3A_289 = arith.addi %mul3A_287, %add3A_288 : i32
      %dma_start3A_290 = arith.constant 7 : i32
      %dma_start3A_291 = arith.constant 0 : i32
      %dma_start3A_292 = arith.constant 0 : i32
      %dma_start3A_293 = tpu.memref_slice %arg12[%dma_start3A_290, %dma_start3A_291, %dma_start3A_292] : memref<8x128x32xf32, #tpu.memory_space<vmem>> -> memref<1x128x32xf32, #tpu.memory_space<vmem>>
      %dma_start3A_294 = tpu.memref_squeeze %dma_start3A_293 : memref<1x128x32xf32, #tpu.memory_space<vmem>> -> memref<128x32xf32, #tpu.memory_space<vmem>>
      %dma_start3A_295 = arith.constant 0 : i32
      %dma_start3A_296 = tpu.memref_slice %arg10[%add3A_289, %dma_start3A_295] : memref<164x128xi32, #tpu.memory_space<vmem>> -> memref<1x128xi32, #tpu.memory_space<vmem>>
      %dma_start3A_297 = tpu.memref_squeeze %dma_start3A_296 : memref<1x128xi32, #tpu.memory_space<vmem>> -> memref<128xi32, #tpu.memory_space<vmem>>
      %dma_start3A_298 = arith.constant 0 : i32
      %dma_start3A_299 = arith.constant 0 : i32
      %dma_start3A_300 = tpu.memref_slice %arg17[%dma_start3A_298, %dma_start3A_299] : memref<10240x32xf32, #tpu.memory_space<vmem_shared>> -> memref<10240x32xf32, #tpu.memory_space<vmem_shared>>
      tpu.enqueue_indirect_dma source(%dma_start3A_300 : memref<10240x32xf32, #tpu.memory_space<vmem_shared>>) target(%dma_start3A_294 : memref<128x32xf32, #tpu.memory_space<vmem>>) offsets(%dma_start3A_297 : memref<128xi32, #tpu.memory_space<vmem>>) semaphore(%arg19 : memref<!tpu.dma_semaphore, #tpu.memory_space<semaphore_mem>>)
      %dma_wait3A_301 = arith.constant 0 : i32
      %dma_wait3A_302 = arith.constant 0 : i32
      %dma_wait3A_303 = arith.constant 0 : i32
      %dma_wait3A_304 = tpu.memref_slice %arg12[%dma_wait3A_301, %dma_wait3A_302, %dma_wait3A_303] : memref<8x128x32xf32, #tpu.memory_space<vmem>> -> memref<1x128x32xf32, #tpu.memory_space<vmem>>
      %dma_wait3A_305 = tpu.memref_squeeze %dma_wait3A_304 : memref<1x128x32xf32, #tpu.memory_space<vmem>> -> memref<128x32xf32, #tpu.memory_space<vmem>>
      %dma_wait3A_306 = arith.constant 0 : i32
      %dma_wait3A_307 = arith.constant 0 : i32
      %dma_wait3A_308 = tpu.memref_slice %arg5[%dma_wait3A_306, %dma_wait3A_307] : memref<10240x32xf32, #tpu.memory_space<hbm>> -> memref<128x32xf32, #tpu.memory_space<hbm>>
      %dma_wait3A_309 = arith.constant 0 : i32
      %dma_wait3A_310 = arith.constant 0 : i32
      %dma_wait3A_311 = tpu.memref_slice %arg12[%dma_wait3A_301, %dma_wait3A_309, %dma_wait3A_310] : memref<8x128x32xf32, #tpu.memory_space<vmem>> -> memref<1x128x32xf32, #tpu.memory_space<vmem>>
      %dma_wait3A_312 = tpu.memref_squeeze %dma_wait3A_311 : memref<1x128x32xf32, #tpu.memory_space<vmem>> -> memref<128x32xf32, #tpu.memory_space<vmem>>
      %dma_wait3A_313 = arith.constant 0 : i32
      %dma_wait3A_314 = arith.constant 0 : i32
      %dma_wait3A_315 = tpu.memref_slice %arg5[%dma_wait3A_313, %dma_wait3A_314] : memref<10240x32xf32, #tpu.memory_space<hbm>> -> memref<128x32xf32, #tpu.memory_space<hbm>>
      tpu.wait_dma2 semaphore(%arg18 : memref<!tpu.dma_semaphore, #tpu.memory_space<semaphore_mem>>) src(%dma_wait3A_315 : memref<128x32xf32, #tpu.memory_space<hbm>>) dst(%dma_wait3A_312 : memref<128x32xf32, #tpu.memory_space<vmem>>)
      %dma_wait3A_316 = arith.constant 1 : i32
      %dma_wait3A_317 = arith.constant 0 : i32
      %dma_wait3A_318 = arith.constant 0 : i32
      %dma_wait3A_319 = tpu.memref_slice %arg12[%dma_wait3A_316, %dma_wait3A_317, %dma_wait3A_318] : memref<8x128x32xf32, #tpu.memory_space<vmem>> -> memref<1x128x32xf32, #tpu.memory_space<vmem>>
      %dma_wait3A_320 = tpu.memref_squeeze %dma_wait3A_319 : memref<1x128x32xf32, #tpu.memory_space<vmem>> -> memref<128x32xf32, #tpu.memory_space<vmem>>
      %dma_wait3A_321 = arith.constant 0 : i32
      %dma_wait3A_322 = arith.constant 0 : i32
      %dma_wait3A_323 = tpu.memref_slice %arg5[%dma_wait3A_321, %dma_wait3A_322] : memref<10240x32xf32, #tpu.memory_space<hbm>> -> memref<128x32xf32, #tpu.memory_space<hbm>>
      %dma_wait3A_324 = arith.constant 0 : i32
      %dma_wait3A_325 = arith.constant 0 : i32
      %dma_wait3A_326 = tpu.memref_slice %arg12[%dma_wait3A_316, %dma_wait3A_324, %dma_wait3A_325] : memref<8x128x32xf32, #tpu.memory_space<vmem>> -> memref<1x128x32xf32, #tpu.memory_space<vmem>>
      %dma_wait3A_327 = tpu.memref_squeeze %dma_wait3A_326 : memref<1x128x32xf32, #tpu.memory_space<vmem>> -> memref<128x32xf32, #tpu.memory_space<vmem>>
      %dma_wait3A_328 = arith.constant 0 : i32
      %dma_wait3A_329 = arith.constant 0 : i32
      %dma_wait3A_330 = tpu.memref_slice %arg5[%dma_wait3A_328, %dma_wait3A_329] : memref<10240x32xf32, #tpu.memory_space<hbm>> -> memref<128x32xf32, #tpu.memory_space<hbm>>
      tpu.wait_dma2 semaphore(%arg18 : memref<!tpu.dma_semaphore, #tpu.memory_space<semaphore_mem>>) src(%dma_wait3A_330 : memref<128x32xf32, #tpu.memory_space<hbm>>) dst(%dma_wait3A_327 : memref<128x32xf32, #tpu.memory_space<vmem>>)
      %dma_wait3A_331 = arith.constant 2 : i32
      %dma_wait3A_332 = arith.constant 0 : i32
      %dma_wait3A_333 = arith.constant 0 : i32
      %dma_wait3A_334 = tpu.memref_slice %arg12[%dma_wait3A_331, %dma_wait3A_332, %dma_wait3A_333] : memref<8x128x32xf32, #tpu.memory_space<vmem>> -> memref<1x128x32xf32, #tpu.memory_space<vmem>>
      %dma_wait3A_335 = tpu.memref_squeeze %dma_wait3A_334 : memref<1x128x32xf32, #tpu.memory_space<vmem>> -> memref<128x32xf32, #tpu.memory_space<vmem>>
      %dma_wait3A_336 = arith.constant 0 : i32
      %dma_wait3A_337 = arith.constant 0 : i32
      %dma_wait3A_338 = tpu.memref_slice %arg5[%dma_wait3A_336, %dma_wait3A_337] : memref<10240x32xf32, #tpu.memory_space<hbm>> -> memref<128x32xf32, #tpu.memory_space<hbm>>
      %dma_wait3A_339 = arith.constant 0 : i32
      %dma_wait3A_340 = arith.constant 0 : i32
      %dma_wait3A_341 = tpu.memref_slice %arg12[%dma_wait3A_331, %dma_wait3A_339, %dma_wait3A_340] : memref<8x128x32xf32, #tpu.memory_space<vmem>> -> memref<1x128x32xf32, #tpu.memory_space<vmem>>
      %dma_wait3A_342 = tpu.memref_squeeze %dma_wait3A_341 : memref<1x128x32xf32, #tpu.memory_space<vmem>> -> memref<128x32xf32, #tpu.memory_space<vmem>>
      %dma_wait3A_343 = arith.constant 0 : i32
      %dma_wait3A_344 = arith.constant 0 : i32
      %dma_wait3A_345 = tpu.memref_slice %arg5[%dma_wait3A_343, %dma_wait3A_344] : memref<10240x32xf32, #tpu.memory_space<hbm>> -> memref<128x32xf32, #tpu.memory_space<hbm>>
      tpu.wait_dma2 semaphore(%arg18 : memref<!tpu.dma_semaphore, #tpu.memory_space<semaphore_mem>>) src(%dma_wait3A_345 : memref<128x32xf32, #tpu.memory_space<hbm>>) dst(%dma_wait3A_342 : memref<128x32xf32, #tpu.memory_space<vmem>>)
      %dma_wait3A_346 = arith.constant 3 : i32
      %dma_wait3A_347 = arith.constant 0 : i32
      %dma_wait3A_348 = arith.constant 0 : i32
      %dma_wait3A_349 = tpu.memref_slice %arg12[%dma_wait3A_346, %dma_wait3A_347, %dma_wait3A_348] : memref<8x128x32xf32, #tpu.memory_space<vmem>> -> memref<1x128x32xf32, #tpu.memory_space<vmem>>
      %dma_wait3A_350 = tpu.memref_squeeze %dma_wait3A_349 : memref<1x128x32xf32, #tpu.memory_space<vmem>> -> memref<128x32xf32, #tpu.memory_space<vmem>>
      %dma_wait3A_351 = arith.constant 0 : i32
      %dma_wait3A_352 = arith.constant 0 : i32
      %dma_wait3A_353 = tpu.memref_slice %arg5[%dma_wait3A_351, %dma_wait3A_352] : memref<10240x32xf32, #tpu.memory_space<hbm>> -> memref<128x32xf32, #tpu.memory_space<hbm>>
      %dma_wait3A_354 = arith.constant 0 : i32
      %dma_wait3A_355 = arith.constant 0 : i32
      %dma_wait3A_356 = tpu.memref_slice %arg12[%dma_wait3A_346, %dma_wait3A_354, %dma_wait3A_355] : memref<8x128x32xf32, #tpu.memory_space<vmem>> -> memref<1x128x32xf32, #tpu.memory_space<vmem>>
      %dma_wait3A_357 = tpu.memref_squeeze %dma_wait3A_356 : memref<1x128x32xf32, #tpu.memory_space<vmem>> -> memref<128x32xf32, #tpu.memory_space<vmem>>
      %dma_wait3A_358 = arith.constant 0 : i32
      %dma_wait3A_359 = arith.constant 0 : i32
      %dma_wait3A_360 = tpu.memref_slice %arg5[%dma_wait3A_358, %dma_wait3A_359] : memref<10240x32xf32, #tpu.memory_space<hbm>> -> memref<128x32xf32, #tpu.memory_space<hbm>>
      tpu.wait_dma2 semaphore(%arg18 : memref<!tpu.dma_semaphore, #tpu.memory_space<semaphore_mem>>) src(%dma_wait3A_360 : memref<128x32xf32, #tpu.memory_space<hbm>>) dst(%dma_wait3A_357 : memref<128x32xf32, #tpu.memory_space<vmem>>)
      %mul3A_361 = arith.constant 4 : i32
      %mul3A_362 = arith.muli %mul3A_238, %mul3A_361 : i32
      %add3A_363 = arith.constant 0 : i32
      %add3A_364 = arith.addi %mul3A_362, %add3A_363 : i32
      %dma_start3A_365 = arith.constant 0 : i32
      %dma_start3A_366 = arith.constant 0 : i32
      %dma_start3A_367 = arith.constant 0 : i32
      %dma_start3A_368 = tpu.memref_slice %arg12[%dma_start3A_365, %dma_start3A_366, %dma_start3A_367] : memref<8x128x32xf32, #tpu.memory_space<vmem>> -> memref<1x128x32xf32, #tpu.memory_space<vmem>>
      %dma_start3A_369 = tpu.memref_squeeze %dma_start3A_368 : memref<1x128x32xf32, #tpu.memory_space<vmem>> -> memref<128x32xf32, #tpu.memory_space<vmem>>
      %dma_start3A_370 = arith.constant 0 : i32
      %dma_start3A_371 = tpu.memref_slice %arg11[%add3A_364, %dma_start3A_370] : memref<164x128xi32, #tpu.memory_space<vmem>> -> memref<1x128xi32, #tpu.memory_space<vmem>>
      %dma_start3A_372 = tpu.memref_squeeze %dma_start3A_371 : memref<1x128xi32, #tpu.memory_space<vmem>> -> memref<128xi32, #tpu.memory_space<vmem>>
      %dma_start3A_373 = arith.constant 0 : i32
      %dma_start3A_374 = arith.constant 0 : i32
      %dma_start3A_375 = tpu.memref_slice %arg16[%dma_start3A_373, %dma_start3A_374] : memref<10240x32xf32, #tpu.memory_space<vmem_shared>> -> memref<10240x32xf32, #tpu.memory_space<vmem_shared>>
      tpu.enqueue_indirect_dma source(%dma_start3A_369 : memref<128x32xf32, #tpu.memory_space<vmem>>) target(%dma_start3A_375 : memref<10240x32xf32, #tpu.memory_space<vmem_shared>>) offsets(%dma_start3A_372 : memref<128xi32, #tpu.memory_space<vmem>>) semaphore(%arg20 : memref<!tpu.dma_semaphore, #tpu.memory_space<semaphore_mem>>) {add = true}
      %mul3A_376 = arith.constant 4 : i32
      %mul3A_377 = arith.muli %mul3A_238, %mul3A_376 : i32
      %add3A_378 = arith.constant 1 : i32
      %add3A_379 = arith.addi %mul3A_377, %add3A_378 : i32
      %dma_start3A_380 = arith.constant 1 : i32
      %dma_start3A_381 = arith.constant 0 : i32
      %dma_start3A_382 = arith.constant 0 : i32
      %dma_start3A_383 = tpu.memref_slice %arg12[%dma_start3A_380, %dma_start3A_381, %dma_start3A_382] : memref<8x128x32xf32, #tpu.memory_space<vmem>> -> memref<1x128x32xf32, #tpu.memory_space<vmem>>
      %dma_start3A_384 = tpu.memref_squeeze %dma_start3A_383 : memref<1x128x32xf32, #tpu.memory_space<vmem>> -> memref<128x32xf32, #tpu.memory_space<vmem>>
      %dma_start3A_385 = arith.constant 0 : i32
      %dma_start3A_386 = tpu.memref_slice %arg11[%add3A_379, %dma_start3A_385] : memref<164x128xi32, #tpu.memory_space<vmem>> -> memref<1x128xi32, #tpu.memory_space<vmem>>
      %dma_start3A_387 = tpu.memref_squeeze %dma_start3A_386 : memref<1x128xi32, #tpu.memory_space<vmem>> -> memref<128xi32, #tpu.memory_space<vmem>>
      %dma_start3A_388 = arith.constant 0 : i32
      %dma_start3A_389 = arith.constant 0 : i32
      %dma_start3A_390 = tpu.memref_slice %arg16[%dma_start3A_388, %dma_start3A_389] : memref<10240x32xf32, #tpu.memory_space<vmem_shared>> -> memref<10240x32xf32, #tpu.memory_space<vmem_shared>>
      tpu.enqueue_indirect_dma source(%dma_start3A_384 : memref<128x32xf32, #tpu.memory_space<vmem>>) target(%dma_start3A_390 : memref<10240x32xf32, #tpu.memory_space<vmem_shared>>) offsets(%dma_start3A_387 : memref<128xi32, #tpu.memory_space<vmem>>) semaphore(%arg20 : memref<!tpu.dma_semaphore, #tpu.memory_space<semaphore_mem>>) {add = true}
      %mul3A_391 = arith.constant 4 : i32
      %mul3A_392 = arith.muli %mul3A_238, %mul3A_391 : i32
      %add3A_393 = arith.constant 2 : i32
      %add3A_394 = arith.addi %mul3A_392, %add3A_393 : i32
      %dma_start3A_395 = arith.constant 2 : i32
      %dma_start3A_396 = arith.constant 0 : i32
      %dma_start3A_397 = arith.constant 0 : i32
      %dma_start3A_398 = tpu.memref_slice %arg12[%dma_start3A_395, %dma_start3A_396, %dma_start3A_397] : memref<8x128x32xf32, #tpu.memory_space<vmem>> -> memref<1x128x32xf32, #tpu.memory_space<vmem>>
      %dma_start3A_399 = tpu.memref_squeeze %dma_start3A_398 : memref<1x128x32xf32, #tpu.memory_space<vmem>> -> memref<128x32xf32, #tpu.memory_space<vmem>>
      %dma_start3A_400 = arith.constant 0 : i32
      %dma_start3A_401 = tpu.memref_slice %arg11[%add3A_394, %dma_start3A_400] : memref<164x128xi32, #tpu.memory_space<vmem>> -> memref<1x128xi32, #tpu.memory_space<vmem>>
      %dma_start3A_402 = tpu.memref_squeeze %dma_start3A_401 : memref<1x128xi32, #tpu.memory_space<vmem>> -> memref<128xi32, #tpu.memory_space<vmem>>
      %dma_start3A_403 = arith.constant 0 : i32
      %dma_start3A_404 = arith.constant 0 : i32
      %dma_start3A_405 = tpu.memref_slice %arg16[%dma_start3A_403, %dma_start3A_404] : memref<10240x32xf32, #tpu.memory_space<vmem_shared>> -> memref<10240x32xf32, #tpu.memory_space<vmem_shared>>
      tpu.enqueue_indirect_dma source(%dma_start3A_399 : memref<128x32xf32, #tpu.memory_space<vmem>>) target(%dma_start3A_405 : memref<10240x32xf32, #tpu.memory_space<vmem_shared>>) offsets(%dma_start3A_402 : memref<128xi32, #tpu.memory_space<vmem>>) semaphore(%arg20 : memref<!tpu.dma_semaphore, #tpu.memory_space<semaphore_mem>>) {add = true}
      %mul3A_406 = arith.constant 4 : i32
      %mul3A_407 = arith.muli %mul3A_238, %mul3A_406 : i32
      %add3A_408 = arith.constant 3 : i32
      %add3A_409 = arith.addi %mul3A_407, %add3A_408 : i32
      %dma_start3A_410 = arith.constant 3 : i32
      %dma_start3A_411 = arith.constant 0 : i32
      %dma_start3A_412 = arith.constant 0 : i32
      %dma_start3A_413 = tpu.memref_slice %arg12[%dma_start3A_410, %dma_start3A_411, %dma_start3A_412] : memref<8x128x32xf32, #tpu.memory_space<vmem>> -> memref<1x128x32xf32, #tpu.memory_space<vmem>>
      %dma_start3A_414 = tpu.memref_squeeze %dma_start3A_413 : memref<1x128x32xf32, #tpu.memory_space<vmem>> -> memref<128x32xf32, #tpu.memory_space<vmem>>
      %dma_start3A_415 = arith.constant 0 : i32
      %dma_start3A_416 = tpu.memref_slice %arg11[%add3A_409, %dma_start3A_415] : memref<164x128xi32, #tpu.memory_space<vmem>> -> memref<1x128xi32, #tpu.memory_space<vmem>>
      %dma_start3A_417 = tpu.memref_squeeze %dma_start3A_416 : memref<1x128xi32, #tpu.memory_space<vmem>> -> memref<128xi32, #tpu.memory_space<vmem>>
      %dma_start3A_418 = arith.constant 0 : i32
      %dma_start3A_419 = arith.constant 0 : i32
      %dma_start3A_420 = tpu.memref_slice %arg16[%dma_start3A_418, %dma_start3A_419] : memref<10240x32xf32, #tpu.memory_space<vmem_shared>> -> memref<10240x32xf32, #tpu.memory_space<vmem_shared>>
      tpu.enqueue_indirect_dma source(%dma_start3A_414 : memref<128x32xf32, #tpu.memory_space<vmem>>) target(%dma_start3A_420 : memref<10240x32xf32, #tpu.memory_space<vmem_shared>>) offsets(%dma_start3A_417 : memref<128xi32, #tpu.memory_space<vmem>>) semaphore(%arg20 : memref<!tpu.dma_semaphore, #tpu.memory_space<semaphore_mem>>) {add = true}
      %dma_wait3A_421 = arith.constant 0 : i32
      %dma_wait3A_422 = arith.constant 0 : i32
      %dma_wait3A_423 = arith.constant 0 : i32
      %dma_wait3A_424 = tpu.memref_slice %arg12[%dma_wait3A_421, %dma_wait3A_422, %dma_wait3A_423] : memref<8x128x32xf32, #tpu.memory_space<vmem>> -> memref<1x128x32xf32, #tpu.memory_space<vmem>>
      %dma_wait3A_425 = tpu.memref_squeeze %dma_wait3A_424 : memref<1x128x32xf32, #tpu.memory_space<vmem>> -> memref<128x32xf32, #tpu.memory_space<vmem>>
      %dma_wait3A_426 = arith.constant 0 : i32
      %dma_wait3A_427 = tpu.memref_slice %arg11[%add3A_364, %dma_wait3A_426] : memref<164x128xi32, #tpu.memory_space<vmem>> -> memref<1x128xi32, #tpu.memory_space<vmem>>
      %dma_wait3A_428 = tpu.memref_squeeze %dma_wait3A_427 : memref<1x128xi32, #tpu.memory_space<vmem>> -> memref<128xi32, #tpu.memory_space<vmem>>
      %dma_wait3A_429 = arith.constant 0 : i32
      %dma_wait3A_430 = arith.constant 0 : i32
      %dma_wait3A_431 = tpu.memref_slice %arg16[%dma_wait3A_429, %dma_wait3A_430] : memref<10240x32xf32, #tpu.memory_space<vmem_shared>> -> memref<10240x32xf32, #tpu.memory_space<vmem_shared>>
      tpu.wait_indirect_dma semaphore(%arg20 : memref<!tpu.dma_semaphore, #tpu.memory_space<semaphore_mem>>) src(%dma_wait3A_425 : memref<128x32xf32, #tpu.memory_space<vmem>>) dst(%dma_wait3A_431 : memref<10240x32xf32, #tpu.memory_space<vmem_shared>>)
      %dma_wait3A_432 = arith.constant 1 : i32
      %dma_wait3A_433 = arith.constant 0 : i32
      %dma_wait3A_434 = arith.constant 0 : i32
      %dma_wait3A_435 = tpu.memref_slice %arg12[%dma_wait3A_432, %dma_wait3A_433, %dma_wait3A_434] : memref<8x128x32xf32, #tpu.memory_space<vmem>> -> memref<1x128x32xf32, #tpu.memory_space<vmem>>
      %dma_wait3A_436 = tpu.memref_squeeze %dma_wait3A_435 : memref<1x128x32xf32, #tpu.memory_space<vmem>> -> memref<128x32xf32, #tpu.memory_space<vmem>>
      %dma_wait3A_437 = arith.constant 0 : i32
      %dma_wait3A_438 = tpu.memref_slice %arg11[%add3A_379, %dma_wait3A_437] : memref<164x128xi32, #tpu.memory_space<vmem>> -> memref<1x128xi32, #tpu.memory_space<vmem>>
      %dma_wait3A_439 = tpu.memref_squeeze %dma_wait3A_438 : memref<1x128xi32, #tpu.memory_space<vmem>> -> memref<128xi32, #tpu.memory_space<vmem>>
      %dma_wait3A_440 = arith.constant 0 : i32
      %dma_wait3A_441 = arith.constant 0 : i32
      %dma_wait3A_442 = tpu.memref_slice %arg16[%dma_wait3A_440, %dma_wait3A_441] : memref<10240x32xf32, #tpu.memory_space<vmem_shared>> -> memref<10240x32xf32, #tpu.memory_space<vmem_shared>>
      tpu.wait_indirect_dma semaphore(%arg20 : memref<!tpu.dma_semaphore, #tpu.memory_space<semaphore_mem>>) src(%dma_wait3A_436 : memref<128x32xf32, #tpu.memory_space<vmem>>) dst(%dma_wait3A_442 : memref<10240x32xf32, #tpu.memory_space<vmem_shared>>)
      %dma_wait3A_443 = arith.constant 2 : i32
      %dma_wait3A_444 = arith.constant 0 : i32
      %dma_wait3A_445 = arith.constant 0 : i32
      %dma_wait3A_446 = tpu.memref_slice %arg12[%dma_wait3A_443, %dma_wait3A_444, %dma_wait3A_445] : memref<8x128x32xf32, #tpu.memory_space<vmem>> -> memref<1x128x32xf32, #tpu.memory_space<vmem>>
      %dma_wait3A_447 = tpu.memref_squeeze %dma_wait3A_446 : memref<1x128x32xf32, #tpu.memory_space<vmem>> -> memref<128x32xf32, #tpu.memory_space<vmem>>
      %dma_wait3A_448 = arith.constant 0 : i32
      %dma_wait3A_449 = tpu.memref_slice %arg11[%add3A_394, %dma_wait3A_448] : memref<164x128xi32, #tpu.memory_space<vmem>> -> memref<1x128xi32, #tpu.memory_space<vmem>>
      %dma_wait3A_450 = tpu.memref_squeeze %dma_wait3A_449 : memref<1x128xi32, #tpu.memory_space<vmem>> -> memref<128xi32, #tpu.memory_space<vmem>>
      %dma_wait3A_451 = arith.constant 0 : i32
      %dma_wait3A_452 = arith.constant 0 : i32
      %dma_wait3A_453 = tpu.memref_slice %arg16[%dma_wait3A_451, %dma_wait3A_452] : memref<10240x32xf32, #tpu.memory_space<vmem_shared>> -> memref<10240x32xf32, #tpu.memory_space<vmem_shared>>
      tpu.wait_indirect_dma semaphore(%arg20 : memref<!tpu.dma_semaphore, #tpu.memory_space<semaphore_mem>>) src(%dma_wait3A_447 : memref<128x32xf32, #tpu.memory_space<vmem>>) dst(%dma_wait3A_453 : memref<10240x32xf32, #tpu.memory_space<vmem_shared>>)
      %dma_wait3A_454 = arith.constant 3 : i32
      %dma_wait3A_455 = arith.constant 0 : i32
      %dma_wait3A_456 = arith.constant 0 : i32
      %dma_wait3A_457 = tpu.memref_slice %arg12[%dma_wait3A_454, %dma_wait3A_455, %dma_wait3A_456] : memref<8x128x32xf32, #tpu.memory_space<vmem>> -> memref<1x128x32xf32, #tpu.memory_space<vmem>>
      %dma_wait3A_458 = tpu.memref_squeeze %dma_wait3A_457 : memref<1x128x32xf32, #tpu.memory_space<vmem>> -> memref<128x32xf32, #tpu.memory_space<vmem>>
      %dma_wait3A_459 = arith.constant 0 : i32
      %dma_wait3A_460 = tpu.memref_slice %arg11[%add3A_409, %dma_wait3A_459] : memref<164x128xi32, #tpu.memory_space<vmem>> -> memref<1x128xi32, #tpu.memory_space<vmem>>
      %dma_wait3A_461 = tpu.memref_squeeze %dma_wait3A_460 : memref<1x128xi32, #tpu.memory_space<vmem>> -> memref<128xi32, #tpu.memory_space<vmem>>
      %dma_wait3A_462 = arith.constant 0 : i32
      %dma_wait3A_463 = arith.constant 0 : i32
      %dma_wait3A_464 = tpu.memref_slice %arg16[%dma_wait3A_462, %dma_wait3A_463] : memref<10240x32xf32, #tpu.memory_space<vmem_shared>> -> memref<10240x32xf32, #tpu.memory_space<vmem_shared>>
      tpu.wait_indirect_dma semaphore(%arg20 : memref<!tpu.dma_semaphore, #tpu.memory_space<semaphore_mem>>) src(%dma_wait3A_458 : memref<128x32xf32, #tpu.memory_space<vmem>>) dst(%dma_wait3A_464 : memref<10240x32xf32, #tpu.memory_space<vmem_shared>>)
      %add3A_465 = arith.constant 2 : i32
      %add3A_466 = arith.addi %mul3A_238, %add3A_465 : i32
      %mul3A_467 = arith.constant 4 : i32
      %mul3A_468 = arith.muli %add3A_466, %mul3A_467 : i32
      %add3A_469 = arith.constant 0 : i32
      %add3A_470 = arith.addi %mul3A_468, %add3A_469 : i32
      %dma_start3A_471 = arith.constant 0 : i32
      %dma_start3A_472 = arith.constant 0 : i32
      %dma_start3A_473 = arith.constant 0 : i32
      %dma_start3A_474 = tpu.memref_slice %arg12[%dma_start3A_471, %dma_start3A_472, %dma_start3A_473] : memref<8x128x32xf32, #tpu.memory_space<vmem>> -> memref<1x128x32xf32, #tpu.memory_space<vmem>>
      %dma_start3A_475 = tpu.memref_squeeze %dma_start3A_474 : memref<1x128x32xf32, #tpu.memory_space<vmem>> -> memref<128x32xf32, #tpu.memory_space<vmem>>
      %dma_start3A_476 = arith.constant 0 : i32
      %dma_start3A_477 = tpu.memref_slice %arg10[%add3A_470, %dma_start3A_476] : memref<164x128xi32, #tpu.memory_space<vmem>> -> memref<1x128xi32, #tpu.memory_space<vmem>>
      %dma_start3A_478 = tpu.memref_squeeze %dma_start3A_477 : memref<1x128xi32, #tpu.memory_space<vmem>> -> memref<128xi32, #tpu.memory_space<vmem>>
      %dma_start3A_479 = arith.constant 0 : i32
      %dma_start3A_480 = arith.constant 0 : i32
      %dma_start3A_481 = tpu.memref_slice %arg17[%dma_start3A_479, %dma_start3A_480] : memref<10240x32xf32, #tpu.memory_space<vmem_shared>> -> memref<10240x32xf32, #tpu.memory_space<vmem_shared>>
      tpu.enqueue_indirect_dma source(%dma_start3A_481 : memref<10240x32xf32, #tpu.memory_space<vmem_shared>>) target(%dma_start3A_475 : memref<128x32xf32, #tpu.memory_space<vmem>>) offsets(%dma_start3A_478 : memref<128xi32, #tpu.memory_space<vmem>>) semaphore(%arg18 : memref<!tpu.dma_semaphore, #tpu.memory_space<semaphore_mem>>)
      %mul3A_482 = arith.constant 4 : i32
      %mul3A_483 = arith.muli %add3A_466, %mul3A_482 : i32
      %add3A_484 = arith.constant 1 : i32
      %add3A_485 = arith.addi %mul3A_483, %add3A_484 : i32
      %dma_start3A_486 = arith.constant 1 : i32
      %dma_start3A_487 = arith.constant 0 : i32
      %dma_start3A_488 = arith.constant 0 : i32
      %dma_start3A_489 = tpu.memref_slice %arg12[%dma_start3A_486, %dma_start3A_487, %dma_start3A_488] : memref<8x128x32xf32, #tpu.memory_space<vmem>> -> memref<1x128x32xf32, #tpu.memory_space<vmem>>
      %dma_start3A_490 = tpu.memref_squeeze %dma_start3A_489 : memref<1x128x32xf32, #tpu.memory_space<vmem>> -> memref<128x32xf32, #tpu.memory_space<vmem>>
      %dma_start3A_491 = arith.constant 0 : i32
      %dma_start3A_492 = tpu.memref_slice %arg10[%add3A_485, %dma_start3A_491] : memref<164x128xi32, #tpu.memory_space<vmem>> -> memref<1x128xi32, #tpu.memory_space<vmem>>
      %dma_start3A_493 = tpu.memref_squeeze %dma_start3A_492 : memref<1x128xi32, #tpu.memory_space<vmem>> -> memref<128xi32, #tpu.memory_space<vmem>>
      %dma_start3A_494 = arith.constant 0 : i32
      %dma_start3A_495 = arith.constant 0 : i32
      %dma_start3A_496 = tpu.memref_slice %arg17[%dma_start3A_494, %dma_start3A_495] : memref<10240x32xf32, #tpu.memory_space<vmem_shared>> -> memref<10240x32xf32, #tpu.memory_space<vmem_shared>>
      tpu.enqueue_indirect_dma source(%dma_start3A_496 : memref<10240x32xf32, #tpu.memory_space<vmem_shared>>) target(%dma_start3A_490 : memref<128x32xf32, #tpu.memory_space<vmem>>) offsets(%dma_start3A_493 : memref<128xi32, #tpu.memory_space<vmem>>) semaphore(%arg18 : memref<!tpu.dma_semaphore, #tpu.memory_space<semaphore_mem>>)
      %mul3A_497 = arith.constant 4 : i32
      %mul3A_498 = arith.muli %add3A_466, %mul3A_497 : i32
      %add3A_499 = arith.constant 2 : i32
      %add3A_500 = arith.addi %mul3A_498, %add3A_499 : i32
      %dma_start3A_501 = arith.constant 2 : i32
      %dma_start3A_502 = arith.constant 0 : i32
      %dma_start3A_503 = arith.constant 0 : i32
      %dma_start3A_504 = tpu.memref_slice %arg12[%dma_start3A_501, %dma_start3A_502, %dma_start3A_503] : memref<8x128x32xf32, #tpu.memory_space<vmem>> -> memref<1x128x32xf32, #tpu.memory_space<vmem>>
      %dma_start3A_505 = tpu.memref_squeeze %dma_start3A_504 : memref<1x128x32xf32, #tpu.memory_space<vmem>> -> memref<128x32xf32, #tpu.memory_space<vmem>>
      %dma_start3A_506 = arith.constant 0 : i32
      %dma_start3A_507 = tpu.memref_slice %arg10[%add3A_500, %dma_start3A_506] : memref<164x128xi32, #tpu.memory_space<vmem>> -> memref<1x128xi32, #tpu.memory_space<vmem>>
      %dma_start3A_508 = tpu.memref_squeeze %dma_start3A_507 : memref<1x128xi32, #tpu.memory_space<vmem>> -> memref<128xi32, #tpu.memory_space<vmem>>
      %dma_start3A_509 = arith.constant 0 : i32
      %dma_start3A_510 = arith.constant 0 : i32
      %dma_start3A_511 = tpu.memref_slice %arg17[%dma_start3A_509, %dma_start3A_510] : memref<10240x32xf32, #tpu.memory_space<vmem_shared>> -> memref<10240x32xf32, #tpu.memory_space<vmem_shared>>
      tpu.enqueue_indirect_dma source(%dma_start3A_511 : memref<10240x32xf32, #tpu.memory_space<vmem_shared>>) target(%dma_start3A_505 : memref<128x32xf32, #tpu.memory_space<vmem>>) offsets(%dma_start3A_508 : memref<128xi32, #tpu.memory_space<vmem>>) semaphore(%arg18 : memref<!tpu.dma_semaphore, #tpu.memory_space<semaphore_mem>>)
      %mul3A_512 = arith.constant 4 : i32
      %mul3A_513 = arith.muli %add3A_466, %mul3A_512 : i32
      %add3A_514 = arith.constant 3 : i32
      %add3A_515 = arith.addi %mul3A_513, %add3A_514 : i32
      %dma_start3A_516 = arith.constant 3 : i32
      %dma_start3A_517 = arith.constant 0 : i32
      %dma_start3A_518 = arith.constant 0 : i32
      %dma_start3A_519 = tpu.memref_slice %arg12[%dma_start3A_516, %dma_start3A_517, %dma_start3A_518] : memref<8x128x32xf32, #tpu.memory_space<vmem>> -> memref<1x128x32xf32, #tpu.memory_space<vmem>>
      %dma_start3A_520 = tpu.memref_squeeze %dma_start3A_519 : memref<1x128x32xf32, #tpu.memory_space<vmem>> -> memref<128x32xf32, #tpu.memory_space<vmem>>
      %dma_start3A_521 = arith.constant 0 : i32
      %dma_start3A_522 = tpu.memref_slice %arg10[%add3A_515, %dma_start3A_521] : memref<164x128xi32, #tpu.memory_space<vmem>> -> memref<1x128xi32, #tpu.memory_space<vmem>>
      %dma_start3A_523 = tpu.memref_squeeze %dma_start3A_522 : memref<1x128xi32, #tpu.memory_space<vmem>> -> memref<128xi32, #tpu.memory_space<vmem>>
      %dma_start3A_524 = arith.constant 0 : i32
      %dma_start3A_525 = arith.constant 0 : i32
      %dma_start3A_526 = tpu.memref_slice %arg17[%dma_start3A_524, %dma_start3A_525] : memref<10240x32xf32, #tpu.memory_space<vmem_shared>> -> memref<10240x32xf32, #tpu.memory_space<vmem_shared>>
      tpu.enqueue_indirect_dma source(%dma_start3A_526 : memref<10240x32xf32, #tpu.memory_space<vmem_shared>>) target(%dma_start3A_520 : memref<128x32xf32, #tpu.memory_space<vmem>>) offsets(%dma_start3A_523 : memref<128xi32, #tpu.memory_space<vmem>>) semaphore(%arg18 : memref<!tpu.dma_semaphore, #tpu.memory_space<semaphore_mem>>)
      %dma_wait3A_527 = arith.constant 4 : i32
      %dma_wait3A_528 = arith.constant 0 : i32
      %dma_wait3A_529 = arith.constant 0 : i32
      %dma_wait3A_530 = tpu.memref_slice %arg12[%dma_wait3A_527, %dma_wait3A_528, %dma_wait3A_529] : memref<8x128x32xf32, #tpu.memory_space<vmem>> -> memref<1x128x32xf32, #tpu.memory_space<vmem>>
      %dma_wait3A_531 = tpu.memref_squeeze %dma_wait3A_530 : memref<1x128x32xf32, #tpu.memory_space<vmem>> -> memref<128x32xf32, #tpu.memory_space<vmem>>
      %dma_wait3A_532 = arith.constant 0 : i32
      %dma_wait3A_533 = arith.constant 0 : i32
      %dma_wait3A_534 = tpu.memref_slice %arg5[%dma_wait3A_532, %dma_wait3A_533] : memref<10240x32xf32, #tpu.memory_space<hbm>> -> memref<128x32xf32, #tpu.memory_space<hbm>>
      %dma_wait3A_535 = arith.constant 0 : i32
      %dma_wait3A_536 = arith.constant 0 : i32
      %dma_wait3A_537 = tpu.memref_slice %arg12[%dma_wait3A_527, %dma_wait3A_535, %dma_wait3A_536] : memref<8x128x32xf32, #tpu.memory_space<vmem>> -> memref<1x128x32xf32, #tpu.memory_space<vmem>>
      %dma_wait3A_538 = tpu.memref_squeeze %dma_wait3A_537 : memref<1x128x32xf32, #tpu.memory_space<vmem>> -> memref<128x32xf32, #tpu.memory_space<vmem>>
      %dma_wait3A_539 = arith.constant 0 : i32
      %dma_wait3A_540 = arith.constant 0 : i32
      %dma_wait3A_541 = tpu.memref_slice %arg5[%dma_wait3A_539, %dma_wait3A_540] : memref<10240x32xf32, #tpu.memory_space<hbm>> -> memref<128x32xf32, #tpu.memory_space<hbm>>
      tpu.wait_dma2 semaphore(%arg19 : memref<!tpu.dma_semaphore, #tpu.memory_space<semaphore_mem>>) src(%dma_wait3A_541 : memref<128x32xf32, #tpu.memory_space<hbm>>) dst(%dma_wait3A_538 : memref<128x32xf32, #tpu.memory_space<vmem>>)
      %dma_wait3A_542 = arith.constant 5 : i32
      %dma_wait3A_543 = arith.constant 0 : i32
      %dma_wait3A_544 = arith.constant 0 : i32
      %dma_wait3A_545 = tpu.memref_slice %arg12[%dma_wait3A_542, %dma_wait3A_543, %dma_wait3A_544] : memref<8x128x32xf32, #tpu.memory_space<vmem>> -> memref<1x128x32xf32, #tpu.memory_space<vmem>>
      %dma_wait3A_546 = tpu.memref_squeeze %dma_wait3A_545 : memref<1x128x32xf32, #tpu.memory_space<vmem>> -> memref<128x32xf32, #tpu.memory_space<vmem>>
      %dma_wait3A_547 = arith.constant 0 : i32
      %dma_wait3A_548 = arith.constant 0 : i32
      %dma_wait3A_549 = tpu.memref_slice %arg5[%dma_wait3A_547, %dma_wait3A_548] : memref<10240x32xf32, #tpu.memory_space<hbm>> -> memref<128x32xf32, #tpu.memory_space<hbm>>
      %dma_wait3A_550 = arith.constant 0 : i32
      %dma_wait3A_551 = arith.constant 0 : i32
      %dma_wait3A_552 = tpu.memref_slice %arg12[%dma_wait3A_542, %dma_wait3A_550, %dma_wait3A_551] : memref<8x128x32xf32, #tpu.memory_space<vmem>> -> memref<1x128x32xf32, #tpu.memory_space<vmem>>
      %dma_wait3A_553 = tpu.memref_squeeze %dma_wait3A_552 : memref<1x128x32xf32, #tpu.memory_space<vmem>> -> memref<128x32xf32, #tpu.memory_space<vmem>>
      %dma_wait3A_554 = arith.constant 0 : i32
      %dma_wait3A_555 = arith.constant 0 : i32
      %dma_wait3A_556 = tpu.memref_slice %arg5[%dma_wait3A_554, %dma_wait3A_555] : memref<10240x32xf32, #tpu.memory_space<hbm>> -> memref<128x32xf32, #tpu.memory_space<hbm>>
      tpu.wait_dma2 semaphore(%arg19 : memref<!tpu.dma_semaphore, #tpu.memory_space<semaphore_mem>>) src(%dma_wait3A_556 : memref<128x32xf32, #tpu.memory_space<hbm>>) dst(%dma_wait3A_553 : memref<128x32xf32, #tpu.memory_space<vmem>>)
      %dma_wait3A_557 = arith.constant 6 : i32
      %dma_wait3A_558 = arith.constant 0 : i32
      %dma_wait3A_559 = arith.constant 0 : i32
      %dma_wait3A_560 = tpu.memref_slice %arg12[%dma_wait3A_557, %dma_wait3A_558, %dma_wait3A_559] : memref<8x128x32xf32, #tpu.memory_space<vmem>> -> memref<1x128x32xf32, #tpu.memory_space<vmem>>
      %dma_wait3A_561 = tpu.memref_squeeze %dma_wait3A_560 : memref<1x128x32xf32, #tpu.memory_space<vmem>> -> memref<128x32xf32, #tpu.memory_space<vmem>>
      %dma_wait3A_562 = arith.constant 0 : i32
      %dma_wait3A_563 = arith.constant 0 : i32
      %dma_wait3A_564 = tpu.memref_slice %arg5[%dma_wait3A_562, %dma_wait3A_563] : memref<10240x32xf32, #tpu.memory_space<hbm>> -> memref<128x32xf32, #tpu.memory_space<hbm>>
      %dma_wait3A_565 = arith.constant 0 : i32
      %dma_wait3A_566 = arith.constant 0 : i32
      %dma_wait3A_567 = tpu.memref_slice %arg12[%dma_wait3A_557, %dma_wait3A_565, %dma_wait3A_566] : memref<8x128x32xf32, #tpu.memory_space<vmem>> -> memref<1x128x32xf32, #tpu.memory_space<vmem>>
      %dma_wait3A_568 = tpu.memref_squeeze %dma_wait3A_567 : memref<1x128x32xf32, #tpu.memory_space<vmem>> -> memref<128x32xf32, #tpu.memory_space<vmem>>
      %dma_wait3A_569 = arith.constant 0 : i32
      %dma_wait3A_570 = arith.constant 0 : i32
      %dma_wait3A_571 = tpu.memref_slice %arg5[%dma_wait3A_569, %dma_wait3A_570] : memref<10240x32xf32, #tpu.memory_space<hbm>> -> memref<128x32xf32, #tpu.memory_space<hbm>>
      tpu.wait_dma2 semaphore(%arg19 : memref<!tpu.dma_semaphore, #tpu.memory_space<semaphore_mem>>) src(%dma_wait3A_571 : memref<128x32xf32, #tpu.memory_space<hbm>>) dst(%dma_wait3A_568 : memref<128x32xf32, #tpu.memory_space<vmem>>)
      %dma_wait3A_572 = arith.constant 7 : i32
      %dma_wait3A_573 = arith.constant 0 : i32
      %dma_wait3A_574 = arith.constant 0 : i32
      %dma_wait3A_575 = tpu.memref_slice %arg12[%dma_wait3A_572, %dma_wait3A_573, %dma_wait3A_574] : memref<8x128x32xf32, #tpu.memory_space<vmem>> -> memref<1x128x32xf32, #tpu.memory_space<vmem>>
      %dma_wait3A_576 = tpu.memref_squeeze %dma_wait3A_575 : memref<1x128x32xf32, #tpu.memory_space<vmem>> -> memref<128x32xf32, #tpu.memory_space<vmem>>
      %dma_wait3A_577 = arith.constant 0 : i32
      %dma_wait3A_578 = arith.constant 0 : i32
      %dma_wait3A_579 = tpu.memref_slice %arg5[%dma_wait3A_577, %dma_wait3A_578] : memref<10240x32xf32, #tpu.memory_space<hbm>> -> memref<128x32xf32, #tpu.memory_space<hbm>>
      %dma_wait3A_580 = arith.constant 0 : i32
      %dma_wait3A_581 = arith.constant 0 : i32
      %dma_wait3A_582 = tpu.memref_slice %arg12[%dma_wait3A_572, %dma_wait3A_580, %dma_wait3A_581] : memref<8x128x32xf32, #tpu.memory_space<vmem>> -> memref<1x128x32xf32, #tpu.memory_space<vmem>>
      %dma_wait3A_583 = tpu.memref_squeeze %dma_wait3A_582 : memref<1x128x32xf32, #tpu.memory_space<vmem>> -> memref<128x32xf32, #tpu.memory_space<vmem>>
      %dma_wait3A_584 = arith.constant 0 : i32
      %dma_wait3A_585 = arith.constant 0 : i32
      %dma_wait3A_586 = tpu.memref_slice %arg5[%dma_wait3A_584, %dma_wait3A_585] : memref<10240x32xf32, #tpu.memory_space<hbm>> -> memref<128x32xf32, #tpu.memory_space<hbm>>
      tpu.wait_dma2 semaphore(%arg19 : memref<!tpu.dma_semaphore, #tpu.memory_space<semaphore_mem>>) src(%dma_wait3A_586 : memref<128x32xf32, #tpu.memory_space<hbm>>) dst(%dma_wait3A_583 : memref<128x32xf32, #tpu.memory_space<vmem>>)
      %add3A_587 = arith.constant 1 : i32
      %add3A_588 = arith.addi %mul3A_238, %add3A_587 : i32
      %mul3A_589 = arith.constant 4 : i32
      %mul3A_590 = arith.muli %add3A_588, %mul3A_589 : i32
      %add3A_591 = arith.constant 0 : i32
      %add3A_592 = arith.addi %mul3A_590, %add3A_591 : i32
      %dma_start3A_593 = arith.constant 4 : i32
      %dma_start3A_594 = arith.constant 0 : i32
      %dma_start3A_595 = arith.constant 0 : i32
      %dma_start3A_596 = tpu.memref_slice %arg12[%dma_start3A_593, %dma_start3A_594, %dma_start3A_595] : memref<8x128x32xf32, #tpu.memory_space<vmem>> -> memref<1x128x32xf32, #tpu.memory_space<vmem>>
      %dma_start3A_597 = tpu.memref_squeeze %dma_start3A_596 : memref<1x128x32xf32, #tpu.memory_space<vmem>> -> memref<128x32xf32, #tpu.memory_space<vmem>>
      %dma_start3A_598 = arith.constant 0 : i32
      %dma_start3A_599 = tpu.memref_slice %arg11[%add3A_592, %dma_start3A_598] : memref<164x128xi32, #tpu.memory_space<vmem>> -> memref<1x128xi32, #tpu.memory_space<vmem>>
      %dma_start3A_600 = tpu.memref_squeeze %dma_start3A_599 : memref<1x128xi32, #tpu.memory_space<vmem>> -> memref<128xi32, #tpu.memory_space<vmem>>
      %dma_start3A_601 = arith.constant 0 : i32
      %dma_start3A_602 = arith.constant 0 : i32
      %dma_start3A_603 = tpu.memref_slice %arg16[%dma_start3A_601, %dma_start3A_602] : memref<10240x32xf32, #tpu.memory_space<vmem_shared>> -> memref<10240x32xf32, #tpu.memory_space<vmem_shared>>
      tpu.enqueue_indirect_dma source(%dma_start3A_597 : memref<128x32xf32, #tpu.memory_space<vmem>>) target(%dma_start3A_603 : memref<10240x32xf32, #tpu.memory_space<vmem_shared>>) offsets(%dma_start3A_600 : memref<128xi32, #tpu.memory_space<vmem>>) semaphore(%arg21 : memref<!tpu.dma_semaphore, #tpu.memory_space<semaphore_mem>>) {add = true}
      %mul3A_604 = arith.constant 4 : i32
      %mul3A_605 = arith.muli %add3A_588, %mul3A_604 : i32
      %add3A_606 = arith.constant 1 : i32
      %add3A_607 = arith.addi %mul3A_605, %add3A_606 : i32
      %dma_start3A_608 = arith.constant 5 : i32
      %dma_start3A_609 = arith.constant 0 : i32
      %dma_start3A_610 = arith.constant 0 : i32
      %dma_start3A_611 = tpu.memref_slice %arg12[%dma_start3A_608, %dma_start3A_609, %dma_start3A_610] : memref<8x128x32xf32, #tpu.memory_space<vmem>> -> memref<1x128x32xf32, #tpu.memory_space<vmem>>
      %dma_start3A_612 = tpu.memref_squeeze %dma_start3A_611 : memref<1x128x32xf32, #tpu.memory_space<vmem>> -> memref<128x32xf32, #tpu.memory_space<vmem>>
      %dma_start3A_613 = arith.constant 0 : i32
      %dma_start3A_614 = tpu.memref_slice %arg11[%add3A_607, %dma_start3A_613] : memref<164x128xi32, #tpu.memory_space<vmem>> -> memref<1x128xi32, #tpu.memory_space<vmem>>
      %dma_start3A_615 = tpu.memref_squeeze %dma_start3A_614 : memref<1x128xi32, #tpu.memory_space<vmem>> -> memref<128xi32, #tpu.memory_space<vmem>>
      %dma_start3A_616 = arith.constant 0 : i32
      %dma_start3A_617 = arith.constant 0 : i32
      %dma_start3A_618 = tpu.memref_slice %arg16[%dma_start3A_616, %dma_start3A_617] : memref<10240x32xf32, #tpu.memory_space<vmem_shared>> -> memref<10240x32xf32, #tpu.memory_space<vmem_shared>>
      tpu.enqueue_indirect_dma source(%dma_start3A_612 : memref<128x32xf32, #tpu.memory_space<vmem>>) target(%dma_start3A_618 : memref<10240x32xf32, #tpu.memory_space<vmem_shared>>) offsets(%dma_start3A_615 : memref<128xi32, #tpu.memory_space<vmem>>) semaphore(%arg21 : memref<!tpu.dma_semaphore, #tpu.memory_space<semaphore_mem>>) {add = true}
      %mul3A_619 = arith.constant 4 : i32
      %mul3A_620 = arith.muli %add3A_588, %mul3A_619 : i32
      %add3A_621 = arith.constant 2 : i32
      %add3A_622 = arith.addi %mul3A_620, %add3A_621 : i32
      %dma_start3A_623 = arith.constant 6 : i32
      %dma_start3A_624 = arith.constant 0 : i32
      %dma_start3A_625 = arith.constant 0 : i32
      %dma_start3A_626 = tpu.memref_slice %arg12[%dma_start3A_623, %dma_start3A_624, %dma_start3A_625] : memref<8x128x32xf32, #tpu.memory_space<vmem>> -> memref<1x128x32xf32, #tpu.memory_space<vmem>>
      %dma_start3A_627 = tpu.memref_squeeze %dma_start3A_626 : memref<1x128x32xf32, #tpu.memory_space<vmem>> -> memref<128x32xf32, #tpu.memory_space<vmem>>
      %dma_start3A_628 = arith.constant 0 : i32
      %dma_start3A_629 = tpu.memref_slice %arg11[%add3A_622, %dma_start3A_628] : memref<164x128xi32, #tpu.memory_space<vmem>> -> memref<1x128xi32, #tpu.memory_space<vmem>>
      %dma_start3A_630 = tpu.memref_squeeze %dma_start3A_629 : memref<1x128xi32, #tpu.memory_space<vmem>> -> memref<128xi32, #tpu.memory_space<vmem>>
      %dma_start3A_631 = arith.constant 0 : i32
      %dma_start3A_632 = arith.constant 0 : i32
      %dma_start3A_633 = tpu.memref_slice %arg16[%dma_start3A_631, %dma_start3A_632] : memref<10240x32xf32, #tpu.memory_space<vmem_shared>> -> memref<10240x32xf32, #tpu.memory_space<vmem_shared>>
      tpu.enqueue_indirect_dma source(%dma_start3A_627 : memref<128x32xf32, #tpu.memory_space<vmem>>) target(%dma_start3A_633 : memref<10240x32xf32, #tpu.memory_space<vmem_shared>>) offsets(%dma_start3A_630 : memref<128xi32, #tpu.memory_space<vmem>>) semaphore(%arg21 : memref<!tpu.dma_semaphore, #tpu.memory_space<semaphore_mem>>) {add = true}
      %mul3A_634 = arith.constant 4 : i32
      %mul3A_635 = arith.muli %add3A_588, %mul3A_634 : i32
      %add3A_636 = arith.constant 3 : i32
      %add3A_637 = arith.addi %mul3A_635, %add3A_636 : i32
      %dma_start3A_638 = arith.constant 7 : i32
      %dma_start3A_639 = arith.constant 0 : i32
      %dma_start3A_640 = arith.constant 0 : i32
      %dma_start3A_641 = tpu.memref_slice %arg12[%dma_start3A_638, %dma_start3A_639, %dma_start3A_640] : memref<8x128x32xf32, #tpu.memory_space<vmem>> -> memref<1x128x32xf32, #tpu.memory_space<vmem>>
      %dma_start3A_642 = tpu.memref_squeeze %dma_start3A_641 : memref<1x128x32xf32, #tpu.memory_space<vmem>> -> memref<128x32xf32, #tpu.memory_space<vmem>>
      %dma_start3A_643 = arith.constant 0 : i32
      %dma_start3A_644 = tpu.memref_slice %arg11[%add3A_637, %dma_start3A_643] : memref<164x128xi32, #tpu.memory_space<vmem>> -> memref<1x128xi32, #tpu.memory_space<vmem>>
      %dma_start3A_645 = tpu.memref_squeeze %dma_start3A_644 : memref<1x128xi32, #tpu.memory_space<vmem>> -> memref<128xi32, #tpu.memory_space<vmem>>
      %dma_start3A_646 = arith.constant 0 : i32
      %dma_start3A_647 = arith.constant 0 : i32
      %dma_start3A_648 = tpu.memref_slice %arg16[%dma_start3A_646, %dma_start3A_647] : memref<10240x32xf32, #tpu.memory_space<vmem_shared>> -> memref<10240x32xf32, #tpu.memory_space<vmem_shared>>
      tpu.enqueue_indirect_dma source(%dma_start3A_642 : memref<128x32xf32, #tpu.memory_space<vmem>>) target(%dma_start3A_648 : memref<10240x32xf32, #tpu.memory_space<vmem_shared>>) offsets(%dma_start3A_645 : memref<128xi32, #tpu.memory_space<vmem>>) semaphore(%arg21 : memref<!tpu.dma_semaphore, #tpu.memory_space<semaphore_mem>>) {add = true}
      %dma_wait3A_649 = arith.constant 4 : i32
      %dma_wait3A_650 = arith.constant 0 : i32
      %dma_wait3A_651 = arith.constant 0 : i32
      %dma_wait3A_652 = tpu.memref_slice %arg12[%dma_wait3A_649, %dma_wait3A_650, %dma_wait3A_651] : memref<8x128x32xf32, #tpu.memory_space<vmem>> -> memref<1x128x32xf32, #tpu.memory_space<vmem>>
      %dma_wait3A_653 = tpu.memref_squeeze %dma_wait3A_652 : memref<1x128x32xf32, #tpu.memory_space<vmem>> -> memref<128x32xf32, #tpu.memory_space<vmem>>
      %dma_wait3A_654 = arith.constant 0 : i32
      %dma_wait3A_655 = tpu.memref_slice %arg11[%add3A_592, %dma_wait3A_654] : memref<164x128xi32, #tpu.memory_space<vmem>> -> memref<1x128xi32, #tpu.memory_space<vmem>>
      %dma_wait3A_656 = tpu.memref_squeeze %dma_wait3A_655 : memref<1x128xi32, #tpu.memory_space<vmem>> -> memref<128xi32, #tpu.memory_space<vmem>>
      %dma_wait3A_657 = arith.constant 0 : i32
      %dma_wait3A_658 = arith.constant 0 : i32
      %dma_wait3A_659 = tpu.memref_slice %arg16[%dma_wait3A_657, %dma_wait3A_658] : memref<10240x32xf32, #tpu.memory_space<vmem_shared>> -> memref<10240x32xf32, #tpu.memory_space<vmem_shared>>
      tpu.wait_indirect_dma semaphore(%arg21 : memref<!tpu.dma_semaphore, #tpu.memory_space<semaphore_mem>>) src(%dma_wait3A_653 : memref<128x32xf32, #tpu.memory_space<vmem>>) dst(%dma_wait3A_659 : memref<10240x32xf32, #tpu.memory_space<vmem_shared>>)
      %dma_wait3A_660 = arith.constant 5 : i32
      %dma_wait3A_661 = arith.constant 0 : i32
      %dma_wait3A_662 = arith.constant 0 : i32
      %dma_wait3A_663 = tpu.memref_slice %arg12[%dma_wait3A_660, %dma_wait3A_661, %dma_wait3A_662] : memref<8x128x32xf32, #tpu.memory_space<vmem>> -> memref<1x128x32xf32, #tpu.memory_space<vmem>>
      %dma_wait3A_664 = tpu.memref_squeeze %dma_wait3A_663 : memref<1x128x32xf32, #tpu.memory_space<vmem>> -> memref<128x32xf32, #tpu.memory_space<vmem>>
      %dma_wait3A_665 = arith.constant 0 : i32
      %dma_wait3A_666 = tpu.memref_slice %arg11[%add3A_607, %dma_wait3A_665] : memref<164x128xi32, #tpu.memory_space<vmem>> -> memref<1x128xi32, #tpu.memory_space<vmem>>
      %dma_wait3A_667 = tpu.memref_squeeze %dma_wait3A_666 : memref<1x128xi32, #tpu.memory_space<vmem>> -> memref<128xi32, #tpu.memory_space<vmem>>
      %dma_wait3A_668 = arith.constant 0 : i32
      %dma_wait3A_669 = arith.constant 0 : i32
      %dma_wait3A_670 = tpu.memref_slice %arg16[%dma_wait3A_668, %dma_wait3A_669] : memref<10240x32xf32, #tpu.memory_space<vmem_shared>> -> memref<10240x32xf32, #tpu.memory_space<vmem_shared>>
      tpu.wait_indirect_dma semaphore(%arg21 : memref<!tpu.dma_semaphore, #tpu.memory_space<semaphore_mem>>) src(%dma_wait3A_664 : memref<128x32xf32, #tpu.memory_space<vmem>>) dst(%dma_wait3A_670 : memref<10240x32xf32, #tpu.memory_space<vmem_shared>>)
      %dma_wait3A_671 = arith.constant 6 : i32
      %dma_wait3A_672 = arith.constant 0 : i32
      %dma_wait3A_673 = arith.constant 0 : i32
      %dma_wait3A_674 = tpu.memref_slice %arg12[%dma_wait3A_671, %dma_wait3A_672, %dma_wait3A_673] : memref<8x128x32xf32, #tpu.memory_space<vmem>> -> memref<1x128x32xf32, #tpu.memory_space<vmem>>
      %dma_wait3A_675 = tpu.memref_squeeze %dma_wait3A_674 : memref<1x128x32xf32, #tpu.memory_space<vmem>> -> memref<128x32xf32, #tpu.memory_space<vmem>>
      %dma_wait3A_676 = arith.constant 0 : i32
      %dma_wait3A_677 = tpu.memref_slice %arg11[%add3A_622, %dma_wait3A_676] : memref<164x128xi32, #tpu.memory_space<vmem>> -> memref<1x128xi32, #tpu.memory_space<vmem>>
      %dma_wait3A_678 = tpu.memref_squeeze %dma_wait3A_677 : memref<1x128xi32, #tpu.memory_space<vmem>> -> memref<128xi32, #tpu.memory_space<vmem>>
      %dma_wait3A_679 = arith.constant 0 : i32
      %dma_wait3A_680 = arith.constant 0 : i32
      %dma_wait3A_681 = tpu.memref_slice %arg16[%dma_wait3A_679, %dma_wait3A_680] : memref<10240x32xf32, #tpu.memory_space<vmem_shared>> -> memref<10240x32xf32, #tpu.memory_space<vmem_shared>>
      tpu.wait_indirect_dma semaphore(%arg21 : memref<!tpu.dma_semaphore, #tpu.memory_space<semaphore_mem>>) src(%dma_wait3A_675 : memref<128x32xf32, #tpu.memory_space<vmem>>) dst(%dma_wait3A_681 : memref<10240x32xf32, #tpu.memory_space<vmem_shared>>)
      %dma_wait3A_682 = arith.constant 7 : i32
      %dma_wait3A_683 = arith.constant 0 : i32
      %dma_wait3A_684 = arith.constant 0 : i32
      %dma_wait3A_685 = tpu.memref_slice %arg12[%dma_wait3A_682, %dma_wait3A_683, %dma_wait3A_684] : memref<8x128x32xf32, #tpu.memory_space<vmem>> -> memref<1x128x32xf32, #tpu.memory_space<vmem>>
      %dma_wait3A_686 = tpu.memref_squeeze %dma_wait3A_685 : memref<1x128x32xf32, #tpu.memory_space<vmem>> -> memref<128x32xf32, #tpu.memory_space<vmem>>
      %dma_wait3A_687 = arith.constant 0 : i32
      %dma_wait3A_688 = tpu.memref_slice %arg11[%add3A_637, %dma_wait3A_687] : memref<164x128xi32, #tpu.memory_space<vmem>> -> memref<1x128xi32, #tpu.memory_space<vmem>>
      %dma_wait3A_689 = tpu.memref_squeeze %dma_wait3A_688 : memref<1x128xi32, #tpu.memory_space<vmem>> -> memref<128xi32, #tpu.memory_space<vmem>>
      %dma_wait3A_690 = arith.constant 0 : i32
      %dma_wait3A_691 = arith.constant 0 : i32
      %dma_wait3A_692 = tpu.memref_slice %arg16[%dma_wait3A_690, %dma_wait3A_691] : memref<10240x32xf32, #tpu.memory_space<vmem_shared>> -> memref<10240x32xf32, #tpu.memory_space<vmem_shared>>
      tpu.wait_indirect_dma semaphore(%arg21 : memref<!tpu.dma_semaphore, #tpu.memory_space<semaphore_mem>>) src(%dma_wait3A_686 : memref<128x32xf32, #tpu.memory_space<vmem>>) dst(%dma_wait3A_692 : memref<10240x32xf32, #tpu.memory_space<vmem_shared>>)
    }
    %scan3A_71 = arith.constant 20 : i32
    %dma_wait3A = arith.constant 0 : i32
    %dma_wait3A_72 = arith.constant 0 : i32
    %dma_wait3A_73 = arith.constant 0 : i32
    %dma_wait3A_74 = tpu.memref_slice %arg12[%dma_wait3A, %dma_wait3A_72, %dma_wait3A_73] : memref<8x128x32xf32, #tpu.memory_space<vmem>> -> memref<1x128x32xf32, #tpu.memory_space<vmem>>
    %dma_wait3A_75 = tpu.memref_squeeze %dma_wait3A_74 : memref<1x128x32xf32, #tpu.memory_space<vmem>> -> memref<128x32xf32, #tpu.memory_space<vmem>>
    %dma_wait3A_76 = arith.constant 0 : i32
    %dma_wait3A_77 = arith.constant 0 : i32
    %dma_wait3A_78 = tpu.memref_slice %arg5[%dma_wait3A_76, %dma_wait3A_77] : memref<10240x32xf32, #tpu.memory_space<hbm>> -> memref<128x32xf32, #tpu.memory_space<hbm>>
    %dma_wait3A_79 = arith.constant 0 : i32
    %dma_wait3A_80 = arith.constant 0 : i32
    %dma_wait3A_81 = tpu.memref_slice %arg12[%dma_wait3A, %dma_wait3A_79, %dma_wait3A_80] : memref<8x128x32xf32, #tpu.memory_space<vmem>> -> memref<1x128x32xf32, #tpu.memory_space<vmem>>
    %dma_wait3A_82 = tpu.memref_squeeze %dma_wait3A_81 : memref<1x128x32xf32, #tpu.memory_space<vmem>> -> memref<128x32xf32, #tpu.memory_space<vmem>>
    %dma_wait3A_83 = arith.constant 0 : i32
    %dma_wait3A_84 = arith.constant 0 : i32
    %dma_wait3A_85 = tpu.memref_slice %arg5[%dma_wait3A_83, %dma_wait3A_84] : memref<10240x32xf32, #tpu.memory_space<hbm>> -> memref<128x32xf32, #tpu.memory_space<hbm>>
    tpu.wait_dma2 semaphore(%arg18 : memref<!tpu.dma_semaphore, #tpu.memory_space<semaphore_mem>>) src(%dma_wait3A_85 : memref<128x32xf32, #tpu.memory_space<hbm>>) dst(%dma_wait3A_82 : memref<128x32xf32, #tpu.memory_space<vmem>>)
    %dma_wait3A_86 = arith.constant 1 : i32
    %dma_wait3A_87 = arith.constant 0 : i32
    %dma_wait3A_88 = arith.constant 0 : i32
    %dma_wait3A_89 = tpu.memref_slice %arg12[%dma_wait3A_86, %dma_wait3A_87, %dma_wait3A_88] : memref<8x128x32xf32, #tpu.memory_space<vmem>> -> memref<1x128x32xf32, #tpu.memory_space<vmem>>
    %dma_wait3A_90 = tpu.memref_squeeze %dma_wait3A_89 : memref<1x128x32xf32, #tpu.memory_space<vmem>> -> memref<128x32xf32, #tpu.memory_space<vmem>>
    %dma_wait3A_91 = arith.constant 0 : i32
    %dma_wait3A_92 = arith.constant 0 : i32
    %dma_wait3A_93 = tpu.memref_slice %arg5[%dma_wait3A_91, %dma_wait3A_92] : memref<10240x32xf32, #tpu.memory_space<hbm>> -> memref<128x32xf32, #tpu.memory_space<hbm>>
    %dma_wait3A_94 = arith.constant 0 : i32
    %dma_wait3A_95 = arith.constant 0 : i32
    %dma_wait3A_96 = tpu.memref_slice %arg12[%dma_wait3A_86, %dma_wait3A_94, %dma_wait3A_95] : memref<8x128x32xf32, #tpu.memory_space<vmem>> -> memref<1x128x32xf32, #tpu.memory_space<vmem>>
    %dma_wait3A_97 = tpu.memref_squeeze %dma_wait3A_96 : memref<1x128x32xf32, #tpu.memory_space<vmem>> -> memref<128x32xf32, #tpu.memory_space<vmem>>
    %dma_wait3A_98 = arith.constant 0 : i32
    %dma_wait3A_99 = arith.constant 0 : i32
    %dma_wait3A_100 = tpu.memref_slice %arg5[%dma_wait3A_98, %dma_wait3A_99] : memref<10240x32xf32, #tpu.memory_space<hbm>> -> memref<128x32xf32, #tpu.memory_space<hbm>>
    tpu.wait_dma2 semaphore(%arg18 : memref<!tpu.dma_semaphore, #tpu.memory_space<semaphore_mem>>) src(%dma_wait3A_100 : memref<128x32xf32, #tpu.memory_space<hbm>>) dst(%dma_wait3A_97 : memref<128x32xf32, #tpu.memory_space<vmem>>)
    %dma_wait3A_101 = arith.constant 2 : i32
    %dma_wait3A_102 = arith.constant 0 : i32
    %dma_wait3A_103 = arith.constant 0 : i32
    %dma_wait3A_104 = tpu.memref_slice %arg12[%dma_wait3A_101, %dma_wait3A_102, %dma_wait3A_103] : memref<8x128x32xf32, #tpu.memory_space<vmem>> -> memref<1x128x32xf32, #tpu.memory_space<vmem>>
    %dma_wait3A_105 = tpu.memref_squeeze %dma_wait3A_104 : memref<1x128x32xf32, #tpu.memory_space<vmem>> -> memref<128x32xf32, #tpu.memory_space<vmem>>
    %dma_wait3A_106 = arith.constant 0 : i32
    %dma_wait3A_107 = arith.constant 0 : i32
    %dma_wait3A_108 = tpu.memref_slice %arg5[%dma_wait3A_106, %dma_wait3A_107] : memref<10240x32xf32, #tpu.memory_space<hbm>> -> memref<128x32xf32, #tpu.memory_space<hbm>>
    %dma_wait3A_109 = arith.constant 0 : i32
    %dma_wait3A_110 = arith.constant 0 : i32
    %dma_wait3A_111 = tpu.memref_slice %arg12[%dma_wait3A_101, %dma_wait3A_109, %dma_wait3A_110] : memref<8x128x32xf32, #tpu.memory_space<vmem>> -> memref<1x128x32xf32, #tpu.memory_space<vmem>>
    %dma_wait3A_112 = tpu.memref_squeeze %dma_wait3A_111 : memref<1x128x32xf32, #tpu.memory_space<vmem>> -> memref<128x32xf32, #tpu.memory_space<vmem>>
    %dma_wait3A_113 = arith.constant 0 : i32
    %dma_wait3A_114 = arith.constant 0 : i32
    %dma_wait3A_115 = tpu.memref_slice %arg5[%dma_wait3A_113, %dma_wait3A_114] : memref<10240x32xf32, #tpu.memory_space<hbm>> -> memref<128x32xf32, #tpu.memory_space<hbm>>
    tpu.wait_dma2 semaphore(%arg18 : memref<!tpu.dma_semaphore, #tpu.memory_space<semaphore_mem>>) src(%dma_wait3A_115 : memref<128x32xf32, #tpu.memory_space<hbm>>) dst(%dma_wait3A_112 : memref<128x32xf32, #tpu.memory_space<vmem>>)
    %dma_wait3A_116 = arith.constant 3 : i32
    %dma_wait3A_117 = arith.constant 0 : i32
    %dma_wait3A_118 = arith.constant 0 : i32
    %dma_wait3A_119 = tpu.memref_slice %arg12[%dma_wait3A_116, %dma_wait3A_117, %dma_wait3A_118] : memref<8x128x32xf32, #tpu.memory_space<vmem>> -> memref<1x128x32xf32, #tpu.memory_space<vmem>>
    %dma_wait3A_120 = tpu.memref_squeeze %dma_wait3A_119 : memref<1x128x32xf32, #tpu.memory_space<vmem>> -> memref<128x32xf32, #tpu.memory_space<vmem>>
    %dma_wait3A_121 = arith.constant 0 : i32
    %dma_wait3A_122 = arith.constant 0 : i32
    %dma_wait3A_123 = tpu.memref_slice %arg5[%dma_wait3A_121, %dma_wait3A_122] : memref<10240x32xf32, #tpu.memory_space<hbm>> -> memref<128x32xf32, #tpu.memory_space<hbm>>
    %dma_wait3A_124 = arith.constant 0 : i32
    %dma_wait3A_125 = arith.constant 0 : i32
    %dma_wait3A_126 = tpu.memref_slice %arg12[%dma_wait3A_116, %dma_wait3A_124, %dma_wait3A_125] : memref<8x128x32xf32, #tpu.memory_space<vmem>> -> memref<1x128x32xf32, #tpu.memory_space<vmem>>
    %dma_wait3A_127 = tpu.memref_squeeze %dma_wait3A_126 : memref<1x128x32xf32, #tpu.memory_space<vmem>> -> memref<128x32xf32, #tpu.memory_space<vmem>>
    %dma_wait3A_128 = arith.constant 0 : i32
    %dma_wait3A_129 = arith.constant 0 : i32
    %dma_wait3A_130 = tpu.memref_slice %arg5[%dma_wait3A_128, %dma_wait3A_129] : memref<10240x32xf32, #tpu.memory_space<hbm>> -> memref<128x32xf32, #tpu.memory_space<hbm>>
    tpu.wait_dma2 semaphore(%arg18 : memref<!tpu.dma_semaphore, #tpu.memory_space<semaphore_mem>>) src(%dma_wait3A_130 : memref<128x32xf32, #tpu.memory_space<hbm>>) dst(%dma_wait3A_127 : memref<128x32xf32, #tpu.memory_space<vmem>>)
    %dma_start3A_131 = arith.constant 0 : i32
    %dma_start3A_132 = arith.constant 160 : i32
    %dma_start3A_133 = arith.constant 0 : i32
    %dma_start3A_134 = arith.constant 0 : i32
    %dma_start3A_135 = tpu.memref_slice %arg12[%dma_start3A_131, %dma_start3A_133, %dma_start3A_134] : memref<8x128x32xf32, #tpu.memory_space<vmem>> -> memref<1x128x32xf32, #tpu.memory_space<vmem>>
    %dma_start3A_136 = tpu.memref_squeeze %dma_start3A_135 : memref<1x128x32xf32, #tpu.memory_space<vmem>> -> memref<128x32xf32, #tpu.memory_space<vmem>>
    %dma_start3A_137 = arith.constant 0 : i32
    %dma_start3A_138 = tpu.memref_slice %arg11[%dma_start3A_132, %dma_start3A_137] : memref<164x128xi32, #tpu.memory_space<vmem>> -> memref<1x128xi32, #tpu.memory_space<vmem>>
    %dma_start3A_139 = tpu.memref_squeeze %dma_start3A_138 : memref<1x128xi32, #tpu.memory_space<vmem>> -> memref<128xi32, #tpu.memory_space<vmem>>
    %dma_start3A_140 = arith.constant 0 : i32
    %dma_start3A_141 = arith.constant 0 : i32
    %dma_start3A_142 = tpu.memref_slice %arg16[%dma_start3A_140, %dma_start3A_141] : memref<10240x32xf32, #tpu.memory_space<vmem_shared>> -> memref<10240x32xf32, #tpu.memory_space<vmem_shared>>
    tpu.enqueue_indirect_dma source(%dma_start3A_136 : memref<128x32xf32, #tpu.memory_space<vmem>>) target(%dma_start3A_142 : memref<10240x32xf32, #tpu.memory_space<vmem_shared>>) offsets(%dma_start3A_139 : memref<128xi32, #tpu.memory_space<vmem>>) semaphore(%arg20 : memref<!tpu.dma_semaphore, #tpu.memory_space<semaphore_mem>>) {add = true}
    %dma_start3A_143 = arith.constant 1 : i32
    %dma_start3A_144 = arith.constant 161 : i32
    %dma_start3A_145 = arith.constant 0 : i32
    %dma_start3A_146 = arith.constant 0 : i32
    %dma_start3A_147 = tpu.memref_slice %arg12[%dma_start3A_143, %dma_start3A_145, %dma_start3A_146] : memref<8x128x32xf32, #tpu.memory_space<vmem>> -> memref<1x128x32xf32, #tpu.memory_space<vmem>>
    %dma_start3A_148 = tpu.memref_squeeze %dma_start3A_147 : memref<1x128x32xf32, #tpu.memory_space<vmem>> -> memref<128x32xf32, #tpu.memory_space<vmem>>
    %dma_start3A_149 = arith.constant 0 : i32
    %dma_start3A_150 = tpu.memref_slice %arg11[%dma_start3A_144, %dma_start3A_149] : memref<164x128xi32, #tpu.memory_space<vmem>> -> memref<1x128xi32, #tpu.memory_space<vmem>>
    %dma_start3A_151 = tpu.memref_squeeze %dma_start3A_150 : memref<1x128xi32, #tpu.memory_space<vmem>> -> memref<128xi32, #tpu.memory_space<vmem>>
    %dma_start3A_152 = arith.constant 0 : i32
    %dma_start3A_153 = arith.constant 0 : i32
    %dma_start3A_154 = tpu.memref_slice %arg16[%dma_start3A_152, %dma_start3A_153] : memref<10240x32xf32, #tpu.memory_space<vmem_shared>> -> memref<10240x32xf32, #tpu.memory_space<vmem_shared>>
    tpu.enqueue_indirect_dma source(%dma_start3A_148 : memref<128x32xf32, #tpu.memory_space<vmem>>) target(%dma_start3A_154 : memref<10240x32xf32, #tpu.memory_space<vmem_shared>>) offsets(%dma_start3A_151 : memref<128xi32, #tpu.memory_space<vmem>>) semaphore(%arg20 : memref<!tpu.dma_semaphore, #tpu.memory_space<semaphore_mem>>) {add = true}
    %dma_start3A_155 = arith.constant 2 : i32
    %dma_start3A_156 = arith.constant 162 : i32
    %dma_start3A_157 = arith.constant 0 : i32
    %dma_start3A_158 = arith.constant 0 : i32
    %dma_start3A_159 = tpu.memref_slice %arg12[%dma_start3A_155, %dma_start3A_157, %dma_start3A_158] : memref<8x128x32xf32, #tpu.memory_space<vmem>> -> memref<1x128x32xf32, #tpu.memory_space<vmem>>
    %dma_start3A_160 = tpu.memref_squeeze %dma_start3A_159 : memref<1x128x32xf32, #tpu.memory_space<vmem>> -> memref<128x32xf32, #tpu.memory_space<vmem>>
    %dma_start3A_161 = arith.constant 0 : i32
    %dma_start3A_162 = tpu.memref_slice %arg11[%dma_start3A_156, %dma_start3A_161] : memref<164x128xi32, #tpu.memory_space<vmem>> -> memref<1x128xi32, #tpu.memory_space<vmem>>
    %dma_start3A_163 = tpu.memref_squeeze %dma_start3A_162 : memref<1x128xi32, #tpu.memory_space<vmem>> -> memref<128xi32, #tpu.memory_space<vmem>>
    %dma_start3A_164 = arith.constant 0 : i32
    %dma_start3A_165 = arith.constant 0 : i32
    %dma_start3A_166 = tpu.memref_slice %arg16[%dma_start3A_164, %dma_start3A_165] : memref<10240x32xf32, #tpu.memory_space<vmem_shared>> -> memref<10240x32xf32, #tpu.memory_space<vmem_shared>>
    tpu.enqueue_indirect_dma source(%dma_start3A_160 : memref<128x32xf32, #tpu.memory_space<vmem>>) target(%dma_start3A_166 : memref<10240x32xf32, #tpu.memory_space<vmem_shared>>) offsets(%dma_start3A_163 : memref<128xi32, #tpu.memory_space<vmem>>) semaphore(%arg20 : memref<!tpu.dma_semaphore, #tpu.memory_space<semaphore_mem>>) {add = true}
    %dma_start3A_167 = arith.constant 3 : i32
    %dma_start3A_168 = arith.constant 163 : i32
    %dma_start3A_169 = arith.constant 0 : i32
    %dma_start3A_170 = arith.constant 0 : i32
    %dma_start3A_171 = tpu.memref_slice %arg12[%dma_start3A_167, %dma_start3A_169, %dma_start3A_170] : memref<8x128x32xf32, #tpu.memory_space<vmem>> -> memref<1x128x32xf32, #tpu.memory_space<vmem>>
    %dma_start3A_172 = tpu.memref_squeeze %dma_start3A_171 : memref<1x128x32xf32, #tpu.memory_space<vmem>> -> memref<128x32xf32, #tpu.memory_space<vmem>>
    %dma_start3A_173 = arith.constant 0 : i32
    %dma_start3A_174 = tpu.memref_slice %arg11[%dma_start3A_168, %dma_start3A_173] : memref<164x128xi32, #tpu.memory_space<vmem>> -> memref<1x128xi32, #tpu.memory_space<vmem>>
    %dma_start3A_175 = tpu.memref_squeeze %dma_start3A_174 : memref<1x128xi32, #tpu.memory_space<vmem>> -> memref<128xi32, #tpu.memory_space<vmem>>
    %dma_start3A_176 = arith.constant 0 : i32
    %dma_start3A_177 = arith.constant 0 : i32
    %dma_start3A_178 = tpu.memref_slice %arg16[%dma_start3A_176, %dma_start3A_177] : memref<10240x32xf32, #tpu.memory_space<vmem_shared>> -> memref<10240x32xf32, #tpu.memory_space<vmem_shared>>
    tpu.enqueue_indirect_dma source(%dma_start3A_172 : memref<128x32xf32, #tpu.memory_space<vmem>>) target(%dma_start3A_178 : memref<10240x32xf32, #tpu.memory_space<vmem_shared>>) offsets(%dma_start3A_175 : memref<128xi32, #tpu.memory_space<vmem>>) semaphore(%arg20 : memref<!tpu.dma_semaphore, #tpu.memory_space<semaphore_mem>>) {add = true}
    %dma_wait3A_179 = arith.constant 0 : i32
    %dma_wait3A_180 = arith.constant 160 : i32
    %dma_wait3A_181 = arith.constant 0 : i32
    %dma_wait3A_182 = arith.constant 0 : i32
    %dma_wait3A_183 = tpu.memref_slice %arg12[%dma_wait3A_179, %dma_wait3A_181, %dma_wait3A_182] : memref<8x128x32xf32, #tpu.memory_space<vmem>> -> memref<1x128x32xf32, #tpu.memory_space<vmem>>
    %dma_wait3A_184 = tpu.memref_squeeze %dma_wait3A_183 : memref<1x128x32xf32, #tpu.memory_space<vmem>> -> memref<128x32xf32, #tpu.memory_space<vmem>>
    %dma_wait3A_185 = arith.constant 0 : i32
    %dma_wait3A_186 = tpu.memref_slice %arg11[%dma_wait3A_180, %dma_wait3A_185] : memref<164x128xi32, #tpu.memory_space<vmem>> -> memref<1x128xi32, #tpu.memory_space<vmem>>
    %dma_wait3A_187 = tpu.memref_squeeze %dma_wait3A_186 : memref<1x128xi32, #tpu.memory_space<vmem>> -> memref<128xi32, #tpu.memory_space<vmem>>
    %dma_wait3A_188 = arith.constant 0 : i32
    %dma_wait3A_189 = arith.constant 0 : i32
    %dma_wait3A_190 = tpu.memref_slice %arg16[%dma_wait3A_188, %dma_wait3A_189] : memref<10240x32xf32, #tpu.memory_space<vmem_shared>> -> memref<10240x32xf32, #tpu.memory_space<vmem_shared>>
    tpu.wait_indirect_dma semaphore(%arg20 : memref<!tpu.dma_semaphore, #tpu.memory_space<semaphore_mem>>) src(%dma_wait3A_184 : memref<128x32xf32, #tpu.memory_space<vmem>>) dst(%dma_wait3A_190 : memref<10240x32xf32, #tpu.memory_space<vmem_shared>>)
    %dma_wait3A_191 = arith.constant 1 : i32
    %dma_wait3A_192 = arith.constant 161 : i32
    %dma_wait3A_193 = arith.constant 0 : i32
    %dma_wait3A_194 = arith.constant 0 : i32
    %dma_wait3A_195 = tpu.memref_slice %arg12[%dma_wait3A_191, %dma_wait3A_193, %dma_wait3A_194] : memref<8x128x32xf32, #tpu.memory_space<vmem>> -> memref<1x128x32xf32, #tpu.memory_space<vmem>>
    %dma_wait3A_196 = tpu.memref_squeeze %dma_wait3A_195 : memref<1x128x32xf32, #tpu.memory_space<vmem>> -> memref<128x32xf32, #tpu.memory_space<vmem>>
    %dma_wait3A_197 = arith.constant 0 : i32
    %dma_wait3A_198 = tpu.memref_slice %arg11[%dma_wait3A_192, %dma_wait3A_197] : memref<164x128xi32, #tpu.memory_space<vmem>> -> memref<1x128xi32, #tpu.memory_space<vmem>>
    %dma_wait3A_199 = tpu.memref_squeeze %dma_wait3A_198 : memref<1x128xi32, #tpu.memory_space<vmem>> -> memref<128xi32, #tpu.memory_space<vmem>>
    %dma_wait3A_200 = arith.constant 0 : i32
    %dma_wait3A_201 = arith.constant 0 : i32
    %dma_wait3A_202 = tpu.memref_slice %arg16[%dma_wait3A_200, %dma_wait3A_201] : memref<10240x32xf32, #tpu.memory_space<vmem_shared>> -> memref<10240x32xf32, #tpu.memory_space<vmem_shared>>
    tpu.wait_indirect_dma semaphore(%arg20 : memref<!tpu.dma_semaphore, #tpu.memory_space<semaphore_mem>>) src(%dma_wait3A_196 : memref<128x32xf32, #tpu.memory_space<vmem>>) dst(%dma_wait3A_202 : memref<10240x32xf32, #tpu.memory_space<vmem_shared>>)
    %dma_wait3A_203 = arith.constant 2 : i32
    %dma_wait3A_204 = arith.constant 162 : i32
    %dma_wait3A_205 = arith.constant 0 : i32
    %dma_wait3A_206 = arith.constant 0 : i32
    %dma_wait3A_207 = tpu.memref_slice %arg12[%dma_wait3A_203, %dma_wait3A_205, %dma_wait3A_206] : memref<8x128x32xf32, #tpu.memory_space<vmem>> -> memref<1x128x32xf32, #tpu.memory_space<vmem>>
    %dma_wait3A_208 = tpu.memref_squeeze %dma_wait3A_207 : memref<1x128x32xf32, #tpu.memory_space<vmem>> -> memref<128x32xf32, #tpu.memory_space<vmem>>
    %dma_wait3A_209 = arith.constant 0 : i32
    %dma_wait3A_210 = tpu.memref_slice %arg11[%dma_wait3A_204, %dma_wait3A_209] : memref<164x128xi32, #tpu.memory_space<vmem>> -> memref<1x128xi32, #tpu.memory_space<vmem>>
    %dma_wait3A_211 = tpu.memref_squeeze %dma_wait3A_210 : memref<1x128xi32, #tpu.memory_space<vmem>> -> memref<128xi32, #tpu.memory_space<vmem>>
    %dma_wait3A_212 = arith.constant 0 : i32
    %dma_wait3A_213 = arith.constant 0 : i32
    %dma_wait3A_214 = tpu.memref_slice %arg16[%dma_wait3A_212, %dma_wait3A_213] : memref<10240x32xf32, #tpu.memory_space<vmem_shared>> -> memref<10240x32xf32, #tpu.memory_space<vmem_shared>>
    tpu.wait_indirect_dma semaphore(%arg20 : memref<!tpu.dma_semaphore, #tpu.memory_space<semaphore_mem>>) src(%dma_wait3A_208 : memref<128x32xf32, #tpu.memory_space<vmem>>) dst(%dma_wait3A_214 : memref<10240x32xf32, #tpu.memory_space<vmem_shared>>)
    %dma_wait3A_215 = arith.constant 3 : i32
    %dma_wait3A_216 = arith.constant 163 : i32
    %dma_wait3A_217 = arith.constant 0 : i32
    %dma_wait3A_218 = arith.constant 0 : i32
    %dma_wait3A_219 = tpu.memref_slice %arg12[%dma_wait3A_215, %dma_wait3A_217, %dma_wait3A_218] : memref<8x128x32xf32, #tpu.memory_space<vmem>> -> memref<1x128x32xf32, #tpu.memory_space<vmem>>
    %dma_wait3A_220 = tpu.memref_squeeze %dma_wait3A_219 : memref<1x128x32xf32, #tpu.memory_space<vmem>> -> memref<128x32xf32, #tpu.memory_space<vmem>>
    %dma_wait3A_221 = arith.constant 0 : i32
    %dma_wait3A_222 = tpu.memref_slice %arg11[%dma_wait3A_216, %dma_wait3A_221] : memref<164x128xi32, #tpu.memory_space<vmem>> -> memref<1x128xi32, #tpu.memory_space<vmem>>
    %dma_wait3A_223 = tpu.memref_squeeze %dma_wait3A_222 : memref<1x128xi32, #tpu.memory_space<vmem>> -> memref<128xi32, #tpu.memory_space<vmem>>
    %dma_wait3A_224 = arith.constant 0 : i32
    %dma_wait3A_225 = arith.constant 0 : i32
    %dma_wait3A_226 = tpu.memref_slice %arg16[%dma_wait3A_224, %dma_wait3A_225] : memref<10240x32xf32, #tpu.memory_space<vmem_shared>> -> memref<10240x32xf32, #tpu.memory_space<vmem_shared>>
    tpu.wait_indirect_dma semaphore(%arg20 : memref<!tpu.dma_semaphore, #tpu.memory_space<semaphore_mem>>) src(%dma_wait3A_220 : memref<128x32xf32, #tpu.memory_space<vmem>>) dst(%dma_wait3A_226 : memref<10240x32xf32, #tpu.memory_space<vmem_shared>>)
    %barrier3A_227 = arith.constant 0 : index
    tpu.barrier barrier_id(%barrier3A_227)
    %scan3A_228 = arith.constant 0 : i32
    %scan3A_229 = arith.constant 5 : i32
    %scan3A_230 = arith.addi %scan3A_228, %scan3A_229 : i32
    %scan3A_231 = arith.constant 1 : i32
    scf.for %scan3A_233 = %scan3A_228 to %scan3A_230 step %scan3A_231  : i32 {
      %mul3A_234 = arith.constant 1 : i32
      %mul3A_235 = arith.muli %scan3A_233, %mul3A_234 : i32
      %add3A = arith.constant 0 : i32
      %add3A_236 = arith.addi %add3A, %mul3A_235 : i32
      %mul3A_237 = arith.constant 128 : i32
      %mul3A_238 = arith.muli %add3A_236, %mul3A_237 : i32
      %add3A_239 = arith.addi %mul3A_0, %mul3A_238 : i32
      "tpu.region"() ({
        %run_scoped3A = tpu.sem_alloc : memref<!tpu.dma_semaphore, #tpu.memory_space<semaphore_mem>>
        %dma_start3A_245 = arith.constant 0 : i32
        %dma_start3A_246 = tpu.memref_slice %arg16[%add3A_239, %dma_start3A_245] : memref<10240x32xf32, #tpu.memory_space<vmem_shared>> -> memref<128x32xf32, #tpu.memory_space<vmem_shared>>
        %dma_start3A_247 = arith.constant 0 : i32
        %dma_start3A_248 = tpu.memref_slice %arg16[%add3A_239, %dma_start3A_247] : memref<10240x32xf32, #tpu.memory_space<vmem_shared>> -> memref<128x32xf32, #tpu.memory_space<vmem_shared>>
        tpu.enqueue_dma source(%dma_start3A_248 : memref<128x32xf32, #tpu.memory_space<vmem_shared>>) target(%arg13 : memref<128x32xf32, #tpu.memory_space<vmem>>) target_semaphore(%run_scoped3A : memref<!tpu.dma_semaphore, #tpu.memory_space<semaphore_mem>>)
        %dma_wait3A_249 = arith.constant 0 : i32
        %dma_wait3A_250 = tpu.memref_slice %arg16[%add3A_239, %dma_wait3A_249] : memref<10240x32xf32, #tpu.memory_space<vmem_shared>> -> memref<128x32xf32, #tpu.memory_space<vmem_shared>>
        %dma_wait3A_251 = arith.constant 0 : i32
        %dma_wait3A_252 = tpu.memref_slice %arg16[%add3A_239, %dma_wait3A_251] : memref<10240x32xf32, #tpu.memory_space<vmem_shared>> -> memref<128x32xf32, #tpu.memory_space<vmem_shared>>
        tpu.wait_dma2 semaphore(%run_scoped3A : memref<!tpu.dma_semaphore, #tpu.memory_space<semaphore_mem>>) src(%dma_wait3A_252 : memref<128x32xf32, #tpu.memory_space<vmem_shared>>) dst(%arg13 : memref<128x32xf32, #tpu.memory_space<vmem>>)
        tpu.yield
      }) : () -> ()
      "tpu.region"() ({
        %run_scoped3A = tpu.sem_alloc : memref<!tpu.dma_semaphore, #tpu.memory_space<semaphore_mem>>
        %dma_start3A_245 = arith.constant 0 : i32
        %dma_start3A_246 = tpu.memref_slice %arg6[%add3A_239, %dma_start3A_245] : memref<10240x32xf32, #tpu.memory_space<hbm>> -> memref<128x32xf32, #tpu.memory_space<hbm>>
        %dma_start3A_247 = arith.constant 0 : i32
        %dma_start3A_248 = tpu.memref_slice %arg6[%add3A_239, %dma_start3A_247] : memref<10240x32xf32, #tpu.memory_space<hbm>> -> memref<128x32xf32, #tpu.memory_space<hbm>>
        tpu.enqueue_dma source(%dma_start3A_248 : memref<128x32xf32, #tpu.memory_space<hbm>>) target(%arg14 : memref<128x32xf32, #tpu.memory_space<vmem>>) target_semaphore(%run_scoped3A : memref<!tpu.dma_semaphore, #tpu.memory_space<semaphore_mem>>)
        %dma_wait3A_249 = arith.constant 0 : i32
        %dma_wait3A_250 = tpu.memref_slice %arg6[%add3A_239, %dma_wait3A_249] : memref<10240x32xf32, #tpu.memory_space<hbm>> -> memref<128x32xf32, #tpu.memory_space<hbm>>
        %dma_wait3A_251 = arith.constant 0 : i32
        %dma_wait3A_252 = tpu.memref_slice %arg6[%add3A_239, %dma_wait3A_251] : memref<10240x32xf32, #tpu.memory_space<hbm>> -> memref<128x32xf32, #tpu.memory_space<hbm>>
        tpu.wait_dma2 semaphore(%run_scoped3A : memref<!tpu.dma_semaphore, #tpu.memory_space<semaphore_mem>>) src(%dma_wait3A_252 : memref<128x32xf32, #tpu.memory_space<hbm>>) dst(%arg14 : memref<128x32xf32, #tpu.memory_space<vmem>>)
        tpu.yield
      }) : () -> ()
      "tpu.region"() ({
        %run_scoped3A = tpu.sem_alloc : memref<!tpu.dma_semaphore, #tpu.memory_space<semaphore_mem>>
        %dma_start3A_245 = arith.constant 0 : i32
        %dma_start3A_246 = arith.constant 0 : i32
        %dma_start3A_247 = tpu.memref_slice %arg8[%arg0, %dma_start3A_245, %dma_start3A_246] : memref<2x10240x32xf32, #tpu.memory_space<hbm>> -> memref<1x10240x32xf32, #tpu.memory_space<hbm>>
        %dma_start3A_248 = tpu.memref_squeeze %dma_start3A_247 : memref<1x10240x32xf32, #tpu.memory_space<hbm>> -> memref<10240x32xf32, #tpu.memory_space<hbm>>
        %dma_start3A_249 = arith.constant 0 : i32
        %dma_start3A_250 = tpu.memref_slice %dma_start3A_248[%add3A_239, %dma_start3A_249] : memref<10240x32xf32, #tpu.memory_space<hbm>> -> memref<128x32xf32, #tpu.memory_space<hbm>>
        %dma_start3A_251 = arith.constant 0 : i32
        %dma_start3A_252 = arith.constant 0 : i32
        %dma_start3A_253 = tpu.memref_slice %arg8[%arg0, %dma_start3A_251, %dma_start3A_252] : memref<2x10240x32xf32, #tpu.memory_space<hbm>> -> memref<1x10240x32xf32, #tpu.memory_space<hbm>>
        %dma_start3A_254 = tpu.memref_squeeze %dma_start3A_253 : memref<1x10240x32xf32, #tpu.memory_space<hbm>> -> memref<10240x32xf32, #tpu.memory_space<hbm>>
        %dma_start3A_255 = arith.constant 0 : i32
        %dma_start3A_256 = tpu.memref_slice %dma_start3A_254[%add3A_239, %dma_start3A_255] : memref<10240x32xf32, #tpu.memory_space<hbm>> -> memref<128x32xf32, #tpu.memory_space<hbm>>
        tpu.enqueue_dma source(%dma_start3A_256 : memref<128x32xf32, #tpu.memory_space<hbm>>) target(%arg15 : memref<128x32xf32, #tpu.memory_space<vmem>>) target_semaphore(%run_scoped3A : memref<!tpu.dma_semaphore, #tpu.memory_space<semaphore_mem>>)
        %dma_wait3A_257 = arith.constant 0 : i32
        %dma_wait3A_258 = arith.constant 0 : i32
        %dma_wait3A_259 = tpu.memref_slice %arg8[%arg0, %dma_wait3A_257, %dma_wait3A_258] : memref<2x10240x32xf32, #tpu.memory_space<hbm>> -> memref<1x10240x32xf32, #tpu.memory_space<hbm>>
        %dma_wait3A_260 = tpu.memref_squeeze %dma_wait3A_259 : memref<1x10240x32xf32, #tpu.memory_space<hbm>> -> memref<10240x32xf32, #tpu.memory_space<hbm>>
        %dma_wait3A_261 = arith.constant 0 : i32
        %dma_wait3A_262 = tpu.memref_slice %dma_wait3A_260[%add3A_239, %dma_wait3A_261] : memref<10240x32xf32, #tpu.memory_space<hbm>> -> memref<128x32xf32, #tpu.memory_space<hbm>>
        %dma_wait3A_263 = arith.constant 0 : i32
        %dma_wait3A_264 = arith.constant 0 : i32
        %dma_wait3A_265 = tpu.memref_slice %arg8[%arg0, %dma_wait3A_263, %dma_wait3A_264] : memref<2x10240x32xf32, #tpu.memory_space<hbm>> -> memref<1x10240x32xf32, #tpu.memory_space<hbm>>
        %dma_wait3A_266 = tpu.memref_squeeze %dma_wait3A_265 : memref<1x10240x32xf32, #tpu.memory_space<hbm>> -> memref<10240x32xf32, #tpu.memory_space<hbm>>
        %dma_wait3A_267 = arith.constant 0 : i32
        %dma_wait3A_268 = tpu.memref_slice %dma_wait3A_266[%add3A_239, %dma_wait3A_267] : memref<10240x32xf32, #tpu.memory_space<hbm>> -> memref<128x32xf32, #tpu.memory_space<hbm>>
        tpu.wait_dma2 semaphore(%run_scoped3A : memref<!tpu.dma_semaphore, #tpu.memory_space<semaphore_mem>>) src(%dma_wait3A_268 : memref<128x32xf32, #tpu.memory_space<hbm>>) dst(%arg15 : memref<128x32xf32, #tpu.memory_space<vmem>>)
        tpu.yield
      }) : () -> ()
      %scan3A_240 = arith.constant 0 : i32
      %scan3A_241 = arith.constant 128 : i32
      %scan3A_242 = arith.addi %scan3A_240, %scan3A_241 : i32
      %scan3A_243 = arith.constant 1 : i32
      scf.for %scan3A_245 = %scan3A_240 to %scan3A_242 step %scan3A_243  : i32 {
        %mul3A_246 = arith.constant 1 : i32
        %mul3A_247 = arith.muli %scan3A_245, %mul3A_246 : i32
        %add3A_248 = arith.constant 0 : i32
        %add3A_249 = arith.addi %add3A_248, %mul3A_247 : i32
        %get3A = arith.index_cast %add3A_249 : i32 to index
        %get3A_250 = arith.constant 0 : index
        %get3A_251 = tpu.vector_load %arg13[%get3A, %get3A_250] {strides = array<i32>} : memref<128x32xf32, #tpu.memory_space<vmem>>, vector<1x16xf32>,
        %get3A_252 = vector.shape_cast %get3A_251 : vector<1x16xf32> to vector<16xf32>
        %get3A_253 = arith.index_cast %add3A_249 : i32 to index
        %get3A_254 = arith.constant 0 : index
        %get3A_255 = tpu.vector_load %arg14[%get3A_253, %get3A_254] {strides = array<i32>} : memref<128x32xf32, #tpu.memory_space<vmem>>, vector<1x16xf32>,
        %get3A_256 = vector.shape_cast %get3A_255 : vector<1x16xf32> to vector<16xf32>
        %mul3A_257 = arith.mulf %get3A_256, %get3A_252 : vector<16xf32>
        %get3A_258 = arith.index_cast %add3A_249 : i32 to index
        %get3A_259 = arith.constant 0 : index
        %get3A_260 = tpu.vector_load %arg15[%get3A_258, %get3A_259] {strides = array<i32>} : memref<128x32xf32, #tpu.memory_space<vmem>>, vector<1x16xf32>,
        %get3A_261 = vector.shape_cast %get3A_260 : vector<1x16xf32> to vector<16xf32>
        %add3A_262 = arith.addf %mul3A_257, %get3A_261 : vector<16xf32>
        %swap3A = arith.index_cast %add3A_249 : i32 to index
        %swap3A_263 = arith.constant 0 : index
        %swap3A_264 = tpu.vector_load %arg13[%swap3A, %swap3A_263] {strides = array<i32>} : memref<128x32xf32, #tpu.memory_space<vmem>>, vector<1x16xf32>,
        %swap3A_265 = vector.shape_cast %swap3A_264 : vector<1x16xf32> to vector<16xf32>
        %swap3A_266 = vector.shape_cast %add3A_262 : vector<16xf32> to vector<1x16xf32>
        tpu.vector_store %arg13[%swap3A, %swap3A_263], %swap3A_266 {strides = array<i32>} : memref<128x32xf32, #tpu.memory_space<vmem>>, vector<1x16xf32>,
        %get3A_267 = arith.index_cast %add3A_249 : i32 to index
        %get3A_268 = arith.constant 16 : index
        %get3A_269 = tpu.vector_load %arg13[%get3A_267, %get3A_268] {strides = array<i32>} : memref<128x32xf32, #tpu.memory_space<vmem>>, vector<1x16xf32>,
        %get3A_270 = vector.shape_cast %get3A_269 : vector<1x16xf32> to vector<16xf32>
        %get3A_271 = arith.index_cast %add3A_249 : i32 to index
        %get3A_272 = arith.constant 16 : index
        %get3A_273 = tpu.vector_load %arg14[%get3A_271, %get3A_272] {strides = array<i32>} : memref<128x32xf32, #tpu.memory_space<vmem>>, vector<1x16xf32>,
        %get3A_274 = vector.shape_cast %get3A_273 : vector<1x16xf32> to vector<16xf32>
        %mul3A_275 = arith.mulf %get3A_274, %get3A_270 : vector<16xf32>
        %get3A_276 = arith.index_cast %add3A_249 : i32 to index
        %get3A_277 = arith.constant 16 : index
        %get3A_278 = tpu.vector_load %arg15[%get3A_276, %get3A_277] {strides = array<i32>} : memref<128x32xf32, #tpu.memory_space<vmem>>, vector<1x16xf32>,
        %get3A_279 = vector.shape_cast %get3A_278 : vector<1x16xf32> to vector<16xf32>
        %add3A_280 = arith.addf %mul3A_275, %get3A_279 : vector<16xf32>
        %swap3A_281 = arith.index_cast %add3A_249 : i32 to index
        %swap3A_282 = arith.constant 16 : index
        %swap3A_283 = tpu.vector_load %arg13[%swap3A_281, %swap3A_282] {strides = array<i32>} : memref<128x32xf32, #tpu.memory_space<vmem>>, vector<1x16xf32>,
        %swap3A_284 = vector.shape_cast %swap3A_283 : vector<1x16xf32> to vector<16xf32>
        %swap3A_285 = vector.shape_cast %add3A_280 : vector<16xf32> to vector<1x16xf32>
        tpu.vector_store %arg13[%swap3A_281, %swap3A_282], %swap3A_285 {strides = array<i32>} : memref<128x32xf32, #tpu.memory_space<vmem>>, vector<1x16xf32>,
      }
      %scan3A_244 = arith.constant 128 : i32
      "tpu.region"() ({
        %run_scoped3A = tpu.sem_alloc : memref<!tpu.dma_semaphore, #tpu.memory_space<semaphore_mem>>
        %dma_start3A_245 = arith.constant 0 : i32
        %dma_start3A_246 = arith.constant 0 : i32
        %dma_start3A_247 = tpu.memref_slice %arg9[%arg0, %dma_start3A_245, %dma_start3A_246] : memref<2x10240x32xf32, #tpu.memory_space<hbm>> -> memref<1x10240x32xf32, #tpu.memory_space<hbm>>
        %dma_start3A_248 = tpu.memref_squeeze %dma_start3A_247 : memref<1x10240x32xf32, #tpu.memory_space<hbm>> -> memref<10240x32xf32, #tpu.memory_space<hbm>>
        %dma_start3A_249 = arith.constant 0 : i32
        %dma_start3A_250 = tpu.memref_slice %dma_start3A_248[%add3A_239, %dma_start3A_249] : memref<10240x32xf32, #tpu.memory_space<hbm>> -> memref<128x32xf32, #tpu.memory_space<hbm>>
        %dma_start3A_251 = arith.constant 0 : i32
        %dma_start3A_252 = arith.constant 0 : i32
        %dma_start3A_253 = tpu.memref_slice %arg9[%arg0, %dma_start3A_251, %dma_start3A_252] : memref<2x10240x32xf32, #tpu.memory_space<hbm>> -> memref<1x10240x32xf32, #tpu.memory_space<hbm>>
        %dma_start3A_254 = tpu.memref_squeeze %dma_start3A_253 : memref<1x10240x32xf32, #tpu.memory_space<hbm>> -> memref<10240x32xf32, #tpu.memory_space<hbm>>
        %dma_start3A_255 = arith.constant 0 : i32
        %dma_start3A_256 = tpu.memref_slice %dma_start3A_254[%add3A_239, %dma_start3A_255] : memref<10240x32xf32, #tpu.memory_space<hbm>> -> memref<128x32xf32, #tpu.memory_space<hbm>>
        tpu.enqueue_dma source(%arg13 : memref<128x32xf32, #tpu.memory_space<vmem>>) target(%dma_start3A_256 : memref<128x32xf32, #tpu.memory_space<hbm>>) target_semaphore(%run_scoped3A : memref<!tpu.dma_semaphore, #tpu.memory_space<semaphore_mem>>)
        %dma_wait3A_257 = arith.constant 0 : i32
        %dma_wait3A_258 = arith.constant 0 : i32
        %dma_wait3A_259 = tpu.memref_slice %arg9[%arg0, %dma_wait3A_257, %dma_wait3A_258] : memref<2x10240x32xf32, #tpu.memory_space<hbm>> -> memref<1x10240x32xf32, #tpu.memory_space<hbm>>
        %dma_wait3A_260 = tpu.memref_squeeze %dma_wait3A_259 : memref<1x10240x32xf32, #tpu.memory_space<hbm>> -> memref<10240x32xf32, #tpu.memory_space<hbm>>
        %dma_wait3A_261 = arith.constant 0 : i32
        %dma_wait3A_262 = tpu.memref_slice %dma_wait3A_260[%add3A_239, %dma_wait3A_261] : memref<10240x32xf32, #tpu.memory_space<hbm>> -> memref<128x32xf32, #tpu.memory_space<hbm>>
        %dma_wait3A_263 = arith.constant 0 : i32
        %dma_wait3A_264 = arith.constant 0 : i32
        %dma_wait3A_265 = tpu.memref_slice %arg9[%arg0, %dma_wait3A_263, %dma_wait3A_264] : memref<2x10240x32xf32, #tpu.memory_space<hbm>> -> memref<1x10240x32xf32, #tpu.memory_space<hbm>>
        %dma_wait3A_266 = tpu.memref_squeeze %dma_wait3A_265 : memref<1x10240x32xf32, #tpu.memory_space<hbm>> -> memref<10240x32xf32, #tpu.memory_space<hbm>>
        %dma_wait3A_267 = arith.constant 0 : i32
        %dma_wait3A_268 = tpu.memref_slice %dma_wait3A_266[%add3A_239, %dma_wait3A_267] : memref<10240x32xf32, #tpu.memory_space<hbm>> -> memref<128x32xf32, #tpu.memory_space<hbm>>
        tpu.wait_dma2 semaphore(%run_scoped3A : memref<!tpu.dma_semaphore, #tpu.memory_space<semaphore_mem>>) src(%arg13 : memref<128x32xf32, #tpu.memory_space<vmem>>) dst(%dma_wait3A_268 : memref<128x32xf32, #tpu.memory_space<hbm>>)
        tpu.yield
      }) : () -> ()
    }
    %scan3A_232 = arith.constant 5 : i32
    return
  }
}

module attributes {stable_mosaic.version = 14 : i64} {
  func.func @_prep_body(%arg0: i32, %arg1: memref<256x128xf32, #tpu.memory_space<vmem>>, %arg2: memref<128x128xf32, #tpu.memory_space<vmem>>, %arg3: memref<1x128xf32, #tpu.memory_space<vmem>>, %arg4: memref<128x64xf32, #tpu.memory_space<vmem>>, %arg5: memref<1x64xf32, #tpu.memory_space<vmem>>, %arg6: memref<2x256x8xf32, #tpu.memory_space<vmem>>, %arg7: memref<2x256x32xf32, #tpu.memory_space<vmem>>, %arg8: memref<256x32xf32, #tpu.memory_space<vmem>>, %arg9: memref<256x32xf32, #tpu.memory_space<vmem>>, %arg10: memref<2x256x32xf32, #tpu.memory_space<vmem>>, %arg11: memref<2x256x32xf32, #tpu.memory_space<vmem>>) attributes {dimension_semantics = [#tpu.dimension_semantics<arbitrary>], iteration_bounds = array<i64: 40>, scalar_prefetch = 0 : i64, scratch_operands = 0 : i64, tpu.core_type = #tpu.core_type<tc>, window_params = [{transform_indices = @transform_0, window_bounds = array<i64: 256, 128>}, {pipeline_mode = #tpu.pipeline_mode<synchronous>, transform_indices = @transform_1, window_bounds = array<i64: 128, 128>}, {pipeline_mode = #tpu.pipeline_mode<synchronous>, transform_indices = @transform_2, window_bounds = array<i64: 1, 128>}, {pipeline_mode = #tpu.pipeline_mode<synchronous>, transform_indices = @transform_3, window_bounds = array<i64: 128, 64>}, {pipeline_mode = #tpu.pipeline_mode<synchronous>, transform_indices = @transform_4, window_bounds = array<i64: 1, 64>}, {transform_indices = @transform_5, window_bounds = array<i64: 2, 256, 8>}, {transform_indices = @transform_6, window_bounds = array<i64: 2, 256, 32>}, {transform_indices = @transform_7, window_bounds = array<i64: 256, 32>}, {transform_indices = @transform_8, window_bounds = array<i64: 256, 32>}, {transform_indices = @transform_9, window_bounds = array<i64: 2, 256, 32>}, {transform_indices = @transform_10, window_bounds = array<i64: 2, 256, 32>}]} {
    %get3A = arith.constant 0 : index
    %get3A_0 = arith.constant 0 : index
    %get3A_1 = vector.load %arg1[%get3A, %get3A_0] : memref<256x128xf32, #tpu.memory_space<vmem>>, vector<256x128xf32>
    %get3A_2 = arith.constant 0 : index
    %get3A_3 = arith.constant 0 : index
    %get3A_4 = vector.load %arg2[%get3A_2, %get3A_3] : memref<128x128xf32, #tpu.memory_space<vmem>>, vector<128x128xf32>
    %dot_general3A = arith.constant dense<0.000000e+00> : vector<256x128xf32>
    %dot_general3A_5 = tpu.matmul %get3A_1, %get3A_4, %dot_general3A {dimension_numbers = #tpu.dot_dimension_numbers<[1], [0], [0], [1], [0, 0, 1, 1], [], []>, transpose_lhs_hint = false} : vector<256x128xf32>, vector<128x128xf32>, vector<256x128xf32> -> vector<256x128xf32>
    %get3A_6 = arith.constant 0 : index
    %get3A_7 = arith.constant 0 : index
    %get3A_8 = vector.load %arg3[%get3A_6, %get3A_7] : memref<1x128xf32, #tpu.memory_space<vmem>>, vector<1x128xf32>
    %add3A = vector.broadcast %get3A_8 : vector<1x128xf32> to vector<256x128xf32>
    %add3A_9 = arith.addf %dot_general3A_5, %add3A : vector<256x128xf32>
    %max3A = arith.constant 0.000000e+00 : f32
    %max3A_10 = vector.broadcast %max3A : f32 to vector<256x128xf32>
    %max3A_11 = arith.maximumf %add3A_9, %max3A_10 : vector<256x128xf32>
    %get3A_12 = arith.constant 0 : index
    %get3A_13 = arith.constant 0 : index
    %get3A_14 = vector.load %arg4[%get3A_12, %get3A_13] : memref<128x64xf32, #tpu.memory_space<vmem>>, vector<128x64xf32>
    %dot_general3A_15 = arith.constant dense<0.000000e+00> : vector<256x64xf32>
    %dot_general3A_16 = tpu.matmul %max3A_11, %get3A_14, %dot_general3A_15 {dimension_numbers = #tpu.dot_dimension_numbers<[1], [0], [0], [1], [0, 0, 1, 1], [], []>, transpose_lhs_hint = false} : vector<256x128xf32>, vector<128x64xf32>, vector<256x64xf32> -> vector<256x64xf32>
    %get3A_17 = arith.constant 0 : index
    %get3A_18 = arith.constant 0 : index
    %get3A_19 = vector.load %arg5[%get3A_17, %get3A_18] : memref<1x64xf32, #tpu.memory_space<vmem>>, vector<1x64xf32>
    %add3A_20 = vector.broadcast %get3A_19 : vector<1x64xf32> to vector<256x64xf32>
    %add3A_21 = arith.addf %dot_general3A_16, %add3A_20 : vector<256x64xf32>
    %get3A_22 = arith.constant 0 : index
    %get3A_23 = arith.constant 0 : index
    %get3A_24 = arith.constant 0 : index
    %get3A_25 = vector.load %arg6[%get3A_22, %get3A_23, %get3A_24] : memref<2x256x8xf32, #tpu.memory_space<vmem>>, vector<1x256x1xf32>
    %get3A_26 = vector.shape_cast %get3A_25 : vector<1x256x1xf32> to vector<256x1xf32>
    %get3A_27 = arith.constant 1 : index
    %get3A_28 = arith.constant 0 : index
    %get3A_29 = arith.constant 0 : index
    %get3A_30 = vector.load %arg6[%get3A_27, %get3A_28, %get3A_29] : memref<2x256x8xf32, #tpu.memory_space<vmem>>, vector<1x256x1xf32>
    %get3A_31 = vector.shape_cast %get3A_30 : vector<1x256x1xf32> to vector<256x1xf32>
    %add3A_32 = arith.addf %get3A_26, %get3A_31 : vector<256x1xf32>
    %rsqrt3A = math.rsqrt %add3A_32 : vector<256x1xf32>
    %mul3A = vector.broadcast %rsqrt3A : vector<256x1xf32> to vector<256x64xf32>
    %mul3A_33 = arith.mulf %add3A_21, %mul3A : vector<256x64xf32>
    %mul3A_34 = arith.constant 1.000000e-01 : f32
    %mul3A_35 = vector.broadcast %mul3A_34 : f32 to vector<256x1xf32>
    %mul3A_36 = arith.mulf %mul3A_35, %rsqrt3A : vector<256x1xf32>
    %mul3A_37 = vector.broadcast %mul3A_36 : vector<256x1xf32> to vector<256x64xf32>
    %mul3A_38 = arith.mulf %mul3A_37, %add3A_21 : vector<256x64xf32>
    %mul3A_39 = arith.constant 1.000000e-01 : f32
    %mul3A_40 = vector.broadcast %mul3A_39 : f32 to vector<256x64xf32>
    %mul3A_41 = arith.mulf %mul3A_40, %add3A_21 : vector<256x64xf32>
    %slice3A = vector.extract_strided_slice %mul3A_33 {offsets = [0, 0], sizes = [256, 32], strides = [1, 1]} : vector<256x64xf32> to vector<256x32xf32>
    %swap3A = arith.constant 0 : index
    %swap3A_42 = arith.constant 0 : index
    %swap3A_43 = arith.constant 0 : index
    %swap3A_44 = vector.load %arg7[%swap3A, %swap3A_42, %swap3A_43] : memref<2x256x32xf32, #tpu.memory_space<vmem>>, vector<1x256x32xf32>
    %swap3A_45 = vector.shape_cast %swap3A_44 : vector<1x256x32xf32> to vector<256x32xf32>
    %swap3A_46 = vector.shape_cast %slice3A : vector<256x32xf32> to vector<1x256x32xf32>
    tpu.vector_store %arg7[%swap3A, %swap3A_42, %swap3A_43], %swap3A_46 {strides = array<i32>} : memref<2x256x32xf32, #tpu.memory_space<vmem>>, vector<1x256x32xf32>,
    %slice3A_47 = vector.extract_strided_slice %mul3A_33 {offsets = [0, 32], sizes = [256, 32], strides = [1, 1]} : vector<256x64xf32> to vector<256x32xf32>
    %swap3A_48 = arith.constant 1 : index
    %swap3A_49 = arith.constant 0 : index
    %swap3A_50 = arith.constant 0 : index
    %swap3A_51 = vector.load %arg7[%swap3A_48, %swap3A_49, %swap3A_50] : memref<2x256x32xf32, #tpu.memory_space<vmem>>, vector<1x256x32xf32>
    %swap3A_52 = vector.shape_cast %swap3A_51 : vector<1x256x32xf32> to vector<256x32xf32>
    %swap3A_53 = vector.shape_cast %slice3A_47 : vector<256x32xf32> to vector<1x256x32xf32>
    tpu.vector_store %arg7[%swap3A_48, %swap3A_49, %swap3A_50], %swap3A_53 {strides = array<i32>} : memref<2x256x32xf32, #tpu.memory_space<vmem>>, vector<1x256x32xf32>,
    %mul3A_54 = arith.constant 0.899999976 : f32
    %mul3A_55 = vector.broadcast %mul3A_54 : f32 to vector<256x1xf32>
    %mul3A_56 = arith.mulf %mul3A_55, %rsqrt3A : vector<256x1xf32>
    %mul3A_57 = arith.mulf %mul3A_56, %rsqrt3A : vector<256x1xf32>
    %broadcast_in_dim3A = vector.shape_cast %mul3A_57 : vector<256x1xf32> to vector<256x1xf32>
    %broadcast_in_dim3A_58 = vector.broadcast %broadcast_in_dim3A : vector<256x1xf32> to vector<256x32xf32>
    %swap3A_59 = arith.constant 0 : index
    %swap3A_60 = arith.constant 0 : index
    %swap3A_61 = vector.load %arg8[%swap3A_59, %swap3A_60] : memref<256x32xf32, #tpu.memory_space<vmem>>, vector<256x32xf32>
    tpu.vector_store %arg8[%swap3A_59, %swap3A_60], %broadcast_in_dim3A_58 {strides = array<i32>} : memref<256x32xf32, #tpu.memory_space<vmem>>, vector<256x32xf32>,
    %mul3A_62 = arith.constant 0.899999976 : f32
    %mul3A_63 = vector.broadcast %mul3A_62 : f32 to vector<256x1xf32>
    %mul3A_64 = arith.mulf %mul3A_63, %rsqrt3A : vector<256x1xf32>
    %broadcast_in_dim3A_65 = vector.shape_cast %mul3A_64 : vector<256x1xf32> to vector<256x1xf32>
    %broadcast_in_dim3A_66 = vector.broadcast %broadcast_in_dim3A_65 : vector<256x1xf32> to vector<256x32xf32>
    %swap3A_67 = arith.constant 0 : index
    %swap3A_68 = arith.constant 0 : index
    %swap3A_69 = vector.load %arg9[%swap3A_67, %swap3A_68] : memref<256x32xf32, #tpu.memory_space<vmem>>, vector<256x32xf32>
    tpu.vector_store %arg9[%swap3A_67, %swap3A_68], %broadcast_in_dim3A_66 {strides = array<i32>} : memref<256x32xf32, #tpu.memory_space<vmem>>, vector<256x32xf32>,
    %slice3A_70 = vector.extract_strided_slice %mul3A_38 {offsets = [0, 0], sizes = [256, 32], strides = [1, 1]} : vector<256x64xf32> to vector<256x32xf32>
    %swap3A_71 = arith.constant 0 : index
    %swap3A_72 = arith.constant 0 : index
    %swap3A_73 = arith.constant 0 : index
    %swap3A_74 = vector.load %arg10[%swap3A_71, %swap3A_72, %swap3A_73] : memref<2x256x32xf32, #tpu.memory_space<vmem>>, vector<1x256x32xf32>
    %swap3A_75 = vector.shape_cast %swap3A_74 : vector<1x256x32xf32> to vector<256x32xf32>
    %swap3A_76 = vector.shape_cast %slice3A_70 : vector<256x32xf32> to vector<1x256x32xf32>
    tpu.vector_store %arg10[%swap3A_71, %swap3A_72, %swap3A_73], %swap3A_76 {strides = array<i32>} : memref<2x256x32xf32, #tpu.memory_space<vmem>>, vector<1x256x32xf32>,
    %slice3A_77 = vector.extract_strided_slice %mul3A_38 {offsets = [0, 32], sizes = [256, 32], strides = [1, 1]} : vector<256x64xf32> to vector<256x32xf32>
    %swap3A_78 = arith.constant 1 : index
    %swap3A_79 = arith.constant 0 : index
    %swap3A_80 = arith.constant 0 : index
    %swap3A_81 = vector.load %arg10[%swap3A_78, %swap3A_79, %swap3A_80] : memref<2x256x32xf32, #tpu.memory_space<vmem>>, vector<1x256x32xf32>
    %swap3A_82 = vector.shape_cast %swap3A_81 : vector<1x256x32xf32> to vector<256x32xf32>
    %swap3A_83 = vector.shape_cast %slice3A_77 : vector<256x32xf32> to vector<1x256x32xf32>
    tpu.vector_store %arg10[%swap3A_78, %swap3A_79, %swap3A_80], %swap3A_83 {strides = array<i32>} : memref<2x256x32xf32, #tpu.memory_space<vmem>>, vector<1x256x32xf32>,
    %slice3A_84 = vector.extract_strided_slice %mul3A_41 {offsets = [0, 0], sizes = [256, 32], strides = [1, 1]} : vector<256x64xf32> to vector<256x32xf32>
    %swap3A_85 = arith.constant 0 : index
    %swap3A_86 = arith.constant 0 : index
    %swap3A_87 = arith.constant 0 : index
    %swap3A_88 = vector.load %arg11[%swap3A_85, %swap3A_86, %swap3A_87] : memref<2x256x32xf32, #tpu.memory_space<vmem>>, vector<1x256x32xf32>
    %swap3A_89 = vector.shape_cast %swap3A_88 : vector<1x256x32xf32> to vector<256x32xf32>
    %swap3A_90 = vector.shape_cast %slice3A_84 : vector<256x32xf32> to vector<1x256x32xf32>
    tpu.vector_store %arg11[%swap3A_85, %swap3A_86, %swap3A_87], %swap3A_90 {strides = array<i32>} : memref<2x256x32xf32, #tpu.memory_space<vmem>>, vector<1x256x32xf32>,
    %slice3A_91 = vector.extract_strided_slice %mul3A_41 {offsets = [0, 32], sizes = [256, 32], strides = [1, 1]} : vector<256x64xf32> to vector<256x32xf32>
    %swap3A_92 = arith.constant 1 : index
    %swap3A_93 = arith.constant 0 : index
    %swap3A_94 = arith.constant 0 : index
    %swap3A_95 = vector.load %arg11[%swap3A_92, %swap3A_93, %swap3A_94] : memref<2x256x32xf32, #tpu.memory_space<vmem>>, vector<1x256x32xf32>
    %swap3A_96 = vector.shape_cast %swap3A_95 : vector<1x256x32xf32> to vector<256x32xf32>
    %swap3A_97 = vector.shape_cast %slice3A_91 : vector<256x32xf32> to vector<1x256x32xf32>
    tpu.vector_store %arg11[%swap3A_92, %swap3A_93, %swap3A_94], %swap3A_97 {strides = array<i32>} : memref<2x256x32xf32, #tpu.memory_space<vmem>>, vector<1x256x32xf32>,
    return
  }
  func.func @transform_0(%arg0: i32) -> (i32, i32) {
    %c0_i32 = arith.constant 0 : i32
    %c0_i32_0 = arith.constant 0 : i32
    return %arg0, %c0_i32 : i32, i32
  }
  func.func @transform_1(%arg0: i32) -> (i32, i32) {
    %c0_i32 = arith.constant 0 : i32
    %c0_i32_0 = arith.constant 0 : i32
    %c0_i32_1 = arith.constant 0 : i32
    return %c0_i32, %c0_i32_0 : i32, i32
  }
  func.func @transform_2(%arg0: i32) -> (i32, i32) {
    %c0_i32 = arith.constant 0 : i32
    %c0_i32_0 = arith.constant 0 : i32
    %c0_i32_1 = arith.constant 0 : i32
    return %c0_i32, %c0_i32_0 : i32, i32
  }
  func.func @transform_3(%arg0: i32) -> (i32, i32) {
    %c0_i32 = arith.constant 0 : i32
    %c0_i32_0 = arith.constant 0 : i32
    %c0_i32_1 = arith.constant 0 : i32
    return %c0_i32, %c0_i32_0 : i32, i32
  }
  func.func @transform_4(%arg0: i32) -> (i32, i32) {
    %c0_i32 = arith.constant 0 : i32
    %c0_i32_0 = arith.constant 0 : i32
    %c0_i32_1 = arith.constant 0 : i32
    return %c0_i32, %c0_i32_0 : i32, i32
  }
  func.func @transform_5(%arg0: i32) -> (i32, i32, i32) {
    %c0_i32 = arith.constant 0 : i32
    %c0_i32_0 = arith.constant 0 : i32
    %c0_i32_1 = arith.constant 0 : i32
    return %c0_i32, %arg0, %c0_i32_0 : i32, i32, i32
  }
  func.func @transform_6(%arg0: i32) -> (i32, i32, i32) {
    %c0_i32 = arith.constant 0 : i32
    %c0_i32_0 = arith.constant 0 : i32
    %c0_i32_1 = arith.constant 0 : i32
    return %c0_i32, %arg0, %c0_i32_0 : i32, i32, i32
  }
  func.func @transform_7(%arg0: i32) -> (i32, i32) {
    %c0_i32 = arith.constant 0 : i32
    %c0_i32_0 = arith.constant 0 : i32
    return %arg0, %c0_i32 : i32, i32
  }
  func.func @transform_8(%arg0: i32) -> (i32, i32) {
    %c0_i32 = arith.constant 0 : i32
    %c0_i32_0 = arith.constant 0 : i32
    return %arg0, %c0_i32 : i32, i32
  }
  func.func @transform_9(%arg0: i32) -> (i32, i32, i32) {
    %c0_i32 = arith.constant 0 : i32
    %c0_i32_0 = arith.constant 0 : i32
    %c0_i32_1 = arith.constant 0 : i32
    return %c0_i32, %arg0, %c0_i32_0 : i32, i32, i32
  }
  func.func @transform_10(%arg0: i32) -> (i32, i32, i32) {
    %c0_i32 = arith.constant 0 : i32
    %c0_i32_0 = arith.constant 0 : i32
    %c0_i32_1 = arith.constant 0 : i32
    return %c0_i32, %arg0, %c0_i32_0 : i32, i32, i32
  }
}

</mosaic_0001>

<sc_bundles>
// kernel: kernel.5.cloned.1.call-start
scs
__scs_entry_jumppad:
0x0: {  	(pc) =	sbr.rel $0x88, $3  }
0x1: {  	(tag) =	ssettag $0x0;
	lr =	simm.s32 $0x1  }
0x2: {  	[smem:$0x3F9B] =	sst lr;
	_ =	strace $0xD0000000  }
0x3: {  	_ = 	snop  }
0x4: {  	_ = 	snop  }
0x5: {  	_ = 	snop  }
0x6: {  	_ = 	snop  }
0x7: {  	_ = 	snop  }
__scs_overlays_trampoline_lowered:
0x8: {  	[smem:$0x3FAA] =	sst s0  }
0x9: {  	[smem:$0x3FAB] =	sst s1  }
0xa: {  	[smem:$0x3FAC] =	sst s2  }
0xb: {  	[smem:$0x3FAD] =	sst s3  }
0xc: {  	[smem:$0x3FAE] =	sst s4  }
0xd: {  	[smem:$0x3FAF] =	sst s5  }
0xe: {  	[smem:$0x3FB0] =	sst s6  }
0xf: {  	[smem:$0x3FB1] =	sst s7  }
0x10: {  	[smem:$0x3FB2] =	sst s8  }
0x11: {  	[smem:$0x3FB3] =	sst s9;
	s0 =	simm.s32 @!p0 $0x0  }
0x12: {  	s1 =	sld [smem:$0x3F99];
	s0 =	simm.s32 @p0 $0x1  }
0x13: {  	[smem:$0x3FB4] =	sst s0;
	s0 =	simm.s32 @!p1 $0x0  }
0x14: {  	s2 =	sld [smem:$0x3F98];
	s0 =	simm.s32 @p1 $0x1  }
0x15: {  	[smem:$0x3FB5] =	sst s0;
	s0 =	simm.s32 @!p2 $0x0  }
0x16: {  	s3 =	sld [smem:$0x3FDB];
	s0 =	simm.s32 @p2 $0x1  }
0x17: {  	s4 =	simm.s32 $0x1BF5;
	[smem:$0x3FB7] =	sst s0  }
0x18: {  	s0 =	sld [smem:$0x3F9A];
	_ =	swait.ge [sflag:s4], $0x0  }
0x19: {  	s7 =	sld [smem:$0x3F9B]  }
0x1a: {  	s8 =	sadd.s32 $0xFFFFE003, lr  }
0x1b: {  	s9 =	sadd.s32 $0xFFFFFEF7, lr;
	s5 =	simm.s32 $0xFFFFFFFF;
	p2 =	slt.u32 s8, $0xFFFFF086  }
0x1c: {  	p1 =	slt.u32 s9, $0xF7A;
	s5 =	simm.s32 @!p2 $0x0  }
0x1d: {  	s5 =	simm.s32 @p1 $0x1;
	p0 =	seq.s32 s7, s2  }
0x1e: {  	s7 =	smul.u32 @!p0 $0xF7A, s2;
	p2 =	seq.s32 @!p0 s5, $0x0  }
0x1f: {  	s9 =	smul.u32 $0xF7A, s1;
	s8 =	simm.s32 @!p0 $0x1BF5;
	p2 =	por !p2, p0  }
0x20: {  	[sflag:s8] =	ssyncset.s32 @!p0 $0xFFFFF086;
	s6 =	sadd.s32 @!p0 s3, s7;
	s7 =	simm.s32 @!p0 $0x108  }
0x21: {  	s3 =	sadd.s32 s3, s9;
	s6 =	sadd.s32 @!p0 $0x88, s6;
	s7 =	simm.s32 @p2 $0x1082  }
0x22: {  	[simem:s7], [sflag:s8] =	dma.local @!p0 [hbm:s6], $0xF7A  }
0x23: {  	s9 =	sor.u32 $0xD0000000, s2;
	s6 =	simm.s32 $0x108;
	_ =	swait.ge @!p0 [sflag:s8], $0x0  }
0x24: {  	s3 =	sadd.s32 $0x88, s3;
	s6 =	simm.s32 @!p1 $0x1082;
	[sflag:s4] =	ssyncset.s32 $0xFFFFF086  }
0x25: {  	[simem:s6], [sflag:s4] =	dma.local [hbm:s3], $0xF7A  }
0x26: {  	[smem:$0x3F9B] =	sst s1;
	(tag) =	ssettag s2;
	_ =	strace s9  }
0x27: {  	s1 =	sld [smem:$0x3FAB]  }
0x28: {  	s2 =	sld [smem:$0x3FAC]  }
0x29: {  	s4 =	sld [smem:$0x3FAE]  }
0x2a: {  	p0 =	seq.s32 s5, $0x0;
	s5 =	sld [smem:$0x3FAF]  }
0x2b: {  	s6 =	sld [smem:$0x3FB0]  }
0x2c: {  	s7 =	sld [smem:$0x3FB1]  }
0x2d: {  	s3 =	simm.s32 $0x108;
	s8 =	sld [smem:$0x3FB2]  }
0x2e: {  	s3 =	simm.s32 @!p0 $0x1082;
	s9 =	sld [smem:$0x3FB3]  }
0x2f: {  	lr =	sadd.s32 s0, s3;
	s0 =	sld [smem:$0x3FAA]  }
0x30: {  	s3 =	sld [smem:$0x3FAD]  }
0x31: {  	[smem:$0x3FB6] =	sst s10  }
0x32: {  	s10 =	sld [smem:$0x3FB4];
	_ =	sdelay $0x3  }
0x33: {  	p0 =	seq.s32 s10, $0x1;
	s10 =	sld [smem:$0x3FB6];
	_ =	sdelay $0x3  }
0x34: {  	[smem:$0x3FB6] =	sst s10  }
0x35: {  	s10 =	sld [smem:$0x3FB5];
	_ =	sdelay $0x3  }
0x36: {  	p1 =	seq.s32 s10, $0x1;
	s10 =	sld [smem:$0x3FB6];
	_ =	sdelay $0x3  }
0x37: {  	[smem:$0x3FB6] =	sst s10  }
0x38: {  	s10 =	sld [smem:$0x3FB7]  }
0x39: {  	_ = 	snop;
	(pc) =	sbr.ind lr, $3  }
0x3a: {  	_ = 	snop  }
0x3b: {  	_ = 	snop  }
0x3c: {  	p2 =	seq.s32 s10, $0x1;
	s10 =	sld [smem:$0x3FB6]  }
0x3d: {  	_ =	shalt  }
0x3e: {  	_ =	shalt  }
0x3f: {  	_ =	shalt  }
0x40: {  	_ =	shalt  }
0x41: {  	_ =	shalt  }
0x42: {  	_ =	shalt  }
0x43: {  	_ =	shalt  }
0x44: {  	_ =	shalt  }
0x45: {  	_ =	shalt  }
0x46: {  	_ =	shalt  }
0x47: {  	_ =	shalt  }
0x48: {  	_ =	shalt  }
0x49: {  	_ =	shalt  }
0x4a: {  	_ =	shalt  }
0x4b: {  	_ =	shalt  }
0x4c: {  	_ =	shalt  }
0x4d: {  	_ =	shalt  }
0x4e: {  	_ =	shalt  }
0x4f: {  	_ =	shalt  }
0x50: {  	_ =	shalt  }
0x51: {  	_ =	shalt  }
0x52: {  	_ =	shalt  }
0x53: {  	_ =	shalt  }
0x54: {  	_ =	shalt  }
0x55: {  	_ =	shalt  }
0x56: {  	_ =	shalt  }
0x57: {  	_ =	shalt  }
0x58: {  	_ =	shalt  }
0x59: {  	_ =	shalt  }
0x5a: {  	_ =	shalt  }
0x5b: {  	_ =	shalt  }
0x5c: {  	_ =	shalt  }
0x5d: {  	_ =	shalt  }
0x5e: {  	_ =	shalt  }
0x5f: {  	_ =	shalt  }
0x60: {  	_ =	shalt  }
0x61: {  	_ =	shalt  }
0x62: {  	_ =	shalt  }
0x63: {  	_ =	shalt  }
0x64: {  	_ =	shalt  }
0x65: {  	_ =	shalt  }
0x66: {  	_ =	shalt  }
0x67: {  	_ =	shalt  }
0x68: {  	_ =	shalt  }
0x69: {  	_ =	shalt  }
0x6a: {  	_ =	shalt  }
0x6b: {  	_ =	shalt  }
0x6c: {  	_ =	shalt  }
0x6d: {  	_ =	shalt  }
0x6e: {  	_ =	shalt  }
0x6f: {  	_ =	shalt  }
0x70: {  	_ =	shalt  }
0x71: {  	_ =	shalt  }
0x72: {  	_ =	shalt  }
0x73: {  	_ =	shalt  }
0x74: {  	_ =	shalt  }
0x75: {  	_ =	shalt  }
0x76: {  	_ =	shalt  }
0x77: {  	_ =	shalt  }
0x78: {  	_ =	shalt  }
0x79: {  	_ =	shalt  }
0x7a: {  	_ =	shalt  }
0x7b: {  	_ =	shalt  }
0x7c: {  	_ =	shalt  }
0x7d: {  	_ =	shalt  }
0x7e: {  	_ =	shalt  }
0x7f: {  	_ =	shalt  }
0x80: {  	_ =	shalt  }
0x81: {  	_ =	shalt  }
0x82: {  	_ =	shalt  }
0x83: {  	_ =	shalt  }
0x84: {  	_ =	shalt  }
0x85: {  	_ =	shalt  }
0x86: {  	_ =	shalt  }
0x87: {  	_ =	shalt  }
.Lfunc_end0:
.L_simem_size_0:
called_computation_lowered:
.L_overlay_start_0:
0x88: {  	s2 =	sld [smem:$0x3FD9]  }
0x89: {  	s3 =	sld [smem:$0x3FFE];
	_ =	sdelay $0x1  }
0x8a: {  	s1 =	srdreg.scid  }
0x8b: {  	s0 =	sand.u32 $0x1, s1  }
0x8c: {  	s17 =	sshll.u32 s0, $0xA;
	s2 =	sadd.s32 s3, s2  }
0x8d: {  	s2 =	sadd.s32 s2, s17  }
0x8e: {  	[smem:$0x3FC2] =	sst s2  }
0x8f: {  	_ = 	snop  }
0x90: {  	s2 =	sld [smem:$0x3FD0];
	(tm) =	ssettm $0x1  }
0x91: {  	s18 =	sld [smem:$0x3FFB];
	_ =	sdelay $0x3  }
0x92: {  	_ =	strace s18  }
0x93: {  	s3 =	sld [smem:$0x3FFC];
	_ =	sdelay $0x3  }
0x94: {  	_ =	strace s3  }
0x95: {  	s3 =	sld [smem:$0x3FFD];
	_ =	sdelay $0x3  }
0x96: {  	_ =	strace s3  }
0x97: {  	_ =	strace $0x8FFFFFFF  }
0x98: {  	s19 =	sld [smem:$0x3FDB];
	_ =	sdelay $0x1  }
0x99: {  	s4 =	simm.s32 $_scs_section_size  }
0x9a: {  	s5 =	simm.s32 $_size__tile_overlayer_lowered;
	s6 =	simm.s32 $_tile_overlayer_lowered  }
0x9b: {  	s22 =	simm.s32 $0x1BFF;
	s21 =	sshll.u32 s6, $0x1;
	s3 =	sadd.s32 s4, s19  }
0x9c: {  	s7 =	simm.s32 $0x0;
	s20 =	sshll.u32 s5, $0x1;
	s5 =	sadd.s32 s21, s3  }
0x9d: {  	[timem:s7], [sflag:s22] =	dma.local [hbm:s5], s20  }
0x9e: {  	_ =	swait.ge [sflag:s22], s20  }
0x9f: {  	s4 =	ssub.s32 $0x0, s20;
	[sflag:s22] =	ssyncset.done $0x0  }
0xa0: {  	[sflag:s22] =	ssyncadd.s32 s4;
	_ =	sdelay $0x1  }
0xa1: {  	s23 =	simm.s32 $0x1B8B  }
0xa2: {  	_ =	swait.ge [sflag:s23], $0x1  }
0xa3: {  	[sflag:s23] =	ssyncset.done $0x0  }
0xa4: {  	s25 =	simm.s32 $0x1B8E;
	s24 =	sld [smem:$0x3FFE];
	[sflag:s23] =	ssyncadd.s32 $0xFFFFFFFF  }
0xa5: {  	s26 =	simm.s32 $execute0_lowered;
	[smem:$0x3FD2] =	sst s25  }
0xa6: {  	s5 =	sshll.u32 s26, $0x1;
	_ =	strace $0x80000046;
	[dreg:$0x1] =	wrdreg $0xFFFFFFFF  }
0xa7: {  	s28 =	simm.s32 $_size_execute0_lowered;
	s3 =	sadd.s32 s3, s5;
	[dreg:$0x0] =	wrdreg $0x0  }
0xa8: {  	s5 =	sshll.u32 s28, $0x1;
	[dreg:$0x2] =	wrdreg s3  }
0xa9: {  	[dreg:$0x3] =	wrdreg s5  }
0xaa: {  	[dreg:$0x4] =	wrdreg $0xC0  }
0xab: {  	_ =	task [dreg:s7], $0x5FFFF  }
0xac: {  	[dreg:$0x1] =	wrdreg $0xFFFFFFFF  }
0xad: {  	[dreg:$0x0] =	wrdreg $0x60  }
0xae: {  	[dreg:$0x2] =	wrdreg s2  }
0xaf: {  	[dreg:$0x3] =	wrdreg s24  }
0xb0: {  	[dreg:$0x4] =	wrdreg $0x41000  }
0xb1: {  	[dreg:$0x5] =	wrdreg $0x9  }
0xb2: {  	_ =	task.clear_ibuf [dreg:s7], $0x6FFFF;
	_ =	strace $0x90000046  }
0xb3: {  	s29 =	simm.s32 $0x9;
	_ =	strace $0x80000048  }
0xb4: {  	_ =	swait.ge [sflag:s29], $0x1  }
0xb5: {  	[sflag:s29] =	ssyncadd.s32 $0xFFFFFFFF  }
0xb6: {  	_ =	strace $0x90000048  }
0xb7: {  	_ =	sfence  }
0xb8: {  	s30 =	sld [smem:$0x0];
	_ =	sdelay $0x2  }
0xb9: {  	s31 =	sshll.u32 s1, $0xD;
	s1 =	sshrl.u32 s1, $0x2  }
0xba: {  	s3 =	sand.u32 $0x4000, s31;
	s1 =	sadd.s32 s1, s30  }
0xbb: {  	s0 =	sor.u32 s3, s0;
	s1 =	sshll.u32 s1, $0x11  }
0xbc: {  	s0 =	sor.u32 s1, s0  }
0xbd: {  	s0 =	sadd.s32 $0x8F2B, s0  }
0xbe: {  	[sflag:s0] =	ssyncadd.remote.s32 $0x1  }
0xbf: {  	_ =	sfence.sel $0xFFFF  }
0xc0: {  	[dreg:$0x0] =	wrdreg $0xFFFFFFFF;
	(pc) =	sbr.abs _section_cstart, $3  }
0xc1: {  	[dreg:$0x1] =	wrdreg $0xFFFFFFFF  }
0xc2: {  	_ =	task.clear_ibuf [dreg:s7], $0x2FFFF;
	_ =	strace $0x9FFFFFFF  }
0xc3: {  	(tm) =	ssettm $0x7FFFFFFF  }
tec
execute0_lowered:
.L_overlay_start_1:
0x0: {  	(tag) =	ssettag $0x1  }
0x1: {  	s7 =	rddreg [dreg:$0x0]  }
0x2: {  	s6 =	rddreg [dreg:$0x1];
	s1 =	srdreg.scid  }
0x3: {  	s0 =	stileid.u32;
	s2 =	rddreg [dreg:$0x2];
	s3 =	simm.s32 $0x0  }
0x4: {  	s14 =	simm.s32 $0x1;
	s15 =	simm.s32 $0x2880;
	s9 =	smul.u32 $0x1400, s0  }
0x5: {  	s16 =	simm.s32 $0x2800;
	s8 =	sand.u32 $0x1, s1;
	s11 =	smul.u32 $0x5200, s0  }
0x6: {  	s17 =	simm.s32 $0x0;
	s1 =	rddreg [dreg:$0x3];
	s10 =	smul.u32 $0x14000, s8  }
0x7: {  	[smem:$0x7FF] =	sst s3;
	s4 =	sadd.s32 $0x2200, s6;
	s12 =	smul.u32 $0x2900, s8  }
0x8: {  	s5 =	sadd.s32 $0x2600, s6;
	_ =	strace $0x80000047;
	s8 =	ssub.s32 $0x2, s8  }
0x9: {  	s13 =	sshrl.u32 s8, $0x1;
	s10 =	sadd.s32 s9, s10;
	s11 =	sadd.s32 s12, s11  }
0xa: {  	s30 =	ssub.s32 s8, s13;
	s12 =	simm.s32 $0x2900;
	s13 =	simm.s32 $0x80  }
0xb: {  	s10 =	sshrl.u32 s10, $0x3;
	s31 =	sshrl.u32 s11, $0x3;
	s11 =	simm.s32 $0x2  }
0xc: {  	s10 =	sadd.s32 s10, s6;
	s6 =	sadd.s32 s9, s2;
	s7 =	sadd.s32 s7, s31  }
0xd: {  	s9 =	smax.u32 s30, $0x1;
	s8 =	sadd.s32 $0x2800, s10;
	s10 =	simm.s32 $0x2D00  }
.LBB2_1:
0xe: {  	[tilespmem:s10], [sflag:$0x2] =	stream.linear.gather [hbm4b:s4+s3], $0x1400, $0x38;
	[tilespmem:$0x5500] =	vst v63  }
0xf: {  	_ =	swait.ge [sflag:s11], $0x1400  }
0x10: {  	[sflag:s11] =	ssyncset.done $0x0  }
0x11: {  	[sflag:s11] =	ssyncadd.s32 $0xFFFFEC00  }
0x12: {  	[spmem:s6] =	stream.linear.scatter [tilespmem:s10], [sflag:$0x2], $0x1400, $0x38;
	[tilespmem:$0x5500] =	vst v63  }
0x13: {  	_ =	swait.ge [sflag:s11], $0x1400  }
0x14: {  	[sflag:s11] =	ssyncset.done $0x0  }
0x15: {  	[sflag:s11] =	ssyncadd.s32 $0xFFFFEC00  }
0x16: {  	[tilespmem:s12], [sflag:$0x2] =	stream.linear.gather [hbm4b:s5+s3], $0x400, $0x38;
	[tilespmem:$0x5500] =	vst v63  }
0x17: {  	_ =	swait.ge [sflag:s11], $0x400  }
0x18: {  	[sflag:s11] =	ssyncset.done $0x0  }
0x19: {  	[sflag:s11] =	ssyncadd.s32 $0xFFFFFC00  }
0x1a: {  	[tilespmem:s3], [sflag:$0x2] =	stream.linear.gather [hbm4b:s7+s3], $0x2900, $0x38;
	[tilespmem:$0x5500] =	vst v63  }
0x1b: {  	_ =	swait.ge [sflag:s11], $0x2900  }
0x1c: {  	[sflag:s11] =	ssyncset.done $0x0  }
0x1d: {  	[sflag:s11] =	ssyncadd.s32 $0xFFFFD700  }
0x1e: {  	s18 =	simm.s32 $0x0;
	[bflag:$0x0] =	sbarrier.arrive $0xFFFF  }
0x1f: {  	[spmem:s2] =	stream.indirect.scatter.add.f32 [tilespmem:s12], [sflag:$0x1], $0x8, s18, s13, $0xb8;
	[tilespmem:$0x5500] =	vst v63  }
0x20: {  	s24 =	simm.s32 $0x80  }
0x21: {  	[spmem:s2] =	stream.indirect.scatter.add.f32 [tilespmem:s12], [sflag:$0x1], $0x8, s24, s13, $0xb8;
	[tilespmem:$0x5500] =	vst v63  }
0x22: {  	s25 =	simm.s32 $0x100  }
0x23: {  	[spmem:s2] =	stream.indirect.scatter.add.f32 [tilespmem:s12], [sflag:$0x1], $0x8, s25, s13, $0xb8;
	[tilespmem:$0x5500] =	vst v63  }
0x24: {  	s26 =	simm.s32 $0x180  }
0x25: {  	[spmem:s2] =	stream.indirect.scatter.add.f32 [tilespmem:s12], [sflag:$0x1], $0x8, s26, s13, $0xb8;
	[tilespmem:$0x5500] =	vst v63  }
0x26: {  	s28 =	simm.s32 $0x200  }
0x27: {  	[spmem:s2] =	stream.indirect.scatter.add.f32 [tilespmem:s12], [sflag:$0x1], $0x8, s28, s13, $0xb8;
	[tilespmem:$0x5500] =	vst v63  }
0x28: {  	s29 =	simm.s32 $0x280  }
0x29: {  	[spmem:s2] =	stream.indirect.scatter.add.f32 [tilespmem:s12], [sflag:$0x1], $0x8, s29, s13, $0xb8;
	[tilespmem:$0x5500] =	vst v63  }
0x2a: {  	s30 =	simm.s32 $0x300  }
0x2b: {  	[spmem:s2] =	stream.indirect.scatter.add.f32 [tilespmem:s12], [sflag:$0x1], $0x8, s30, s13, $0xb8;
	[tilespmem:$0x5500] =	vst v63  }
0x2c: {  	s31 =	simm.s32 $0x380  }
0x2d: {  	[spmem:s2] =	stream.indirect.scatter.add.f32 [tilespmem:s12], [sflag:$0x1], $0x8, s31, s13, $0xb8;
	[tilespmem:$0x5500] =	vst v63  }
0x2e: {  	_ =	swait.ge [sflag:s14], $0x400  }
0x2f: {  	[sflag:s14] =	ssyncset.done $0x0  }
0x30: {  	[sflag:s14] =	ssyncadd.s32 $0xFFFFFC00  }
0x31: {  	_ =	swait.ge [sflag:s14], $0x400  }
0x32: {  	[sflag:s14] =	ssyncset.done $0x0  }
0x33: {  	[sflag:s14] =	ssyncadd.s32 $0xFFFFFC00  }
0x34: {  	_ =	swait.ge [sflag:s14], $0x400  }
0x35: {  	[sflag:s14] =	ssyncset.done $0x0  }
0x36: {  	[sflag:s14] =	ssyncadd.s32 $0xFFFFFC00  }
0x37: {  	_ =	swait.ge [sflag:s14], $0x400  }
0x38: {  	[sflag:s14] =	ssyncset.done $0x0  }
0x39: {  	[sflag:s14] =	ssyncadd.s32 $0xFFFFFC00  }
0x3a: {  	_ =	swait.ge [sflag:s14], $0x400  }
0x3b: {  	[sflag:s14] =	ssyncset.done $0x0  }
0x3c: {  	[sflag:s14] =	ssyncadd.s32 $0xFFFFFC00  }
0x3d: {  	_ =	swait.ge [sflag:s14], $0x400  }
0x3e: {  	[sflag:s14] =	ssyncset.done $0x0  }
0x3f: {  	[sflag:s14] =	ssyncadd.s32 $0xFFFFFC00  }
0x40: {  	_ =	swait.ge [sflag:s14], $0x400  }
0x41: {  	[sflag:s14] =	ssyncset.done $0x0  }
0x42: {  	[sflag:s14] =	ssyncadd.s32 $0xFFFFFC00  }
0x43: {  	_ =	swait.ge [sflag:s14], $0x400  }
0x44: {  	s20 =	simm.s32 $0x2000;
	s18 =	simm.s32 $0x1000;
	[sflag:s14] =	ssyncset.done $0x0  }
.LBB2_2:
0x45: {  	s21 =	sshra.s32 s18, $0x2  }
0x46: {  	[sflag:s14] =	ssyncadd.s32 $0xFFFFFC00;
	s18 =	smov.u32 s20;
	s19 =	sadd.s32 $0x1000, s20  }
0x47: {  	[spmem:s2] =	stream.indirect.scatter.add.f32 [tilespmem:s12], [sflag:$0x1], $0x8, s21, s13, $0xb8;
	[tilespmem:$0x5500] =	vst v63  }
0x48: {  	p0 =	sne.s32 s20, $0x9000;
	s20 =	sadd.s32 $0x80, s21  }
0x49: {  	[spmem:s2] =	stream.indirect.scatter.add.f32 [tilespmem:s12], [sflag:$0x1], $0x8, s20, s13, $0xb8;
	[tilespmem:$0x5500] =	vst v63  }
0x4a: {  	s20 =	sadd.s32 $0x100, s21  }
0x4b: {  	[spmem:s2] =	stream.indirect.scatter.add.f32 [tilespmem:s12], [sflag:$0x1], $0x8, s20, s13, $0xb8;
	[tilespmem:$0x5500] =	vst v63  }
0x4c: {  	s20 =	sadd.s32 $0x180, s21  }
0x4d: {  	[spmem:s2] =	stream.indirect.scatter.add.f32 [tilespmem:s12], [sflag:$0x1], $0x8, s20, s13, $0xb8;
	[tilespmem:$0x5500] =	vst v63  }
0x4e: {  	s20 =	sadd.s32 $0x200, s21  }
0x4f: {  	[spmem:s2] =	stream.indirect.scatter.add.f32 [tilespmem:s12], [sflag:$0x1], $0x8, s20, s13, $0xb8;
	[tilespmem:$0x5500] =	vst v63  }
0x50: {  	s20 =	sadd.s32 $0x280, s21  }
0x51: {  	[spmem:s2] =	stream.indirect.scatter.add.f32 [tilespmem:s12], [sflag:$0x1], $0x8, s20, s13, $0xb8;
	[tilespmem:$0x5500] =	vst v63  }
0x52: {  	s20 =	sadd.s32 $0x300, s21  }
0x53: {  	[spmem:s2] =	stream.indirect.scatter.add.f32 [tilespmem:s12], [sflag:$0x1], $0x8, s20, s13, $0xb8;
	[tilespmem:$0x5500] =	vst v63  }
0x54: {  	s20 =	sadd.s32 $0x380, s21  }
0x55: {  	[spmem:s2] =	stream.indirect.scatter.add.f32 [tilespmem:s12], [sflag:$0x1], $0x8, s20, s13, $0xb8;
	[tilespmem:$0x5500] =	vst v63  }
0x56: {  	_ =	swait.ge [sflag:s14], $0x400  }
0x57: {  	[sflag:s14] =	ssyncset.done $0x0  }
0x58: {  	[sflag:s14] =	ssyncadd.s32 $0xFFFFFC00  }
0x59: {  	_ =	swait.ge [sflag:s14], $0x400  }
0x5a: {  	[sflag:s14] =	ssyncset.done $0x0  }
0x5b: {  	[sflag:s14] =	ssyncadd.s32 $0xFFFFFC00  }
0x5c: {  	_ =	swait.ge [sflag:s14], $0x400  }
0x5d: {  	[sflag:s14] =	ssyncset.done $0x0  }
0x5e: {  	[sflag:s14] =	ssyncadd.s32 $0xFFFFFC00  }
0x5f: {  	_ =	swait.ge [sflag:s14], $0x400  }
0x60: {  	[sflag:s14] =	ssyncset.done $0x0  }
0x61: {  	[sflag:s14] =	ssyncadd.s32 $0xFFFFFC00  }
0x62: {  	_ =	swait.ge [sflag:s14], $0x400  }
0x63: {  	[sflag:s14] =	ssyncset.done $0x0  }
0x64: {  	[sflag:s14] =	ssyncadd.s32 $0xFFFFFC00  }
0x65: {  	_ =	swait.ge [sflag:s14], $0x400  }
0x66: {  	[sflag:s14] =	ssyncset.done $0x0  }
0x67: {  	[sflag:s14] =	ssyncadd.s32 $0xFFFFFC00  }
.Ltmp0:
0x68: {  	_ =	swait.ge [sflag:s14], $0x400;
	(pc) =	sbr.rel @p0 .LBB2_2-.Ltmp0, $4  }
0x69: {  	[sflag:s14] =	ssyncset.done $0x0  }
0x6a: {  	[sflag:s14] =	ssyncadd.s32 $0xFFFFFC00  }
0x6b: {  	_ =	swait.ge [sflag:s14], $0x400  }
0x6c: {  	s20 =	smov.u32 s19;
	[sflag:s14] =	ssyncset.done $0x0  }
0x6d: {  	s18 =	sshra.s32 s18, $0x2;
	[sflag:s14] =	ssyncadd.s32 $0xFFFFFC00  }
0x6e: {  	[spmem:s2] =	stream.indirect.scatter.add.f32 [tilespmem:s12], [sflag:$0x1], $0x8, s18, s13, $0xb8;
	[tilespmem:$0x5500] =	vst v63  }
0x6f: {  	s19 =	sadd.s32 $0x80, s18  }
0x70: {  	[spmem:s2] =	stream.indirect.scatter.add.f32 [tilespmem:s12], [sflag:$0x1], $0x8, s19, s13, $0xb8;
	[tilespmem:$0x5500] =	vst v63  }
0x71: {  	s26 =	sadd.s32 $0x100, s18  }
0x72: {  	[spmem:s2] =	stream.indirect.scatter.add.f32 [tilespmem:s12], [sflag:$0x1], $0x8, s26, s13, $0xb8;
	[tilespmem:$0x5500] =	vst v63  }
0x73: {  	s28 =	sadd.s32 $0x180, s18  }
0x74: {  	[spmem:s2] =	stream.indirect.scatter.add.f32 [tilespmem:s12], [sflag:$0x1], $0x8, s28, s13, $0xb8;
	[tilespmem:$0x5500] =	vst v63  }
0x75: {  	s29 =	sadd.s32 $0x200, s18  }
0x76: {  	[spmem:s2] =	stream.indirect.scatter.add.f32 [tilespmem:s12], [sflag:$0x1], $0x8, s29, s13, $0xb8;
	[tilespmem:$0x5500] =	vst v63  }
0x77: {  	s30 =	sadd.s32 $0x280, s18  }
0x78: {  	[spmem:s2] =	stream.indirect.scatter.add.f32 [tilespmem:s12], [sflag:$0x1], $0x8, s30, s13, $0xb8;
	[tilespmem:$0x5500] =	vst v63  }
0x79: {  	s31 =	sadd.s32 $0x300, s18  }
0x7a: {  	[spmem:s2] =	stream.indirect.scatter.add.f32 [tilespmem:s12], [sflag:$0x1], $0x8, s31, s13, $0xb8;
	[tilespmem:$0x5500] =	vst v63  }
0x7b: {  	s18 =	sadd.s32 $0x380, s18  }
0x7c: {  	[spmem:s2] =	stream.indirect.scatter.add.f32 [tilespmem:s12], [sflag:$0x1], $0x8, s18, s13, $0xb8;
	[tilespmem:$0x5500] =	vst v63  }
0x7d: {  	_ =	swait.ge [sflag:s14], $0x400  }
0x7e: {  	[sflag:s14] =	ssyncset.done $0x0  }
0x7f: {  	[sflag:s14] =	ssyncadd.s32 $0xFFFFFC00  }
0x80: {  	_ =	swait.ge [sflag:s14], $0x400  }
0x81: {  	[sflag:s14] =	ssyncset.done $0x0  }
0x82: {  	[sflag:s14] =	ssyncadd.s32 $0xFFFFFC00  }
0x83: {  	_ =	swait.ge [sflag:s14], $0x400  }
0x84: {  	[sflag:s14] =	ssyncset.done $0x0  }
0x85: {  	[sflag:s14] =	ssyncadd.s32 $0xFFFFFC00  }
0x86: {  	_ =	swait.ge [sflag:s14], $0x400  }
0x87: {  	[sflag:s14] =	ssyncset.done $0x0  }
0x88: {  	[sflag:s14] =	ssyncadd.s32 $0xFFFFFC00  }
0x89: {  	_ =	swait.ge [sflag:s14], $0x400  }
0x8a: {  	[sflag:s14] =	ssyncset.done $0x0  }
0x8b: {  	[sflag:s14] =	ssyncadd.s32 $0xFFFFFC00  }
0x8c: {  	_ =	swait.ge [sflag:s14], $0x400  }
0x8d: {  	[sflag:s14] =	ssyncset.done $0x0  }
0x8e: {  	[sflag:s14] =	ssyncadd.s32 $0xFFFFFC00  }
0x8f: {  	_ =	swait.ge [sflag:s14], $0x400  }
0x90: {  	[sflag:s14] =	ssyncset.done $0x0  }
0x91: {  	[sflag:s14] =	ssyncadd.s32 $0xFFFFFC00  }
0x92: {  	_ =	swait.ge [sflag:s14], $0x400  }
0x93: {  	[sflag:s14] =	ssyncset.done $0x0  }
0x94: {  	[sflag:s14] =	ssyncadd.s32 $0xFFFFFC00  }
0x95: {  	[spmem:s2] =	stream.indirect.scatter.add.f32 [tilespmem:s12], [sflag:$0x2], $0x8, s15, s13, $0xb8;
	[tilespmem:$0x5500] =	vst v63  }
0x96: {  	_ =	swait.ge [sflag:s11], $0x400  }
0x97: {  	[sflag:s11] =	ssyncset.done $0x0  }
0x98: {  	[sflag:s11] =	ssyncadd.s32 $0xFFFFFC00  }
0x99: {  	[spmem:s2] =	stream.indirect.scatter.add.f32 [tilespmem:s12], [sflag:$0x2], $0x8, s16, s13, $0xb8;
	[tilespmem:$0x5500] =	vst v63  }
0x9a: {  	_ =	swait.ge [sflag:s11], $0x400  }
0x9b: {  	[sflag:s11] =	ssyncset.done $0x0  }
0x9c: {  	[sflag:s11] =	ssyncadd.s32 $0xFFFFFC00  }
0x9d: {  	[bflag:$0x0] =	sbarrier.arrive $0xFFFF  }
0x9e: {  	[tilespmem:s10], [sflag:$0x2] =	stream.linear.gather [spmem:s6], $0x1400, $0x38;
	[tilespmem:$0x5500] =	vst v63  }
0x9f: {  	s17 =	sadd.s32 $0x1, s17;
	_ =	swait.ge [sflag:s11], $0x1400  }
0xa0: {  	p0 =	sne.s32 s17, s9;
	[sflag:s11] =	ssyncset.done $0x0  }
.Ltmp1:
0xa1: {  	[sflag:s11] =	ssyncadd.s32 $0xFFFFEC00;
	(pc) =	sbr.rel @p0 .LBB2_1-.Ltmp1, $4  }
0xa2: {  	[hbm4b:s8+s3] =	stream.linear.scatter [tilespmem:s10], [sflag:$0x2], $0x1400, $0x38;
	[tilespmem:$0x5500] =	vst v63  }
0xa3: {  	_ =	swait.ge [sflag:s11], $0x1400  }
0xa4: {  	[sflag:s11] =	ssyncset.done $0x0  }
0xa5: {  	[sflag:s11] =	ssyncadd.s32 $0xFFFFEC00  }
0xa6: {  	_ =	sfence.sel $0x180000  }
0xa7: {  	[bflag:$0x0] =	sbarrier.arrive $0xFFFF  }
0xa8: {  	p0 =	sne.s32 s0, $0x0;
	_ =	strace $0x90000047  }
0xa9: {  	s0 =	sadd.s32 @!p0 $0x100000, s1;
	[bflag:$0x2] =	sbarrier.arrive $0xFFFF  }
0xaa: {  	[sflag:s0] =	ssyncadd.tile.s32 @!p0 $0x1;
	_ =	shalt  }
.Lfunc_end2:
_tile_overlayer_lowered:
.L_overlay_start_2:
0xab: {  	(tag) =	ssettag $0x2  }
0xac: {  	s0 =	rddreg [dreg:$0x0];
	s2 =	stileid.u32  }
0xad: {  	s1 =	rddreg [dreg:$0x1];
	p0 =	sne.s32 s2, $0x0  }
0xae: {  	s3 =	rddreg [dreg:$0x2];
	[bflag:$0x3] =	sbarrier.arrive $0xFFFF;
	s2 =	simm.s32 @!p0 $0x1C02  }
0xaf: {  	[timem:s3], [sflag:s2] =	dma.local @!p0 [hbm:s0], s1  }
0xb0: {  	s0 =	simm.s32 @!p0 $0x2  }
0xb1: {  	_ =	swait.ge @!p0 [sflag:s0], s1  }
0xb2: {  	s1 =	ssub.s32 @!p0 $0x0, s1;
	[sflag:s0] =	ssyncset.done @!p0 $0x0  }
0xb3: {  	[sflag:s0] =	ssyncadd.s32 @!p0 s1  }
0xb4: {  	[bflag:$0x3] =	sbarrier.arrive $0xFFFF  }
0xb5: {  	_ =	shalt  }

// kernel: kernel.8.cloned.1.call-start
scs
__scs_entry_jumppad:
0x0: {  	(pc) =	sbr.rel $0x88, $3  }
0x1: {  	(tag) =	ssettag $0x0;
	lr =	simm.s32 $0x1  }
0x2: {  	[smem:$0x3F9B] =	sst lr;
	_ =	strace $0xD0000000  }
0x3: {  	_ = 	snop  }
0x4: {  	_ = 	snop  }
0x5: {  	_ = 	snop  }
0x6: {  	_ = 	snop  }
0x7: {  	_ = 	snop  }
__scs_overlays_trampoline_lowered:
0x8: {  	[smem:$0x3FAA] =	sst s0  }
0x9: {  	[smem:$0x3FAB] =	sst s1  }
0xa: {  	[smem:$0x3FAC] =	sst s2  }
0xb: {  	[smem:$0x3FAD] =	sst s3  }
0xc: {  	[smem:$0x3FAE] =	sst s4  }
0xd: {  	[smem:$0x3FAF] =	sst s5  }
0xe: {  	[smem:$0x3FB0] =	sst s6  }
0xf: {  	[smem:$0x3FB1] =	sst s7  }
0x10: {  	[smem:$0x3FB2] =	sst s8  }
0x11: {  	[smem:$0x3FB3] =	sst s9;
	s0 =	simm.s32 @!p0 $0x0  }
0x12: {  	s1 =	sld [smem:$0x3F99];
	s0 =	simm.s32 @p0 $0x1  }
0x13: {  	[smem:$0x3FB4] =	sst s0;
	s0 =	simm.s32 @!p1 $0x0  }
0x14: {  	s2 =	sld [smem:$0x3F98];
	s0 =	simm.s32 @p1 $0x1  }
0x15: {  	[smem:$0x3FB5] =	sst s0;
	s0 =	simm.s32 @!p2 $0x0  }
0x16: {  	s3 =	sld [smem:$0x3FDB];
	s0 =	simm.s32 @p2 $0x1  }
0x17: {  	s4 =	simm.s32 $0x1BF5;
	[smem:$0x3FB7] =	sst s0  }
0x18: {  	s0 =	sld [smem:$0x3F9A];
	_ =	swait.ge [sflag:s4], $0x0  }
0x19: {  	s7 =	sld [smem:$0x3F9B]  }
0x1a: {  	s8 =	sadd.s32 $0xFFFFE003, lr  }
0x1b: {  	s9 =	sadd.s32 $0xFFFFFEF7, lr;
	s5 =	simm.s32 $0xFFFFFFFF;
	p2 =	slt.u32 s8, $0xFFFFF086  }
0x1c: {  	p1 =	slt.u32 s9, $0xF7A;
	s5 =	simm.s32 @!p2 $0x0  }
0x1d: {  	s5 =	simm.s32 @p1 $0x1;
	p0 =	seq.s32 s7, s2  }
0x1e: {  	s7 =	smul.u32 @!p0 $0xF7A, s2;
	p2 =	seq.s32 @!p0 s5, $0x0  }
0x1f: {  	s9 =	smul.u32 $0xF7A, s1;
	s8 =	simm.s32 @!p0 $0x1BF5;
	p2 =	por !p2, p0  }
0x20: {  	[sflag:s8] =	ssyncset.s32 @!p0 $0xFFFFF086;
	s6 =	sadd.s32 @!p0 s3, s7;
	s7 =	simm.s32 @!p0 $0x108  }
0x21: {  	s3 =	sadd.s32 s3, s9;
	s6 =	sadd.s32 @!p0 $0x88, s6;
	s7 =	simm.s32 @p2 $0x1082  }
0x22: {  	[simem:s7], [sflag:s8] =	dma.local @!p0 [hbm:s6], $0xF7A  }
0x23: {  	s9 =	sor.u32 $0xD0000000, s2;
	s6 =	simm.s32 $0x108;
	_ =	swait.ge @!p0 [sflag:s8], $0x0  }
0x24: {  	s3 =	sadd.s32 $0x88, s3;
	s6 =	simm.s32 @!p1 $0x1082;
	[sflag:s4] =	ssyncset.s32 $0xFFFFF086  }
0x25: {  	[simem:s6], [sflag:s4] =	dma.local [hbm:s3], $0xF7A  }
0x26: {  	[smem:$0x3F9B] =	sst s1;
	(tag) =	ssettag s2;
	_ =	strace s9  }
0x27: {  	s1 =	sld [smem:$0x3FAB]  }
0x28: {  	s2 =	sld [smem:$0x3FAC]  }
0x29: {  	s4 =	sld [smem:$0x3FAE]  }
0x2a: {  	p0 =	seq.s32 s5, $0x0;
	s5 =	sld [smem:$0x3FAF]  }
0x2b: {  	s6 =	sld [smem:$0x3FB0]  }
0x2c: {  	s7 =	sld [smem:$0x3FB1]  }
0x2d: {  	s3 =	simm.s32 $0x108;
	s8 =	sld [smem:$0x3FB2]  }
0x2e: {  	s3 =	simm.s32 @!p0 $0x1082;
	s9 =	sld [smem:$0x3FB3]  }
0x2f: {  	lr =	sadd.s32 s0, s3;
	s0 =	sld [smem:$0x3FAA]  }
0x30: {  	s3 =	sld [smem:$0x3FAD]  }
0x31: {  	[smem:$0x3FB6] =	sst s10  }
0x32: {  	s10 =	sld [smem:$0x3FB4];
	_ =	sdelay $0x3  }
0x33: {  	p0 =	seq.s32 s10, $0x1;
	s10 =	sld [smem:$0x3FB6];
	_ =	sdelay $0x3  }
0x34: {  	[smem:$0x3FB6] =	sst s10  }
0x35: {  	s10 =	sld [smem:$0x3FB5];
	_ =	sdelay $0x3  }
0x36: {  	p1 =	seq.s32 s10, $0x1;
	s10 =	sld [smem:$0x3FB6];
	_ =	sdelay $0x3  }
0x37: {  	[smem:$0x3FB6] =	sst s10  }
0x38: {  	s10 =	sld [smem:$0x3FB7]  }
0x39: {  	_ = 	snop;
	(pc) =	sbr.ind lr, $3  }
0x3a: {  	_ = 	snop  }
0x3b: {  	_ = 	snop  }
0x3c: {  	p2 =	seq.s32 s10, $0x1;
	s10 =	sld [smem:$0x3FB6]  }
0x3d: {  	_ =	shalt  }
0x3e: {  	_ =	shalt  }
0x3f: {  	_ =	shalt  }
0x40: {  	_ =	shalt  }
0x41: {  	_ =	shalt  }
0x42: {  	_ =	shalt  }
0x43: {  	_ =	shalt  }
0x44: {  	_ =	shalt  }
0x45: {  	_ =	shalt  }
0x46: {  	_ =	shalt  }
0x47: {  	_ =	shalt  }
0x48: {  	_ =	shalt  }
0x49: {  	_ =	shalt  }
0x4a: {  	_ =	shalt  }
0x4b: {  	_ =	shalt  }
0x4c: {  	_ =	shalt  }
0x4d: {  	_ =	shalt  }
0x4e: {  	_ =	shalt  }
0x4f: {  	_ =	shalt  }
0x50: {  	_ =	shalt  }
0x51: {  	_ =	shalt  }
0x52: {  	_ =	shalt  }
0x53: {  	_ =	shalt  }
0x54: {  	_ =	shalt  }
0x55: {  	_ =	shalt  }
0x56: {  	_ =	shalt  }
0x57: {  	_ =	shalt  }
0x58: {  	_ =	shalt  }
0x59: {  	_ =	shalt  }
0x5a: {  	_ =	shalt  }
0x5b: {  	_ =	shalt  }
0x5c: {  	_ =	shalt  }
0x5d: {  	_ =	shalt  }
0x5e: {  	_ =	shalt  }
0x5f: {  	_ =	shalt  }
0x60: {  	_ =	shalt  }
0x61: {  	_ =	shalt  }
0x62: {  	_ =	shalt  }
0x63: {  	_ =	shalt  }
0x64: {  	_ =	shalt  }
0x65: {  	_ =	shalt  }
0x66: {  	_ =	shalt  }
0x67: {  	_ =	shalt  }
0x68: {  	_ =	shalt  }
0x69: {  	_ =	shalt  }
0x6a: {  	_ =	shalt  }
0x6b: {  	_ =	shalt  }
0x6c: {  	_ =	shalt  }
0x6d: {  	_ =	shalt  }
0x6e: {  	_ =	shalt  }
0x6f: {  	_ =	shalt  }
0x70: {  	_ =	shalt  }
0x71: {  	_ =	shalt  }
0x72: {  	_ =	shalt  }
0x73: {  	_ =	shalt  }
0x74: {  	_ =	shalt  }
0x75: {  	_ =	shalt  }
0x76: {  	_ =	shalt  }
0x77: {  	_ =	shalt  }
0x78: {  	_ =	shalt  }
0x79: {  	_ =	shalt  }
0x7a: {  	_ =	shalt  }
0x7b: {  	_ =	shalt  }
0x7c: {  	_ =	shalt  }
0x7d: {  	_ =	shalt  }
0x7e: {  	_ =	shalt  }
0x7f: {  	_ =	shalt  }
0x80: {  	_ =	shalt  }
0x81: {  	_ =	shalt  }
0x82: {  	_ =	shalt  }
0x83: {  	_ =	shalt  }
0x84: {  	_ =	shalt  }
0x85: {  	_ =	shalt  }
0x86: {  	_ =	shalt  }
0x87: {  	_ =	shalt  }
.Lfunc_end0:
.L_simem_size_0:
called_computation.1_lowered:
.L_overlay_start_0:
0x88: {  	s2 =	sld [smem:$0x3FD9]  }
0x89: {  	s3 =	sld [smem:$0x3FFE];
	_ =	sdelay $0x1  }
0x8a: {  	s1 =	srdreg.scid  }
0x8b: {  	s0 =	sand.u32 $0x1, s1  }
0x8c: {  	s17 =	sshll.u32 s0, $0xA;
	s2 =	sadd.s32 s3, s2  }
0x8d: {  	s2 =	sadd.s32 s2, s17  }
0x8e: {  	[smem:$0x3FC2] =	sst s2  }
0x8f: {  	_ = 	snop  }
0x90: {  	s2 =	sld [smem:$0x3FD0];
	(tm) =	ssettm $0x1  }
0x91: {  	s18 =	sld [smem:$0x3FFB];
	_ =	sdelay $0x3  }
0x92: {  	_ =	strace s18  }
0x93: {  	s3 =	sld [smem:$0x3FFC];
	_ =	sdelay $0x3  }
0x94: {  	_ =	strace s3  }
0x95: {  	s3 =	sld [smem:$0x3FFD];
	_ =	sdelay $0x3  }
0x96: {  	_ =	strace s3  }
0x97: {  	_ =	strace $0x8FFFFFFF  }
0x98: {  	s19 =	sld [smem:$0x3FDB];
	_ =	sdelay $0x1  }
0x99: {  	s4 =	simm.s32 $_scs_section_size  }
0x9a: {  	s5 =	simm.s32 $_size__tile_overlayer_lowered;
	s6 =	simm.s32 $_tile_overlayer_lowered  }
0x9b: {  	s22 =	simm.s32 $0x1BFF;
	s21 =	sshll.u32 s6, $0x1;
	s3 =	sadd.s32 s4, s19  }
0x9c: {  	s7 =	simm.s32 $0x0;
	s20 =	sshll.u32 s5, $0x1;
	s5 =	sadd.s32 s21, s3  }
0x9d: {  	[timem:s7], [sflag:s22] =	dma.local [hbm:s5], s20  }
0x9e: {  	_ =	swait.ge [sflag:s22], s20  }
0x9f: {  	s4 =	ssub.s32 $0x0, s20;
	[sflag:s22] =	ssyncset.done $0x0  }
0xa0: {  	[sflag:s22] =	ssyncadd.s32 s4;
	_ =	sdelay $0x1  }
0xa1: {  	s23 =	simm.s32 $0x1B8B  }
0xa2: {  	_ =	swait.ge [sflag:s23], $0x1  }
0xa3: {  	[sflag:s23] =	ssyncset.done $0x0  }
0xa4: {  	s25 =	simm.s32 $0x1B8E;
	s24 =	sld [smem:$0x3FFE];
	[sflag:s23] =	ssyncadd.s32 $0xFFFFFFFF  }
0xa5: {  	s26 =	simm.s32 $execute0_lowered;
	[smem:$0x3FD2] =	sst s25  }
0xa6: {  	s5 =	sshll.u32 s26, $0x1;
	_ =	strace $0x80000049;
	[dreg:$0x1] =	wrdreg $0xFFFFFFFF  }
0xa7: {  	s28 =	simm.s32 $_size_execute0_lowered;
	s3 =	sadd.s32 s3, s5;
	[dreg:$0x0] =	wrdreg $0x0  }
0xa8: {  	s5 =	sshll.u32 s28, $0x1;
	[dreg:$0x2] =	wrdreg s3  }
0xa9: {  	[dreg:$0x3] =	wrdreg s5  }
0xaa: {  	[dreg:$0x4] =	wrdreg $0xC0  }
0xab: {  	_ =	task [dreg:s7], $0x5FFFF  }
0xac: {  	[dreg:$0x1] =	wrdreg $0xFFFFFFFF  }
0xad: {  	[dreg:$0x0] =	wrdreg $0x60  }
0xae: {  	[dreg:$0x2] =	wrdreg s24  }
0xaf: {  	[dreg:$0x3] =	wrdreg s2  }
0xb0: {  	[dreg:$0x4] =	wrdreg $0x1A4000  }
0xb1: {  	[dreg:$0x5] =	wrdreg $0x154000  }
0xb2: {  	[dreg:$0x6] =	wrdreg $0x9  }
0xb3: {  	_ =	task.clear_ibuf [dreg:s7], $0x7FFFF;
	_ =	strace $0x90000049  }
0xb4: {  	s29 =	simm.s32 $0x9;
	_ =	strace $0x8000004B  }
0xb5: {  	_ =	swait.ge [sflag:s29], $0x1  }
0xb6: {  	[sflag:s29] =	ssyncadd.s32 $0xFFFFFFFF  }
0xb7: {  	_ =	strace $0x9000004B  }
0xb8: {  	_ =	sfence  }
0xb9: {  	s30 =	sld [smem:$0x0];
	_ =	sdelay $0x2  }
0xba: {  	s31 =	sshll.u32 s1, $0xD;
	s1 =	sshrl.u32 s1, $0x2  }
0xbb: {  	s3 =	sand.u32 $0x4000, s31;
	s1 =	sadd.s32 s1, s30  }
0xbc: {  	s0 =	sor.u32 s3, s0;
	s1 =	sshll.u32 s1, $0x11  }
0xbd: {  	s0 =	sor.u32 s1, s0  }
0xbe: {  	s0 =	sadd.s32 $0x8F2B, s0  }
0xbf: {  	[sflag:s0] =	ssyncadd.remote.s32 $0x1  }
0xc0: {  	_ =	sfence.sel $0xFFFF  }
0xc1: {  	[dreg:$0x0] =	wrdreg $0xFFFFFFFF;
	(pc) =	sbr.abs _section_cstart, $3  }
0xc2: {  	[dreg:$0x1] =	wrdreg $0xFFFFFFFF  }
0xc3: {  	_ =	task.clear_ibuf [dreg:s7], $0x2FFFF;
	_ =	strace $0x9FFFFFFF  }
0xc4: {  	(tm) =	ssettm $0x7FFFFFFF  }
0xc5: {  	_ =	shalt  }
tec
execute0_lowered:
.L_overlay_start_1:
0x0: {  	(tag) =	ssettag $0x1  }
0x1: {  	s0 =	rddreg [dreg:$0x0]  }
0x2: {  	s2 =	rddreg [dreg:$0x1]  }
0x3: {  	s1 =	rddreg [dreg:$0x2]  }
0x4: {  	s3 =	rddreg [dreg:$0x3]  }
0x5: {  	s4 =	simm.s32 $0x0;
	s13 =	stileid.u32;
	s5 =	srdreg.scid  }
0x6: {  	s30 =	simm.s32 $0x5;
	s31 =	simm.s32 $0x80;
	s18 =	smul.u32 $0xA40, s13  }
0x7: {  	[smem:$0x7FF] =	sst s4;
	s7 =	sand.u32 $0x1, s5;
	s11 =	smul.u32 $0x14000, s13  }
0x8: {  	s6 =	sadd.s32 $0x39C00, s0;
	s5 =	sadd.s32 $0x57C00, s0;
	s9 =	smul.u32 $0xA000, s7  }
0x9: {  	s10 =	sadd.s32 $0x4DC00, s0;
	_ =	strace $0x8000004A;
	s12 =	smul.u32 $0x50000, s7  }
0xa: {  	[dreg:$0x5] =	wrdreg s10;
	s19 =	ssub.s32 $0x2, s7;
	s7 =	smul.u32 $0x5000, s13  }
0xb: {  	s8 =	sadd.s32 s18, s0;
	s20 =	sshrl.u32 s19, $0x1;
	s21 =	sshrl.u32 s11, $0x2  }
0xc: {  	s2 =	sadd.s32 s2, s18;
	s0 =	sadd.s32 s9, s0;
	s9 =	ssub.s32 s19, s20  }
0xd: {  	s8 =	sadd.s32 $0x7800, s8;
	[dreg:$0x7] =	wrdreg s2;
	s10 =	sadd.s32 s21, s3  }
0xe: {  	s23 =	sadd.s32 s12, s7;
	s25 =	sadd.s32 $0x1000, s7;
	s13 =	sadd.s32 $0x2000, s7  }
0xf: {  	s16 =	sadd.s32 $0x3000, s7;
	s17 =	sadd.s32 $0x4000, s7;
	s2 =	simm.s32 $0x13400  }
0x10: {  	[dreg:$0x6] =	wrdreg s8;
	s11 =	sadd.s32 $0x25C00, s0;
	s22 =	sadd.s32 $0x11C00, s0  }
0x11: {  	s0 =	sadd.s32 $0x61C00, s0;
	s24 =	sshrl.u32 s23, $0x3;
	s26 =	smax.u32 s9, $0x1  }
0x12: {  	s8 =	sadd.s32 s12, s25;
	s9 =	sadd.s32 s7, s1;
	[dreg:$0x8] =	wrdreg s22  }
0x13: {  	s14 =	sadd.s32 s25, s1;
	s15 =	sadd.s32 s12, s13;
	[dreg:$0x9] =	wrdreg s0  }
0x14: {  	s18 =	sadd.s32 s12, s16;
	s19 =	sadd.s32 s12, s17;
	[dreg:$0xa] =	wrdreg s26  }
0x15: {  	s4 =	sadd.s32 s13, s1;
	s21 =	sadd.s32 s16, s1;
	[dreg:$0xc] =	wrdreg s9  }
0x16: {  	s23 =	sadd.s32 s17, s1;
	s25 =	sadd.s32 $0x2000, s10;
	[dreg:$0xe] =	wrdreg s14  }
0x17: {  	s28 =	smov.u32 s10;
	s29 =	sadd.s32 $0x4000, s10;
	[dreg:$0x10] =	wrdreg s4  }
0x18: {  	s17 =	simm.s32 $0xD400;
	s16 =	simm.s32 $0x14400;
	[dreg:$0x12] =	wrdreg s21  }
0x19: {  	s0 =	sadd.s32 s6, s24;
	s20 =	sshrl.u32 s19, $0x3;
	[dreg:$0x14] =	wrdreg s23  }
0x1a: {  	s24 =	sadd.s32 $0x1000, s10;
	[dreg:$0x16] =	wrdreg s25;
	s26 =	sadd.s32 $0x3000, s10  }
0x1b: {  	s9 =	simm.s32 $0xB400;
	s19 =	simm.s32 $0xF400;
	s21 =	simm.s32 $0x11400  }
0x1c: {  	s23 =	simm.s32 $0x3;
	s14 =	simm.s32 $0x4;
	[dreg:$0xb] =	wrdreg s0  }
0x1d: {  	s0 =	sshrl.u32 s8, $0x3;
	s22 =	sadd.s32 s6, s20;
	[dreg:$0x15] =	wrdreg s24  }
0x1e: {  	[dreg:$0x17] =	wrdreg s26;
	s8 =	simm.s32 $0xA400;
	s0 =	sadd.s32 s6, s0  }
0x1f: {  	s20 =	simm.s32 $0x10400;
	[dreg:$0xd] =	wrdreg s0;
	s0 =	sshrl.u32 s15, $0x3  }
0x20: {  	s24 =	simm.s32 $0x2;
	[dreg:$0x13] =	wrdreg s22;
	s0 =	sadd.s32 s6, s0  }
0x21: {  	s22 =	simm.s32 $0x1;
	[dreg:$0xf] =	wrdreg s0;
	s0 =	sshrl.u32 s18, $0x3  }
0x22: {  	s15 =	simm.s32 $0xC400;
	s18 =	simm.s32 $0xE400;
	s0 =	sadd.s32 s6, s0  }
0x23: {  	v0 =	vimm.f32 $0.0e+00;
	s6 =	simm.s32 $0x0;
	[dreg:$0x11] =	wrdreg s0;
	s0 =	simm.s32 $0x12400  }
.LBB2_1:
0x24: {  	[dreg:$0x18] =	wrdreg s6  }
0x25: {  	s4 =	simm.s32 $0x0;
	s25 =	rddreg [dreg:$0x6]  }
0x26: {  	[tilespmem:s4], [sflag:$0x5] =	stream.linear.gather [hbm4b:s25+s4], $0x5200, $0x38;
	[tilespmem:$0x1F400] =	vst v63  }
0x27: {  	_ =	swait.ge [sflag:s30], $0x5200  }
0x28: {  	[sflag:s30] =	ssyncset.done $0x0  }
0x29: {  	s10 =	simm.s32 $0x5200;
	s26 =	rddreg [dreg:$0x7];
	[sflag:s30] =	ssyncadd.s32 $0xFFFFAE00  }
0x2a: {  	[tilespmem:s10], [sflag:$0x5] =	stream.linear.gather [hbm4b:s26+s4], $0x5200, $0x38;
	[tilespmem:$0x1F400] =	vst v63  }
0x2b: {  	_ =	swait.ge [sflag:s30], $0x5200  }
0x2c: {  	[sflag:s30] =	ssyncset.done $0x0  }
0x2d: {  	s10 =	rddreg [dreg:$0xb];
	[sflag:s30] =	ssyncadd.s32 $0xFFFFAE00  }
0x2e: {  	[tilespmem:s0], [sflag:$0x5] =	stream.linear.gather [hbm4b:s10+s4], $0x1000, $0x38;
	[tilespmem:$0x1F400] =	vst v63  }
0x2f: {  	_ =	swait.ge [sflag:s30], $0x1000  }
0x30: {  	[sflag:s30] =	ssyncset.done $0x0  }
0x31: {  	s12 =	rddreg [dreg:$0xc];
	[sflag:s30] =	ssyncadd.s32 $0xFFFFF000  }
0x32: {  	[spmem:s12] =	stream.linear.scatter [tilespmem:s0], [sflag:$0x5], $0x1000, $0x38;
	[tilespmem:$0x1F400] =	vst v63  }
0x33: {  	_ =	swait.ge [sflag:s30], $0x1000  }
0x34: {  	[sflag:s30] =	ssyncset.done $0x0  }
0x35: {  	s13 =	rddreg [dreg:$0xd];
	[sflag:s30] =	ssyncadd.s32 $0xFFFFF000  }
0x36: {  	[tilespmem:s0], [sflag:$0x5] =	stream.linear.gather [hbm4b:s13+s4], $0x1000, $0x38;
	[tilespmem:$0x1F400] =	vst v63  }
0x37: {  	_ =	swait.ge [sflag:s30], $0x1000  }
0x38: {  	[sflag:s30] =	ssyncset.done $0x0  }
0x39: {  	s25 =	rddreg [dreg:$0xe];
	[sflag:s30] =	ssyncadd.s32 $0xFFFFF000  }
0x3a: {  	[spmem:s25] =	stream.linear.scatter [tilespmem:s0], [sflag:$0x5], $0x1000, $0x38;
	[tilespmem:$0x1F400] =	vst v63  }
0x3b: {  	_ =	swait.ge [sflag:s30], $0x1000  }
0x3c: {  	[sflag:s30] =	ssyncset.done $0x0  }
0x3d: {  	s26 =	rddreg [dreg:$0xf];
	[sflag:s30] =	ssyncadd.s32 $0xFFFFF000  }
0x3e: {  	[tilespmem:s0], [sflag:$0x5] =	stream.linear.gather [hbm4b:s26+s4], $0x1000, $0x38;
	[tilespmem:$0x1F400] =	vst v63  }
0x3f: {  	_ =	swait.ge [sflag:s30], $0x1000  }
0x40: {  	[sflag:s30] =	ssyncset.done $0x0  }
0x41: {  	s10 =	rddreg [dreg:$0x10];
	[sflag:s30] =	ssyncadd.s32 $0xFFFFF000  }
0x42: {  	[spmem:s10] =	stream.linear.scatter [tilespmem:s0], [sflag:$0x5], $0x1000, $0x38;
	[tilespmem:$0x1F400] =	vst v63  }
0x43: {  	_ =	swait.ge [sflag:s30], $0x1000  }
0x44: {  	[sflag:s30] =	ssyncset.done $0x0  }
0x45: {  	s12 =	rddreg [dreg:$0x11];
	[sflag:s30] =	ssyncadd.s32 $0xFFFFF000  }
0x46: {  	[tilespmem:s0], [sflag:$0x5] =	stream.linear.gather [hbm4b:s12+s4], $0x1000, $0x38;
	[tilespmem:$0x1F400] =	vst v63  }
0x47: {  	_ =	swait.ge [sflag:s30], $0x1000  }
0x48: {  	[sflag:s30] =	ssyncset.done $0x0  }
0x49: {  	s13 =	rddreg [dreg:$0x12];
	[sflag:s30] =	ssyncadd.s32 $0xFFFFF000  }
0x4a: {  	[spmem:s13] =	stream.linear.scatter [tilespmem:s0], [sflag:$0x5], $0x1000, $0x38;
	[tilespmem:$0x1F400] =	vst v63  }
0x4b: {  	_ =	swait.ge [sflag:s30], $0x1000  }
0x4c: {  	[sflag:s30] =	ssyncset.done $0x0  }
0x4d: {  	s25 =	rddreg [dreg:$0x13];
	[sflag:s30] =	ssyncadd.s32 $0xFFFFF000  }
0x4e: {  	[tilespmem:s0], [sflag:$0x5] =	stream.linear.gather [hbm4b:s25+s4], $0x1000, $0x38;
	[tilespmem:$0x1F400] =	vst v63  }
0x4f: {  	_ =	swait.ge [sflag:s30], $0x1000  }
0x50: {  	[sflag:s30] =	ssyncset.done $0x0  }
0x51: {  	s26 =	rddreg [dreg:$0x14];
	[sflag:s30] =	ssyncadd.s32 $0xFFFFF000  }
0x52: {  	[spmem:s26] =	stream.linear.scatter [tilespmem:s0], [sflag:$0x5], $0x1000, $0x38;
	[tilespmem:$0x1F400] =	vst v63  }
0x53: {  	_ =	swait.ge [sflag:s30], $0x1000  }
0x54: {  	[sflag:s30] =	ssyncset.done $0x0  }
0x55: {  	s4 =	simm.s32 $0x0;
	[sflag:s30] =	ssyncadd.s32 $0xFFFFF000  }
.LBB2_2:
0x56: {  	s6 =	simm.s32 $0x80;
	s10 =	simm.s32 $0x0  }
.LBB2_3:
0x57: {  	p0 =	sne.s32 s6, $0x3F80;
	[tilespmem:s10+$0x13400] =	vst v0;
	s12 =	smov.u32 s6;
	s6 =	sadd.s32 $0x80, s6  }
.Ltmp0:
0x58: {  	[tilespmem:s10+$0x13410] =	vst v0;
	(pc) =	sbr.rel @p0 .LBB2_3-.Ltmp0, $2  }
0x59: {  	_ =	sdelay $0x2  }
0x5a: {  	s10 =	sshra.s32 s12, $0x2  }
0x5b: {  	[tilespmem:s10+$0x13400] =	vst v0  }
0x5c: {  	[tilespmem:s10+$0x13410] =	vst v0  }
0x5d: {  	[spmem:s28] =	stream.linear.scatter [tilespmem:s2], [sflag:$0x5], $0x1000, $0x38;
	[tilespmem:$0x1F400] =	vst v63  }
0x5e: {  	_ =	swait.ge [sflag:s30], $0x1000  }
0x5f: {  	[sflag:s30] =	ssyncset.done $0x0  }
0x60: {  	s6 =	rddreg [dreg:$0x15];
	[sflag:s30] =	ssyncadd.s32 $0xFFFFF000  }
0x61: {  	[spmem:s6] =	stream.linear.scatter [tilespmem:s2], [sflag:$0x5], $0x1000, $0x38;
	[tilespmem:$0x1F400] =	vst v63  }
0x62: {  	_ =	swait.ge [sflag:s30], $0x1000  }
0x63: {  	[sflag:s30] =	ssyncset.done $0x0  }
0x64: {  	s26 =	rddreg [dreg:$0x16];
	[sflag:s30] =	ssyncadd.s32 $0xFFFFF000  }
0x65: {  	[spmem:s26] =	stream.linear.scatter [tilespmem:s2], [sflag:$0x5], $0x1000, $0x38;
	[tilespmem:$0x1F400] =	vst v63  }
0x66: {  	_ =	swait.ge [sflag:s30], $0x1000  }
0x67: {  	[sflag:s30] =	ssyncset.done $0x0  }
0x68: {  	s10 =	rddreg [dreg:$0x17];
	[sflag:s30] =	ssyncadd.s32 $0xFFFFF000  }
0x69: {  	[spmem:s10] =	stream.linear.scatter [tilespmem:s2], [sflag:$0x5], $0x1000, $0x38;
	[tilespmem:$0x1F400] =	vst v63  }
0x6a: {  	_ =	swait.ge [sflag:s30], $0x1000  }
0x6b: {  	[sflag:s30] =	ssyncset.done $0x0  }
0x6c: {  	[sflag:s30] =	ssyncadd.s32 $0xFFFFF000  }
0x6d: {  	[spmem:s29] =	stream.linear.scatter [tilespmem:s2], [sflag:$0x5], $0x1000, $0x38;
	[tilespmem:$0x1F400] =	vst v63  }
0x6e: {  	_ =	swait.ge [sflag:s30], $0x1000  }
0x6f: {  	[sflag:s30] =	ssyncset.done $0x0  }
0x70: {  	[sflag:s30] =	ssyncadd.s32 $0xFFFFF000  }
0x71: {  	s12 =	simm.s32 $0x0;
	[bflag:$0x0] =	sbarrier.arrive $0xFFFF  }
0x72: {  	[tilespmem:s8], [sflag:$0x1] =	stream.indirect.gather [spmem:s1], $0x20, s12, s31, $0xb8;
	[tilespmem:$0x1F400] =	vst v63  }
0x73: {  	_ = 	snop  }
0x74: {  	[tilespmem:s9], [sflag:$0x1] =	stream.indirect.gather [spmem:s1], $0x20, s31, s31, $0xb8;
	[tilespmem:$0x1F400] =	vst v63  }
0x75: {  	s13 =	simm.s32 $0x100  }
0x76: {  	[tilespmem:s15], [sflag:$0x1] =	stream.indirect.gather [spmem:s1], $0x20, s13, s31, $0xb8;
	[tilespmem:$0x1F400] =	vst v63  }
0x77: {  	s25 =	simm.s32 $0x180  }
0x78: {  	[tilespmem:s17], [sflag:$0x1] =	stream.indirect.gather [spmem:s1], $0x20, s25, s31, $0xb8;
	[tilespmem:$0x1F400] =	vst v63  }
0x79: {  	s26 =	simm.s32 $0x200  }
0x7a: {  	[tilespmem:s18], [sflag:$0x2] =	stream.indirect.gather [spmem:s1], $0x20, s26, s31, $0xb8;
	[tilespmem:$0x1F400] =	vst v63  }
0x7b: {  	s10 =	simm.s32 $0x280  }
0x7c: {  	[tilespmem:s19], [sflag:$0x2] =	stream.indirect.gather [spmem:s1], $0x20, s10, s31, $0xb8;
	[tilespmem:$0x1F400] =	vst v63  }
0x7d: {  	s12 =	simm.s32 $0x300  }
0x7e: {  	[tilespmem:s20], [sflag:$0x2] =	stream.indirect.gather [spmem:s1], $0x20, s12, s31, $0xb8;
	[tilespmem:$0x1F400] =	vst v63  }
0x7f: {  	s13 =	simm.s32 $0x380  }
0x80: {  	[tilespmem:s21], [sflag:$0x2] =	stream.indirect.gather [spmem:s1], $0x20, s13, s31, $0xb8;
	[tilespmem:$0x1F400] =	vst v63  }
0x81: {  	_ =	swait.ge [sflag:s22], $0x1000  }
0x82: {  	[sflag:s22] =	ssyncset.done $0x0  }
0x83: {  	[sflag:s22] =	ssyncadd.s32 $0xFFFFF000  }
0x84: {  	_ =	swait.ge [sflag:s22], $0x1000  }
0x85: {  	[sflag:s22] =	ssyncset.done $0x0  }
0x86: {  	[sflag:s22] =	ssyncadd.s32 $0xFFFFF000  }
0x87: {  	_ =	swait.ge [sflag:s22], $0x1000  }
0x88: {  	[sflag:s22] =	ssyncset.done $0x0  }
0x89: {  	[sflag:s22] =	ssyncadd.s32 $0xFFFFF000  }
0x8a: {  	_ =	swait.ge [sflag:s22], $0x1000  }
0x8b: {  	[sflag:s22] =	ssyncset.done $0x0  }
0x8c: {  	s25 =	simm.s32 $0x5200;
	[sflag:s22] =	ssyncadd.s32 $0xFFFFF000  }
0x8d: {  	[spmem:s3] =	stream.indirect.scatter.add.f32 [tilespmem:s8], [sflag:$0x3], $0x20, s25, s31, $0xb8;
	[tilespmem:$0x1F400] =	vst v63  }
0x8e: {  	s26 =	simm.s32 $0x5280  }
0x8f: {  	[spmem:s3] =	stream.indirect.scatter.add.f32 [tilespmem:s9], [sflag:$0x3], $0x20, s26, s31, $0xb8;
	[tilespmem:$0x1F400] =	vst v63  }
0x90: {  	s10 =	simm.s32 $0x5300  }
0x91: {  	[spmem:s3] =	stream.indirect.scatter.add.f32 [tilespmem:s15], [sflag:$0x3], $0x20, s10, s31, $0xb8;
	[tilespmem:$0x1F400] =	vst v63  }
0x92: {  	s12 =	simm.s32 $0x5380  }
0x93: {  	[spmem:s3] =	stream.indirect.scatter.add.f32 [tilespmem:s17], [sflag:$0x3], $0x20, s12, s31, $0xb8;
	[tilespmem:$0x1F400] =	vst v63  }
0x94: {  	_ =	swait.ge [sflag:s23], $0x1000  }
0x95: {  	[sflag:s23] =	ssyncset.done $0x0  }
0x96: {  	[sflag:s23] =	ssyncadd.s32 $0xFFFFF000  }
0x97: {  	_ =	swait.ge [sflag:s23], $0x1000  }
0x98: {  	[sflag:s23] =	ssyncset.done $0x0  }
0x99: {  	[sflag:s23] =	ssyncadd.s32 $0xFFFFF000  }
0x9a: {  	_ =	swait.ge [sflag:s23], $0x1000  }
0x9b: {  	[sflag:s23] =	ssyncset.done $0x0  }
0x9c: {  	[sflag:s23] =	ssyncadd.s32 $0xFFFFF000  }
0x9d: {  	_ =	swait.ge [sflag:s23], $0x1000  }
0x9e: {  	[sflag:s23] =	ssyncset.done $0x0  }
0x9f: {  	s13 =	simm.s32 $0x400;
	[sflag:s23] =	ssyncadd.s32 $0xFFFFF000  }
0xa0: {  	[tilespmem:s8], [sflag:$0x1] =	stream.indirect.gather [spmem:s1], $0x20, s13, s31, $0xb8;
	[tilespmem:$0x1F400] =	vst v63  }
0xa1: {  	s25 =	simm.s32 $0x480  }
0xa2: {  	[tilespmem:s9], [sflag:$0x1] =	stream.indirect.gather [spmem:s1], $0x20, s25, s31, $0xb8;
	[tilespmem:$0x1F400] =	vst v63  }
0xa3: {  	s26 =	simm.s32 $0x500  }
0xa4: {  	[tilespmem:s15], [sflag:$0x1] =	stream.indirect.gather [spmem:s1], $0x20, s26, s31, $0xb8;
	[tilespmem:$0x1F400] =	vst v63  }
0xa5: {  	s10 =	simm.s32 $0x580  }
0xa6: {  	[tilespmem:s17], [sflag:$0x1] =	stream.indirect.gather [spmem:s1], $0x20, s10, s31, $0xb8;
	[tilespmem:$0x1F400] =	vst v63  }
0xa7: {  	_ =	swait.ge [sflag:s24], $0x1000  }
0xa8: {  	[sflag:s24] =	ssyncset.done $0x0  }
0xa9: {  	[sflag:s24] =	ssyncadd.s32 $0xFFFFF000  }
0xaa: {  	_ =	swait.ge [sflag:s24], $0x1000  }
0xab: {  	[sflag:s24] =	ssyncset.done $0x0  }
0xac: {  	[sflag:s24] =	ssyncadd.s32 $0xFFFFF000  }
0xad: {  	_ =	swait.ge [sflag:s24], $0x1000  }
0xae: {  	[sflag:s24] =	ssyncset.done $0x0  }
0xaf: {  	[sflag:s24] =	ssyncadd.s32 $0xFFFFF000  }
0xb0: {  	_ =	swait.ge [sflag:s24], $0x1000  }
0xb1: {  	[sflag:s24] =	ssyncset.done $0x0  }
0xb2: {  	s12 =	simm.s32 $0x5400;
	[sflag:s24] =	ssyncadd.s32 $0xFFFFF000  }
0xb3: {  	[spmem:s3] =	stream.indirect.scatter.add.f32 [tilespmem:s18], [sflag:$0x4], $0x20, s12, s31, $0xb8;
	[tilespmem:$0x1F400] =	vst v63  }
0xb4: {  	s13 =	simm.s32 $0x5480  }
0xb5: {  	[spmem:s3] =	stream.indirect.scatter.add.f32 [tilespmem:s19], [sflag:$0x4], $0x20, s13, s31, $0xb8;
	[tilespmem:$0x1F400] =	vst v63  }
0xb6: {  	s25 =	simm.s32 $0x5500  }
0xb7: {  	[spmem:s3] =	stream.indirect.scatter.add.f32 [tilespmem:s20], [sflag:$0x4], $0x20, s25, s31, $0xb8;
	[tilespmem:$0x1F400] =	vst v63  }
0xb8: {  	s26 =	simm.s32 $0x5580  }
0xb9: {  	[spmem:s3] =	stream.indirect.scatter.add.f32 [tilespmem:s21], [sflag:$0x4], $0x20, s26, s31, $0xb8;
	[tilespmem:$0x1F400] =	vst v63  }
0xba: {  	_ =	swait.ge [sflag:s14], $0x1000  }
0xbb: {  	[sflag:s14] =	ssyncset.done $0x0  }
0xbc: {  	[sflag:s14] =	ssyncadd.s32 $0xFFFFF000  }
0xbd: {  	_ =	swait.ge [sflag:s14], $0x1000  }
0xbe: {  	[sflag:s14] =	ssyncset.done $0x0  }
0xbf: {  	[sflag:s14] =	ssyncadd.s32 $0xFFFFF000  }
0xc0: {  	_ =	swait.ge [sflag:s14], $0x1000  }
0xc1: {  	[sflag:s14] =	ssyncset.done $0x0  }
0xc2: {  	[sflag:s14] =	ssyncadd.s32 $0xFFFFF000  }
0xc3: {  	_ =	swait.ge [sflag:s14], $0x1000  }
0xc4: {  	s6 =	simm.s32 $0x400;
	s10 =	simm.s32 $0x2000;
	[sflag:s14] =	ssyncset.done $0x0  }
.LBB2_5:
0xc5: {  	s25 =	sadd.s32 $0x200, s6  }
0xc6: {  	[sflag:s14] =	ssyncadd.s32 $0xFFFFF000;
	s13 =	smov.u32 s10;
	s12 =	sadd.s32 $0x1000, s10  }
0xc7: {  	[tilespmem:s18], [sflag:$0x2] =	stream.indirect.gather [spmem:s1], $0x20, s25, s31, $0xb8;
	[tilespmem:$0x1F400] =	vst v63  }
0xc8: {  	p0 =	sne.s32 s10, $0x13000;
	s10 =	sadd.s32 $0x280, s6  }
0xc9: {  	[tilespmem:s19], [sflag:$0x2] =	stream.indirect.gather [spmem:s1], $0x20, s10, s31, $0xb8;
	[tilespmem:$0x1F400] =	vst v63  }
0xca: {  	s10 =	sadd.s32 $0x300, s6  }
0xcb: {  	[tilespmem:s20], [sflag:$0x2] =	stream.indirect.gather [spmem:s1], $0x20, s10, s31, $0xb8;
	[tilespmem:$0x1F400] =	vst v63  }
0xcc: {  	s10 =	sadd.s32 $0x380, s6  }
0xcd: {  	[tilespmem:s21], [sflag:$0x2] =	stream.indirect.gather [spmem:s1], $0x20, s10, s31, $0xb8;
	[tilespmem:$0x1F400] =	vst v63  }
0xce: {  	_ =	swait.ge [sflag:s22], $0x1000  }
0xcf: {  	[sflag:s22] =	ssyncset.done $0x0  }
0xd0: {  	[sflag:s22] =	ssyncadd.s32 $0xFFFFF000  }
0xd1: {  	_ =	swait.ge [sflag:s22], $0x1000  }
0xd2: {  	[sflag:s22] =	ssyncset.done $0x0  }
0xd3: {  	[sflag:s22] =	ssyncadd.s32 $0xFFFFF000  }
0xd4: {  	_ =	swait.ge [sflag:s22], $0x1000  }
0xd5: {  	[sflag:s22] =	ssyncset.done $0x0  }
0xd6: {  	[sflag:s22] =	ssyncadd.s32 $0xFFFFF000  }
0xd7: {  	_ =	swait.ge [sflag:s22], $0x1000  }
0xd8: {  	[sflag:s22] =	ssyncset.done $0x0  }
0xd9: {  	s10 =	sadd.s32 $0x5200, s6;
	[sflag:s22] =	ssyncadd.s32 $0xFFFFF000  }
0xda: {  	[spmem:s3] =	stream.indirect.scatter.add.f32 [tilespmem:s8], [sflag:$0x3], $0x20, s10, s31, $0xb8;
	[tilespmem:$0x1F400] =	vst v63  }
0xdb: {  	s10 =	sadd.s32 $0x5280, s6  }
0xdc: {  	[spmem:s3] =	stream.indirect.scatter.add.f32 [tilespmem:s9], [sflag:$0x3], $0x20, s10, s31, $0xb8;
	[tilespmem:$0x1F400] =	vst v63  }
0xdd: {  	s10 =	sadd.s32 $0x5300, s6  }
0xde: {  	[spmem:s3] =	stream.indirect.scatter.add.f32 [tilespmem:s15], [sflag:$0x3], $0x20, s10, s31, $0xb8;
	[tilespmem:$0x1F400] =	vst v63  }
0xdf: {  	s10 =	sadd.s32 $0x5380, s6  }
0xe0: {  	[spmem:s3] =	stream.indirect.scatter.add.f32 [tilespmem:s17], [sflag:$0x3], $0x20, s10, s31, $0xb8;
	[tilespmem:$0x1F400] =	vst v63  }
0xe1: {  	_ =	swait.ge [sflag:s23], $0x1000  }
0xe2: {  	[sflag:s23] =	ssyncset.done $0x0  }
0xe3: {  	[sflag:s23] =	ssyncadd.s32 $0xFFFFF000  }
0xe4: {  	_ =	swait.ge [sflag:s23], $0x1000  }
0xe5: {  	[sflag:s23] =	ssyncset.done $0x0  }
0xe6: {  	[sflag:s23] =	ssyncadd.s32 $0xFFFFF000  }
0xe7: {  	_ =	swait.ge [sflag:s23], $0x1000  }
0xe8: {  	[sflag:s23] =	ssyncset.done $0x0  }
0xe9: {  	[sflag:s23] =	ssyncadd.s32 $0xFFFFF000  }
0xea: {  	_ =	swait.ge [sflag:s23], $0x1000  }
0xeb: {  	[sflag:s23] =	ssyncset.done $0x0  }
0xec: {  	s10 =	sadd.s32 $0x400, s6;
	[sflag:s23] =	ssyncadd.s32 $0xFFFFF000  }
0xed: {  	[tilespmem:s8], [sflag:$0x1] =	stream.indirect.gather [spmem:s1], $0x20, s10, s31, $0xb8;
	[tilespmem:$0x1F400] =	vst v63  }
0xee: {  	s10 =	sadd.s32 $0x480, s6  }
0xef: {  	[tilespmem:s9], [sflag:$0x1] =	stream.indirect.gather [spmem:s1], $0x20, s10, s31, $0xb8;
	[tilespmem:$0x1F400] =	vst v63  }
0xf0: {  	s10 =	sadd.s32 $0x500, s6  }
0xf1: {  	[tilespmem:s15], [sflag:$0x1] =	stream.indirect.gather [spmem:s1], $0x20, s10, s31, $0xb8;
	[tilespmem:$0x1F400] =	vst v63  }
0xf2: {  	s10 =	sadd.s32 $0x580, s6  }
0xf3: {  	[tilespmem:s17], [sflag:$0x1] =	stream.indirect.gather [spmem:s1], $0x20, s10, s31, $0xb8;
	[tilespmem:$0x1F400] =	vst v63  }
0xf4: {  	_ =	swait.ge [sflag:s24], $0x1000  }
0xf5: {  	[sflag:s24] =	ssyncset.done $0x0  }
0xf6: {  	[sflag:s24] =	ssyncadd.s32 $0xFFFFF000  }
0xf7: {  	_ =	swait.ge [sflag:s24], $0x1000  }
0xf8: {  	[sflag:s24] =	ssyncset.done $0x0  }
0xf9: {  	[sflag:s24] =	ssyncadd.s32 $0xFFFFF000  }
0xfa: {  	_ =	swait.ge [sflag:s24], $0x1000  }
0xfb: {  	[sflag:s24] =	ssyncset.done $0x0  }
0xfc: {  	[sflag:s24] =	ssyncadd.s32 $0xFFFFF000  }
0xfd: {  	_ =	swait.ge [sflag:s24], $0x1000  }
0xfe: {  	[sflag:s24] =	ssyncset.done $0x0  }
0xff: {  	s10 =	sadd.s32 $0x5400, s6;
	[sflag:s24] =	ssyncadd.s32 $0xFFFFF000  }
0x100: {  	[spmem:s3] =	stream.indirect.scatter.add.f32 [tilespmem:s18], [sflag:$0x4], $0x20, s10, s31, $0xb8;
	[tilespmem:$0x1F400] =	vst v63  }
0x101: {  	s10 =	sadd.s32 $0x5480, s6  }
0x102: {  	[spmem:s3] =	stream.indirect.scatter.add.f32 [tilespmem:s19], [sflag:$0x4], $0x20, s10, s31, $0xb8;
	[tilespmem:$0x1F400] =	vst v63  }
0x103: {  	s10 =	sadd.s32 $0x5500, s6  }
0x104: {  	[spmem:s3] =	stream.indirect.scatter.add.f32 [tilespmem:s20], [sflag:$0x4], $0x20, s10, s31, $0xb8;
	[tilespmem:$0x1F400] =	vst v63  }
0x105: {  	s6 =	sadd.s32 $0x5580, s6  }
0x106: {  	[spmem:s3] =	stream.indirect.scatter.add.f32 [tilespmem:s21], [sflag:$0x4], $0x20, s6, s31, $0xb8;
	[tilespmem:$0x1F400] =	vst v63  }
0x107: {  	_ =	swait.ge [sflag:s14], $0x1000  }
0x108: {  	[sflag:s14] =	ssyncset.done $0x0  }
0x109: {  	[sflag:s14] =	ssyncadd.s32 $0xFFFFF000  }
0x10a: {  	_ =	swait.ge [sflag:s14], $0x1000  }
0x10b: {  	[sflag:s14] =	ssyncset.done $0x0  }
0x10c: {  	[sflag:s14] =	ssyncadd.s32 $0xFFFFF000  }
.Ltmp1:
0x10d: {  	_ =	swait.ge [sflag:s14], $0x1000;
	(pc) =	sbr.rel @p0 .LBB2_5-.Ltmp1, $4  }
0x10e: {  	[sflag:s14] =	ssyncset.done $0x0  }
0x10f: {  	[sflag:s14] =	ssyncadd.s32 $0xFFFFF000  }
0x110: {  	_ =	swait.ge [sflag:s14], $0x1000  }
0x111: {  	s10 =	smov.u32 s12;
	s6 =	sshra.s32 s13, $0x2;
	[sflag:s14] =	ssyncset.done $0x0  }
0x112: {  	s10 =	sadd.s32 $0x200, s6;
	[sflag:s14] =	ssyncadd.s32 $0xFFFFF000  }
0x113: {  	[tilespmem:s18], [sflag:$0x2] =	stream.indirect.gather [spmem:s1], $0x20, s10, s31, $0xb8;
	[tilespmem:$0x1F400] =	vst v63  }
0x114: {  	s25 =	sadd.s32 $0x280, s6  }
0x115: {  	[tilespmem:s19], [sflag:$0x2] =	stream.indirect.gather [spmem:s1], $0x20, s25, s31, $0xb8;
	[tilespmem:$0x1F400] =	vst v63  }
0x116: {  	s26 =	sadd.s32 $0x300, s6  }
0x117: {  	[tilespmem:s20], [sflag:$0x2] =	stream.indirect.gather [spmem:s1], $0x20, s26, s31, $0xb8;
	[tilespmem:$0x1F400] =	vst v63  }
0x118: {  	s12 =	sadd.s32 $0x380, s6  }
0x119: {  	[tilespmem:s21], [sflag:$0x2] =	stream.indirect.gather [spmem:s1], $0x20, s12, s31, $0xb8;
	[tilespmem:$0x1F400] =	vst v63  }
0x11a: {  	_ =	swait.ge [sflag:s22], $0x1000  }
0x11b: {  	[sflag:s22] =	ssyncset.done $0x0  }
0x11c: {  	[sflag:s22] =	ssyncadd.s32 $0xFFFFF000  }
0x11d: {  	_ =	swait.ge [sflag:s22], $0x1000  }
0x11e: {  	[sflag:s22] =	ssyncset.done $0x0  }
0x11f: {  	[sflag:s22] =	ssyncadd.s32 $0xFFFFF000  }
0x120: {  	_ =	swait.ge [sflag:s22], $0x1000  }
0x121: {  	[sflag:s22] =	ssyncset.done $0x0  }
0x122: {  	[sflag:s22] =	ssyncadd.s32 $0xFFFFF000  }
0x123: {  	_ =	swait.ge [sflag:s22], $0x1000  }
0x124: {  	[sflag:s22] =	ssyncset.done $0x0  }
0x125: {  	s13 =	sadd.s32 $0x5200, s6;
	[sflag:s22] =	ssyncadd.s32 $0xFFFFF000  }
0x126: {  	[spmem:s3] =	stream.indirect.scatter.add.f32 [tilespmem:s8], [sflag:$0x3], $0x20, s13, s31, $0xb8;
	[tilespmem:$0x1F400] =	vst v63  }
0x127: {  	s25 =	sadd.s32 $0x5280, s6  }
0x128: {  	[spmem:s3] =	stream.indirect.scatter.add.f32 [tilespmem:s9], [sflag:$0x3], $0x20, s25, s31, $0xb8;
	[tilespmem:$0x1F400] =	vst v63  }
0x129: {  	s26 =	sadd.s32 $0x5300, s6  }
0x12a: {  	[spmem:s3] =	stream.indirect.scatter.add.f32 [tilespmem:s15], [sflag:$0x3], $0x20, s26, s31, $0xb8;
	[tilespmem:$0x1F400] =	vst v63  }
0x12b: {  	s12 =	sadd.s32 $0x5380, s6  }
0x12c: {  	[spmem:s3] =	stream.indirect.scatter.add.f32 [tilespmem:s17], [sflag:$0x3], $0x20, s12, s31, $0xb8;
	[tilespmem:$0x1F400] =	vst v63  }
0x12d: {  	_ =	swait.ge [sflag:s23], $0x1000  }
0x12e: {  	[sflag:s23] =	ssyncset.done $0x0  }
0x12f: {  	[sflag:s23] =	ssyncadd.s32 $0xFFFFF000  }
0x130: {  	_ =	swait.ge [sflag:s23], $0x1000  }
0x131: {  	[sflag:s23] =	ssyncset.done $0x0  }
0x132: {  	[sflag:s23] =	ssyncadd.s32 $0xFFFFF000  }
0x133: {  	_ =	swait.ge [sflag:s23], $0x1000  }
0x134: {  	[sflag:s23] =	ssyncset.done $0x0  }
0x135: {  	[sflag:s23] =	ssyncadd.s32 $0xFFFFF000  }
0x136: {  	_ =	swait.ge [sflag:s23], $0x1000  }
0x137: {  	[sflag:s23] =	ssyncset.done $0x0  }
0x138: {  	s13 =	sadd.s32 $0x400, s6;
	[sflag:s23] =	ssyncadd.s32 $0xFFFFF000  }
0x139: {  	[tilespmem:s8], [sflag:$0x1] =	stream.indirect.gather [spmem:s1], $0x20, s13, s31, $0xb8;
	[tilespmem:$0x1F400] =	vst v63  }
0x13a: {  	s25 =	sadd.s32 $0x480, s6  }
0x13b: {  	[tilespmem:s9], [sflag:$0x1] =	stream.indirect.gather [spmem:s1], $0x20, s25, s31, $0xb8;
	[tilespmem:$0x1F400] =	vst v63  }
0x13c: {  	s26 =	sadd.s32 $0x500, s6  }
0x13d: {  	[tilespmem:s15], [sflag:$0x1] =	stream.indirect.gather [spmem:s1], $0x20, s26, s31, $0xb8;
	[tilespmem:$0x1F400] =	vst v63  }
0x13e: {  	s12 =	sadd.s32 $0x580, s6  }
0x13f: {  	[tilespmem:s17], [sflag:$0x1] =	stream.indirect.gather [spmem:s1], $0x20, s12, s31, $0xb8;
	[tilespmem:$0x1F400] =	vst v63  }
0x140: {  	_ =	swait.ge [sflag:s24], $0x1000  }
0x141: {  	[sflag:s24] =	ssyncset.done $0x0  }
0x142: {  	[sflag:s24] =	ssyncadd.s32 $0xFFFFF000  }
0x143: {  	_ =	swait.ge [sflag:s24], $0x1000  }
0x144: {  	[sflag:s24] =	ssyncset.done $0x0  }
0x145: {  	[sflag:s24] =	ssyncadd.s32 $0xFFFFF000  }
0x146: {  	_ =	swait.ge [sflag:s24], $0x1000  }
0x147: {  	[sflag:s24] =	ssyncset.done $0x0  }
0x148: {  	[sflag:s24] =	ssyncadd.s32 $0xFFFFF000  }
0x149: {  	_ =	swait.ge [sflag:s24], $0x1000  }
0x14a: {  	[sflag:s24] =	ssyncset.done $0x0  }
0x14b: {  	s13 =	sadd.s32 $0x5400, s6;
	[sflag:s24] =	ssyncadd.s32 $0xFFFFF000  }
0x14c: {  	[spmem:s3] =	stream.indirect.scatter.add.f32 [tilespmem:s18], [sflag:$0x4], $0x20, s13, s31, $0xb8;
	[tilespmem:$0x1F400] =	vst v63  }
0x14d: {  	s25 =	sadd.s32 $0x5480, s6  }
0x14e: {  	[spmem:s3] =	stream.indirect.scatter.add.f32 [tilespmem:s19], [sflag:$0x4], $0x20, s25, s31, $0xb8;
	[tilespmem:$0x1F400] =	vst v63  }
0x14f: {  	s26 =	sadd.s32 $0x5500, s6  }
0x150: {  	[spmem:s3] =	stream.indirect.scatter.add.f32 [tilespmem:s20], [sflag:$0x4], $0x20, s26, s31, $0xb8;
	[tilespmem:$0x1F400] =	vst v63  }
0x151: {  	s10 =	sadd.s32 $0x5580, s6  }
0x152: {  	[spmem:s3] =	stream.indirect.scatter.add.f32 [tilespmem:s21], [sflag:$0x4], $0x20, s10, s31, $0xb8;
	[tilespmem:$0x1F400] =	vst v63  }
0x153: {  	_ =	swait.ge [sflag:s14], $0x1000  }
0x154: {  	[sflag:s14] =	ssyncset.done $0x0  }
0x155: {  	[sflag:s14] =	ssyncadd.s32 $0xFFFFF000  }
0x156: {  	_ =	swait.ge [sflag:s14], $0x1000  }
0x157: {  	[sflag:s14] =	ssyncset.done $0x0  }
0x158: {  	[sflag:s14] =	ssyncadd.s32 $0xFFFFF000  }
0x159: {  	_ =	swait.ge [sflag:s14], $0x1000  }
0x15a: {  	[sflag:s14] =	ssyncset.done $0x0  }
0x15b: {  	[sflag:s14] =	ssyncadd.s32 $0xFFFFF000  }
0x15c: {  	_ =	swait.ge [sflag:s14], $0x1000  }
0x15d: {  	[sflag:s14] =	ssyncset.done $0x0  }
0x15e: {  	[sflag:s14] =	ssyncadd.s32 $0xFFFFF000  }
0x15f: {  	_ =	swait.ge [sflag:s22], $0x1000  }
0x160: {  	[sflag:s22] =	ssyncset.done $0x0  }
0x161: {  	[sflag:s22] =	ssyncadd.s32 $0xFFFFF000  }
0x162: {  	_ =	swait.ge [sflag:s22], $0x1000  }
0x163: {  	[sflag:s22] =	ssyncset.done $0x0  }
0x164: {  	[sflag:s22] =	ssyncadd.s32 $0xFFFFF000  }
0x165: {  	_ =	swait.ge [sflag:s22], $0x1000  }
0x166: {  	[sflag:s22] =	ssyncset.done $0x0  }
0x167: {  	[sflag:s22] =	ssyncadd.s32 $0xFFFFF000  }
0x168: {  	_ =	swait.ge [sflag:s22], $0x1000  }
0x169: {  	[sflag:s22] =	ssyncset.done $0x0  }
0x16a: {  	s12 =	simm.s32 $0xA200;
	[sflag:s22] =	ssyncadd.s32 $0xFFFFF000  }
0x16b: {  	[spmem:s3] =	stream.indirect.scatter.add.f32 [tilespmem:s8], [sflag:$0x3], $0x20, s12, s31, $0xb8;
	[tilespmem:$0x1F400] =	vst v63  }
0x16c: {  	s13 =	simm.s32 $0xA280  }
0x16d: {  	[spmem:s3] =	stream.indirect.scatter.add.f32 [tilespmem:s9], [sflag:$0x3], $0x20, s13, s31, $0xb8;
	[tilespmem:$0x1F400] =	vst v63  }
0x16e: {  	s25 =	simm.s32 $0xA300  }
0x16f: {  	[spmem:s3] =	stream.indirect.scatter.add.f32 [tilespmem:s15], [sflag:$0x3], $0x20, s25, s31, $0xb8;
	[tilespmem:$0x1F400] =	vst v63  }
0x170: {  	s26 =	simm.s32 $0xA380  }
0x171: {  	[spmem:s3] =	stream.indirect.scatter.add.f32 [tilespmem:s17], [sflag:$0x3], $0x20, s26, s31, $0xb8;
	[tilespmem:$0x1F400] =	vst v63  }
0x172: {  	_ =	swait.ge [sflag:s23], $0x1000  }
0x173: {  	[sflag:s23] =	ssyncset.done $0x0  }
0x174: {  	[sflag:s23] =	ssyncadd.s32 $0xFFFFF000  }
0x175: {  	_ =	swait.ge [sflag:s23], $0x1000  }
0x176: {  	[sflag:s23] =	ssyncset.done $0x0  }
0x177: {  	[sflag:s23] =	ssyncadd.s32 $0xFFFFF000  }
0x178: {  	_ =	swait.ge [sflag:s23], $0x1000  }
0x179: {  	[sflag:s23] =	ssyncset.done $0x0  }
0x17a: {  	[sflag:s23] =	ssyncadd.s32 $0xFFFFF000  }
0x17b: {  	_ =	swait.ge [sflag:s23], $0x1000  }
0x17c: {  	[sflag:s23] =	ssyncset.done $0x0  }
0x17d: {  	[sflag:s23] =	ssyncadd.s32 $0xFFFFF000  }
0x17e: {  	s6 =	simm.s32 $0x0;
	s12 =	simm.s32 $0x0;
	[bflag:$0x0] =	sbarrier.arrive $0xFFFF  }
.LBB2_7:
0x17f: {  	s10 =	sshll.u32 s12, $0xC  }
0x180: {  	s13 =	sadd.s32 s7, s10  }
0x181: {  	s10 =	sadd.s32 s13, s3  }
0x182: {  	[tilespmem:s0], [sflag:$0x5] =	stream.linear.gather [spmem:s10], $0x1000, $0x38;
	[tilespmem:$0x1F400] =	vst v63  }
0x183: {  	_ =	swait.ge [sflag:s30], $0x1000  }
0x184: {  	s26 =	sshrl.u32 s13, $0x3;
	[sflag:s30] =	ssyncset.done $0x0  }
0x185: {  	s25 =	sadd.s32 s5, s26;
	[sflag:s30] =	ssyncadd.s32 $0xFFFFF000  }
0x186: {  	[tilespmem:s2], [sflag:$0x5] =	stream.linear.gather [hbm4b:s25+s6], $0x1000, $0x38;
	[tilespmem:$0x1F400] =	vst v63  }
0x187: {  	_ =	swait.ge [sflag:s30], $0x1000  }
0x188: {  	[sflag:s30] =	ssyncset.done $0x0  }
0x189: {  	s10 =	sadd.s32 s26, s11;
	[sflag:s30] =	ssyncadd.s32 $0xFFFFF000  }
0x18a: {  	[tilespmem:s16], [sflag:$0x5] =	stream.linear.gather [hbm4b:s10+s6], $0x1000, $0x38;
	[tilespmem:$0x1F400] =	vst v63  }
0x18b: {  	_ =	swait.ge [sflag:s30], $0x1000  }
0x18c: {  	[sflag:s30] =	ssyncset.done $0x0  }
0x18d: {  	s10 =	simm.s32 $0x0;
	[sflag:s30] =	ssyncadd.s32 $0xFFFFF000  }
0x18e: {  	v1 =	vld [tilespmem:s10+$0x13400]  }
0x18f: {  	v2 =	vld [tilespmem:s10+$0x13410]  }
0x190: {  	s25 =	simm.s32 $0x80;
	v3 =	vld [tilespmem:s10+$0x12400]  }
.LBB2_8:
0x191: {  	p0 =	sne.s32 s25, $0x3F80;
	v4 =	vld [tilespmem:s10+$0x12410]  }
0x192: {  	v5 =	vld [tilespmem:s10+$0x14400]  }
0x193: {  	v6 =	vld [tilespmem:s10+$0x14410];
	_ =	sdelay $0x1  }
0x194: {  	v1 =	vmul.f32 v1, v3  }
.Ltmp2:
0x195: {  	v2 =	vmul.f32 v2, v4;
	(pc) =	sbr.rel @p0 .LBB2_8-.Ltmp2, $4  }
0x196: {  	s26 =	sshra.s32 s25, $0x2;
	v3 =	vadd.f32 v5, v1  }
0x197: {  	v1 =	vld [tilespmem:s26+$0x13400];
	v4 =	vadd.f32 v6, v2  }
0x198: {  	v2 =	vld [tilespmem:s26+$0x13410];
	[tilespmem:s10+$0x12400] =	vst v3  }
0x199: {  	s25 =	sadd.s32 $0x80, s25;
	v3 =	vld [tilespmem:s26+$0x12400];
	[tilespmem:s10+$0x12410] =	vst v4;
	s10 =	smov.u32 s26  }
0x19a: {  	v4 =	vld [tilespmem:s10+$0x12410]  }
0x19b: {  	v5 =	vld [tilespmem:s10+$0x14400]  }
0x19c: {  	v6 =	vld [tilespmem:s10+$0x14410];
	_ =	sdelay $0x1  }
0x19d: {  	v1 =	vmul.f32 v1, v3  }
0x19e: {  	v2 =	vmul.f32 v2, v4  }
0x19f: {  	v1 =	vadd.f32 v5, v1  }
0x1a0: {  	s12 =	sadd.s32 $0x1, s12;
	v2 =	vadd.f32 v6, v2  }
0x1a1: {  	p0 =	sne.s32 s12, $0x5;
	[tilespmem:s10+$0x12400] =	vst v1  }
.Ltmp3:
0x1a2: {  	s26 =	sadd.s32 s13, s1;
	[tilespmem:s10+$0x12410] =	vst v2;
	(pc) =	sbr.rel @p0 .LBB2_7-.Ltmp3, $4  }
0x1a3: {  	[spmem:s26] =	stream.linear.scatter [tilespmem:s0], [sflag:$0x5], $0x1000, $0x38;
	[tilespmem:$0x1F400] =	vst v63  }
0x1a4: {  	_ =	swait.ge [sflag:s30], $0x1000  }
0x1a5: {  	[sflag:s30] =	ssyncset.done $0x0  }
0x1a6: {  	[sflag:s30] =	ssyncadd.s32 $0xFFFFF000  }
0x1a7: {  	s4 =	sadd.s32 $0x1, s4  }
0x1a8: {  	p0 =	sne.s32 s4, $0x9  }
.Ltmp4:
0x1a9: {  	_ = 	snop;
	(pc) =	sbr.rel @p0 .LBB2_2-.Ltmp4, $1  }
0x1aa: {  	_ =	sdelay $0x3  }
0x1ab: {  	s4 =	simm.s32 $0x80;
	s6 =	simm.s32 $0x0  }
.LBB2_12:
0x1ac: {  	p0 =	sne.s32 s4, $0x3F80;
	[tilespmem:s6+$0x13400] =	vst v0;
	s10 =	smov.u32 s4;
	s4 =	sadd.s32 $0x80, s4  }
.Ltmp5:
0x1ad: {  	[tilespmem:s6+$0x13410] =	vst v0;
	(pc) =	sbr.rel @p0 .LBB2_12-.Ltmp5, $2  }
0x1ae: {  	_ =	sdelay $0x2  }
0x1af: {  	s6 =	sshra.s32 s10, $0x2  }
0x1b0: {  	[tilespmem:s6+$0x13400] =	vst v0  }
0x1b1: {  	[tilespmem:s6+$0x13410] =	vst v0  }
0x1b2: {  	[spmem:s28] =	stream.linear.scatter [tilespmem:s2], [sflag:$0x5], $0x1000, $0x38;
	[tilespmem:$0x1F400] =	vst v63  }
0x1b3: {  	_ =	swait.ge [sflag:s30], $0x1000  }
0x1b4: {  	[sflag:s30] =	ssyncset.done $0x0  }
0x1b5: {  	s4 =	rddreg [dreg:$0x15];
	[sflag:s30] =	ssyncadd.s32 $0xFFFFF000  }
0x1b6: {  	[spmem:s4] =	stream.linear.scatter [tilespmem:s2], [sflag:$0x5], $0x1000, $0x38;
	[tilespmem:$0x1F400] =	vst v63  }
0x1b7: {  	_ =	swait.ge [sflag:s30], $0x1000  }
0x1b8: {  	[sflag:s30] =	ssyncset.done $0x0  }
0x1b9: {  	s13 =	rddreg [dreg:$0x16];
	[sflag:s30] =	ssyncadd.s32 $0xFFFFF000  }
0x1ba: {  	[spmem:s13] =	stream.linear.scatter [tilespmem:s2], [sflag:$0x5], $0x1000, $0x38;
	[tilespmem:$0x1F400] =	vst v63  }
0x1bb: {  	_ =	swait.ge [sflag:s30], $0x1000  }
0x1bc: {  	[sflag:s30] =	ssyncset.done $0x0  }
0x1bd: {  	s25 =	rddreg [dreg:$0x17];
	[sflag:s30] =	ssyncadd.s32 $0xFFFFF000  }
0x1be: {  	[spmem:s25] =	stream.linear.scatter [tilespmem:s2], [sflag:$0x5], $0x1000, $0x38;
	[tilespmem:$0x1F400] =	vst v63  }
0x1bf: {  	_ =	swait.ge [sflag:s30], $0x1000  }
0x1c0: {  	[sflag:s30] =	ssyncset.done $0x0  }
0x1c1: {  	[sflag:s30] =	ssyncadd.s32 $0xFFFFF000  }
0x1c2: {  	[spmem:s29] =	stream.linear.scatter [tilespmem:s2], [sflag:$0x5], $0x1000, $0x38;
	[tilespmem:$0x1F400] =	vst v63  }
0x1c3: {  	_ =	swait.ge [sflag:s30], $0x1000  }
0x1c4: {  	[sflag:s30] =	ssyncset.done $0x0  }
0x1c5: {  	[sflag:s30] =	ssyncadd.s32 $0xFFFFF000  }
0x1c6: {  	s26 =	simm.s32 $0x0;
	[bflag:$0x0] =	sbarrier.arrive $0xFFFF  }
0x1c7: {  	[tilespmem:s8], [sflag:$0x1] =	stream.indirect.gather [spmem:s1], $0x20, s26, s31, $0xb8;
	[tilespmem:$0x1F400] =	vst v63  }
0x1c8: {  	_ = 	snop  }
0x1c9: {  	[tilespmem:s9], [sflag:$0x1] =	stream.indirect.gather [spmem:s1], $0x20, s31, s31, $0xb8;
	[tilespmem:$0x1F400] =	vst v63  }
0x1ca: {  	s6 =	simm.s32 $0x100  }
0x1cb: {  	[tilespmem:s15], [sflag:$0x1] =	stream.indirect.gather [spmem:s1], $0x20, s6, s31, $0xb8;
	[tilespmem:$0x1F400] =	vst v63  }
0x1cc: {  	s10 =	simm.s32 $0x180  }
0x1cd: {  	[tilespmem:s17], [sflag:$0x1] =	stream.indirect.gather [spmem:s1], $0x20, s10, s31, $0xb8;
	[tilespmem:$0x1F400] =	vst v63  }
0x1ce: {  	s12 =	simm.s32 $0x200  }
0x1cf: {  	[tilespmem:s18], [sflag:$0x2] =	stream.indirect.gather [spmem:s1], $0x20, s12, s31, $0xb8;
	[tilespmem:$0x1F400] =	vst v63  }
0x1d0: {  	s13 =	simm.s32 $0x280  }
0x1d1: {  	[tilespmem:s19], [sflag:$0x2] =	stream.indirect.gather [spmem:s1], $0x20, s13, s31, $0xb8;
	[tilespmem:$0x1F400] =	vst v63  }
0x1d2: {  	s25 =	simm.s32 $0x300  }
0x1d3: {  	[tilespmem:s20], [sflag:$0x2] =	stream.indirect.gather [spmem:s1], $0x20, s25, s31, $0xb8;
	[tilespmem:$0x1F400] =	vst v63  }
0x1d4: {  	s26 =	simm.s32 $0x380  }
0x1d5: {  	[tilespmem:s21], [sflag:$0x2] =	stream.indirect.gather [spmem:s1], $0x20, s26, s31, $0xb8;
	[tilespmem:$0x1F400] =	vst v63  }
0x1d6: {  	_ =	swait.ge [sflag:s22], $0x1000  }
0x1d7: {  	[sflag:s22] =	ssyncset.done $0x0  }
0x1d8: {  	[sflag:s22] =	ssyncadd.s32 $0xFFFFF000  }
0x1d9: {  	_ =	swait.ge [sflag:s22], $0x1000  }
0x1da: {  	[sflag:s22] =	ssyncset.done $0x0  }
0x1db: {  	[sflag:s22] =	ssyncadd.s32 $0xFFFFF000  }
0x1dc: {  	_ =	swait.ge [sflag:s22], $0x1000  }
0x1dd: {  	[sflag:s22] =	ssyncset.done $0x0  }
0x1de: {  	[sflag:s22] =	ssyncadd.s32 $0xFFFFF000  }
0x1df: {  	_ =	swait.ge [sflag:s22], $0x1000  }
0x1e0: {  	[sflag:s22] =	ssyncset.done $0x0  }
0x1e1: {  	s6 =	simm.s32 $0x5200;
	[sflag:s22] =	ssyncadd.s32 $0xFFFFF000  }
0x1e2: {  	[spmem:s3] =	stream.indirect.scatter.add.f32 [tilespmem:s8], [sflag:$0x3], $0x20, s6, s31, $0xb8;
	[tilespmem:$0x1F400] =	vst v63  }
0x1e3: {  	s10 =	simm.s32 $0x5280  }
0x1e4: {  	[spmem:s3] =	stream.indirect.scatter.add.f32 [tilespmem:s9], [sflag:$0x3], $0x20, s10, s31, $0xb8;
	[tilespmem:$0x1F400] =	vst v63  }
0x1e5: {  	s12 =	simm.s32 $0x5300  }
0x1e6: {  	[spmem:s3] =	stream.indirect.scatter.add.f32 [tilespmem:s15], [sflag:$0x3], $0x20, s12, s31, $0xb8;
	[tilespmem:$0x1F400] =	vst v63  }
0x1e7: {  	s13 =	simm.s32 $0x5380  }
0x1e8: {  	[spmem:s3] =	stream.indirect.scatter.add.f32 [tilespmem:s17], [sflag:$0x3], $0x20, s13, s31, $0xb8;
	[tilespmem:$0x1F400] =	vst v63  }
0x1e9: {  	_ =	swait.ge [sflag:s23], $0x1000  }
0x1ea: {  	[sflag:s23] =	ssyncset.done $0x0  }
0x1eb: {  	[sflag:s23] =	ssyncadd.s32 $0xFFFFF000  }
0x1ec: {  	_ =	swait.ge [sflag:s23], $0x1000  }
0x1ed: {  	[sflag:s23] =	ssyncset.done $0x0  }
0x1ee: {  	[sflag:s23] =	ssyncadd.s32 $0xFFFFF000  }
0x1ef: {  	_ =	swait.ge [sflag:s23], $0x1000  }
0x1f0: {  	[sflag:s23] =	ssyncset.done $0x0  }
0x1f1: {  	[sflag:s23] =	ssyncadd.s32 $0xFFFFF000  }
0x1f2: {  	_ =	swait.ge [sflag:s23], $0x1000  }
0x1f3: {  	[sflag:s23] =	ssyncset.done $0x0  }
0x1f4: {  	s25 =	simm.s32 $0x400;
	[sflag:s23] =	ssyncadd.s32 $0xFFFFF000  }
0x1f5: {  	[tilespmem:s8], [sflag:$0x1] =	stream.indirect.gather [spmem:s1], $0x20, s25, s31, $0xb8;
	[tilespmem:$0x1F400] =	vst v63  }
0x1f6: {  	s26 =	simm.s32 $0x480  }
0x1f7: {  	[tilespmem:s9], [sflag:$0x1] =	stream.indirect.gather [spmem:s1], $0x20, s26, s31, $0xb8;
	[tilespmem:$0x1F400] =	vst v63  }
0x1f8: {  	s6 =	simm.s32 $0x500  }
0x1f9: {  	[tilespmem:s15], [sflag:$0x1] =	stream.indirect.gather [spmem:s1], $0x20, s6, s31, $0xb8;
	[tilespmem:$0x1F400] =	vst v63  }
0x1fa: {  	s10 =	simm.s32 $0x580  }
0x1fb: {  	[tilespmem:s17], [sflag:$0x1] =	stream.indirect.gather [spmem:s1], $0x20, s10, s31, $0xb8;
	[tilespmem:$0x1F400] =	vst v63  }
0x1fc: {  	_ =	swait.ge [sflag:s24], $0x1000  }
0x1fd: {  	[sflag:s24] =	ssyncset.done $0x0  }
0x1fe: {  	[sflag:s24] =	ssyncadd.s32 $0xFFFFF000  }
0x1ff: {  	_ =	swait.ge [sflag:s24], $0x1000  }
0x200: {  	[sflag:s24] =	ssyncset.done $0x0  }
0x201: {  	[sflag:s24] =	ssyncadd.s32 $0xFFFFF000  }
0x202: {  	_ =	swait.ge [sflag:s24], $0x1000  }
0x203: {  	[sflag:s24] =	ssyncset.done $0x0  }
0x204: {  	[sflag:s24] =	ssyncadd.s32 $0xFFFFF000  }
0x205: {  	_ =	swait.ge [sflag:s24], $0x1000  }
0x206: {  	[sflag:s24] =	ssyncset.done $0x0  }
0x207: {  	s12 =	simm.s32 $0x5400;
	[sflag:s24] =	ssyncadd.s32 $0xFFFFF000  }
0x208: {  	[spmem:s3] =	stream.indirect.scatter.add.f32 [tilespmem:s18], [sflag:$0x4], $0x20, s12, s31, $0xb8;
	[tilespmem:$0x1F400] =	vst v63  }
0x209: {  	s13 =	simm.s32 $0x5480  }
0x20a: {  	[spmem:s3] =	stream.indirect.scatter.add.f32 [tilespmem:s19], [sflag:$0x4], $0x20, s13, s31, $0xb8;
	[tilespmem:$0x1F400] =	vst v63  }
0x20b: {  	s25 =	simm.s32 $0x5500  }
0x20c: {  	[spmem:s3] =	stream.indirect.scatter.add.f32 [tilespmem:s20], [sflag:$0x4], $0x20, s25, s31, $0xb8;
	[tilespmem:$0x1F400] =	vst v63  }
0x20d: {  	s26 =	simm.s32 $0x5580  }
0x20e: {  	[spmem:s3] =	stream.indirect.scatter.add.f32 [tilespmem:s21], [sflag:$0x4], $0x20, s26, s31, $0xb8;
	[tilespmem:$0x1F400] =	vst v63  }
0x20f: {  	_ =	swait.ge [sflag:s14], $0x1000  }
0x210: {  	[sflag:s14] =	ssyncset.done $0x0  }
0x211: {  	[sflag:s14] =	ssyncadd.s32 $0xFFFFF000  }
0x212: {  	_ =	swait.ge [sflag:s14], $0x1000  }
0x213: {  	[sflag:s14] =	ssyncset.done $0x0  }
0x214: {  	[sflag:s14] =	ssyncadd.s32 $0xFFFFF000  }
0x215: {  	_ =	swait.ge [sflag:s14], $0x1000  }
0x216: {  	[sflag:s14] =	ssyncset.done $0x0  }
0x217: {  	[sflag:s14] =	ssyncadd.s32 $0xFFFFF000  }
0x218: {  	_ =	swait.ge [sflag:s14], $0x1000  }
0x219: {  	s4 =	simm.s32 $0x400;
	s10 =	simm.s32 $0x2000;
	[sflag:s14] =	ssyncset.done $0x0  }
.LBB2_14:
0x21a: {  	s13 =	sadd.s32 $0x200, s4  }
0x21b: {  	[sflag:s14] =	ssyncadd.s32 $0xFFFFF000;
	s12 =	smov.u32 s10;
	s6 =	sadd.s32 $0x1000, s10  }
0x21c: {  	[tilespmem:s18], [sflag:$0x2] =	stream.indirect.gather [spmem:s1], $0x20, s13, s31, $0xb8;
	[tilespmem:$0x1F400] =	vst v63  }
0x21d: {  	p0 =	sne.s32 s10, $0x13000;
	s10 =	sadd.s32 $0x280, s4  }
0x21e: {  	[tilespmem:s19], [sflag:$0x2] =	stream.indirect.gather [spmem:s1], $0x20, s10, s31, $0xb8;
	[tilespmem:$0x1F400] =	vst v63  }
0x21f: {  	s10 =	sadd.s32 $0x300, s4  }
0x220: {  	[tilespmem:s20], [sflag:$0x2] =	stream.indirect.gather [spmem:s1], $0x20, s10, s31, $0xb8;
	[tilespmem:$0x1F400] =	vst v63  }
0x221: {  	s10 =	sadd.s32 $0x380, s4  }
0x222: {  	[tilespmem:s21], [sflag:$0x2] =	stream.indirect.gather [spmem:s1], $0x20, s10, s31, $0xb8;
	[tilespmem:$0x1F400] =	vst v63  }
0x223: {  	_ =	swait.ge [sflag:s22], $0x1000  }
0x224: {  	[sflag:s22] =	ssyncset.done $0x0  }
0x225: {  	[sflag:s22] =	ssyncadd.s32 $0xFFFFF000  }
0x226: {  	_ =	swait.ge [sflag:s22], $0x1000  }
0x227: {  	[sflag:s22] =	ssyncset.done $0x0  }
0x228: {  	[sflag:s22] =	ssyncadd.s32 $0xFFFFF000  }
0x229: {  	_ =	swait.ge [sflag:s22], $0x1000  }
0x22a: {  	[sflag:s22] =	ssyncset.done $0x0  }
0x22b: {  	[sflag:s22] =	ssyncadd.s32 $0xFFFFF000  }
0x22c: {  	_ =	swait.ge [sflag:s22], $0x1000  }
0x22d: {  	[sflag:s22] =	ssyncset.done $0x0  }
0x22e: {  	s10 =	sadd.s32 $0x5200, s4;
	[sflag:s22] =	ssyncadd.s32 $0xFFFFF000  }
0x22f: {  	[spmem:s3] =	stream.indirect.scatter.add.f32 [tilespmem:s8], [sflag:$0x3], $0x20, s10, s31, $0xb8;
	[tilespmem:$0x1F400] =	vst v63  }
0x230: {  	s10 =	sadd.s32 $0x5280, s4  }
0x231: {  	[spmem:s3] =	stream.indirect.scatter.add.f32 [tilespmem:s9], [sflag:$0x3], $0x20, s10, s31, $0xb8;
	[tilespmem:$0x1F400] =	vst v63  }
0x232: {  	s10 =	sadd.s32 $0x5300, s4  }
0x233: {  	[spmem:s3] =	stream.indirect.scatter.add.f32 [tilespmem:s15], [sflag:$0x3], $0x20, s10, s31, $0xb8;
	[tilespmem:$0x1F400] =	vst v63  }
0x234: {  	s10 =	sadd.s32 $0x5380, s4  }
0x235: {  	[spmem:s3] =	stream.indirect.scatter.add.f32 [tilespmem:s17], [sflag:$0x3], $0x20, s10, s31, $0xb8;
	[tilespmem:$0x1F400] =	vst v63  }
0x236: {  	_ =	swait.ge [sflag:s23], $0x1000  }
0x237: {  	[sflag:s23] =	ssyncset.done $0x0  }
0x238: {  	[sflag:s23] =	ssyncadd.s32 $0xFFFFF000  }
0x239: {  	_ =	swait.ge [sflag:s23], $0x1000  }
0x23a: {  	[sflag:s23] =	ssyncset.done $0x0  }
0x23b: {  	[sflag:s23] =	ssyncadd.s32 $0xFFFFF000  }
0x23c: {  	_ =	swait.ge [sflag:s23], $0x1000  }
0x23d: {  	[sflag:s23] =	ssyncset.done $0x0  }
0x23e: {  	[sflag:s23] =	ssyncadd.s32 $0xFFFFF000  }
0x23f: {  	_ =	swait.ge [sflag:s23], $0x1000  }
0x240: {  	[sflag:s23] =	ssyncset.done $0x0  }
0x241: {  	s10 =	sadd.s32 $0x400, s4;
	[sflag:s23] =	ssyncadd.s32 $0xFFFFF000  }
0x242: {  	[tilespmem:s8], [sflag:$0x1] =	stream.indirect.gather [spmem:s1], $0x20, s10, s31, $0xb8;
	[tilespmem:$0x1F400] =	vst v63  }
0x243: {  	s10 =	sadd.s32 $0x480, s4  }
0x244: {  	[tilespmem:s9], [sflag:$0x1] =	stream.indirect.gather [spmem:s1], $0x20, s10, s31, $0xb8;
	[tilespmem:$0x1F400] =	vst v63  }
0x245: {  	s10 =	sadd.s32 $0x500, s4  }
0x246: {  	[tilespmem:s15], [sflag:$0x1] =	stream.indirect.gather [spmem:s1], $0x20, s10, s31, $0xb8;
	[tilespmem:$0x1F400] =	vst v63  }
0x247: {  	s10 =	sadd.s32 $0x580, s4  }
0x248: {  	[tilespmem:s17], [sflag:$0x1] =	stream.indirect.gather [spmem:s1], $0x20, s10, s31, $0xb8;
	[tilespmem:$0x1F400] =	vst v63  }
0x249: {  	_ =	swait.ge [sflag:s24], $0x1000  }
0x24a: {  	[sflag:s24] =	ssyncset.done $0x0  }
0x24b: {  	[sflag:s24] =	ssyncadd.s32 $0xFFFFF000  }
0x24c: {  	_ =	swait.ge [sflag:s24], $0x1000  }
0x24d: {  	[sflag:s24] =	ssyncset.done $0x0  }
0x24e: {  	[sflag:s24] =	ssyncadd.s32 $0xFFFFF000  }
0x24f: {  	_ =	swait.ge [sflag:s24], $0x1000  }
0x250: {  	[sflag:s24] =	ssyncset.done $0x0  }
0x251: {  	[sflag:s24] =	ssyncadd.s32 $0xFFFFF000  }
0x252: {  	_ =	swait.ge [sflag:s24], $0x1000  }
0x253: {  	[sflag:s24] =	ssyncset.done $0x0  }
0x254: {  	s10 =	sadd.s32 $0x5400, s4;
	[sflag:s24] =	ssyncadd.s32 $0xFFFFF000  }
0x255: {  	[spmem:s3] =	stream.indirect.scatter.add.f32 [tilespmem:s18], [sflag:$0x4], $0x20, s10, s31, $0xb8;
	[tilespmem:$0x1F400] =	vst v63  }
0x256: {  	s10 =	sadd.s32 $0x5480, s4  }
0x257: {  	[spmem:s3] =	stream.indirect.scatter.add.f32 [tilespmem:s19], [sflag:$0x4], $0x20, s10, s31, $0xb8;
	[tilespmem:$0x1F400] =	vst v63  }
0x258: {  	s10 =	sadd.s32 $0x5500, s4  }
0x259: {  	[spmem:s3] =	stream.indirect.scatter.add.f32 [tilespmem:s20], [sflag:$0x4], $0x20, s10, s31, $0xb8;
	[tilespmem:$0x1F400] =	vst v63  }
0x25a: {  	s4 =	sadd.s32 $0x5580, s4  }
0x25b: {  	[spmem:s3] =	stream.indirect.scatter.add.f32 [tilespmem:s21], [sflag:$0x4], $0x20, s4, s31, $0xb8;
	[tilespmem:$0x1F400] =	vst v63  }
0x25c: {  	_ =	swait.ge [sflag:s14], $0x1000  }
0x25d: {  	[sflag:s14] =	ssyncset.done $0x0  }
0x25e: {  	[sflag:s14] =	ssyncadd.s32 $0xFFFFF000  }
0x25f: {  	_ =	swait.ge [sflag:s14], $0x1000  }
0x260: {  	[sflag:s14] =	ssyncset.done $0x0  }
0x261: {  	[sflag:s14] =	ssyncadd.s32 $0xFFFFF000  }
.Ltmp6:
0x262: {  	_ =	swait.ge [sflag:s14], $0x1000;
	(pc) =	sbr.rel @p0 .LBB2_14-.Ltmp6, $4  }
0x263: {  	[sflag:s14] =	ssyncset.done $0x0  }
0x264: {  	[sflag:s14] =	ssyncadd.s32 $0xFFFFF000  }
0x265: {  	_ =	swait.ge [sflag:s14], $0x1000  }
0x266: {  	s10 =	smov.u32 s6;
	s4 =	sshra.s32 s12, $0x2;
	[sflag:s14] =	ssyncset.done $0x0  }
0x267: {  	s6 =	sadd.s32 $0x200, s4;
	[sflag:s14] =	ssyncadd.s32 $0xFFFFF000  }
0x268: {  	[tilespmem:s18], [sflag:$0x2] =	stream.indirect.gather [spmem:s1], $0x20, s6, s31, $0xb8;
	[tilespmem:$0x1F400] =	vst v63  }
0x269: {  	s12 =	sadd.s32 $0x280, s4  }
0x26a: {  	[tilespmem:s19], [sflag:$0x2] =	stream.indirect.gather [spmem:s1], $0x20, s12, s31, $0xb8;
	[tilespmem:$0x1F400] =	vst v63  }
0x26b: {  	s13 =	sadd.s32 $0x300, s4  }
0x26c: {  	[tilespmem:s20], [sflag:$0x2] =	stream.indirect.gather [spmem:s1], $0x20, s13, s31, $0xb8;
	[tilespmem:$0x1F400] =	vst v63  }
0x26d: {  	s25 =	sadd.s32 $0x380, s4  }
0x26e: {  	[tilespmem:s21], [sflag:$0x2] =	stream.indirect.gather [spmem:s1], $0x20, s25, s31, $0xb8;
	[tilespmem:$0x1F400] =	vst v63  }
0x26f: {  	_ =	swait.ge [sflag:s22], $0x1000  }
0x270: {  	[sflag:s22] =	ssyncset.done $0x0  }
0x271: {  	[sflag:s22] =	ssyncadd.s32 $0xFFFFF000  }
0x272: {  	_ =	swait.ge [sflag:s22], $0x1000  }
0x273: {  	[sflag:s22] =	ssyncset.done $0x0  }
0x274: {  	[sflag:s22] =	ssyncadd.s32 $0xFFFFF000  }
0x275: {  	_ =	swait.ge [sflag:s22], $0x1000  }
0x276: {  	[sflag:s22] =	ssyncset.done $0x0  }
0x277: {  	[sflag:s22] =	ssyncadd.s32 $0xFFFFF000  }
0x278: {  	_ =	swait.ge [sflag:s22], $0x1000  }
0x279: {  	[sflag:s22] =	ssyncset.done $0x0  }
0x27a: {  	s26 =	sadd.s32 $0x5200, s4;
	[sflag:s22] =	ssyncadd.s32 $0xFFFFF000  }
0x27b: {  	[spmem:s3] =	stream.indirect.scatter.add.f32 [tilespmem:s8], [sflag:$0x3], $0x20, s26, s31, $0xb8;
	[tilespmem:$0x1F400] =	vst v63  }
0x27c: {  	s10 =	sadd.s32 $0x5280, s4  }
0x27d: {  	[spmem:s3] =	stream.indirect.scatter.add.f32 [tilespmem:s9], [sflag:$0x3], $0x20, s10, s31, $0xb8;
	[tilespmem:$0x1F400] =	vst v63  }
0x27e: {  	s12 =	sadd.s32 $0x5300, s4  }
0x27f: {  	[spmem:s3] =	stream.indirect.scatter.add.f32 [tilespmem:s15], [sflag:$0x3], $0x20, s12, s31, $0xb8;
	[tilespmem:$0x1F400] =	vst v63  }
0x280: {  	s13 =	sadd.s32 $0x5380, s4  }
0x281: {  	[spmem:s3] =	stream.indirect.scatter.add.f32 [tilespmem:s17], [sflag:$0x3], $0x20, s13, s31, $0xb8;
	[tilespmem:$0x1F400] =	vst v63  }
0x282: {  	_ =	swait.ge [sflag:s23], $0x1000  }
0x283: {  	[sflag:s23] =	ssyncset.done $0x0  }
0x284: {  	[sflag:s23] =	ssyncadd.s32 $0xFFFFF000  }
0x285: {  	_ =	swait.ge [sflag:s23], $0x1000  }
0x286: {  	[sflag:s23] =	ssyncset.done $0x0  }
0x287: {  	[sflag:s23] =	ssyncadd.s32 $0xFFFFF000  }
0x288: {  	_ =	swait.ge [sflag:s23], $0x1000  }
0x289: {  	[sflag:s23] =	ssyncset.done $0x0  }
0x28a: {  	[sflag:s23] =	ssyncadd.s32 $0xFFFFF000  }
0x28b: {  	_ =	swait.ge [sflag:s23], $0x1000  }
0x28c: {  	[sflag:s23] =	ssyncset.done $0x0  }
0x28d: {  	s25 =	sadd.s32 $0x400, s4;
	[sflag:s23] =	ssyncadd.s32 $0xFFFFF000  }
0x28e: {  	[tilespmem:s8], [sflag:$0x1] =	stream.indirect.gather [spmem:s1], $0x20, s25, s31, $0xb8;
	[tilespmem:$0x1F400] =	vst v63  }
0x28f: {  	s26 =	sadd.s32 $0x480, s4  }
0x290: {  	[tilespmem:s9], [sflag:$0x1] =	stream.indirect.gather [spmem:s1], $0x20, s26, s31, $0xb8;
	[tilespmem:$0x1F400] =	vst v63  }
0x291: {  	s10 =	sadd.s32 $0x500, s4  }
0x292: {  	[tilespmem:s15], [sflag:$0x1] =	stream.indirect.gather [spmem:s1], $0x20, s10, s31, $0xb8;
	[tilespmem:$0x1F400] =	vst v63  }
0x293: {  	s12 =	sadd.s32 $0x580, s4  }
0x294: {  	[tilespmem:s17], [sflag:$0x1] =	stream.indirect.gather [spmem:s1], $0x20, s12, s31, $0xb8;
	[tilespmem:$0x1F400] =	vst v63  }
0x295: {  	_ =	swait.ge [sflag:s24], $0x1000  }
0x296: {  	[sflag:s24] =	ssyncset.done $0x0  }
0x297: {  	[sflag:s24] =	ssyncadd.s32 $0xFFFFF000  }
0x298: {  	_ =	swait.ge [sflag:s24], $0x1000  }
0x299: {  	[sflag:s24] =	ssyncset.done $0x0  }
0x29a: {  	[sflag:s24] =	ssyncadd.s32 $0xFFFFF000  }
0x29b: {  	_ =	swait.ge [sflag:s24], $0x1000  }
0x29c: {  	[sflag:s24] =	ssyncset.done $0x0  }
0x29d: {  	[sflag:s24] =	ssyncadd.s32 $0xFFFFF000  }
0x29e: {  	_ =	swait.ge [sflag:s24], $0x1000  }
0x29f: {  	[sflag:s24] =	ssyncset.done $0x0  }
0x2a0: {  	s13 =	sadd.s32 $0x5400, s4;
	[sflag:s24] =	ssyncadd.s32 $0xFFFFF000  }
0x2a1: {  	[spmem:s3] =	stream.indirect.scatter.add.f32 [tilespmem:s18], [sflag:$0x4], $0x20, s13, s31, $0xb8;
	[tilespmem:$0x1F400] =	vst v63  }
0x2a2: {  	s25 =	sadd.s32 $0x5480, s4  }
0x2a3: {  	[spmem:s3] =	stream.indirect.scatter.add.f32 [tilespmem:s19], [sflag:$0x4], $0x20, s25, s31, $0xb8;
	[tilespmem:$0x1F400] =	vst v63  }
0x2a4: {  	s26 =	sadd.s32 $0x5500, s4  }
0x2a5: {  	[spmem:s3] =	stream.indirect.scatter.add.f32 [tilespmem:s20], [sflag:$0x4], $0x20, s26, s31, $0xb8;
	[tilespmem:$0x1F400] =	vst v63  }
0x2a6: {  	s10 =	sadd.s32 $0x5580, s4  }
0x2a7: {  	[spmem:s3] =	stream.indirect.scatter.add.f32 [tilespmem:s21], [sflag:$0x4], $0x20, s10, s31, $0xb8;
	[tilespmem:$0x1F400] =	vst v63  }
0x2a8: {  	_ =	swait.ge [sflag:s14], $0x1000  }
0x2a9: {  	[sflag:s14] =	ssyncset.done $0x0  }
0x2aa: {  	[sflag:s14] =	ssyncadd.s32 $0xFFFFF000  }
0x2ab: {  	_ =	swait.ge [sflag:s14], $0x1000  }
0x2ac: {  	[sflag:s14] =	ssyncset.done $0x0  }
0x2ad: {  	[sflag:s14] =	ssyncadd.s32 $0xFFFFF000  }
0x2ae: {  	_ =	swait.ge [sflag:s14], $0x1000  }
0x2af: {  	[sflag:s14] =	ssyncset.done $0x0  }
0x2b0: {  	[sflag:s14] =	ssyncadd.s32 $0xFFFFF000  }
0x2b1: {  	_ =	swait.ge [sflag:s14], $0x1000  }
0x2b2: {  	[sflag:s14] =	ssyncset.done $0x0  }
0x2b3: {  	[sflag:s14] =	ssyncadd.s32 $0xFFFFF000  }
0x2b4: {  	_ =	swait.ge [sflag:s22], $0x1000  }
0x2b5: {  	[sflag:s22] =	ssyncset.done $0x0  }
0x2b6: {  	[sflag:s22] =	ssyncadd.s32 $0xFFFFF000  }
0x2b7: {  	_ =	swait.ge [sflag:s22], $0x1000  }
0x2b8: {  	[sflag:s22] =	ssyncset.done $0x0  }
0x2b9: {  	[sflag:s22] =	ssyncadd.s32 $0xFFFFF000  }
0x2ba: {  	_ =	swait.ge [sflag:s22], $0x1000  }
0x2bb: {  	[sflag:s22] =	ssyncset.done $0x0  }
0x2bc: {  	[sflag:s22] =	ssyncadd.s32 $0xFFFFF000  }
0x2bd: {  	_ =	swait.ge [sflag:s22], $0x1000  }
0x2be: {  	[sflag:s22] =	ssyncset.done $0x0  }
0x2bf: {  	s12 =	simm.s32 $0xA200;
	[sflag:s22] =	ssyncadd.s32 $0xFFFFF000  }
0x2c0: {  	[spmem:s3] =	stream.indirect.scatter.add.f32 [tilespmem:s8], [sflag:$0x3], $0x20, s12, s31, $0xb8;
	[tilespmem:$0x1F400] =	vst v63  }
0x2c1: {  	s13 =	simm.s32 $0xA280  }
0x2c2: {  	[spmem:s3] =	stream.indirect.scatter.add.f32 [tilespmem:s9], [sflag:$0x3], $0x20, s13, s31, $0xb8;
	[tilespmem:$0x1F400] =	vst v63  }
0x2c3: {  	s25 =	simm.s32 $0xA300  }
0x2c4: {  	[spmem:s3] =	stream.indirect.scatter.add.f32 [tilespmem:s15], [sflag:$0x3], $0x20, s25, s31, $0xb8;
	[tilespmem:$0x1F400] =	vst v63  }
0x2c5: {  	s26 =	simm.s32 $0xA380  }
0x2c6: {  	[spmem:s3] =	stream.indirect.scatter.add.f32 [tilespmem:s17], [sflag:$0x3], $0x20, s26, s31, $0xb8;
	[tilespmem:$0x1F400] =	vst v63  }
0x2c7: {  	_ =	swait.ge [sflag:s23], $0x1000  }
0x2c8: {  	[sflag:s23] =	ssyncset.done $0x0  }
0x2c9: {  	[sflag:s23] =	ssyncadd.s32 $0xFFFFF000  }
0x2ca: {  	_ =	swait.ge [sflag:s23], $0x1000  }
0x2cb: {  	[sflag:s23] =	ssyncset.done $0x0  }
0x2cc: {  	[sflag:s23] =	ssyncadd.s32 $0xFFFFF000  }
0x2cd: {  	_ =	swait.ge [sflag:s23], $0x1000  }
0x2ce: {  	[sflag:s23] =	ssyncset.done $0x0  }
0x2cf: {  	[sflag:s23] =	ssyncadd.s32 $0xFFFFF000  }
0x2d0: {  	_ =	swait.ge [sflag:s23], $0x1000  }
0x2d1: {  	[sflag:s23] =	ssyncset.done $0x0  }
0x2d2: {  	[sflag:s23] =	ssyncadd.s32 $0xFFFFF000  }
0x2d3: {  	s6 =	simm.s32 $0x0;
	s4 =	simm.s32 $0x0;
	[bflag:$0x0] =	sbarrier.arrive $0xFFFF  }
.LBB2_16:
0x2d4: {  	s10 =	sshll.u32 s6, $0xC  }
0x2d5: {  	s10 =	sadd.s32 s7, s10  }
0x2d6: {  	s12 =	sadd.s32 s10, s3  }
0x2d7: {  	[tilespmem:s0], [sflag:$0x5] =	stream.linear.gather [spmem:s12], $0x1000, $0x38;
	[tilespmem:$0x1F400] =	vst v63  }
0x2d8: {  	_ =	swait.ge [sflag:s30], $0x1000  }
0x2d9: {  	s12 =	sshrl.u32 s10, $0x3;
	[sflag:s30] =	ssyncset.done $0x0;
	s25 =	rddreg [dreg:$0x5]  }
0x2da: {  	[sflag:s30] =	ssyncadd.s32 $0xFFFFF000;
	s10 =	sadd.s32 s25, s12  }
0x2db: {  	[tilespmem:s2], [sflag:$0x5] =	stream.linear.gather [hbm4b:s10+s4], $0x1000, $0x38;
	[tilespmem:$0x1F400] =	vst v63  }
0x2dc: {  	_ =	swait.ge [sflag:s30], $0x1000  }
0x2dd: {  	[sflag:s30] =	ssyncset.done $0x0;
	s26 =	rddreg [dreg:$0x8]  }
0x2de: {  	[sflag:s30] =	ssyncadd.s32 $0xFFFFF000;
	s10 =	sadd.s32 s12, s26  }
0x2df: {  	[tilespmem:s16], [sflag:$0x5] =	stream.linear.gather [hbm4b:s10+s4], $0x1000, $0x38;
	[tilespmem:$0x1F400] =	vst v63  }
0x2e0: {  	_ =	swait.ge [sflag:s30], $0x1000  }
0x2e1: {  	[sflag:s30] =	ssyncset.done $0x0  }
0x2e2: {  	s10 =	simm.s32 $0x0;
	[sflag:s30] =	ssyncadd.s32 $0xFFFFF000  }
0x2e3: {  	v1 =	vld [tilespmem:s10+$0x13400]  }
0x2e4: {  	v2 =	vld [tilespmem:s10+$0x13410]  }
0x2e5: {  	s13 =	simm.s32 $0x80;
	v3 =	vld [tilespmem:s10+$0x12400]  }
.LBB2_17:
0x2e6: {  	p0 =	sne.s32 s13, $0x3F80;
	v4 =	vld [tilespmem:s10+$0x12410]  }
0x2e7: {  	v5 =	vld [tilespmem:s10+$0x14400]  }
0x2e8: {  	v6 =	vld [tilespmem:s10+$0x14410];
	_ =	sdelay $0x1  }
0x2e9: {  	v1 =	vmul.f32 v1, v3  }
.Ltmp7:
0x2ea: {  	v2 =	vmul.f32 v2, v4;
	(pc) =	sbr.rel @p0 .LBB2_17-.Ltmp7, $4  }
0x2eb: {  	s25 =	sshra.s32 s13, $0x2;
	v3 =	vadd.f32 v5, v1  }
0x2ec: {  	v1 =	vld [tilespmem:s25+$0x13400];
	v4 =	vadd.f32 v6, v2  }
0x2ed: {  	v2 =	vld [tilespmem:s25+$0x13410];
	[tilespmem:s10+$0x12400] =	vst v3  }
0x2ee: {  	s13 =	sadd.s32 $0x80, s13;
	v3 =	vld [tilespmem:s25+$0x12400];
	[tilespmem:s10+$0x12410] =	vst v4;
	s10 =	smov.u32 s25  }
0x2ef: {  	v4 =	vld [tilespmem:s10+$0x12410]  }
0x2f0: {  	v5 =	vld [tilespmem:s10+$0x14400]  }
0x2f1: {  	v6 =	vld [tilespmem:s10+$0x14410];
	_ =	sdelay $0x1  }
0x2f2: {  	v1 =	vmul.f32 v1, v3  }
0x2f3: {  	v2 =	vmul.f32 v2, v4  }
0x2f4: {  	v1 =	vadd.f32 v5, v1  }
0x2f5: {  	s6 =	sadd.s32 $0x1, s6;
	v2 =	vadd.f32 v6, v2  }
0x2f6: {  	s25 =	rddreg [dreg:$0x9];
	p0 =	sne.s32 s6, $0x5;
	[tilespmem:s10+$0x12400] =	vst v1  }
.Ltmp8:
0x2f7: {  	s26 =	simm.s32 $0x0;
	[tilespmem:s10+$0x12410] =	vst v2;
	s10 =	sadd.s32 s12, s25;
	(pc) =	sbr.rel @p0 .LBB2_16-.Ltmp8, $4  }
0x2f8: {  	[hbm4b:s10+s26] =	stream.linear.scatter [tilespmem:s0], [sflag:$0x5], $0x1000, $0x38;
	[tilespmem:$0x1F400] =	vst v63  }
0x2f9: {  	_ =	swait.ge [sflag:s30], $0x1000  }
0x2fa: {  	[sflag:s30] =	ssyncset.done $0x0  }
0x2fb: {  	[sflag:s30] =	ssyncadd.s32 $0xFFFFF000  }
0x2fc: {  	s6 =	rddreg [dreg:$0x18]  }
0x2fd: {  	s4 =	rddreg [dreg:$0xa];
	s6 =	sadd.s32 $0x1, s6  }
0x2fe: {  	p0 =	sne.s32 s6, s4  }
.Ltmp9:
0x2ff: {  	_ = 	snop;
	(pc) =	sbr.rel @p0 .LBB2_1-.Ltmp9, $1  }
0x300: {  	_ =	sdelay $0x3  }
0x301: {  	_ =	sfence.sel $0x180000  }
0x302: {  	[bflag:$0x0] =	sbarrier.arrive $0xFFFF  }
0x303: {  	_ =	strace $0x9000004A  }
0x304: {  	s0 =	stileid.u32;
	[bflag:$0x2] =	sbarrier.arrive $0xFFFF  }
0x305: {  	p0 =	sne.s32 s0, $0x0;
	s0 =	rddreg [dreg:$0x4]  }
0x306: {  	s0 =	sadd.s32 @!p0 $0x100000, s0  }
0x307: {  	[sflag:s0] =	ssyncadd.tile.s32 @!p0 $0x1;
	_ =	shalt  }
.Lfunc_end2:
_tile_overlayer_lowered:
.L_overlay_start_2:
0x308: {  	(tag) =	ssettag $0x2  }
0x309: {  	s0 =	rddreg [dreg:$0x0];
	s2 =	stileid.u32  }
0x30a: {  	s1 =	rddreg [dreg:$0x1];
	p0 =	sne.s32 s2, $0x0  }
0x30b: {  	s3 =	rddreg [dreg:$0x2];
	[bflag:$0x3] =	sbarrier.arrive $0xFFFF;
	s2 =	simm.s32 @!p0 $0x1C05  }
0x30c: {  	[timem:s3], [sflag:s2] =	dma.local @!p0 [hbm:s0], s1  }
0x30d: {  	s0 =	simm.s32 @!p0 $0x5  }
0x30e: {  	_ =	swait.ge @!p0 [sflag:s0], s1  }
0x30f: {  	s1 =	ssub.s32 @!p0 $0x0, s1;
	[sflag:s0] =	ssyncset.done @!p0 $0x0  }
0x310: {  	[sflag:s0] =	ssyncadd.s32 @!p0 s1  }
0x311: {  	[bflag:$0x3] =	sbarrier.arrive $0xFFFF  }
0x312: {  	_ =	shalt  }

</sc_bundles>
